<compile_context>
chip_gen: v7x
topology: tpu7x:2x2x1
jax: 0.10.2.dev20260603
libtpu: 0.0.44.dev20260713+nightly
codegen_flags: <defaults>
</compile_context>

<pallas_src>
import functools

import jax
import jax.numpy as jnp
from jax import lax
from jax.experimental import pallas as pl
from jax.experimental.pallas import tpu as pltpu
from jax.experimental.pallas import tpu_sc as plsc

B = 4096
F = 26
V = 100000
D = 32
TOT = F * D

NC = 2
NS = 16
NW = NC * NS
NG = 1
FG = F // NG


def _gather_body(tab_ref, sid_ref, out_ref, ids_v, col_v, sem_g):
    cpw = FG * D // NW
    wid = lax.axis_index("s") * NC + lax.axis_index("c")
    u0 = wid * cpw
    f0 = u0 // D
    f1 = (u0 + cpw - 1) // D
    pltpu.sync_copy(sid_ref.at[f0], ids_v.at[0])
    pltpu.sync_copy(sid_ref.at[f1], ids_v.at[1])

    def gather(k, b):
        u = u0 + k
        f = u // D
        c = u % D
        lane = jnp.where(f == f0, 0, 1)
        return pltpu.make_async_copy(
            tab_ref.at[f].at[c].at[ids_v.at[lane]], col_v.at[b], sem_g)

    gather(0, 0).start()
    for k in range(cpw):
        gather(k, k % 2).wait()
        if k + 1 < cpw:
            gather(k + 1, (k + 1) % 2).start()
        pltpu.sync_copy(col_v.at[k % 2], out_ref.at[u0 + k])


@functools.cache
def _make_gather():
    return pl.kernel(
        _gather_body,
        out_type=jax.ShapeDtypeStruct((FG * D, B), jnp.float32),
        mesh=plsc.VectorSubcoreMesh(core_axis_name="c", subcore_axis_name="s",
                                    num_cores=NC, num_subcores=NS),
        scratch_types=[
            pltpu.VMEM((2, B), jnp.int32),
            pltpu.VMEM((2, B), jnp.float32),
            pltpu.SemaphoreType.DMA,
        ],
        compiler_params=pltpu.CompilerParams(use_tc_tiling_on_sc=False),
    )


def _tower_body(xt_ref, g_ref, bb_ref, w1_ref, b1_ref, w2_ref, b2_ref,
                w3_ref, b3_ref, out_ref):
    xt = xt_ref[...]
    mu = jnp.mean(xt, axis=1, keepdims=True)
    xc = xt - mu
    var = jnp.mean(xc * xc, axis=1, keepdims=True)
    xn = xc * (g_ref[...] * lax.rsqrt(var + 1e-5)) + bb_ref[...]
    h = lax.dot_general(xn, w1_ref[...], (((0,), (0,)), ((), ())),
                        preferred_element_type=jnp.float32)
    h = jnp.maximum(h + b1_ref[...], 0.0)
    h = jnp.dot(h, w2_ref[...], preferred_element_type=jnp.float32)
    h = jnp.maximum(h + b2_ref[...], 0.0)
    out = jnp.dot(h, w3_ref[...], preferred_element_type=jnp.float32)
    out_ref[...] = out + b3_ref[...]


def _tower(xt, g, bb, w1, b1, w2, b2, w3, b3):
    return pl.pallas_call(
        _tower_body,
        out_shape=jax.ShapeDtypeStruct((B, 128), jnp.float32),
    )(xt, g, bb, w1, b1, w2, b2, w3, b3)


def kernel(sparse, tables, bn_gamma, bn_beta, W1, b1, W2, b2, W3, b3):
    tabt = jnp.transpose(tables, (0, 2, 1))
    sid = sparse.T
    gather = _make_gather()
    parts = []
    for g in range(NG):
        parts.append(gather(tabt[g * FG:(g + 1) * FG],
                            sid[g * FG:(g + 1) * FG]))
    xt = jnp.concatenate(parts, axis=0)
    return _tower(
        xt,
        bn_gamma.reshape(TOT, 1),
        bn_beta.reshape(TOT, 1),
        W1, b1.reshape(1, 512),
        W2, b2.reshape(1, 256),
        W3, b3.reshape(1, 128),
    )

# --- scband reference (transcript-rebuilt; emitter-appended) ---
"""Pipeline reference for scband-generic-tower-39685497815339 (READ-ONLY COPY).

The authoritative reference and input builder live on the scoring server;
editing this copy changes nothing except your own understanding.
"""

import jax, jax.numpy as jnp
import numpy as np

B = 4096
F = 26
V = 100000
D = 32
TOT = F * D  # 832


def setup_inputs(seed: int = 0) -> dict:
    key = jax.random.key(seed)
    ks = jax.random.split(key, 8)
    sparse = jax.random.randint(ks[0], (B, F), 0, V, dtype=jnp.int32)
    # 26 embedding tables (xavier-ish init), padding_idx=0 row zeroed like nn.Embedding(padding_idx=0)
    tables = jax.random.normal(ks[1], (F, V, D), dtype=jnp.float32) * 0.01
    tables = tables.at[:, 0, :].set(0.0)
    bn_gamma = jnp.ones((TOT,), jnp.float32)
    bn_beta = jnp.zeros((TOT,), jnp.float32)
    W1 = jax.random.normal(ks[2], (TOT, 512), dtype=jnp.float32) * (1.0 / np.sqrt(TOT))
    b1 = jnp.zeros((512,), jnp.float32)
    W2 = jax.random.normal(ks[3], (512, 256), dtype=jnp.float32) * (1.0 / np.sqrt(512))
    b2 = jnp.zeros((256,), jnp.float32)
    W3 = jax.random.normal(ks[4], (256, 128), dtype=jnp.float32) * (1.0 / np.sqrt(256))
    b3 = jnp.zeros((128,), jnp.float32)
    return {"sparse": sparse, "tables": tables, "bn_gamma": bn_gamma, "bn_beta": bn_beta,
            "W1": W1, "b1": b1, "W2": W2, "b2": b2, "W3": W3, "b3": b3}


def reference(sparse, tables, bn_gamma, bn_beta, W1, b1, W2, b2, W3, b3):
    # per-field embedding lookup: tables[f][sparse[:, f]] -> [B, F, D]
    emb = jax.vmap(lambda t, idx: jnp.take(t, idx, axis=0), in_axes=(0, 1), out_axes=1)(tables, sparse)
    x = emb.reshape(emb.shape[0], -1)  # concat of per-feature embeddings -> [B, F*D]
    # BatchNorm1d (training-mode batch statistics, eps=1e-5, affine)
    mu = jnp.mean(x, axis=0)
    var = jnp.var(x, axis=0)
    x = (x - mu) / jnp.sqrt(var + 1e-5) * bn_gamma + bn_beta
    # MLP tower: Linear->ReLU (dropout is identity in eval) x2, then output Linear
    h = jax.nn.relu(x @ W1 + b1)
    h = jax.nn.relu(h @ W2 + b2)
    out = h @ W3 + b3
    return out

if __name__ == "__main__":
    import jax
    _d = setup_inputs()
    print(jax.jit(kernel)(*tuple(_d.values())))

</pallas_src>

<mosaic_0001>
#map = affine_map<(d0, d1) -> (0, 0, 0)>
#map1 = affine_map<(d0, d1) -> (0, 0)>
module attributes {stable_mosaic.version = 14 : i64} {
  func.func @_gather_body(%arg0: i32, %arg1: i32, %arg2: memref<26x32x100000xf32, #tpu.memory_space<hbm>>, %arg3: memref<26x4096xi32, #tpu.memory_space<hbm>>, %arg4: memref<832x4096xf32, #tpu.memory_space<hbm>>, %arg5: memref<2x4096xi32, #tpu.memory_space<vmem>>, %arg6: memref<2x4096xf32, #tpu.memory_space<vmem>>, %arg7: memref<!tpu.dma_semaphore, #tpu.memory_space<semaphore_mem>>) attributes {dimension_semantics = [#tpu.dimension_semantics<core_parallel>, #tpu.dimension_semantics<subcore_parallel>], iteration_bounds = array<i64: 2, 16>, scalar_prefetch = 0 : i64, scratch_operands = 3 : i64, tpu.core_type = #tpu.core_type<sc_vector_subcore>, window_params = [{transform_indices = #map}, {transform_indices = #map1}, {transform_indices = #map1}]} {
    %mul3A = arith.constant 2 : i32
    %mul3A_0 = arith.muli %arg1, %mul3A : i32
    %add3A = arith.addi %mul3A_0, %arg0 : i32
    %mul3A_1 = arith.constant 26 : i32
    %mul3A_2 = arith.muli %add3A, %mul3A_1 : i32
    %jit3A = arith.constant 32 : i32
    %div3A = arith.divsi %mul3A_2, %jit3A : i32
    %sign3A = arith.constant 0 : i32
    %sign3A_3 = arith.cmpi sgt, %mul3A_2, %sign3A : i32
    %sign3A_4 = arith.extui %sign3A_3 : i1 to i32
    %sign3A_5 = arith.constant 0 : i32
    %sign3A_6 = arith.cmpi slt, %mul3A_2, %sign3A_5 : i32
    %sign3A_7 = arith.extui %sign3A_6 : i1 to i32
    %sign3A_8 = arith.subi %sign3A_4, %sign3A_7 : i32
    %sign3A_9 = arith.constant 0 : i32
    %sign3A_10 = arith.cmpi sgt, %jit3A, %sign3A_9 : i32
    %sign3A_11 = arith.extui %sign3A_10 : i1 to i32
    %sign3A_12 = arith.constant 0 : i32
    %sign3A_13 = arith.cmpi slt, %jit3A, %sign3A_12 : i32
    %sign3A_14 = arith.extui %sign3A_13 : i1 to i32
    %sign3A_15 = arith.subi %sign3A_11, %sign3A_14 : i32
    %ne3A = arith.cmpi ne, %sign3A_8, %sign3A_15 : i32
    %rem3A = arith.remsi %mul3A_2, %jit3A : i32
    %ne3A_16 = arith.constant 0 : i32
    %ne3A_17 = arith.cmpi ne, %rem3A, %ne3A_16 : i32
    %and3A = arith.andi %ne3A, %ne3A_17 : i1
    %sub3A = arith.constant 1 : i32
    %sub3A_18 = arith.subi %div3A, %sub3A : i32
    %select_n3A = arith.select %and3A, %sub3A_18, %div3A : i32
    %add3A_19 = arith.constant 26 : i32
    %add3A_20 = arith.addi %mul3A_2, %add3A_19 : i32
    %sub3A_21 = arith.constant 1 : i32
    %sub3A_22 = arith.subi %add3A_20, %sub3A_21 : i32
    %jit3A_23 = arith.constant 32 : i32
    %div3A_24 = arith.divsi %sub3A_22, %jit3A_23 : i32
    %sign3A_25 = arith.constant 0 : i32
    %sign3A_26 = arith.cmpi sgt, %sub3A_22, %sign3A_25 : i32
    %sign3A_27 = arith.extui %sign3A_26 : i1 to i32
    %sign3A_28 = arith.constant 0 : i32
    %sign3A_29 = arith.cmpi slt, %sub3A_22, %sign3A_28 : i32
    %sign3A_30 = arith.extui %sign3A_29 : i1 to i32
    %sign3A_31 = arith.subi %sign3A_27, %sign3A_30 : i32
    %sign3A_32 = arith.constant 0 : i32
    %sign3A_33 = arith.cmpi sgt, %jit3A_23, %sign3A_32 : i32
    %sign3A_34 = arith.extui %sign3A_33 : i1 to i32
    %sign3A_35 = arith.constant 0 : i32
    %sign3A_36 = arith.cmpi slt, %jit3A_23, %sign3A_35 : i32
    %sign3A_37 = arith.extui %sign3A_36 : i1 to i32
    %sign3A_38 = arith.subi %sign3A_34, %sign3A_37 : i32
    %ne3A_39 = arith.cmpi ne, %sign3A_31, %sign3A_38 : i32
    %rem3A_40 = arith.remsi %sub3A_22, %jit3A_23 : i32
    %ne3A_41 = arith.constant 0 : i32
    %ne3A_42 = arith.cmpi ne, %rem3A_40, %ne3A_41 : i32
    %and3A_43 = arith.andi %ne3A_39, %ne3A_42 : i1
    %sub3A_44 = arith.constant 1 : i32
    %sub3A_45 = arith.subi %div3A_24, %sub3A_44 : i32
    %select_n3A_46 = arith.select %and3A_43, %sub3A_45, %div3A_24 : i32
    %run_scoped3A = arith.constant 0 : i32
    "tpu.region"() ({
      %run_scoped3A_3346 = tpu.sem_alloc : memref<!tpu.dma_semaphore, #tpu.memory_space<semaphore_mem>>
      %dma_start3A_3347 = arith.constant 0 : i32
      %dma_start3A_3348 = tpu.memref_slice %arg5[%run_scoped3A, %dma_start3A_3347] : memref<2x4096xi32, #tpu.memory_space<vmem>> -> memref<1x4096xi32, #tpu.memory_space<vmem>>
      %dma_start3A_3349 = tpu.memref_squeeze %dma_start3A_3348 : memref<1x4096xi32, #tpu.memory_space<vmem>> -> memref<4096xi32, #tpu.memory_space<vmem>>
      %dma_start3A_3350 = arith.constant 0 : i32
      %dma_start3A_3351 = tpu.memref_slice %arg3[%select_n3A, %dma_start3A_3350] : memref<26x4096xi32, #tpu.memory_space<hbm>> -> memref<1x4096xi32, #tpu.memory_space<hbm>>
      %dma_start3A_3352 = tpu.memref_squeeze %dma_start3A_3351 : memref<1x4096xi32, #tpu.memory_space<hbm>> -> memref<4096xi32, #tpu.memory_space<hbm>>
      %dma_start3A_3353 = arith.constant 0 : i32
      %dma_start3A_3354 = tpu.memref_slice %arg5[%run_scoped3A, %dma_start3A_3353] : memref<2x4096xi32, #tpu.memory_space<vmem>> -> memref<1x4096xi32, #tpu.memory_space<vmem>>
      %dma_start3A_3355 = tpu.memref_squeeze %dma_start3A_3354 : memref<1x4096xi32, #tpu.memory_space<vmem>> -> memref<4096xi32, #tpu.memory_space<vmem>>
      %dma_start3A_3356 = arith.constant 0 : i32
      %dma_start3A_3357 = tpu.memref_slice %arg3[%select_n3A, %dma_start3A_3356] : memref<26x4096xi32, #tpu.memory_space<hbm>> -> memref<1x4096xi32, #tpu.memory_space<hbm>>
      %dma_start3A_3358 = tpu.memref_squeeze %dma_start3A_3357 : memref<1x4096xi32, #tpu.memory_space<hbm>> -> memref<4096xi32, #tpu.memory_space<hbm>>
      tpu.enqueue_dma source(%dma_start3A_3358 : memref<4096xi32, #tpu.memory_space<hbm>>) target(%dma_start3A_3355 : memref<4096xi32, #tpu.memory_space<vmem>>) target_semaphore(%run_scoped3A_3346 : memref<!tpu.dma_semaphore, #tpu.memory_space<semaphore_mem>>)
      %dma_wait3A_3359 = arith.constant 0 : i32
      %dma_wait3A_3360 = tpu.memref_slice %arg5[%run_scoped3A, %dma_wait3A_3359] : memref<2x4096xi32, #tpu.memory_space<vmem>> -> memref<1x4096xi32, #tpu.memory_space<vmem>>
      %dma_wait3A_3361 = tpu.memref_squeeze %dma_wait3A_3360 : memref<1x4096xi32, #tpu.memory_space<vmem>> -> memref<4096xi32, #tpu.memory_space<vmem>>
      %dma_wait3A_3362 = arith.constant 0 : i32
      %dma_wait3A_3363 = tpu.memref_slice %arg3[%select_n3A, %dma_wait3A_3362] : memref<26x4096xi32, #tpu.memory_space<hbm>> -> memref<1x4096xi32, #tpu.memory_space<hbm>>
      %dma_wait3A_3364 = tpu.memref_squeeze %dma_wait3A_3363 : memref<1x4096xi32, #tpu.memory_space<hbm>> -> memref<4096xi32, #tpu.memory_space<hbm>>
      %dma_wait3A_3365 = arith.constant 0 : i32
      %dma_wait3A_3366 = tpu.memref_slice %arg5[%run_scoped3A, %dma_wait3A_3365] : memref<2x4096xi32, #tpu.memory_space<vmem>> -> memref<1x4096xi32, #tpu.memory_space<vmem>>
      %dma_wait3A_3367 = tpu.memref_squeeze %dma_wait3A_3366 : memref<1x4096xi32, #tpu.memory_space<vmem>> -> memref<4096xi32, #tpu.memory_space<vmem>>
      %dma_wait3A_3368 = arith.constant 0 : i32
      %dma_wait3A_3369 = tpu.memref_slice %arg3[%select_n3A, %dma_wait3A_3368] : memref<26x4096xi32, #tpu.memory_space<hbm>> -> memref<1x4096xi32, #tpu.memory_space<hbm>>
      %dma_wait3A_3370 = tpu.memref_squeeze %dma_wait3A_3369 : memref<1x4096xi32, #tpu.memory_space<hbm>> -> memref<4096xi32, #tpu.memory_space<hbm>>
      tpu.wait_dma2 semaphore(%run_scoped3A_3346 : memref<!tpu.dma_semaphore, #tpu.memory_space<semaphore_mem>>) src(%dma_wait3A_3370 : memref<4096xi32, #tpu.memory_space<hbm>>) dst(%dma_wait3A_3367 : memref<4096xi32, #tpu.memory_space<vmem>>)
      tpu.yield
    }) : () -> ()
    %run_scoped3A_47 = arith.constant 1 : i32
    "tpu.region"() ({
      %run_scoped3A_3346 = tpu.sem_alloc : memref<!tpu.dma_semaphore, #tpu.memory_space<semaphore_mem>>
      %dma_start3A_3347 = arith.constant 0 : i32
      %dma_start3A_3348 = tpu.memref_slice %arg5[%run_scoped3A_47, %dma_start3A_3347] : memref<2x4096xi32, #tpu.memory_space<vmem>> -> memref<1x4096xi32, #tpu.memory_space<vmem>>
      %dma_start3A_3349 = tpu.memref_squeeze %dma_start3A_3348 : memref<1x4096xi32, #tpu.memory_space<vmem>> -> memref<4096xi32, #tpu.memory_space<vmem>>
      %dma_start3A_3350 = arith.constant 0 : i32
      %dma_start3A_3351 = tpu.memref_slice %arg3[%select_n3A_46, %dma_start3A_3350] : memref<26x4096xi32, #tpu.memory_space<hbm>> -> memref<1x4096xi32, #tpu.memory_space<hbm>>
      %dma_start3A_3352 = tpu.memref_squeeze %dma_start3A_3351 : memref<1x4096xi32, #tpu.memory_space<hbm>> -> memref<4096xi32, #tpu.memory_space<hbm>>
      %dma_start3A_3353 = arith.constant 0 : i32
      %dma_start3A_3354 = tpu.memref_slice %arg5[%run_scoped3A_47, %dma_start3A_3353] : memref<2x4096xi32, #tpu.memory_space<vmem>> -> memref<1x4096xi32, #tpu.memory_space<vmem>>
      %dma_start3A_3355 = tpu.memref_squeeze %dma_start3A_3354 : memref<1x4096xi32, #tpu.memory_space<vmem>> -> memref<4096xi32, #tpu.memory_space<vmem>>
      %dma_start3A_3356 = arith.constant 0 : i32
      %dma_start3A_3357 = tpu.memref_slice %arg3[%select_n3A_46, %dma_start3A_3356] : memref<26x4096xi32, #tpu.memory_space<hbm>> -> memref<1x4096xi32, #tpu.memory_space<hbm>>
      %dma_start3A_3358 = tpu.memref_squeeze %dma_start3A_3357 : memref<1x4096xi32, #tpu.memory_space<hbm>> -> memref<4096xi32, #tpu.memory_space<hbm>>
      tpu.enqueue_dma source(%dma_start3A_3358 : memref<4096xi32, #tpu.memory_space<hbm>>) target(%dma_start3A_3355 : memref<4096xi32, #tpu.memory_space<vmem>>) target_semaphore(%run_scoped3A_3346 : memref<!tpu.dma_semaphore, #tpu.memory_space<semaphore_mem>>)
      %dma_wait3A_3359 = arith.constant 0 : i32
      %dma_wait3A_3360 = tpu.memref_slice %arg5[%run_scoped3A_47, %dma_wait3A_3359] : memref<2x4096xi32, #tpu.memory_space<vmem>> -> memref<1x4096xi32, #tpu.memory_space<vmem>>
      %dma_wait3A_3361 = tpu.memref_squeeze %dma_wait3A_3360 : memref<1x4096xi32, #tpu.memory_space<vmem>> -> memref<4096xi32, #tpu.memory_space<vmem>>
      %dma_wait3A_3362 = arith.constant 0 : i32
      %dma_wait3A_3363 = tpu.memref_slice %arg3[%select_n3A_46, %dma_wait3A_3362] : memref<26x4096xi32, #tpu.memory_space<hbm>> -> memref<1x4096xi32, #tpu.memory_space<hbm>>
      %dma_wait3A_3364 = tpu.memref_squeeze %dma_wait3A_3363 : memref<1x4096xi32, #tpu.memory_space<hbm>> -> memref<4096xi32, #tpu.memory_space<hbm>>
      %dma_wait3A_3365 = arith.constant 0 : i32
      %dma_wait3A_3366 = tpu.memref_slice %arg5[%run_scoped3A_47, %dma_wait3A_3365] : memref<2x4096xi32, #tpu.memory_space<vmem>> -> memref<1x4096xi32, #tpu.memory_space<vmem>>
      %dma_wait3A_3367 = tpu.memref_squeeze %dma_wait3A_3366 : memref<1x4096xi32, #tpu.memory_space<vmem>> -> memref<4096xi32, #tpu.memory_space<vmem>>
      %dma_wait3A_3368 = arith.constant 0 : i32
      %dma_wait3A_3369 = tpu.memref_slice %arg3[%select_n3A_46, %dma_wait3A_3368] : memref<26x4096xi32, #tpu.memory_space<hbm>> -> memref<1x4096xi32, #tpu.memory_space<hbm>>
      %dma_wait3A_3370 = tpu.memref_squeeze %dma_wait3A_3369 : memref<1x4096xi32, #tpu.memory_space<hbm>> -> memref<4096xi32, #tpu.memory_space<hbm>>
      tpu.wait_dma2 semaphore(%run_scoped3A_3346 : memref<!tpu.dma_semaphore, #tpu.memory_space<semaphore_mem>>) src(%dma_wait3A_3370 : memref<4096xi32, #tpu.memory_space<hbm>>) dst(%dma_wait3A_3367 : memref<4096xi32, #tpu.memory_space<vmem>>)
      tpu.yield
    }) : () -> ()
    %add3A_48 = arith.constant 0 : i32
    %add3A_49 = arith.addi %mul3A_2, %add3A_48 : i32
    %jit3A_50 = arith.constant 32 : i32
    %div3A_51 = arith.divsi %add3A_49, %jit3A_50 : i32
    %sign3A_52 = arith.constant 0 : i32
    %sign3A_53 = arith.cmpi sgt, %add3A_49, %sign3A_52 : i32
    %sign3A_54 = arith.extui %sign3A_53 : i1 to i32
    %sign3A_55 = arith.constant 0 : i32
    %sign3A_56 = arith.cmpi slt, %add3A_49, %sign3A_55 : i32
    %sign3A_57 = arith.extui %sign3A_56 : i1 to i32
    %sign3A_58 = arith.subi %sign3A_54, %sign3A_57 : i32
    %sign3A_59 = arith.constant 0 : i32
    %sign3A_60 = arith.cmpi sgt, %jit3A_50, %sign3A_59 : i32
    %sign3A_61 = arith.extui %sign3A_60 : i1 to i32
    %sign3A_62 = arith.constant 0 : i32
    %sign3A_63 = arith.cmpi slt, %jit3A_50, %sign3A_62 : i32
    %sign3A_64 = arith.extui %sign3A_63 : i1 to i32
    %sign3A_65 = arith.subi %sign3A_61, %sign3A_64 : i32
    %ne3A_66 = arith.cmpi ne, %sign3A_58, %sign3A_65 : i32
    %rem3A_67 = arith.remsi %add3A_49, %jit3A_50 : i32
    %ne3A_68 = arith.constant 0 : i32
    %ne3A_69 = arith.cmpi ne, %rem3A_67, %ne3A_68 : i32
    %and3A_70 = arith.andi %ne3A_66, %ne3A_69 : i1
    %sub3A_71 = arith.constant 1 : i32
    %sub3A_72 = arith.subi %div3A_51, %sub3A_71 : i32
    %select_n3A_73 = arith.select %and3A_70, %sub3A_72, %div3A_51 : i32
    %jit3A_74 = arith.constant 32 : i32
    %eq3A = arith.constant 0 : i32
    %eq3A_75 = arith.cmpi eq, %jit3A_74, %eq3A : i32
    %jit3A_76 = arith.constant 1 : i32
    %select_n3A_77 = arith.select %eq3A_75, %jit3A_76, %jit3A_74 : i32
    %rem3A_78 = arith.remsi %add3A_49, %select_n3A_77 : i32
    %ne3A_79 = arith.constant 0 : i32
    %ne3A_80 = arith.cmpi ne, %rem3A_78, %ne3A_79 : i32
    %lt3A = arith.constant 0 : i32
    %lt3A_81 = arith.cmpi slt, %rem3A_78, %lt3A : i32
    %lt3A_82 = arith.constant 0 : i32
    %lt3A_83 = arith.cmpi slt, %select_n3A_77, %lt3A_82 : i32
    %ne3A_84 = arith.xori %lt3A_81, %lt3A_83 : i1
    %and3A_85 = arith.andi %ne3A_84, %ne3A_80 : i1
    %add3A_86 = arith.addi %rem3A_78, %select_n3A_77 : i32
    %select_n3A_87 = arith.select %and3A_85, %add3A_86, %rem3A_78 : i32
    %eq3A_88 = arith.cmpi eq, %select_n3A_73, %select_n3A : i32
    %jit3A_89 = arith.constant 0 : i32
    %jit3A_90 = arith.constant 1 : i32
    %select_n3A_91 = arith.select %eq3A_88, %jit3A_89, %jit3A_90 : i32
    %dma_start3A = arith.constant 0 : i32
    %dma_start3A_92 = arith.constant 0 : i32
    %dma_start3A_93 = tpu.memref_slice %arg6[%dma_start3A, %dma_start3A_92] : memref<2x4096xf32, #tpu.memory_space<vmem>> -> memref<1x4096xf32, #tpu.memory_space<vmem>>
    %dma_start3A_94 = tpu.memref_squeeze %dma_start3A_93 : memref<1x4096xf32, #tpu.memory_space<vmem>> -> memref<4096xf32, #tpu.memory_space<vmem>>
    %dma_start3A_95 = arith.constant 0 : i32
    %dma_start3A_96 = tpu.memref_slice %arg5[%select_n3A_91, %dma_start3A_95] : memref<2x4096xi32, #tpu.memory_space<vmem>> -> memref<1x4096xi32, #tpu.memory_space<vmem>>
    %dma_start3A_97 = tpu.memref_squeeze %dma_start3A_96 : memref<1x4096xi32, #tpu.memory_space<vmem>> -> memref<4096xi32, #tpu.memory_space<vmem>>
    %dma_start3A_98 = arith.constant 0 : i32
    %dma_start3A_99 = arith.constant 0 : i32
    %dma_start3A_100 = tpu.memref_slice %arg2[%select_n3A_73, %dma_start3A_98, %dma_start3A_99] : memref<26x32x100000xf32, #tpu.memory_space<hbm>> -> memref<1x32x100000xf32, #tpu.memory_space<hbm>>
    %dma_start3A_101 = tpu.memref_squeeze %dma_start3A_100 : memref<1x32x100000xf32, #tpu.memory_space<hbm>> -> memref<32x100000xf32, #tpu.memory_space<hbm>>
    %dma_start3A_102 = arith.constant 0 : i32
    %dma_start3A_103 = tpu.memref_slice %dma_start3A_101[%select_n3A_87, %dma_start3A_102] : memref<32x100000xf32, #tpu.memory_space<hbm>> -> memref<1x100000xf32, #tpu.memory_space<hbm>>
    %dma_start3A_104 = tpu.memref_squeeze %dma_start3A_103 : memref<1x100000xf32, #tpu.memory_space<hbm>> -> memref<100000xf32, #tpu.memory_space<hbm>>
    %dma_start3A_105 = arith.constant 0 : i32
    %dma_start3A_106 = tpu.memref_slice %dma_start3A_104[%dma_start3A_105] : memref<100000xf32, #tpu.memory_space<hbm>> -> memref<100000xf32, #tpu.memory_space<hbm>>
    tpu.enqueue_indirect_dma source(%dma_start3A_106 : memref<100000xf32, #tpu.memory_space<hbm>>) target(%dma_start3A_94 : memref<4096xf32, #tpu.memory_space<vmem>>) offsets(%dma_start3A_97 : memref<4096xi32, #tpu.memory_space<vmem>>) semaphore(%arg7 : memref<!tpu.dma_semaphore, #tpu.memory_space<semaphore_mem>>)
    %add3A_107 = arith.constant 0 : i32
    %add3A_108 = arith.addi %mul3A_2, %add3A_107 : i32
    %jit3A_109 = arith.constant 32 : i32
    %div3A_110 = arith.divsi %add3A_108, %jit3A_109 : i32
    %sign3A_111 = arith.constant 0 : i32
    %sign3A_112 = arith.cmpi sgt, %add3A_108, %sign3A_111 : i32
    %sign3A_113 = arith.extui %sign3A_112 : i1 to i32
    %sign3A_114 = arith.constant 0 : i32
    %sign3A_115 = arith.cmpi slt, %add3A_108, %sign3A_114 : i32
    %sign3A_116 = arith.extui %sign3A_115 : i1 to i32
    %sign3A_117 = arith.subi %sign3A_113, %sign3A_116 : i32
    %sign3A_118 = arith.constant 0 : i32
    %sign3A_119 = arith.cmpi sgt, %jit3A_109, %sign3A_118 : i32
    %sign3A_120 = arith.extui %sign3A_119 : i1 to i32
    %sign3A_121 = arith.constant 0 : i32
    %sign3A_122 = arith.cmpi slt, %jit3A_109, %sign3A_121 : i32
    %sign3A_123 = arith.extui %sign3A_122 : i1 to i32
    %sign3A_124 = arith.subi %sign3A_120, %sign3A_123 : i32
    %ne3A_125 = arith.cmpi ne, %sign3A_117, %sign3A_124 : i32
    %rem3A_126 = arith.remsi %add3A_108, %jit3A_109 : i32
    %ne3A_127 = arith.constant 0 : i32
    %ne3A_128 = arith.cmpi ne, %rem3A_126, %ne3A_127 : i32
    %and3A_129 = arith.andi %ne3A_125, %ne3A_128 : i1
    %sub3A_130 = arith.constant 1 : i32
    %sub3A_131 = arith.subi %div3A_110, %sub3A_130 : i32
    %select_n3A_132 = arith.select %and3A_129, %sub3A_131, %div3A_110 : i32
    %jit3A_133 = arith.constant 32 : i32
    %eq3A_134 = arith.constant 0 : i32
    %eq3A_135 = arith.cmpi eq, %jit3A_133, %eq3A_134 : i32
    %jit3A_136 = arith.constant 1 : i32
    %select_n3A_137 = arith.select %eq3A_135, %jit3A_136, %jit3A_133 : i32
    %rem3A_138 = arith.remsi %add3A_108, %select_n3A_137 : i32
    %ne3A_139 = arith.constant 0 : i32
    %ne3A_140 = arith.cmpi ne, %rem3A_138, %ne3A_139 : i32
    %lt3A_141 = arith.constant 0 : i32
    %lt3A_142 = arith.cmpi slt, %rem3A_138, %lt3A_141 : i32
    %lt3A_143 = arith.constant 0 : i32
    %lt3A_144 = arith.cmpi slt, %select_n3A_137, %lt3A_143 : i32
    %ne3A_145 = arith.xori %lt3A_142, %lt3A_144 : i1
    %and3A_146 = arith.andi %ne3A_145, %ne3A_140 : i1
    %add3A_147 = arith.addi %rem3A_138, %select_n3A_137 : i32
    %select_n3A_148 = arith.select %and3A_146, %add3A_147, %rem3A_138 : i32
    %eq3A_149 = arith.cmpi eq, %select_n3A_132, %select_n3A : i32
    %jit3A_150 = arith.constant 0 : i32
    %jit3A_151 = arith.constant 1 : i32
    %select_n3A_152 = arith.select %eq3A_149, %jit3A_150, %jit3A_151 : i32
    %dma_wait3A = arith.constant 0 : i32
    %dma_wait3A_153 = arith.constant 0 : i32
    %dma_wait3A_154 = tpu.memref_slice %arg6[%dma_wait3A, %dma_wait3A_153] : memref<2x4096xf32, #tpu.memory_space<vmem>> -> memref<1x4096xf32, #tpu.memory_space<vmem>>
    %dma_wait3A_155 = tpu.memref_squeeze %dma_wait3A_154 : memref<1x4096xf32, #tpu.memory_space<vmem>> -> memref<4096xf32, #tpu.memory_space<vmem>>
    %dma_wait3A_156 = arith.constant 0 : i32
    %dma_wait3A_157 = tpu.memref_slice %arg5[%select_n3A_152, %dma_wait3A_156] : memref<2x4096xi32, #tpu.memory_space<vmem>> -> memref<1x4096xi32, #tpu.memory_space<vmem>>
    %dma_wait3A_158 = tpu.memref_squeeze %dma_wait3A_157 : memref<1x4096xi32, #tpu.memory_space<vmem>> -> memref<4096xi32, #tpu.memory_space<vmem>>
    %dma_wait3A_159 = arith.constant 0 : i32
    %dma_wait3A_160 = arith.constant 0 : i32
    %dma_wait3A_161 = tpu.memref_slice %arg2[%select_n3A_132, %dma_wait3A_159, %dma_wait3A_160] : memref<26x32x100000xf32, #tpu.memory_space<hbm>> -> memref<1x32x100000xf32, #tpu.memory_space<hbm>>
    %dma_wait3A_162 = tpu.memref_squeeze %dma_wait3A_161 : memref<1x32x100000xf32, #tpu.memory_space<hbm>> -> memref<32x100000xf32, #tpu.memory_space<hbm>>
    %dma_wait3A_163 = arith.constant 0 : i32
    %dma_wait3A_164 = tpu.memref_slice %dma_wait3A_162[%select_n3A_148, %dma_wait3A_163] : memref<32x100000xf32, #tpu.memory_space<hbm>> -> memref<1x100000xf32, #tpu.memory_space<hbm>>
    %dma_wait3A_165 = tpu.memref_squeeze %dma_wait3A_164 : memref<1x100000xf32, #tpu.memory_space<hbm>> -> memref<100000xf32, #tpu.memory_space<hbm>>
    %dma_wait3A_166 = arith.constant 0 : i32
    %dma_wait3A_167 = tpu.memref_slice %dma_wait3A_165[%dma_wait3A_166] : memref<100000xf32, #tpu.memory_space<hbm>> -> memref<100000xf32, #tpu.memory_space<hbm>>
    tpu.wait_indirect_dma semaphore(%arg7 : memref<!tpu.dma_semaphore, #tpu.memory_space<semaphore_mem>>) src(%dma_wait3A_167 : memref<100000xf32, #tpu.memory_space<hbm>>) dst(%dma_wait3A_155 : memref<4096xf32, #tpu.memory_space<vmem>>)
    %add3A_168 = arith.constant 1 : i32
    %add3A_169 = arith.addi %mul3A_2, %add3A_168 : i32
    %jit3A_170 = arith.constant 32 : i32
    %div3A_171 = arith.divsi %add3A_169, %jit3A_170 : i32
    %sign3A_172 = arith.constant 0 : i32
    %sign3A_173 = arith.cmpi sgt, %add3A_169, %sign3A_172 : i32
    %sign3A_174 = arith.extui %sign3A_173 : i1 to i32
    %sign3A_175 = arith.constant 0 : i32
    %sign3A_176 = arith.cmpi slt, %add3A_169, %sign3A_175 : i32
    %sign3A_177 = arith.extui %sign3A_176 : i1 to i32
    %sign3A_178 = arith.subi %sign3A_174, %sign3A_177 : i32
    %sign3A_179 = arith.constant 0 : i32
    %sign3A_180 = arith.cmpi sgt, %jit3A_170, %sign3A_179 : i32
    %sign3A_181 = arith.extui %sign3A_180 : i1 to i32
    %sign3A_182 = arith.constant 0 : i32
    %sign3A_183 = arith.cmpi slt, %jit3A_170, %sign3A_182 : i32
    %sign3A_184 = arith.extui %sign3A_183 : i1 to i32
    %sign3A_185 = arith.subi %sign3A_181, %sign3A_184 : i32
    %ne3A_186 = arith.cmpi ne, %sign3A_178, %sign3A_185 : i32
    %rem3A_187 = arith.remsi %add3A_169, %jit3A_170 : i32
    %ne3A_188 = arith.constant 0 : i32
    %ne3A_189 = arith.cmpi ne, %rem3A_187, %ne3A_188 : i32
    %and3A_190 = arith.andi %ne3A_186, %ne3A_189 : i1
    %sub3A_191 = arith.constant 1 : i32
    %sub3A_192 = arith.subi %div3A_171, %sub3A_191 : i32
    %select_n3A_193 = arith.select %and3A_190, %sub3A_192, %div3A_171 : i32
    %jit3A_194 = arith.constant 32 : i32
    %eq3A_195 = arith.constant 0 : i32
    %eq3A_196 = arith.cmpi eq, %jit3A_194, %eq3A_195 : i32
    %jit3A_197 = arith.constant 1 : i32
    %select_n3A_198 = arith.select %eq3A_196, %jit3A_197, %jit3A_194 : i32
    %rem3A_199 = arith.remsi %add3A_169, %select_n3A_198 : i32
    %ne3A_200 = arith.constant 0 : i32
    %ne3A_201 = arith.cmpi ne, %rem3A_199, %ne3A_200 : i32
    %lt3A_202 = arith.constant 0 : i32
    %lt3A_203 = arith.cmpi slt, %rem3A_199, %lt3A_202 : i32
    %lt3A_204 = arith.constant 0 : i32
    %lt3A_205 = arith.cmpi slt, %select_n3A_198, %lt3A_204 : i32
    %ne3A_206 = arith.xori %lt3A_203, %lt3A_205 : i1
    %and3A_207 = arith.andi %ne3A_206, %ne3A_201 : i1
    %add3A_208 = arith.addi %rem3A_199, %select_n3A_198 : i32
    %select_n3A_209 = arith.select %and3A_207, %add3A_208, %rem3A_199 : i32
    %eq3A_210 = arith.cmpi eq, %select_n3A_193, %select_n3A : i32
    %jit3A_211 = arith.constant 0 : i32
    %jit3A_212 = arith.constant 1 : i32
    %select_n3A_213 = arith.select %eq3A_210, %jit3A_211, %jit3A_212 : i32
    %dma_start3A_214 = arith.constant 1 : i32
    %dma_start3A_215 = arith.constant 0 : i32
    %dma_start3A_216 = tpu.memref_slice %arg6[%dma_start3A_214, %dma_start3A_215] : memref<2x4096xf32, #tpu.memory_space<vmem>> -> memref<1x4096xf32, #tpu.memory_space<vmem>>
    %dma_start3A_217 = tpu.memref_squeeze %dma_start3A_216 : memref<1x4096xf32, #tpu.memory_space<vmem>> -> memref<4096xf32, #tpu.memory_space<vmem>>
    %dma_start3A_218 = arith.constant 0 : i32
    %dma_start3A_219 = tpu.memref_slice %arg5[%select_n3A_213, %dma_start3A_218] : memref<2x4096xi32, #tpu.memory_space<vmem>> -> memref<1x4096xi32, #tpu.memory_space<vmem>>
    %dma_start3A_220 = tpu.memref_squeeze %dma_start3A_219 : memref<1x4096xi32, #tpu.memory_space<vmem>> -> memref<4096xi32, #tpu.memory_space<vmem>>
    %dma_start3A_221 = arith.constant 0 : i32
    %dma_start3A_222 = arith.constant 0 : i32
    %dma_start3A_223 = tpu.memref_slice %arg2[%select_n3A_193, %dma_start3A_221, %dma_start3A_222] : memref<26x32x100000xf32, #tpu.memory_space<hbm>> -> memref<1x32x100000xf32, #tpu.memory_space<hbm>>
    %dma_start3A_224 = tpu.memref_squeeze %dma_start3A_223 : memref<1x32x100000xf32, #tpu.memory_space<hbm>> -> memref<32x100000xf32, #tpu.memory_space<hbm>>
    %dma_start3A_225 = arith.constant 0 : i32
    %dma_start3A_226 = tpu.memref_slice %dma_start3A_224[%select_n3A_209, %dma_start3A_225] : memref<32x100000xf32, #tpu.memory_space<hbm>> -> memref<1x100000xf32, #tpu.memory_space<hbm>>
    %dma_start3A_227 = tpu.memref_squeeze %dma_start3A_226 : memref<1x100000xf32, #tpu.memory_space<hbm>> -> memref<100000xf32, #tpu.memory_space<hbm>>
    %dma_start3A_228 = arith.constant 0 : i32
    %dma_start3A_229 = tpu.memref_slice %dma_start3A_227[%dma_start3A_228] : memref<100000xf32, #tpu.memory_space<hbm>> -> memref<100000xf32, #tpu.memory_space<hbm>>
    tpu.enqueue_indirect_dma source(%dma_start3A_229 : memref<100000xf32, #tpu.memory_space<hbm>>) target(%dma_start3A_217 : memref<4096xf32, #tpu.memory_space<vmem>>) offsets(%dma_start3A_220 : memref<4096xi32, #tpu.memory_space<vmem>>) semaphore(%arg7 : memref<!tpu.dma_semaphore, #tpu.memory_space<semaphore_mem>>)
    %add3A_230 = arith.constant 0 : i32
    %add3A_231 = arith.addi %mul3A_2, %add3A_230 : i32
    %run_scoped3A_232 = arith.constant 0 : i32
    "tpu.region"() ({
      %run_scoped3A_3346 = tpu.sem_alloc : memref<!tpu.dma_semaphore, #tpu.memory_space<semaphore_mem>>
      %dma_start3A_3347 = arith.constant 0 : i32
      %dma_start3A_3348 = tpu.memref_slice %arg6[%run_scoped3A_232, %dma_start3A_3347] : memref<2x4096xf32, #tpu.memory_space<vmem>> -> memref<1x4096xf32, #tpu.memory_space<vmem>>
      %dma_start3A_3349 = tpu.memref_squeeze %dma_start3A_3348 : memref<1x4096xf32, #tpu.memory_space<vmem>> -> memref<4096xf32, #tpu.memory_space<vmem>>
      %dma_start3A_3350 = arith.constant 0 : i32
      %dma_start3A_3351 = tpu.memref_slice %arg4[%add3A_231, %dma_start3A_3350] : memref<832x4096xf32, #tpu.memory_space<hbm>> -> memref<1x4096xf32, #tpu.memory_space<hbm>>
      %dma_start3A_3352 = tpu.memref_squeeze %dma_start3A_3351 : memref<1x4096xf32, #tpu.memory_space<hbm>> -> memref<4096xf32, #tpu.memory_space<hbm>>
      %dma_start3A_3353 = arith.constant 0 : i32
      %dma_start3A_3354 = tpu.memref_slice %arg4[%add3A_231, %dma_start3A_3353] : memref<832x4096xf32, #tpu.memory_space<hbm>> -> memref<1x4096xf32, #tpu.memory_space<hbm>>
      %dma_start3A_3355 = tpu.memref_squeeze %dma_start3A_3354 : memref<1x4096xf32, #tpu.memory_space<hbm>> -> memref<4096xf32, #tpu.memory_space<hbm>>
      %dma_start3A_3356 = arith.constant 0 : i32
      %dma_start3A_3357 = tpu.memref_slice %arg6[%run_scoped3A_232, %dma_start3A_3356] : memref<2x4096xf32, #tpu.memory_space<vmem>> -> memref<1x4096xf32, #tpu.memory_space<vmem>>
      %dma_start3A_3358 = tpu.memref_squeeze %dma_start3A_3357 : memref<1x4096xf32, #tpu.memory_space<vmem>> -> memref<4096xf32, #tpu.memory_space<vmem>>
      tpu.enqueue_dma source(%dma_start3A_3358 : memref<4096xf32, #tpu.memory_space<vmem>>) target(%dma_start3A_3355 : memref<4096xf32, #tpu.memory_space<hbm>>) target_semaphore(%run_scoped3A_3346 : memref<!tpu.dma_semaphore, #tpu.memory_space<semaphore_mem>>)
      %dma_wait3A_3359 = arith.constant 0 : i32
      %dma_wait3A_3360 = tpu.memref_slice %arg6[%run_scoped3A_232, %dma_wait3A_3359] : memref<2x4096xf32, #tpu.memory_space<vmem>> -> memref<1x4096xf32, #tpu.memory_space<vmem>>
      %dma_wait3A_3361 = tpu.memref_squeeze %dma_wait3A_3360 : memref<1x4096xf32, #tpu.memory_space<vmem>> -> memref<4096xf32, #tpu.memory_space<vmem>>
      %dma_wait3A_3362 = arith.constant 0 : i32
      %dma_wait3A_3363 = tpu.memref_slice %arg4[%add3A_231, %dma_wait3A_3362] : memref<832x4096xf32, #tpu.memory_space<hbm>> -> memref<1x4096xf32, #tpu.memory_space<hbm>>
      %dma_wait3A_3364 = tpu.memref_squeeze %dma_wait3A_3363 : memref<1x4096xf32, #tpu.memory_space<hbm>> -> memref<4096xf32, #tpu.memory_space<hbm>>
      %dma_wait3A_3365 = arith.constant 0 : i32
      %dma_wait3A_3366 = tpu.memref_slice %arg4[%add3A_231, %dma_wait3A_3365] : memref<832x4096xf32, #tpu.memory_space<hbm>> -> memref<1x4096xf32, #tpu.memory_space<hbm>>
      %dma_wait3A_3367 = tpu.memref_squeeze %dma_wait3A_3366 : memref<1x4096xf32, #tpu.memory_space<hbm>> -> memref<4096xf32, #tpu.memory_space<hbm>>
      %dma_wait3A_3368 = arith.constant 0 : i32
      %dma_wait3A_3369 = tpu.memref_slice %arg6[%run_scoped3A_232, %dma_wait3A_3368] : memref<2x4096xf32, #tpu.memory_space<vmem>> -> memref<1x4096xf32, #tpu.memory_space<vmem>>
      %dma_wait3A_3370 = tpu.memref_squeeze %dma_wait3A_3369 : memref<1x4096xf32, #tpu.memory_space<vmem>> -> memref<4096xf32, #tpu.memory_space<vmem>>
      tpu.wait_dma2 semaphore(%run_scoped3A_3346 : memref<!tpu.dma_semaphore, #tpu.memory_space<semaphore_mem>>) src(%dma_wait3A_3370 : memref<4096xf32, #tpu.memory_space<vmem>>) dst(%dma_wait3A_3367 : memref<4096xf32, #tpu.memory_space<hbm>>)
      tpu.yield
    }) : () -> ()
    %add3A_233 = arith.constant 1 : i32
    %add3A_234 = arith.addi %mul3A_2, %add3A_233 : i32
    %jit3A_235 = arith.constant 32 : i32
    %div3A_236 = arith.divsi %add3A_234, %jit3A_235 : i32
    %sign3A_237 = arith.constant 0 : i32
    %sign3A_238 = arith.cmpi sgt, %add3A_234, %sign3A_237 : i32
    %sign3A_239 = arith.extui %sign3A_238 : i1 to i32
    %sign3A_240 = arith.constant 0 : i32
    %sign3A_241 = arith.cmpi slt, %add3A_234, %sign3A_240 : i32
    %sign3A_242 = arith.extui %sign3A_241 : i1 to i32
    %sign3A_243 = arith.subi %sign3A_239, %sign3A_242 : i32
    %sign3A_244 = arith.constant 0 : i32
    %sign3A_245 = arith.cmpi sgt, %jit3A_235, %sign3A_244 : i32
    %sign3A_246 = arith.extui %sign3A_245 : i1 to i32
    %sign3A_247 = arith.constant 0 : i32
    %sign3A_248 = arith.cmpi slt, %jit3A_235, %sign3A_247 : i32
    %sign3A_249 = arith.extui %sign3A_248 : i1 to i32
    %sign3A_250 = arith.subi %sign3A_246, %sign3A_249 : i32
    %ne3A_251 = arith.cmpi ne, %sign3A_243, %sign3A_250 : i32
    %rem3A_252 = arith.remsi %add3A_234, %jit3A_235 : i32
    %ne3A_253 = arith.constant 0 : i32
    %ne3A_254 = arith.cmpi ne, %rem3A_252, %ne3A_253 : i32
    %and3A_255 = arith.andi %ne3A_251, %ne3A_254 : i1
    %sub3A_256 = arith.constant 1 : i32
    %sub3A_257 = arith.subi %div3A_236, %sub3A_256 : i32
    %select_n3A_258 = arith.select %and3A_255, %sub3A_257, %div3A_236 : i32
    %jit3A_259 = arith.constant 32 : i32
    %eq3A_260 = arith.constant 0 : i32
    %eq3A_261 = arith.cmpi eq, %jit3A_259, %eq3A_260 : i32
    %jit3A_262 = arith.constant 1 : i32
    %select_n3A_263 = arith.select %eq3A_261, %jit3A_262, %jit3A_259 : i32
    %rem3A_264 = arith.remsi %add3A_234, %select_n3A_263 : i32
    %ne3A_265 = arith.constant 0 : i32
    %ne3A_266 = arith.cmpi ne, %rem3A_264, %ne3A_265 : i32
    %lt3A_267 = arith.constant 0 : i32
    %lt3A_268 = arith.cmpi slt, %rem3A_264, %lt3A_267 : i32
    %lt3A_269 = arith.constant 0 : i32
    %lt3A_270 = arith.cmpi slt, %select_n3A_263, %lt3A_269 : i32
    %ne3A_271 = arith.xori %lt3A_268, %lt3A_270 : i1
    %and3A_272 = arith.andi %ne3A_271, %ne3A_266 : i1
    %add3A_273 = arith.addi %rem3A_264, %select_n3A_263 : i32
    %select_n3A_274 = arith.select %and3A_272, %add3A_273, %rem3A_264 : i32
    %eq3A_275 = arith.cmpi eq, %select_n3A_258, %select_n3A : i32
    %jit3A_276 = arith.constant 0 : i32
    %jit3A_277 = arith.constant 1 : i32
    %select_n3A_278 = arith.select %eq3A_275, %jit3A_276, %jit3A_277 : i32
    %dma_wait3A_279 = arith.constant 1 : i32
    %dma_wait3A_280 = arith.constant 0 : i32
    %dma_wait3A_281 = tpu.memref_slice %arg6[%dma_wait3A_279, %dma_wait3A_280] : memref<2x4096xf32, #tpu.memory_space<vmem>> -> memref<1x4096xf32, #tpu.memory_space<vmem>>
    %dma_wait3A_282 = tpu.memref_squeeze %dma_wait3A_281 : memref<1x4096xf32, #tpu.memory_space<vmem>> -> memref<4096xf32, #tpu.memory_space<vmem>>
    %dma_wait3A_283 = arith.constant 0 : i32
    %dma_wait3A_284 = tpu.memref_slice %arg5[%select_n3A_278, %dma_wait3A_283] : memref<2x4096xi32, #tpu.memory_space<vmem>> -> memref<1x4096xi32, #tpu.memory_space<vmem>>
    %dma_wait3A_285 = tpu.memref_squeeze %dma_wait3A_284 : memref<1x4096xi32, #tpu.memory_space<vmem>> -> memref<4096xi32, #tpu.memory_space<vmem>>
    %dma_wait3A_286 = arith.constant 0 : i32
    %dma_wait3A_287 = arith.constant 0 : i32
    %dma_wait3A_288 = tpu.memref_slice %arg2[%select_n3A_258, %dma_wait3A_286, %dma_wait3A_287] : memref<26x32x100000xf32, #tpu.memory_space<hbm>> -> memref<1x32x100000xf32, #tpu.memory_space<hbm>>
    %dma_wait3A_289 = tpu.memref_squeeze %dma_wait3A_288 : memref<1x32x100000xf32, #tpu.memory_space<hbm>> -> memref<32x100000xf32, #tpu.memory_space<hbm>>
    %dma_wait3A_290 = arith.constant 0 : i32
    %dma_wait3A_291 = tpu.memref_slice %dma_wait3A_289[%select_n3A_274, %dma_wait3A_290] : memref<32x100000xf32, #tpu.memory_space<hbm>> -> memref<1x100000xf32, #tpu.memory_space<hbm>>
    %dma_wait3A_292 = tpu.memref_squeeze %dma_wait3A_291 : memref<1x100000xf32, #tpu.memory_space<hbm>> -> memref<100000xf32, #tpu.memory_space<hbm>>
    %dma_wait3A_293 = arith.constant 0 : i32
    %dma_wait3A_294 = tpu.memref_slice %dma_wait3A_292[%dma_wait3A_293] : memref<100000xf32, #tpu.memory_space<hbm>> -> memref<100000xf32, #tpu.memory_space<hbm>>
    tpu.wait_indirect_dma semaphore(%arg7 : memref<!tpu.dma_semaphore, #tpu.memory_space<semaphore_mem>>) src(%dma_wait3A_294 : memref<100000xf32, #tpu.memory_space<hbm>>) dst(%dma_wait3A_282 : memref<4096xf32, #tpu.memory_space<vmem>>)
    %add3A_295 = arith.constant 2 : i32
    %add3A_296 = arith.addi %mul3A_2, %add3A_295 : i32
    %jit3A_297 = arith.constant 32 : i32
    %div3A_298 = arith.divsi %add3A_296, %jit3A_297 : i32
    %sign3A_299 = arith.constant 0 : i32
    %sign3A_300 = arith.cmpi sgt, %add3A_296, %sign3A_299 : i32
    %sign3A_301 = arith.extui %sign3A_300 : i1 to i32
    %sign3A_302 = arith.constant 0 : i32
    %sign3A_303 = arith.cmpi slt, %add3A_296, %sign3A_302 : i32
    %sign3A_304 = arith.extui %sign3A_303 : i1 to i32
    %sign3A_305 = arith.subi %sign3A_301, %sign3A_304 : i32
    %sign3A_306 = arith.constant 0 : i32
    %sign3A_307 = arith.cmpi sgt, %jit3A_297, %sign3A_306 : i32
    %sign3A_308 = arith.extui %sign3A_307 : i1 to i32
    %sign3A_309 = arith.constant 0 : i32
    %sign3A_310 = arith.cmpi slt, %jit3A_297, %sign3A_309 : i32
    %sign3A_311 = arith.extui %sign3A_310 : i1 to i32
    %sign3A_312 = arith.subi %sign3A_308, %sign3A_311 : i32
    %ne3A_313 = arith.cmpi ne, %sign3A_305, %sign3A_312 : i32
    %rem3A_314 = arith.remsi %add3A_296, %jit3A_297 : i32
    %ne3A_315 = arith.constant 0 : i32
    %ne3A_316 = arith.cmpi ne, %rem3A_314, %ne3A_315 : i32
    %and3A_317 = arith.andi %ne3A_313, %ne3A_316 : i1
    %sub3A_318 = arith.constant 1 : i32
    %sub3A_319 = arith.subi %div3A_298, %sub3A_318 : i32
    %select_n3A_320 = arith.select %and3A_317, %sub3A_319, %div3A_298 : i32
    %jit3A_321 = arith.constant 32 : i32
    %eq3A_322 = arith.constant 0 : i32
    %eq3A_323 = arith.cmpi eq, %jit3A_321, %eq3A_322 : i32
    %jit3A_324 = arith.constant 1 : i32
    %select_n3A_325 = arith.select %eq3A_323, %jit3A_324, %jit3A_321 : i32
    %rem3A_326 = arith.remsi %add3A_296, %select_n3A_325 : i32
    %ne3A_327 = arith.constant 0 : i32
    %ne3A_328 = arith.cmpi ne, %rem3A_326, %ne3A_327 : i32
    %lt3A_329 = arith.constant 0 : i32
    %lt3A_330 = arith.cmpi slt, %rem3A_326, %lt3A_329 : i32
    %lt3A_331 = arith.constant 0 : i32
    %lt3A_332 = arith.cmpi slt, %select_n3A_325, %lt3A_331 : i32
    %ne3A_333 = arith.xori %lt3A_330, %lt3A_332 : i1
    %and3A_334 = arith.andi %ne3A_333, %ne3A_328 : i1
    %add3A_335 = arith.addi %rem3A_326, %select_n3A_325 : i32
    %select_n3A_336 = arith.select %and3A_334, %add3A_335, %rem3A_326 : i32
    %eq3A_337 = arith.cmpi eq, %select_n3A_320, %select_n3A : i32
    %jit3A_338 = arith.constant 0 : i32
    %jit3A_339 = arith.constant 1 : i32
    %select_n3A_340 = arith.select %eq3A_337, %jit3A_338, %jit3A_339 : i32
    %dma_start3A_341 = arith.constant 0 : i32
    %dma_start3A_342 = arith.constant 0 : i32
    %dma_start3A_343 = tpu.memref_slice %arg6[%dma_start3A_341, %dma_start3A_342] : memref<2x4096xf32, #tpu.memory_space<vmem>> -> memref<1x4096xf32, #tpu.memory_space<vmem>>
    %dma_start3A_344 = tpu.memref_squeeze %dma_start3A_343 : memref<1x4096xf32, #tpu.memory_space<vmem>> -> memref<4096xf32, #tpu.memory_space<vmem>>
    %dma_start3A_345 = arith.constant 0 : i32
    %dma_start3A_346 = tpu.memref_slice %arg5[%select_n3A_340, %dma_start3A_345] : memref<2x4096xi32, #tpu.memory_space<vmem>> -> memref<1x4096xi32, #tpu.memory_space<vmem>>
    %dma_start3A_347 = tpu.memref_squeeze %dma_start3A_346 : memref<1x4096xi32, #tpu.memory_space<vmem>> -> memref<4096xi32, #tpu.memory_space<vmem>>
    %dma_start3A_348 = arith.constant 0 : i32
    %dma_start3A_349 = arith.constant 0 : i32
    %dma_start3A_350 = tpu.memref_slice %arg2[%select_n3A_320, %dma_start3A_348, %dma_start3A_349] : memref<26x32x100000xf32, #tpu.memory_space<hbm>> -> memref<1x32x100000xf32, #tpu.memory_space<hbm>>
    %dma_start3A_351 = tpu.memref_squeeze %dma_start3A_350 : memref<1x32x100000xf32, #tpu.memory_space<hbm>> -> memref<32x100000xf32, #tpu.memory_space<hbm>>
    %dma_start3A_352 = arith.constant 0 : i32
    %dma_start3A_353 = tpu.memref_slice %dma_start3A_351[%select_n3A_336, %dma_start3A_352] : memref<32x100000xf32, #tpu.memory_space<hbm>> -> memref<1x100000xf32, #tpu.memory_space<hbm>>
    %dma_start3A_354 = tpu.memref_squeeze %dma_start3A_353 : memref<1x100000xf32, #tpu.memory_space<hbm>> -> memref<100000xf32, #tpu.memory_space<hbm>>
    %dma_start3A_355 = arith.constant 0 : i32
    %dma_start3A_356 = tpu.memref_slice %dma_start3A_354[%dma_start3A_355] : memref<100000xf32, #tpu.memory_space<hbm>> -> memref<100000xf32, #tpu.memory_space<hbm>>
    tpu.enqueue_indirect_dma source(%dma_start3A_356 : memref<100000xf32, #tpu.memory_space<hbm>>) target(%dma_start3A_344 : memref<4096xf32, #tpu.memory_space<vmem>>) offsets(%dma_start3A_347 : memref<4096xi32, #tpu.memory_space<vmem>>) semaphore(%arg7 : memref<!tpu.dma_semaphore, #tpu.memory_space<semaphore_mem>>)
    %add3A_357 = arith.constant 1 : i32
    %add3A_358 = arith.addi %mul3A_2, %add3A_357 : i32
    %run_scoped3A_359 = arith.constant 1 : i32
    "tpu.region"() ({
      %run_scoped3A_3346 = tpu.sem_alloc : memref<!tpu.dma_semaphore, #tpu.memory_space<semaphore_mem>>
      %dma_start3A_3347 = arith.constant 0 : i32
      %dma_start3A_3348 = tpu.memref_slice %arg6[%run_scoped3A_359, %dma_start3A_3347] : memref<2x4096xf32, #tpu.memory_space<vmem>> -> memref<1x4096xf32, #tpu.memory_space<vmem>>
      %dma_start3A_3349 = tpu.memref_squeeze %dma_start3A_3348 : memref<1x4096xf32, #tpu.memory_space<vmem>> -> memref<4096xf32, #tpu.memory_space<vmem>>
      %dma_start3A_3350 = arith.constant 0 : i32
      %dma_start3A_3351 = tpu.memref_slice %arg4[%add3A_358, %dma_start3A_3350] : memref<832x4096xf32, #tpu.memory_space<hbm>> -> memref<1x4096xf32, #tpu.memory_space<hbm>>
      %dma_start3A_3352 = tpu.memref_squeeze %dma_start3A_3351 : memref<1x4096xf32, #tpu.memory_space<hbm>> -> memref<4096xf32, #tpu.memory_space<hbm>>
      %dma_start3A_3353 = arith.constant 0 : i32
      %dma_start3A_3354 = tpu.memref_slice %arg4[%add3A_358, %dma_start3A_3353] : memref<832x4096xf32, #tpu.memory_space<hbm>> -> memref<1x4096xf32, #tpu.memory_space<hbm>>
      %dma_start3A_3355 = tpu.memref_squeeze %dma_start3A_3354 : memref<1x4096xf32, #tpu.memory_space<hbm>> -> memref<4096xf32, #tpu.memory_space<hbm>>
      %dma_start3A_3356 = arith.constant 0 : i32
      %dma_start3A_3357 = tpu.memref_slice %arg6[%run_scoped3A_359, %dma_start3A_3356] : memref<2x4096xf32, #tpu.memory_space<vmem>> -> memref<1x4096xf32, #tpu.memory_space<vmem>>
      %dma_start3A_3358 = tpu.memref_squeeze %dma_start3A_3357 : memref<1x4096xf32, #tpu.memory_space<vmem>> -> memref<4096xf32, #tpu.memory_space<vmem>>
      tpu.enqueue_dma source(%dma_start3A_3358 : memref<4096xf32, #tpu.memory_space<vmem>>) target(%dma_start3A_3355 : memref<4096xf32, #tpu.memory_space<hbm>>) target_semaphore(%run_scoped3A_3346 : memref<!tpu.dma_semaphore, #tpu.memory_space<semaphore_mem>>)
      %dma_wait3A_3359 = arith.constant 0 : i32
      %dma_wait3A_3360 = tpu.memref_slice %arg6[%run_scoped3A_359, %dma_wait3A_3359] : memref<2x4096xf32, #tpu.memory_space<vmem>> -> memref<1x4096xf32, #tpu.memory_space<vmem>>
      %dma_wait3A_3361 = tpu.memref_squeeze %dma_wait3A_3360 : memref<1x4096xf32, #tpu.memory_space<vmem>> -> memref<4096xf32, #tpu.memory_space<vmem>>
      %dma_wait3A_3362 = arith.constant 0 : i32
      %dma_wait3A_3363 = tpu.memref_slice %arg4[%add3A_358, %dma_wait3A_3362] : memref<832x4096xf32, #tpu.memory_space<hbm>> -> memref<1x4096xf32, #tpu.memory_space<hbm>>
      %dma_wait3A_3364 = tpu.memref_squeeze %dma_wait3A_3363 : memref<1x4096xf32, #tpu.memory_space<hbm>> -> memref<4096xf32, #tpu.memory_space<hbm>>
      %dma_wait3A_3365 = arith.constant 0 : i32
      %dma_wait3A_3366 = tpu.memref_slice %arg4[%add3A_358, %dma_wait3A_3365] : memref<832x4096xf32, #tpu.memory_space<hbm>> -> memref<1x4096xf32, #tpu.memory_space<hbm>>
      %dma_wait3A_3367 = tpu.memref_squeeze %dma_wait3A_3366 : memref<1x4096xf32, #tpu.memory_space<hbm>> -> memref<4096xf32, #tpu.memory_space<hbm>>
      %dma_wait3A_3368 = arith.constant 0 : i32
      %dma_wait3A_3369 = tpu.memref_slice %arg6[%run_scoped3A_359, %dma_wait3A_3368] : memref<2x4096xf32, #tpu.memory_space<vmem>> -> memref<1x4096xf32, #tpu.memory_space<vmem>>
      %dma_wait3A_3370 = tpu.memref_squeeze %dma_wait3A_3369 : memref<1x4096xf32, #tpu.memory_space<vmem>> -> memref<4096xf32, #tpu.memory_space<vmem>>
      tpu.wait_dma2 semaphore(%run_scoped3A_3346 : memref<!tpu.dma_semaphore, #tpu.memory_space<semaphore_mem>>) src(%dma_wait3A_3370 : memref<4096xf32, #tpu.memory_space<vmem>>) dst(%dma_wait3A_3367 : memref<4096xf32, #tpu.memory_space<hbm>>)
      tpu.yield
    }) : () -> ()
    %add3A_360 = arith.constant 2 : i32
    %add3A_361 = arith.addi %mul3A_2, %add3A_360 : i32
    %jit3A_362 = arith.constant 32 : i32
    %div3A_363 = arith.divsi %add3A_361, %jit3A_362 : i32
    %sign3A_364 = arith.constant 0 : i32
    %sign3A_365 = arith.cmpi sgt, %add3A_361, %sign3A_364 : i32
    %sign3A_366 = arith.extui %sign3A_365 : i1 to i32
    %sign3A_367 = arith.constant 0 : i32
    %sign3A_368 = arith.cmpi slt, %add3A_361, %sign3A_367 : i32
    %sign3A_369 = arith.extui %sign3A_368 : i1 to i32
    %sign3A_370 = arith.subi %sign3A_366, %sign3A_369 : i32
    %sign3A_371 = arith.constant 0 : i32
    %sign3A_372 = arith.cmpi sgt, %jit3A_362, %sign3A_371 : i32
    %sign3A_373 = arith.extui %sign3A_372 : i1 to i32
    %sign3A_374 = arith.constant 0 : i32
    %sign3A_375 = arith.cmpi slt, %jit3A_362, %sign3A_374 : i32
    %sign3A_376 = arith.extui %sign3A_375 : i1 to i32
    %sign3A_377 = arith.subi %sign3A_373, %sign3A_376 : i32
    %ne3A_378 = arith.cmpi ne, %sign3A_370, %sign3A_377 : i32
    %rem3A_379 = arith.remsi %add3A_361, %jit3A_362 : i32
    %ne3A_380 = arith.constant 0 : i32
    %ne3A_381 = arith.cmpi ne, %rem3A_379, %ne3A_380 : i32
    %and3A_382 = arith.andi %ne3A_378, %ne3A_381 : i1
    %sub3A_383 = arith.constant 1 : i32
    %sub3A_384 = arith.subi %div3A_363, %sub3A_383 : i32
    %select_n3A_385 = arith.select %and3A_382, %sub3A_384, %div3A_363 : i32
    %jit3A_386 = arith.constant 32 : i32
    %eq3A_387 = arith.constant 0 : i32
    %eq3A_388 = arith.cmpi eq, %jit3A_386, %eq3A_387 : i32
    %jit3A_389 = arith.constant 1 : i32
    %select_n3A_390 = arith.select %eq3A_388, %jit3A_389, %jit3A_386 : i32
    %rem3A_391 = arith.remsi %add3A_361, %select_n3A_390 : i32
    %ne3A_392 = arith.constant 0 : i32
    %ne3A_393 = arith.cmpi ne, %rem3A_391, %ne3A_392 : i32
    %lt3A_394 = arith.constant 0 : i32
    %lt3A_395 = arith.cmpi slt, %rem3A_391, %lt3A_394 : i32
    %lt3A_396 = arith.constant 0 : i32
    %lt3A_397 = arith.cmpi slt, %select_n3A_390, %lt3A_396 : i32
    %ne3A_398 = arith.xori %lt3A_395, %lt3A_397 : i1
    %and3A_399 = arith.andi %ne3A_398, %ne3A_393 : i1
    %add3A_400 = arith.addi %rem3A_391, %select_n3A_390 : i32
    %select_n3A_401 = arith.select %and3A_399, %add3A_400, %rem3A_391 : i32
    %eq3A_402 = arith.cmpi eq, %select_n3A_385, %select_n3A : i32
    %jit3A_403 = arith.constant 0 : i32
    %jit3A_404 = arith.constant 1 : i32
    %select_n3A_405 = arith.select %eq3A_402, %jit3A_403, %jit3A_404 : i32
    %dma_wait3A_406 = arith.constant 0 : i32
    %dma_wait3A_407 = arith.constant 0 : i32
    %dma_wait3A_408 = tpu.memref_slice %arg6[%dma_wait3A_406, %dma_wait3A_407] : memref<2x4096xf32, #tpu.memory_space<vmem>> -> memref<1x4096xf32, #tpu.memory_space<vmem>>
    %dma_wait3A_409 = tpu.memref_squeeze %dma_wait3A_408 : memref<1x4096xf32, #tpu.memory_space<vmem>> -> memref<4096xf32, #tpu.memory_space<vmem>>
    %dma_wait3A_410 = arith.constant 0 : i32
    %dma_wait3A_411 = tpu.memref_slice %arg5[%select_n3A_405, %dma_wait3A_410] : memref<2x4096xi32, #tpu.memory_space<vmem>> -> memref<1x4096xi32, #tpu.memory_space<vmem>>
    %dma_wait3A_412 = tpu.memref_squeeze %dma_wait3A_411 : memref<1x4096xi32, #tpu.memory_space<vmem>> -> memref<4096xi32, #tpu.memory_space<vmem>>
    %dma_wait3A_413 = arith.constant 0 : i32
    %dma_wait3A_414 = arith.constant 0 : i32
    %dma_wait3A_415 = tpu.memref_slice %arg2[%select_n3A_385, %dma_wait3A_413, %dma_wait3A_414] : memref<26x32x100000xf32, #tpu.memory_space<hbm>> -> memref<1x32x100000xf32, #tpu.memory_space<hbm>>
    %dma_wait3A_416 = tpu.memref_squeeze %dma_wait3A_415 : memref<1x32x100000xf32, #tpu.memory_space<hbm>> -> memref<32x100000xf32, #tpu.memory_space<hbm>>
    %dma_wait3A_417 = arith.constant 0 : i32
    %dma_wait3A_418 = tpu.memref_slice %dma_wait3A_416[%select_n3A_401, %dma_wait3A_417] : memref<32x100000xf32, #tpu.memory_space<hbm>> -> memref<1x100000xf32, #tpu.memory_space<hbm>>
    %dma_wait3A_419 = tpu.memref_squeeze %dma_wait3A_418 : memref<1x100000xf32, #tpu.memory_space<hbm>> -> memref<100000xf32, #tpu.memory_space<hbm>>
    %dma_wait3A_420 = arith.constant 0 : i32
    %dma_wait3A_421 = tpu.memref_slice %dma_wait3A_419[%dma_wait3A_420] : memref<100000xf32, #tpu.memory_space<hbm>> -> memref<100000xf32, #tpu.memory_space<hbm>>
    tpu.wait_indirect_dma semaphore(%arg7 : memref<!tpu.dma_semaphore, #tpu.memory_space<semaphore_mem>>) src(%dma_wait3A_421 : memref<100000xf32, #tpu.memory_space<hbm>>) dst(%dma_wait3A_409 : memref<4096xf32, #tpu.memory_space<vmem>>)
    %add3A_422 = arith.constant 3 : i32
    %add3A_423 = arith.addi %mul3A_2, %add3A_422 : i32
    %jit3A_424 = arith.constant 32 : i32
    %div3A_425 = arith.divsi %add3A_423, %jit3A_424 : i32
    %sign3A_426 = arith.constant 0 : i32
    %sign3A_427 = arith.cmpi sgt, %add3A_423, %sign3A_426 : i32
    %sign3A_428 = arith.extui %sign3A_427 : i1 to i32
    %sign3A_429 = arith.constant 0 : i32
    %sign3A_430 = arith.cmpi slt, %add3A_423, %sign3A_429 : i32
    %sign3A_431 = arith.extui %sign3A_430 : i1 to i32
    %sign3A_432 = arith.subi %sign3A_428, %sign3A_431 : i32
    %sign3A_433 = arith.constant 0 : i32
    %sign3A_434 = arith.cmpi sgt, %jit3A_424, %sign3A_433 : i32
    %sign3A_435 = arith.extui %sign3A_434 : i1 to i32
    %sign3A_436 = arith.constant 0 : i32
    %sign3A_437 = arith.cmpi slt, %jit3A_424, %sign3A_436 : i32
    %sign3A_438 = arith.extui %sign3A_437 : i1 to i32
    %sign3A_439 = arith.subi %sign3A_435, %sign3A_438 : i32
    %ne3A_440 = arith.cmpi ne, %sign3A_432, %sign3A_439 : i32
    %rem3A_441 = arith.remsi %add3A_423, %jit3A_424 : i32
    %ne3A_442 = arith.constant 0 : i32
    %ne3A_443 = arith.cmpi ne, %rem3A_441, %ne3A_442 : i32
    %and3A_444 = arith.andi %ne3A_440, %ne3A_443 : i1
    %sub3A_445 = arith.constant 1 : i32
    %sub3A_446 = arith.subi %div3A_425, %sub3A_445 : i32
    %select_n3A_447 = arith.select %and3A_444, %sub3A_446, %div3A_425 : i32
    %jit3A_448 = arith.constant 32 : i32
    %eq3A_449 = arith.constant 0 : i32
    %eq3A_450 = arith.cmpi eq, %jit3A_448, %eq3A_449 : i32
    %jit3A_451 = arith.constant 1 : i32
    %select_n3A_452 = arith.select %eq3A_450, %jit3A_451, %jit3A_448 : i32
    %rem3A_453 = arith.remsi %add3A_423, %select_n3A_452 : i32
    %ne3A_454 = arith.constant 0 : i32
    %ne3A_455 = arith.cmpi ne, %rem3A_453, %ne3A_454 : i32
    %lt3A_456 = arith.constant 0 : i32
    %lt3A_457 = arith.cmpi slt, %rem3A_453, %lt3A_456 : i32
    %lt3A_458 = arith.constant 0 : i32
    %lt3A_459 = arith.cmpi slt, %select_n3A_452, %lt3A_458 : i32
    %ne3A_460 = arith.xori %lt3A_457, %lt3A_459 : i1
    %and3A_461 = arith.andi %ne3A_460, %ne3A_455 : i1
    %add3A_462 = arith.addi %rem3A_453, %select_n3A_452 : i32
    %select_n3A_463 = arith.select %and3A_461, %add3A_462, %rem3A_453 : i32
    %eq3A_464 = arith.cmpi eq, %select_n3A_447, %select_n3A : i32
    %jit3A_465 = arith.constant 0 : i32
    %jit3A_466 = arith.constant 1 : i32
    %select_n3A_467 = arith.select %eq3A_464, %jit3A_465, %jit3A_466 : i32
    %dma_start3A_468 = arith.constant 1 : i32
    %dma_start3A_469 = arith.constant 0 : i32
    %dma_start3A_470 = tpu.memref_slice %arg6[%dma_start3A_468, %dma_start3A_469] : memref<2x4096xf32, #tpu.memory_space<vmem>> -> memref<1x4096xf32, #tpu.memory_space<vmem>>
    %dma_start3A_471 = tpu.memref_squeeze %dma_start3A_470 : memref<1x4096xf32, #tpu.memory_space<vmem>> -> memref<4096xf32, #tpu.memory_space<vmem>>
    %dma_start3A_472 = arith.constant 0 : i32
    %dma_start3A_473 = tpu.memref_slice %arg5[%select_n3A_467, %dma_start3A_472] : memref<2x4096xi32, #tpu.memory_space<vmem>> -> memref<1x4096xi32, #tpu.memory_space<vmem>>
    %dma_start3A_474 = tpu.memref_squeeze %dma_start3A_473 : memref<1x4096xi32, #tpu.memory_space<vmem>> -> memref<4096xi32, #tpu.memory_space<vmem>>
    %dma_start3A_475 = arith.constant 0 : i32
    %dma_start3A_476 = arith.constant 0 : i32
    %dma_start3A_477 = tpu.memref_slice %arg2[%select_n3A_447, %dma_start3A_475, %dma_start3A_476] : memref<26x32x100000xf32, #tpu.memory_space<hbm>> -> memref<1x32x100000xf32, #tpu.memory_space<hbm>>
    %dma_start3A_478 = tpu.memref_squeeze %dma_start3A_477 : memref<1x32x100000xf32, #tpu.memory_space<hbm>> -> memref<32x100000xf32, #tpu.memory_space<hbm>>
    %dma_start3A_479 = arith.constant 0 : i32
    %dma_start3A_480 = tpu.memref_slice %dma_start3A_478[%select_n3A_463, %dma_start3A_479] : memref<32x100000xf32, #tpu.memory_space<hbm>> -> memref<1x100000xf32, #tpu.memory_space<hbm>>
    %dma_start3A_481 = tpu.memref_squeeze %dma_start3A_480 : memref<1x100000xf32, #tpu.memory_space<hbm>> -> memref<100000xf32, #tpu.memory_space<hbm>>
    %dma_start3A_482 = arith.constant 0 : i32
    %dma_start3A_483 = tpu.memref_slice %dma_start3A_481[%dma_start3A_482] : memref<100000xf32, #tpu.memory_space<hbm>> -> memref<100000xf32, #tpu.memory_space<hbm>>
    tpu.enqueue_indirect_dma source(%dma_start3A_483 : memref<100000xf32, #tpu.memory_space<hbm>>) target(%dma_start3A_471 : memref<4096xf32, #tpu.memory_space<vmem>>) offsets(%dma_start3A_474 : memref<4096xi32, #tpu.memory_space<vmem>>) semaphore(%arg7 : memref<!tpu.dma_semaphore, #tpu.memory_space<semaphore_mem>>)
    %add3A_484 = arith.constant 2 : i32
    %add3A_485 = arith.addi %mul3A_2, %add3A_484 : i32
    %run_scoped3A_486 = arith.constant 0 : i32
    "tpu.region"() ({
      %run_scoped3A_3346 = tpu.sem_alloc : memref<!tpu.dma_semaphore, #tpu.memory_space<semaphore_mem>>
      %dma_start3A_3347 = arith.constant 0 : i32
      %dma_start3A_3348 = tpu.memref_slice %arg6[%run_scoped3A_486, %dma_start3A_3347] : memref<2x4096xf32, #tpu.memory_space<vmem>> -> memref<1x4096xf32, #tpu.memory_space<vmem>>
      %dma_start3A_3349 = tpu.memref_squeeze %dma_start3A_3348 : memref<1x4096xf32, #tpu.memory_space<vmem>> -> memref<4096xf32, #tpu.memory_space<vmem>>
      %dma_start3A_3350 = arith.constant 0 : i32
      %dma_start3A_3351 = tpu.memref_slice %arg4[%add3A_485, %dma_start3A_3350] : memref<832x4096xf32, #tpu.memory_space<hbm>> -> memref<1x4096xf32, #tpu.memory_space<hbm>>
      %dma_start3A_3352 = tpu.memref_squeeze %dma_start3A_3351 : memref<1x4096xf32, #tpu.memory_space<hbm>> -> memref<4096xf32, #tpu.memory_space<hbm>>
      %dma_start3A_3353 = arith.constant 0 : i32
      %dma_start3A_3354 = tpu.memref_slice %arg4[%add3A_485, %dma_start3A_3353] : memref<832x4096xf32, #tpu.memory_space<hbm>> -> memref<1x4096xf32, #tpu.memory_space<hbm>>
      %dma_start3A_3355 = tpu.memref_squeeze %dma_start3A_3354 : memref<1x4096xf32, #tpu.memory_space<hbm>> -> memref<4096xf32, #tpu.memory_space<hbm>>
      %dma_start3A_3356 = arith.constant 0 : i32
      %dma_start3A_3357 = tpu.memref_slice %arg6[%run_scoped3A_486, %dma_start3A_3356] : memref<2x4096xf32, #tpu.memory_space<vmem>> -> memref<1x4096xf32, #tpu.memory_space<vmem>>
      %dma_start3A_3358 = tpu.memref_squeeze %dma_start3A_3357 : memref<1x4096xf32, #tpu.memory_space<vmem>> -> memref<4096xf32, #tpu.memory_space<vmem>>
      tpu.enqueue_dma source(%dma_start3A_3358 : memref<4096xf32, #tpu.memory_space<vmem>>) target(%dma_start3A_3355 : memref<4096xf32, #tpu.memory_space<hbm>>) target_semaphore(%run_scoped3A_3346 : memref<!tpu.dma_semaphore, #tpu.memory_space<semaphore_mem>>)
      %dma_wait3A_3359 = arith.constant 0 : i32
      %dma_wait3A_3360 = tpu.memref_slice %arg6[%run_scoped3A_486, %dma_wait3A_3359] : memref<2x4096xf32, #tpu.memory_space<vmem>> -> memref<1x4096xf32, #tpu.memory_space<vmem>>
      %dma_wait3A_3361 = tpu.memref_squeeze %dma_wait3A_3360 : memref<1x4096xf32, #tpu.memory_space<vmem>> -> memref<4096xf32, #tpu.memory_space<vmem>>
      %dma_wait3A_3362 = arith.constant 0 : i32
      %dma_wait3A_3363 = tpu.memref_slice %arg4[%add3A_485, %dma_wait3A_3362] : memref<832x4096xf32, #tpu.memory_space<hbm>> -> memref<1x4096xf32, #tpu.memory_space<hbm>>
      %dma_wait3A_3364 = tpu.memref_squeeze %dma_wait3A_3363 : memref<1x4096xf32, #tpu.memory_space<hbm>> -> memref<4096xf32, #tpu.memory_space<hbm>>
      %dma_wait3A_3365 = arith.constant 0 : i32
      %dma_wait3A_3366 = tpu.memref_slice %arg4[%add3A_485, %dma_wait3A_3365] : memref<832x4096xf32, #tpu.memory_space<hbm>> -> memref<1x4096xf32, #tpu.memory_space<hbm>>
      %dma_wait3A_3367 = tpu.memref_squeeze %dma_wait3A_3366 : memref<1x4096xf32, #tpu.memory_space<hbm>> -> memref<4096xf32, #tpu.memory_space<hbm>>
      %dma_wait3A_3368 = arith.constant 0 : i32
      %dma_wait3A_3369 = tpu.memref_slice %arg6[%run_scoped3A_486, %dma_wait3A_3368] : memref<2x4096xf32, #tpu.memory_space<vmem>> -> memref<1x4096xf32, #tpu.memory_space<vmem>>
      %dma_wait3A_3370 = tpu.memref_squeeze %dma_wait3A_3369 : memref<1x4096xf32, #tpu.memory_space<vmem>> -> memref<4096xf32, #tpu.memory_space<vmem>>
      tpu.wait_dma2 semaphore(%run_scoped3A_3346 : memref<!tpu.dma_semaphore, #tpu.memory_space<semaphore_mem>>) src(%dma_wait3A_3370 : memref<4096xf32, #tpu.memory_space<vmem>>) dst(%dma_wait3A_3367 : memref<4096xf32, #tpu.memory_space<hbm>>)
      tpu.yield
    }) : () -> ()
    %add3A_487 = arith.constant 3 : i32
    %add3A_488 = arith.addi %mul3A_2, %add3A_487 : i32
    %jit3A_489 = arith.constant 32 : i32
    %div3A_490 = arith.divsi %add3A_488, %jit3A_489 : i32
    %sign3A_491 = arith.constant 0 : i32
    %sign3A_492 = arith.cmpi sgt, %add3A_488, %sign3A_491 : i32
    %sign3A_493 = arith.extui %sign3A_492 : i1 to i32
    %sign3A_494 = arith.constant 0 : i32
    %sign3A_495 = arith.cmpi slt, %add3A_488, %sign3A_494 : i32
    %sign3A_496 = arith.extui %sign3A_495 : i1 to i32
    %sign3A_497 = arith.subi %sign3A_493, %sign3A_496 : i32
    %sign3A_498 = arith.constant 0 : i32
    %sign3A_499 = arith.cmpi sgt, %jit3A_489, %sign3A_498 : i32
    %sign3A_500 = arith.extui %sign3A_499 : i1 to i32
    %sign3A_501 = arith.constant 0 : i32
    %sign3A_502 = arith.cmpi slt, %jit3A_489, %sign3A_501 : i32
    %sign3A_503 = arith.extui %sign3A_502 : i1 to i32
    %sign3A_504 = arith.subi %sign3A_500, %sign3A_503 : i32
    %ne3A_505 = arith.cmpi ne, %sign3A_497, %sign3A_504 : i32
    %rem3A_506 = arith.remsi %add3A_488, %jit3A_489 : i32
    %ne3A_507 = arith.constant 0 : i32
    %ne3A_508 = arith.cmpi ne, %rem3A_506, %ne3A_507 : i32
    %and3A_509 = arith.andi %ne3A_505, %ne3A_508 : i1
    %sub3A_510 = arith.constant 1 : i32
    %sub3A_511 = arith.subi %div3A_490, %sub3A_510 : i32
    %select_n3A_512 = arith.select %and3A_509, %sub3A_511, %div3A_490 : i32
    %jit3A_513 = arith.constant 32 : i32
    %eq3A_514 = arith.constant 0 : i32
    %eq3A_515 = arith.cmpi eq, %jit3A_513, %eq3A_514 : i32
    %jit3A_516 = arith.constant 1 : i32
    %select_n3A_517 = arith.select %eq3A_515, %jit3A_516, %jit3A_513 : i32
    %rem3A_518 = arith.remsi %add3A_488, %select_n3A_517 : i32
    %ne3A_519 = arith.constant 0 : i32
    %ne3A_520 = arith.cmpi ne, %rem3A_518, %ne3A_519 : i32
    %lt3A_521 = arith.constant 0 : i32
    %lt3A_522 = arith.cmpi slt, %rem3A_518, %lt3A_521 : i32
    %lt3A_523 = arith.constant 0 : i32
    %lt3A_524 = arith.cmpi slt, %select_n3A_517, %lt3A_523 : i32
    %ne3A_525 = arith.xori %lt3A_522, %lt3A_524 : i1
    %and3A_526 = arith.andi %ne3A_525, %ne3A_520 : i1
    %add3A_527 = arith.addi %rem3A_518, %select_n3A_517 : i32
    %select_n3A_528 = arith.select %and3A_526, %add3A_527, %rem3A_518 : i32
    %eq3A_529 = arith.cmpi eq, %select_n3A_512, %select_n3A : i32
    %jit3A_530 = arith.constant 0 : i32
    %jit3A_531 = arith.constant 1 : i32
    %select_n3A_532 = arith.select %eq3A_529, %jit3A_530, %jit3A_531 : i32
    %dma_wait3A_533 = arith.constant 1 : i32
    %dma_wait3A_534 = arith.constant 0 : i32
    %dma_wait3A_535 = tpu.memref_slice %arg6[%dma_wait3A_533, %dma_wait3A_534] : memref<2x4096xf32, #tpu.memory_space<vmem>> -> memref<1x4096xf32, #tpu.memory_space<vmem>>
    %dma_wait3A_536 = tpu.memref_squeeze %dma_wait3A_535 : memref<1x4096xf32, #tpu.memory_space<vmem>> -> memref<4096xf32, #tpu.memory_space<vmem>>
    %dma_wait3A_537 = arith.constant 0 : i32
    %dma_wait3A_538 = tpu.memref_slice %arg5[%select_n3A_532, %dma_wait3A_537] : memref<2x4096xi32, #tpu.memory_space<vmem>> -> memref<1x4096xi32, #tpu.memory_space<vmem>>
    %dma_wait3A_539 = tpu.memref_squeeze %dma_wait3A_538 : memref<1x4096xi32, #tpu.memory_space<vmem>> -> memref<4096xi32, #tpu.memory_space<vmem>>
    %dma_wait3A_540 = arith.constant 0 : i32
    %dma_wait3A_541 = arith.constant 0 : i32
    %dma_wait3A_542 = tpu.memref_slice %arg2[%select_n3A_512, %dma_wait3A_540, %dma_wait3A_541] : memref<26x32x100000xf32, #tpu.memory_space<hbm>> -> memref<1x32x100000xf32, #tpu.memory_space<hbm>>
    %dma_wait3A_543 = tpu.memref_squeeze %dma_wait3A_542 : memref<1x32x100000xf32, #tpu.memory_space<hbm>> -> memref<32x100000xf32, #tpu.memory_space<hbm>>
    %dma_wait3A_544 = arith.constant 0 : i32
    %dma_wait3A_545 = tpu.memref_slice %dma_wait3A_543[%select_n3A_528, %dma_wait3A_544] : memref<32x100000xf32, #tpu.memory_space<hbm>> -> memref<1x100000xf32, #tpu.memory_space<hbm>>
    %dma_wait3A_546 = tpu.memref_squeeze %dma_wait3A_545 : memref<1x100000xf32, #tpu.memory_space<hbm>> -> memref<100000xf32, #tpu.memory_space<hbm>>
    %dma_wait3A_547 = arith.constant 0 : i32
    %dma_wait3A_548 = tpu.memref_slice %dma_wait3A_546[%dma_wait3A_547] : memref<100000xf32, #tpu.memory_space<hbm>> -> memref<100000xf32, #tpu.memory_space<hbm>>
    tpu.wait_indirect_dma semaphore(%arg7 : memref<!tpu.dma_semaphore, #tpu.memory_space<semaphore_mem>>) src(%dma_wait3A_548 : memref<100000xf32, #tpu.memory_space<hbm>>) dst(%dma_wait3A_536 : memref<4096xf32, #tpu.memory_space<vmem>>)
    %add3A_549 = arith.constant 4 : i32
    %add3A_550 = arith.addi %mul3A_2, %add3A_549 : i32
    %jit3A_551 = arith.constant 32 : i32
    %div3A_552 = arith.divsi %add3A_550, %jit3A_551 : i32
    %sign3A_553 = arith.constant 0 : i32
    %sign3A_554 = arith.cmpi sgt, %add3A_550, %sign3A_553 : i32
    %sign3A_555 = arith.extui %sign3A_554 : i1 to i32
    %sign3A_556 = arith.constant 0 : i32
    %sign3A_557 = arith.cmpi slt, %add3A_550, %sign3A_556 : i32
    %sign3A_558 = arith.extui %sign3A_557 : i1 to i32
    %sign3A_559 = arith.subi %sign3A_555, %sign3A_558 : i32
    %sign3A_560 = arith.constant 0 : i32
    %sign3A_561 = arith.cmpi sgt, %jit3A_551, %sign3A_560 : i32
    %sign3A_562 = arith.extui %sign3A_561 : i1 to i32
    %sign3A_563 = arith.constant 0 : i32
    %sign3A_564 = arith.cmpi slt, %jit3A_551, %sign3A_563 : i32
    %sign3A_565 = arith.extui %sign3A_564 : i1 to i32
    %sign3A_566 = arith.subi %sign3A_562, %sign3A_565 : i32
    %ne3A_567 = arith.cmpi ne, %sign3A_559, %sign3A_566 : i32
    %rem3A_568 = arith.remsi %add3A_550, %jit3A_551 : i32
    %ne3A_569 = arith.constant 0 : i32
    %ne3A_570 = arith.cmpi ne, %rem3A_568, %ne3A_569 : i32
    %and3A_571 = arith.andi %ne3A_567, %ne3A_570 : i1
    %sub3A_572 = arith.constant 1 : i32
    %sub3A_573 = arith.subi %div3A_552, %sub3A_572 : i32
    %select_n3A_574 = arith.select %and3A_571, %sub3A_573, %div3A_552 : i32
    %jit3A_575 = arith.constant 32 : i32
    %eq3A_576 = arith.constant 0 : i32
    %eq3A_577 = arith.cmpi eq, %jit3A_575, %eq3A_576 : i32
    %jit3A_578 = arith.constant 1 : i32
    %select_n3A_579 = arith.select %eq3A_577, %jit3A_578, %jit3A_575 : i32
    %rem3A_580 = arith.remsi %add3A_550, %select_n3A_579 : i32
    %ne3A_581 = arith.constant 0 : i32
    %ne3A_582 = arith.cmpi ne, %rem3A_580, %ne3A_581 : i32
    %lt3A_583 = arith.constant 0 : i32
    %lt3A_584 = arith.cmpi slt, %rem3A_580, %lt3A_583 : i32
    %lt3A_585 = arith.constant 0 : i32
    %lt3A_586 = arith.cmpi slt, %select_n3A_579, %lt3A_585 : i32
    %ne3A_587 = arith.xori %lt3A_584, %lt3A_586 : i1
    %and3A_588 = arith.andi %ne3A_587, %ne3A_582 : i1
    %add3A_589 = arith.addi %rem3A_580, %select_n3A_579 : i32
    %select_n3A_590 = arith.select %and3A_588, %add3A_589, %rem3A_580 : i32
    %eq3A_591 = arith.cmpi eq, %select_n3A_574, %select_n3A : i32
    %jit3A_592 = arith.constant 0 : i32
    %jit3A_593 = arith.constant 1 : i32
    %select_n3A_594 = arith.select %eq3A_591, %jit3A_592, %jit3A_593 : i32
    %dma_start3A_595 = arith.constant 0 : i32
    %dma_start3A_596 = arith.constant 0 : i32
    %dma_start3A_597 = tpu.memref_slice %arg6[%dma_start3A_595, %dma_start3A_596] : memref<2x4096xf32, #tpu.memory_space<vmem>> -> memref<1x4096xf32, #tpu.memory_space<vmem>>
    %dma_start3A_598 = tpu.memref_squeeze %dma_start3A_597 : memref<1x4096xf32, #tpu.memory_space<vmem>> -> memref<4096xf32, #tpu.memory_space<vmem>>
    %dma_start3A_599 = arith.constant 0 : i32
    %dma_start3A_600 = tpu.memref_slice %arg5[%select_n3A_594, %dma_start3A_599] : memref<2x4096xi32, #tpu.memory_space<vmem>> -> memref<1x4096xi32, #tpu.memory_space<vmem>>
    %dma_start3A_601 = tpu.memref_squeeze %dma_start3A_600 : memref<1x4096xi32, #tpu.memory_space<vmem>> -> memref<4096xi32, #tpu.memory_space<vmem>>
    %dma_start3A_602 = arith.constant 0 : i32
    %dma_start3A_603 = arith.constant 0 : i32
    %dma_start3A_604 = tpu.memref_slice %arg2[%select_n3A_574, %dma_start3A_602, %dma_start3A_603] : memref<26x32x100000xf32, #tpu.memory_space<hbm>> -> memref<1x32x100000xf32, #tpu.memory_space<hbm>>
    %dma_start3A_605 = tpu.memref_squeeze %dma_start3A_604 : memref<1x32x100000xf32, #tpu.memory_space<hbm>> -> memref<32x100000xf32, #tpu.memory_space<hbm>>
    %dma_start3A_606 = arith.constant 0 : i32
    %dma_start3A_607 = tpu.memref_slice %dma_start3A_605[%select_n3A_590, %dma_start3A_606] : memref<32x100000xf32, #tpu.memory_space<hbm>> -> memref<1x100000xf32, #tpu.memory_space<hbm>>
    %dma_start3A_608 = tpu.memref_squeeze %dma_start3A_607 : memref<1x100000xf32, #tpu.memory_space<hbm>> -> memref<100000xf32, #tpu.memory_space<hbm>>
    %dma_start3A_609 = arith.constant 0 : i32
    %dma_start3A_610 = tpu.memref_slice %dma_start3A_608[%dma_start3A_609] : memref<100000xf32, #tpu.memory_space<hbm>> -> memref<100000xf32, #tpu.memory_space<hbm>>
    tpu.enqueue_indirect_dma source(%dma_start3A_610 : memref<100000xf32, #tpu.memory_space<hbm>>) target(%dma_start3A_598 : memref<4096xf32, #tpu.memory_space<vmem>>) offsets(%dma_start3A_601 : memref<4096xi32, #tpu.memory_space<vmem>>) semaphore(%arg7 : memref<!tpu.dma_semaphore, #tpu.memory_space<semaphore_mem>>)
    %add3A_611 = arith.constant 3 : i32
    %add3A_612 = arith.addi %mul3A_2, %add3A_611 : i32
    %run_scoped3A_613 = arith.constant 1 : i32
    "tpu.region"() ({
      %run_scoped3A_3346 = tpu.sem_alloc : memref<!tpu.dma_semaphore, #tpu.memory_space<semaphore_mem>>
      %dma_start3A_3347 = arith.constant 0 : i32
      %dma_start3A_3348 = tpu.memref_slice %arg6[%run_scoped3A_613, %dma_start3A_3347] : memref<2x4096xf32, #tpu.memory_space<vmem>> -> memref<1x4096xf32, #tpu.memory_space<vmem>>
      %dma_start3A_3349 = tpu.memref_squeeze %dma_start3A_3348 : memref<1x4096xf32, #tpu.memory_space<vmem>> -> memref<4096xf32, #tpu.memory_space<vmem>>
      %dma_start3A_3350 = arith.constant 0 : i32
      %dma_start3A_3351 = tpu.memref_slice %arg4[%add3A_612, %dma_start3A_3350] : memref<832x4096xf32, #tpu.memory_space<hbm>> -> memref<1x4096xf32, #tpu.memory_space<hbm>>
      %dma_start3A_3352 = tpu.memref_squeeze %dma_start3A_3351 : memref<1x4096xf32, #tpu.memory_space<hbm>> -> memref<4096xf32, #tpu.memory_space<hbm>>
      %dma_start3A_3353 = arith.constant 0 : i32
      %dma_start3A_3354 = tpu.memref_slice %arg4[%add3A_612, %dma_start3A_3353] : memref<832x4096xf32, #tpu.memory_space<hbm>> -> memref<1x4096xf32, #tpu.memory_space<hbm>>
      %dma_start3A_3355 = tpu.memref_squeeze %dma_start3A_3354 : memref<1x4096xf32, #tpu.memory_space<hbm>> -> memref<4096xf32, #tpu.memory_space<hbm>>
      %dma_start3A_3356 = arith.constant 0 : i32
      %dma_start3A_3357 = tpu.memref_slice %arg6[%run_scoped3A_613, %dma_start3A_3356] : memref<2x4096xf32, #tpu.memory_space<vmem>> -> memref<1x4096xf32, #tpu.memory_space<vmem>>
      %dma_start3A_3358 = tpu.memref_squeeze %dma_start3A_3357 : memref<1x4096xf32, #tpu.memory_space<vmem>> -> memref<4096xf32, #tpu.memory_space<vmem>>
      tpu.enqueue_dma source(%dma_start3A_3358 : memref<4096xf32, #tpu.memory_space<vmem>>) target(%dma_start3A_3355 : memref<4096xf32, #tpu.memory_space<hbm>>) target_semaphore(%run_scoped3A_3346 : memref<!tpu.dma_semaphore, #tpu.memory_space<semaphore_mem>>)
      %dma_wait3A_3359 = arith.constant 0 : i32
      %dma_wait3A_3360 = tpu.memref_slice %arg6[%run_scoped3A_613, %dma_wait3A_3359] : memref<2x4096xf32, #tpu.memory_space<vmem>> -> memref<1x4096xf32, #tpu.memory_space<vmem>>
      %dma_wait3A_3361 = tpu.memref_squeeze %dma_wait3A_3360 : memref<1x4096xf32, #tpu.memory_space<vmem>> -> memref<4096xf32, #tpu.memory_space<vmem>>
      %dma_wait3A_3362 = arith.constant 0 : i32
      %dma_wait3A_3363 = tpu.memref_slice %arg4[%add3A_612, %dma_wait3A_3362] : memref<832x4096xf32, #tpu.memory_space<hbm>> -> memref<1x4096xf32, #tpu.memory_space<hbm>>
      %dma_wait3A_3364 = tpu.memref_squeeze %dma_wait3A_3363 : memref<1x4096xf32, #tpu.memory_space<hbm>> -> memref<4096xf32, #tpu.memory_space<hbm>>
      %dma_wait3A_3365 = arith.constant 0 : i32
      %dma_wait3A_3366 = tpu.memref_slice %arg4[%add3A_612, %dma_wait3A_3365] : memref<832x4096xf32, #tpu.memory_space<hbm>> -> memref<1x4096xf32, #tpu.memory_space<hbm>>
      %dma_wait3A_3367 = tpu.memref_squeeze %dma_wait3A_3366 : memref<1x4096xf32, #tpu.memory_space<hbm>> -> memref<4096xf32, #tpu.memory_space<hbm>>
      %dma_wait3A_3368 = arith.constant 0 : i32
      %dma_wait3A_3369 = tpu.memref_slice %arg6[%run_scoped3A_613, %dma_wait3A_3368] : memref<2x4096xf32, #tpu.memory_space<vmem>> -> memref<1x4096xf32, #tpu.memory_space<vmem>>
      %dma_wait3A_3370 = tpu.memref_squeeze %dma_wait3A_3369 : memref<1x4096xf32, #tpu.memory_space<vmem>> -> memref<4096xf32, #tpu.memory_space<vmem>>
      tpu.wait_dma2 semaphore(%run_scoped3A_3346 : memref<!tpu.dma_semaphore, #tpu.memory_space<semaphore_mem>>) src(%dma_wait3A_3370 : memref<4096xf32, #tpu.memory_space<vmem>>) dst(%dma_wait3A_3367 : memref<4096xf32, #tpu.memory_space<hbm>>)
      tpu.yield
    }) : () -> ()
    %add3A_614 = arith.constant 4 : i32
    %add3A_615 = arith.addi %mul3A_2, %add3A_614 : i32
    %jit3A_616 = arith.constant 32 : i32
    %div3A_617 = arith.divsi %add3A_615, %jit3A_616 : i32
    %sign3A_618 = arith.constant 0 : i32
    %sign3A_619 = arith.cmpi sgt, %add3A_615, %sign3A_618 : i32
    %sign3A_620 = arith.extui %sign3A_619 : i1 to i32
    %sign3A_621 = arith.constant 0 : i32
    %sign3A_622 = arith.cmpi slt, %add3A_615, %sign3A_621 : i32
    %sign3A_623 = arith.extui %sign3A_622 : i1 to i32
    %sign3A_624 = arith.subi %sign3A_620, %sign3A_623 : i32
    %sign3A_625 = arith.constant 0 : i32
    %sign3A_626 = arith.cmpi sgt, %jit3A_616, %sign3A_625 : i32
    %sign3A_627 = arith.extui %sign3A_626 : i1 to i32
    %sign3A_628 = arith.constant 0 : i32
    %sign3A_629 = arith.cmpi slt, %jit3A_616, %sign3A_628 : i32
    %sign3A_630 = arith.extui %sign3A_629 : i1 to i32
    %sign3A_631 = arith.subi %sign3A_627, %sign3A_630 : i32
    %ne3A_632 = arith.cmpi ne, %sign3A_624, %sign3A_631 : i32
    %rem3A_633 = arith.remsi %add3A_615, %jit3A_616 : i32
    %ne3A_634 = arith.constant 0 : i32
    %ne3A_635 = arith.cmpi ne, %rem3A_633, %ne3A_634 : i32
    %and3A_636 = arith.andi %ne3A_632, %ne3A_635 : i1
    %sub3A_637 = arith.constant 1 : i32
    %sub3A_638 = arith.subi %div3A_617, %sub3A_637 : i32
    %select_n3A_639 = arith.select %and3A_636, %sub3A_638, %div3A_617 : i32
    %jit3A_640 = arith.constant 32 : i32
    %eq3A_641 = arith.constant 0 : i32
    %eq3A_642 = arith.cmpi eq, %jit3A_640, %eq3A_641 : i32
    %jit3A_643 = arith.constant 1 : i32
    %select_n3A_644 = arith.select %eq3A_642, %jit3A_643, %jit3A_640 : i32
    %rem3A_645 = arith.remsi %add3A_615, %select_n3A_644 : i32
    %ne3A_646 = arith.constant 0 : i32
    %ne3A_647 = arith.cmpi ne, %rem3A_645, %ne3A_646 : i32
    %lt3A_648 = arith.constant 0 : i32
    %lt3A_649 = arith.cmpi slt, %rem3A_645, %lt3A_648 : i32
    %lt3A_650 = arith.constant 0 : i32
    %lt3A_651 = arith.cmpi slt, %select_n3A_644, %lt3A_650 : i32
    %ne3A_652 = arith.xori %lt3A_649, %lt3A_651 : i1
    %and3A_653 = arith.andi %ne3A_652, %ne3A_647 : i1
    %add3A_654 = arith.addi %rem3A_645, %select_n3A_644 : i32
    %select_n3A_655 = arith.select %and3A_653, %add3A_654, %rem3A_645 : i32
    %eq3A_656 = arith.cmpi eq, %select_n3A_639, %select_n3A : i32
    %jit3A_657 = arith.constant 0 : i32
    %jit3A_658 = arith.constant 1 : i32
    %select_n3A_659 = arith.select %eq3A_656, %jit3A_657, %jit3A_658 : i32
    %dma_wait3A_660 = arith.constant 0 : i32
    %dma_wait3A_661 = arith.constant 0 : i32
    %dma_wait3A_662 = tpu.memref_slice %arg6[%dma_wait3A_660, %dma_wait3A_661] : memref<2x4096xf32, #tpu.memory_space<vmem>> -> memref<1x4096xf32, #tpu.memory_space<vmem>>
    %dma_wait3A_663 = tpu.memref_squeeze %dma_wait3A_662 : memref<1x4096xf32, #tpu.memory_space<vmem>> -> memref<4096xf32, #tpu.memory_space<vmem>>
    %dma_wait3A_664 = arith.constant 0 : i32
    %dma_wait3A_665 = tpu.memref_slice %arg5[%select_n3A_659, %dma_wait3A_664] : memref<2x4096xi32, #tpu.memory_space<vmem>> -> memref<1x4096xi32, #tpu.memory_space<vmem>>
    %dma_wait3A_666 = tpu.memref_squeeze %dma_wait3A_665 : memref<1x4096xi32, #tpu.memory_space<vmem>> -> memref<4096xi32, #tpu.memory_space<vmem>>
    %dma_wait3A_667 = arith.constant 0 : i32
    %dma_wait3A_668 = arith.constant 0 : i32
    %dma_wait3A_669 = tpu.memref_slice %arg2[%select_n3A_639, %dma_wait3A_667, %dma_wait3A_668] : memref<26x32x100000xf32, #tpu.memory_space<hbm>> -> memref<1x32x100000xf32, #tpu.memory_space<hbm>>
    %dma_wait3A_670 = tpu.memref_squeeze %dma_wait3A_669 : memref<1x32x100000xf32, #tpu.memory_space<hbm>> -> memref<32x100000xf32, #tpu.memory_space<hbm>>
    %dma_wait3A_671 = arith.constant 0 : i32
    %dma_wait3A_672 = tpu.memref_slice %dma_wait3A_670[%select_n3A_655, %dma_wait3A_671] : memref<32x100000xf32, #tpu.memory_space<hbm>> -> memref<1x100000xf32, #tpu.memory_space<hbm>>
    %dma_wait3A_673 = tpu.memref_squeeze %dma_wait3A_672 : memref<1x100000xf32, #tpu.memory_space<hbm>> -> memref<100000xf32, #tpu.memory_space<hbm>>
    %dma_wait3A_674 = arith.constant 0 : i32
    %dma_wait3A_675 = tpu.memref_slice %dma_wait3A_673[%dma_wait3A_674] : memref<100000xf32, #tpu.memory_space<hbm>> -> memref<100000xf32, #tpu.memory_space<hbm>>
    tpu.wait_indirect_dma semaphore(%arg7 : memref<!tpu.dma_semaphore, #tpu.memory_space<semaphore_mem>>) src(%dma_wait3A_675 : memref<100000xf32, #tpu.memory_space<hbm>>) dst(%dma_wait3A_663 : memref<4096xf32, #tpu.memory_space<vmem>>)
    %add3A_676 = arith.constant 5 : i32
    %add3A_677 = arith.addi %mul3A_2, %add3A_676 : i32
    %jit3A_678 = arith.constant 32 : i32
    %div3A_679 = arith.divsi %add3A_677, %jit3A_678 : i32
    %sign3A_680 = arith.constant 0 : i32
    %sign3A_681 = arith.cmpi sgt, %add3A_677, %sign3A_680 : i32
    %sign3A_682 = arith.extui %sign3A_681 : i1 to i32
    %sign3A_683 = arith.constant 0 : i32
    %sign3A_684 = arith.cmpi slt, %add3A_677, %sign3A_683 : i32
    %sign3A_685 = arith.extui %sign3A_684 : i1 to i32
    %sign3A_686 = arith.subi %sign3A_682, %sign3A_685 : i32
    %sign3A_687 = arith.constant 0 : i32
    %sign3A_688 = arith.cmpi sgt, %jit3A_678, %sign3A_687 : i32
    %sign3A_689 = arith.extui %sign3A_688 : i1 to i32
    %sign3A_690 = arith.constant 0 : i32
    %sign3A_691 = arith.cmpi slt, %jit3A_678, %sign3A_690 : i32
    %sign3A_692 = arith.extui %sign3A_691 : i1 to i32
    %sign3A_693 = arith.subi %sign3A_689, %sign3A_692 : i32
    %ne3A_694 = arith.cmpi ne, %sign3A_686, %sign3A_693 : i32
    %rem3A_695 = arith.remsi %add3A_677, %jit3A_678 : i32
    %ne3A_696 = arith.constant 0 : i32
    %ne3A_697 = arith.cmpi ne, %rem3A_695, %ne3A_696 : i32
    %and3A_698 = arith.andi %ne3A_694, %ne3A_697 : i1
    %sub3A_699 = arith.constant 1 : i32
    %sub3A_700 = arith.subi %div3A_679, %sub3A_699 : i32
    %select_n3A_701 = arith.select %and3A_698, %sub3A_700, %div3A_679 : i32
    %jit3A_702 = arith.constant 32 : i32
    %eq3A_703 = arith.constant 0 : i32
    %eq3A_704 = arith.cmpi eq, %jit3A_702, %eq3A_703 : i32
    %jit3A_705 = arith.constant 1 : i32
    %select_n3A_706 = arith.select %eq3A_704, %jit3A_705, %jit3A_702 : i32
    %rem3A_707 = arith.remsi %add3A_677, %select_n3A_706 : i32
    %ne3A_708 = arith.constant 0 : i32
    %ne3A_709 = arith.cmpi ne, %rem3A_707, %ne3A_708 : i32
    %lt3A_710 = arith.constant 0 : i32
    %lt3A_711 = arith.cmpi slt, %rem3A_707, %lt3A_710 : i32
    %lt3A_712 = arith.constant 0 : i32
    %lt3A_713 = arith.cmpi slt, %select_n3A_706, %lt3A_712 : i32
    %ne3A_714 = arith.xori %lt3A_711, %lt3A_713 : i1
    %and3A_715 = arith.andi %ne3A_714, %ne3A_709 : i1
    %add3A_716 = arith.addi %rem3A_707, %select_n3A_706 : i32
    %select_n3A_717 = arith.select %and3A_715, %add3A_716, %rem3A_707 : i32
    %eq3A_718 = arith.cmpi eq, %select_n3A_701, %select_n3A : i32
    %jit3A_719 = arith.constant 0 : i32
    %jit3A_720 = arith.constant 1 : i32
    %select_n3A_721 = arith.select %eq3A_718, %jit3A_719, %jit3A_720 : i32
    %dma_start3A_722 = arith.constant 1 : i32
    %dma_start3A_723 = arith.constant 0 : i32
    %dma_start3A_724 = tpu.memref_slice %arg6[%dma_start3A_722, %dma_start3A_723] : memref<2x4096xf32, #tpu.memory_space<vmem>> -> memref<1x4096xf32, #tpu.memory_space<vmem>>
    %dma_start3A_725 = tpu.memref_squeeze %dma_start3A_724 : memref<1x4096xf32, #tpu.memory_space<vmem>> -> memref<4096xf32, #tpu.memory_space<vmem>>
    %dma_start3A_726 = arith.constant 0 : i32
    %dma_start3A_727 = tpu.memref_slice %arg5[%select_n3A_721, %dma_start3A_726] : memref<2x4096xi32, #tpu.memory_space<vmem>> -> memref<1x4096xi32, #tpu.memory_space<vmem>>
    %dma_start3A_728 = tpu.memref_squeeze %dma_start3A_727 : memref<1x4096xi32, #tpu.memory_space<vmem>> -> memref<4096xi32, #tpu.memory_space<vmem>>
    %dma_start3A_729 = arith.constant 0 : i32
    %dma_start3A_730 = arith.constant 0 : i32
    %dma_start3A_731 = tpu.memref_slice %arg2[%select_n3A_701, %dma_start3A_729, %dma_start3A_730] : memref<26x32x100000xf32, #tpu.memory_space<hbm>> -> memref<1x32x100000xf32, #tpu.memory_space<hbm>>
    %dma_start3A_732 = tpu.memref_squeeze %dma_start3A_731 : memref<1x32x100000xf32, #tpu.memory_space<hbm>> -> memref<32x100000xf32, #tpu.memory_space<hbm>>
    %dma_start3A_733 = arith.constant 0 : i32
    %dma_start3A_734 = tpu.memref_slice %dma_start3A_732[%select_n3A_717, %dma_start3A_733] : memref<32x100000xf32, #tpu.memory_space<hbm>> -> memref<1x100000xf32, #tpu.memory_space<hbm>>
    %dma_start3A_735 = tpu.memref_squeeze %dma_start3A_734 : memref<1x100000xf32, #tpu.memory_space<hbm>> -> memref<100000xf32, #tpu.memory_space<hbm>>
    %dma_start3A_736 = arith.constant 0 : i32
    %dma_start3A_737 = tpu.memref_slice %dma_start3A_735[%dma_start3A_736] : memref<100000xf32, #tpu.memory_space<hbm>> -> memref<100000xf32, #tpu.memory_space<hbm>>
    tpu.enqueue_indirect_dma source(%dma_start3A_737 : memref<100000xf32, #tpu.memory_space<hbm>>) target(%dma_start3A_725 : memref<4096xf32, #tpu.memory_space<vmem>>) offsets(%dma_start3A_728 : memref<4096xi32, #tpu.memory_space<vmem>>) semaphore(%arg7 : memref<!tpu.dma_semaphore, #tpu.memory_space<semaphore_mem>>)
    %add3A_738 = arith.constant 4 : i32
    %add3A_739 = arith.addi %mul3A_2, %add3A_738 : i32
    %run_scoped3A_740 = arith.constant 0 : i32
    "tpu.region"() ({
      %run_scoped3A_3346 = tpu.sem_alloc : memref<!tpu.dma_semaphore, #tpu.memory_space<semaphore_mem>>
      %dma_start3A_3347 = arith.constant 0 : i32
      %dma_start3A_3348 = tpu.memref_slice %arg6[%run_scoped3A_740, %dma_start3A_3347] : memref<2x4096xf32, #tpu.memory_space<vmem>> -> memref<1x4096xf32, #tpu.memory_space<vmem>>
      %dma_start3A_3349 = tpu.memref_squeeze %dma_start3A_3348 : memref<1x4096xf32, #tpu.memory_space<vmem>> -> memref<4096xf32, #tpu.memory_space<vmem>>
      %dma_start3A_3350 = arith.constant 0 : i32
      %dma_start3A_3351 = tpu.memref_slice %arg4[%add3A_739, %dma_start3A_3350] : memref<832x4096xf32, #tpu.memory_space<hbm>> -> memref<1x4096xf32, #tpu.memory_space<hbm>>
      %dma_start3A_3352 = tpu.memref_squeeze %dma_start3A_3351 : memref<1x4096xf32, #tpu.memory_space<hbm>> -> memref<4096xf32, #tpu.memory_space<hbm>>
      %dma_start3A_3353 = arith.constant 0 : i32
      %dma_start3A_3354 = tpu.memref_slice %arg4[%add3A_739, %dma_start3A_3353] : memref<832x4096xf32, #tpu.memory_space<hbm>> -> memref<1x4096xf32, #tpu.memory_space<hbm>>
      %dma_start3A_3355 = tpu.memref_squeeze %dma_start3A_3354 : memref<1x4096xf32, #tpu.memory_space<hbm>> -> memref<4096xf32, #tpu.memory_space<hbm>>
      %dma_start3A_3356 = arith.constant 0 : i32
      %dma_start3A_3357 = tpu.memref_slice %arg6[%run_scoped3A_740, %dma_start3A_3356] : memref<2x4096xf32, #tpu.memory_space<vmem>> -> memref<1x4096xf32, #tpu.memory_space<vmem>>
      %dma_start3A_3358 = tpu.memref_squeeze %dma_start3A_3357 : memref<1x4096xf32, #tpu.memory_space<vmem>> -> memref<4096xf32, #tpu.memory_space<vmem>>
      tpu.enqueue_dma source(%dma_start3A_3358 : memref<4096xf32, #tpu.memory_space<vmem>>) target(%dma_start3A_3355 : memref<4096xf32, #tpu.memory_space<hbm>>) target_semaphore(%run_scoped3A_3346 : memref<!tpu.dma_semaphore, #tpu.memory_space<semaphore_mem>>)
      %dma_wait3A_3359 = arith.constant 0 : i32
      %dma_wait3A_3360 = tpu.memref_slice %arg6[%run_scoped3A_740, %dma_wait3A_3359] : memref<2x4096xf32, #tpu.memory_space<vmem>> -> memref<1x4096xf32, #tpu.memory_space<vmem>>
      %dma_wait3A_3361 = tpu.memref_squeeze %dma_wait3A_3360 : memref<1x4096xf32, #tpu.memory_space<vmem>> -> memref<4096xf32, #tpu.memory_space<vmem>>
      %dma_wait3A_3362 = arith.constant 0 : i32
      %dma_wait3A_3363 = tpu.memref_slice %arg4[%add3A_739, %dma_wait3A_3362] : memref<832x4096xf32, #tpu.memory_space<hbm>> -> memref<1x4096xf32, #tpu.memory_space<hbm>>
      %dma_wait3A_3364 = tpu.memref_squeeze %dma_wait3A_3363 : memref<1x4096xf32, #tpu.memory_space<hbm>> -> memref<4096xf32, #tpu.memory_space<hbm>>
      %dma_wait3A_3365 = arith.constant 0 : i32
      %dma_wait3A_3366 = tpu.memref_slice %arg4[%add3A_739, %dma_wait3A_3365] : memref<832x4096xf32, #tpu.memory_space<hbm>> -> memref<1x4096xf32, #tpu.memory_space<hbm>>
      %dma_wait3A_3367 = tpu.memref_squeeze %dma_wait3A_3366 : memref<1x4096xf32, #tpu.memory_space<hbm>> -> memref<4096xf32, #tpu.memory_space<hbm>>
      %dma_wait3A_3368 = arith.constant 0 : i32
      %dma_wait3A_3369 = tpu.memref_slice %arg6[%run_scoped3A_740, %dma_wait3A_3368] : memref<2x4096xf32, #tpu.memory_space<vmem>> -> memref<1x4096xf32, #tpu.memory_space<vmem>>
      %dma_wait3A_3370 = tpu.memref_squeeze %dma_wait3A_3369 : memref<1x4096xf32, #tpu.memory_space<vmem>> -> memref<4096xf32, #tpu.memory_space<vmem>>
      tpu.wait_dma2 semaphore(%run_scoped3A_3346 : memref<!tpu.dma_semaphore, #tpu.memory_space<semaphore_mem>>) src(%dma_wait3A_3370 : memref<4096xf32, #tpu.memory_space<vmem>>) dst(%dma_wait3A_3367 : memref<4096xf32, #tpu.memory_space<hbm>>)
      tpu.yield
    }) : () -> ()
    %add3A_741 = arith.constant 5 : i32
    %add3A_742 = arith.addi %mul3A_2, %add3A_741 : i32
    %jit3A_743 = arith.constant 32 : i32
    %div3A_744 = arith.divsi %add3A_742, %jit3A_743 : i32
    %sign3A_745 = arith.constant 0 : i32
    %sign3A_746 = arith.cmpi sgt, %add3A_742, %sign3A_745 : i32
    %sign3A_747 = arith.extui %sign3A_746 : i1 to i32
    %sign3A_748 = arith.constant 0 : i32
    %sign3A_749 = arith.cmpi slt, %add3A_742, %sign3A_748 : i32
    %sign3A_750 = arith.extui %sign3A_749 : i1 to i32
    %sign3A_751 = arith.subi %sign3A_747, %sign3A_750 : i32
    %sign3A_752 = arith.constant 0 : i32
    %sign3A_753 = arith.cmpi sgt, %jit3A_743, %sign3A_752 : i32
    %sign3A_754 = arith.extui %sign3A_753 : i1 to i32
    %sign3A_755 = arith.constant 0 : i32
    %sign3A_756 = arith.cmpi slt, %jit3A_743, %sign3A_755 : i32
    %sign3A_757 = arith.extui %sign3A_756 : i1 to i32
    %sign3A_758 = arith.subi %sign3A_754, %sign3A_757 : i32
    %ne3A_759 = arith.cmpi ne, %sign3A_751, %sign3A_758 : i32
    %rem3A_760 = arith.remsi %add3A_742, %jit3A_743 : i32
    %ne3A_761 = arith.constant 0 : i32
    %ne3A_762 = arith.cmpi ne, %rem3A_760, %ne3A_761 : i32
    %and3A_763 = arith.andi %ne3A_759, %ne3A_762 : i1
    %sub3A_764 = arith.constant 1 : i32
    %sub3A_765 = arith.subi %div3A_744, %sub3A_764 : i32
    %select_n3A_766 = arith.select %and3A_763, %sub3A_765, %div3A_744 : i32
    %jit3A_767 = arith.constant 32 : i32
    %eq3A_768 = arith.constant 0 : i32
    %eq3A_769 = arith.cmpi eq, %jit3A_767, %eq3A_768 : i32
    %jit3A_770 = arith.constant 1 : i32
    %select_n3A_771 = arith.select %eq3A_769, %jit3A_770, %jit3A_767 : i32
    %rem3A_772 = arith.remsi %add3A_742, %select_n3A_771 : i32
    %ne3A_773 = arith.constant 0 : i32
    %ne3A_774 = arith.cmpi ne, %rem3A_772, %ne3A_773 : i32
    %lt3A_775 = arith.constant 0 : i32
    %lt3A_776 = arith.cmpi slt, %rem3A_772, %lt3A_775 : i32
    %lt3A_777 = arith.constant 0 : i32
    %lt3A_778 = arith.cmpi slt, %select_n3A_771, %lt3A_777 : i32
    %ne3A_779 = arith.xori %lt3A_776, %lt3A_778 : i1
    %and3A_780 = arith.andi %ne3A_779, %ne3A_774 : i1
    %add3A_781 = arith.addi %rem3A_772, %select_n3A_771 : i32
    %select_n3A_782 = arith.select %and3A_780, %add3A_781, %rem3A_772 : i32
    %eq3A_783 = arith.cmpi eq, %select_n3A_766, %select_n3A : i32
    %jit3A_784 = arith.constant 0 : i32
    %jit3A_785 = arith.constant 1 : i32
    %select_n3A_786 = arith.select %eq3A_783, %jit3A_784, %jit3A_785 : i32
    %dma_wait3A_787 = arith.constant 1 : i32
    %dma_wait3A_788 = arith.constant 0 : i32
    %dma_wait3A_789 = tpu.memref_slice %arg6[%dma_wait3A_787, %dma_wait3A_788] : memref<2x4096xf32, #tpu.memory_space<vmem>> -> memref<1x4096xf32, #tpu.memory_space<vmem>>
    %dma_wait3A_790 = tpu.memref_squeeze %dma_wait3A_789 : memref<1x4096xf32, #tpu.memory_space<vmem>> -> memref<4096xf32, #tpu.memory_space<vmem>>
    %dma_wait3A_791 = arith.constant 0 : i32
    %dma_wait3A_792 = tpu.memref_slice %arg5[%select_n3A_786, %dma_wait3A_791] : memref<2x4096xi32, #tpu.memory_space<vmem>> -> memref<1x4096xi32, #tpu.memory_space<vmem>>
    %dma_wait3A_793 = tpu.memref_squeeze %dma_wait3A_792 : memref<1x4096xi32, #tpu.memory_space<vmem>> -> memref<4096xi32, #tpu.memory_space<vmem>>
    %dma_wait3A_794 = arith.constant 0 : i32
    %dma_wait3A_795 = arith.constant 0 : i32
    %dma_wait3A_796 = tpu.memref_slice %arg2[%select_n3A_766, %dma_wait3A_794, %dma_wait3A_795] : memref<26x32x100000xf32, #tpu.memory_space<hbm>> -> memref<1x32x100000xf32, #tpu.memory_space<hbm>>
    %dma_wait3A_797 = tpu.memref_squeeze %dma_wait3A_796 : memref<1x32x100000xf32, #tpu.memory_space<hbm>> -> memref<32x100000xf32, #tpu.memory_space<hbm>>
    %dma_wait3A_798 = arith.constant 0 : i32
    %dma_wait3A_799 = tpu.memref_slice %dma_wait3A_797[%select_n3A_782, %dma_wait3A_798] : memref<32x100000xf32, #tpu.memory_space<hbm>> -> memref<1x100000xf32, #tpu.memory_space<hbm>>
    %dma_wait3A_800 = tpu.memref_squeeze %dma_wait3A_799 : memref<1x100000xf32, #tpu.memory_space<hbm>> -> memref<100000xf32, #tpu.memory_space<hbm>>
    %dma_wait3A_801 = arith.constant 0 : i32
    %dma_wait3A_802 = tpu.memref_slice %dma_wait3A_800[%dma_wait3A_801] : memref<100000xf32, #tpu.memory_space<hbm>> -> memref<100000xf32, #tpu.memory_space<hbm>>
    tpu.wait_indirect_dma semaphore(%arg7 : memref<!tpu.dma_semaphore, #tpu.memory_space<semaphore_mem>>) src(%dma_wait3A_802 : memref<100000xf32, #tpu.memory_space<hbm>>) dst(%dma_wait3A_790 : memref<4096xf32, #tpu.memory_space<vmem>>)
    %add3A_803 = arith.constant 6 : i32
    %add3A_804 = arith.addi %mul3A_2, %add3A_803 : i32
    %jit3A_805 = arith.constant 32 : i32
    %div3A_806 = arith.divsi %add3A_804, %jit3A_805 : i32
    %sign3A_807 = arith.constant 0 : i32
    %sign3A_808 = arith.cmpi sgt, %add3A_804, %sign3A_807 : i32
    %sign3A_809 = arith.extui %sign3A_808 : i1 to i32
    %sign3A_810 = arith.constant 0 : i32
    %sign3A_811 = arith.cmpi slt, %add3A_804, %sign3A_810 : i32
    %sign3A_812 = arith.extui %sign3A_811 : i1 to i32
    %sign3A_813 = arith.subi %sign3A_809, %sign3A_812 : i32
    %sign3A_814 = arith.constant 0 : i32
    %sign3A_815 = arith.cmpi sgt, %jit3A_805, %sign3A_814 : i32
    %sign3A_816 = arith.extui %sign3A_815 : i1 to i32
    %sign3A_817 = arith.constant 0 : i32
    %sign3A_818 = arith.cmpi slt, %jit3A_805, %sign3A_817 : i32
    %sign3A_819 = arith.extui %sign3A_818 : i1 to i32
    %sign3A_820 = arith.subi %sign3A_816, %sign3A_819 : i32
    %ne3A_821 = arith.cmpi ne, %sign3A_813, %sign3A_820 : i32
    %rem3A_822 = arith.remsi %add3A_804, %jit3A_805 : i32
    %ne3A_823 = arith.constant 0 : i32
    %ne3A_824 = arith.cmpi ne, %rem3A_822, %ne3A_823 : i32
    %and3A_825 = arith.andi %ne3A_821, %ne3A_824 : i1
    %sub3A_826 = arith.constant 1 : i32
    %sub3A_827 = arith.subi %div3A_806, %sub3A_826 : i32
    %select_n3A_828 = arith.select %and3A_825, %sub3A_827, %div3A_806 : i32
    %jit3A_829 = arith.constant 32 : i32
    %eq3A_830 = arith.constant 0 : i32
    %eq3A_831 = arith.cmpi eq, %jit3A_829, %eq3A_830 : i32
    %jit3A_832 = arith.constant 1 : i32
    %select_n3A_833 = arith.select %eq3A_831, %jit3A_832, %jit3A_829 : i32
    %rem3A_834 = arith.remsi %add3A_804, %select_n3A_833 : i32
    %ne3A_835 = arith.constant 0 : i32
    %ne3A_836 = arith.cmpi ne, %rem3A_834, %ne3A_835 : i32
    %lt3A_837 = arith.constant 0 : i32
    %lt3A_838 = arith.cmpi slt, %rem3A_834, %lt3A_837 : i32
    %lt3A_839 = arith.constant 0 : i32
    %lt3A_840 = arith.cmpi slt, %select_n3A_833, %lt3A_839 : i32
    %ne3A_841 = arith.xori %lt3A_838, %lt3A_840 : i1
    %and3A_842 = arith.andi %ne3A_841, %ne3A_836 : i1
    %add3A_843 = arith.addi %rem3A_834, %select_n3A_833 : i32
    %select_n3A_844 = arith.select %and3A_842, %add3A_843, %rem3A_834 : i32
    %eq3A_845 = arith.cmpi eq, %select_n3A_828, %select_n3A : i32
    %jit3A_846 = arith.constant 0 : i32
    %jit3A_847 = arith.constant 1 : i32
    %select_n3A_848 = arith.select %eq3A_845, %jit3A_846, %jit3A_847 : i32
    %dma_start3A_849 = arith.constant 0 : i32
    %dma_start3A_850 = arith.constant 0 : i32
    %dma_start3A_851 = tpu.memref_slice %arg6[%dma_start3A_849, %dma_start3A_850] : memref<2x4096xf32, #tpu.memory_space<vmem>> -> memref<1x4096xf32, #tpu.memory_space<vmem>>
    %dma_start3A_852 = tpu.memref_squeeze %dma_start3A_851 : memref<1x4096xf32, #tpu.memory_space<vmem>> -> memref<4096xf32, #tpu.memory_space<vmem>>
    %dma_start3A_853 = arith.constant 0 : i32
    %dma_start3A_854 = tpu.memref_slice %arg5[%select_n3A_848, %dma_start3A_853] : memref<2x4096xi32, #tpu.memory_space<vmem>> -> memref<1x4096xi32, #tpu.memory_space<vmem>>
    %dma_start3A_855 = tpu.memref_squeeze %dma_start3A_854 : memref<1x4096xi32, #tpu.memory_space<vmem>> -> memref<4096xi32, #tpu.memory_space<vmem>>
    %dma_start3A_856 = arith.constant 0 : i32
    %dma_start3A_857 = arith.constant 0 : i32
    %dma_start3A_858 = tpu.memref_slice %arg2[%select_n3A_828, %dma_start3A_856, %dma_start3A_857] : memref<26x32x100000xf32, #tpu.memory_space<hbm>> -> memref<1x32x100000xf32, #tpu.memory_space<hbm>>
    %dma_start3A_859 = tpu.memref_squeeze %dma_start3A_858 : memref<1x32x100000xf32, #tpu.memory_space<hbm>> -> memref<32x100000xf32, #tpu.memory_space<hbm>>
    %dma_start3A_860 = arith.constant 0 : i32
    %dma_start3A_861 = tpu.memref_slice %dma_start3A_859[%select_n3A_844, %dma_start3A_860] : memref<32x100000xf32, #tpu.memory_space<hbm>> -> memref<1x100000xf32, #tpu.memory_space<hbm>>
    %dma_start3A_862 = tpu.memref_squeeze %dma_start3A_861 : memref<1x100000xf32, #tpu.memory_space<hbm>> -> memref<100000xf32, #tpu.memory_space<hbm>>
    %dma_start3A_863 = arith.constant 0 : i32
    %dma_start3A_864 = tpu.memref_slice %dma_start3A_862[%dma_start3A_863] : memref<100000xf32, #tpu.memory_space<hbm>> -> memref<100000xf32, #tpu.memory_space<hbm>>
    tpu.enqueue_indirect_dma source(%dma_start3A_864 : memref<100000xf32, #tpu.memory_space<hbm>>) target(%dma_start3A_852 : memref<4096xf32, #tpu.memory_space<vmem>>) offsets(%dma_start3A_855 : memref<4096xi32, #tpu.memory_space<vmem>>) semaphore(%arg7 : memref<!tpu.dma_semaphore, #tpu.memory_space<semaphore_mem>>)
    %add3A_865 = arith.constant 5 : i32
    %add3A_866 = arith.addi %mul3A_2, %add3A_865 : i32
    %run_scoped3A_867 = arith.constant 1 : i32
    "tpu.region"() ({
      %run_scoped3A_3346 = tpu.sem_alloc : memref<!tpu.dma_semaphore, #tpu.memory_space<semaphore_mem>>
      %dma_start3A_3347 = arith.constant 0 : i32
      %dma_start3A_3348 = tpu.memref_slice %arg6[%run_scoped3A_867, %dma_start3A_3347] : memref<2x4096xf32, #tpu.memory_space<vmem>> -> memref<1x4096xf32, #tpu.memory_space<vmem>>
      %dma_start3A_3349 = tpu.memref_squeeze %dma_start3A_3348 : memref<1x4096xf32, #tpu.memory_space<vmem>> -> memref<4096xf32, #tpu.memory_space<vmem>>
      %dma_start3A_3350 = arith.constant 0 : i32
      %dma_start3A_3351 = tpu.memref_slice %arg4[%add3A_866, %dma_start3A_3350] : memref<832x4096xf32, #tpu.memory_space<hbm>> -> memref<1x4096xf32, #tpu.memory_space<hbm>>
      %dma_start3A_3352 = tpu.memref_squeeze %dma_start3A_3351 : memref<1x4096xf32, #tpu.memory_space<hbm>> -> memref<4096xf32, #tpu.memory_space<hbm>>
      %dma_start3A_3353 = arith.constant 0 : i32
      %dma_start3A_3354 = tpu.memref_slice %arg4[%add3A_866, %dma_start3A_3353] : memref<832x4096xf32, #tpu.memory_space<hbm>> -> memref<1x4096xf32, #tpu.memory_space<hbm>>
      %dma_start3A_3355 = tpu.memref_squeeze %dma_start3A_3354 : memref<1x4096xf32, #tpu.memory_space<hbm>> -> memref<4096xf32, #tpu.memory_space<hbm>>
      %dma_start3A_3356 = arith.constant 0 : i32
      %dma_start3A_3357 = tpu.memref_slice %arg6[%run_scoped3A_867, %dma_start3A_3356] : memref<2x4096xf32, #tpu.memory_space<vmem>> -> memref<1x4096xf32, #tpu.memory_space<vmem>>
      %dma_start3A_3358 = tpu.memref_squeeze %dma_start3A_3357 : memref<1x4096xf32, #tpu.memory_space<vmem>> -> memref<4096xf32, #tpu.memory_space<vmem>>
      tpu.enqueue_dma source(%dma_start3A_3358 : memref<4096xf32, #tpu.memory_space<vmem>>) target(%dma_start3A_3355 : memref<4096xf32, #tpu.memory_space<hbm>>) target_semaphore(%run_scoped3A_3346 : memref<!tpu.dma_semaphore, #tpu.memory_space<semaphore_mem>>)
      %dma_wait3A_3359 = arith.constant 0 : i32
      %dma_wait3A_3360 = tpu.memref_slice %arg6[%run_scoped3A_867, %dma_wait3A_3359] : memref<2x4096xf32, #tpu.memory_space<vmem>> -> memref<1x4096xf32, #tpu.memory_space<vmem>>
      %dma_wait3A_3361 = tpu.memref_squeeze %dma_wait3A_3360 : memref<1x4096xf32, #tpu.memory_space<vmem>> -> memref<4096xf32, #tpu.memory_space<vmem>>
      %dma_wait3A_3362 = arith.constant 0 : i32
      %dma_wait3A_3363 = tpu.memref_slice %arg4[%add3A_866, %dma_wait3A_3362] : memref<832x4096xf32, #tpu.memory_space<hbm>> -> memref<1x4096xf32, #tpu.memory_space<hbm>>
      %dma_wait3A_3364 = tpu.memref_squeeze %dma_wait3A_3363 : memref<1x4096xf32, #tpu.memory_space<hbm>> -> memref<4096xf32, #tpu.memory_space<hbm>>
      %dma_wait3A_3365 = arith.constant 0 : i32
      %dma_wait3A_3366 = tpu.memref_slice %arg4[%add3A_866, %dma_wait3A_3365] : memref<832x4096xf32, #tpu.memory_space<hbm>> -> memref<1x4096xf32, #tpu.memory_space<hbm>>
      %dma_wait3A_3367 = tpu.memref_squeeze %dma_wait3A_3366 : memref<1x4096xf32, #tpu.memory_space<hbm>> -> memref<4096xf32, #tpu.memory_space<hbm>>
      %dma_wait3A_3368 = arith.constant 0 : i32
      %dma_wait3A_3369 = tpu.memref_slice %arg6[%run_scoped3A_867, %dma_wait3A_3368] : memref<2x4096xf32, #tpu.memory_space<vmem>> -> memref<1x4096xf32, #tpu.memory_space<vmem>>
      %dma_wait3A_3370 = tpu.memref_squeeze %dma_wait3A_3369 : memref<1x4096xf32, #tpu.memory_space<vmem>> -> memref<4096xf32, #tpu.memory_space<vmem>>
      tpu.wait_dma2 semaphore(%run_scoped3A_3346 : memref<!tpu.dma_semaphore, #tpu.memory_space<semaphore_mem>>) src(%dma_wait3A_3370 : memref<4096xf32, #tpu.memory_space<vmem>>) dst(%dma_wait3A_3367 : memref<4096xf32, #tpu.memory_space<hbm>>)
      tpu.yield
    }) : () -> ()
    %add3A_868 = arith.constant 6 : i32
    %add3A_869 = arith.addi %mul3A_2, %add3A_868 : i32
    %jit3A_870 = arith.constant 32 : i32
    %div3A_871 = arith.divsi %add3A_869, %jit3A_870 : i32
    %sign3A_872 = arith.constant 0 : i32
    %sign3A_873 = arith.cmpi sgt, %add3A_869, %sign3A_872 : i32
    %sign3A_874 = arith.extui %sign3A_873 : i1 to i32
    %sign3A_875 = arith.constant 0 : i32
    %sign3A_876 = arith.cmpi slt, %add3A_869, %sign3A_875 : i32
    %sign3A_877 = arith.extui %sign3A_876 : i1 to i32
    %sign3A_878 = arith.subi %sign3A_874, %sign3A_877 : i32
    %sign3A_879 = arith.constant 0 : i32
    %sign3A_880 = arith.cmpi sgt, %jit3A_870, %sign3A_879 : i32
    %sign3A_881 = arith.extui %sign3A_880 : i1 to i32
    %sign3A_882 = arith.constant 0 : i32
    %sign3A_883 = arith.cmpi slt, %jit3A_870, %sign3A_882 : i32
    %sign3A_884 = arith.extui %sign3A_883 : i1 to i32
    %sign3A_885 = arith.subi %sign3A_881, %sign3A_884 : i32
    %ne3A_886 = arith.cmpi ne, %sign3A_878, %sign3A_885 : i32
    %rem3A_887 = arith.remsi %add3A_869, %jit3A_870 : i32
    %ne3A_888 = arith.constant 0 : i32
    %ne3A_889 = arith.cmpi ne, %rem3A_887, %ne3A_888 : i32
    %and3A_890 = arith.andi %ne3A_886, %ne3A_889 : i1
    %sub3A_891 = arith.constant 1 : i32
    %sub3A_892 = arith.subi %div3A_871, %sub3A_891 : i32
    %select_n3A_893 = arith.select %and3A_890, %sub3A_892, %div3A_871 : i32
    %jit3A_894 = arith.constant 32 : i32
    %eq3A_895 = arith.constant 0 : i32
    %eq3A_896 = arith.cmpi eq, %jit3A_894, %eq3A_895 : i32
    %jit3A_897 = arith.constant 1 : i32
    %select_n3A_898 = arith.select %eq3A_896, %jit3A_897, %jit3A_894 : i32
    %rem3A_899 = arith.remsi %add3A_869, %select_n3A_898 : i32
    %ne3A_900 = arith.constant 0 : i32
    %ne3A_901 = arith.cmpi ne, %rem3A_899, %ne3A_900 : i32
    %lt3A_902 = arith.constant 0 : i32
    %lt3A_903 = arith.cmpi slt, %rem3A_899, %lt3A_902 : i32
    %lt3A_904 = arith.constant 0 : i32
    %lt3A_905 = arith.cmpi slt, %select_n3A_898, %lt3A_904 : i32
    %ne3A_906 = arith.xori %lt3A_903, %lt3A_905 : i1
    %and3A_907 = arith.andi %ne3A_906, %ne3A_901 : i1
    %add3A_908 = arith.addi %rem3A_899, %select_n3A_898 : i32
    %select_n3A_909 = arith.select %and3A_907, %add3A_908, %rem3A_899 : i32
    %eq3A_910 = arith.cmpi eq, %select_n3A_893, %select_n3A : i32
    %jit3A_911 = arith.constant 0 : i32
    %jit3A_912 = arith.constant 1 : i32
    %select_n3A_913 = arith.select %eq3A_910, %jit3A_911, %jit3A_912 : i32
    %dma_wait3A_914 = arith.constant 0 : i32
    %dma_wait3A_915 = arith.constant 0 : i32
    %dma_wait3A_916 = tpu.memref_slice %arg6[%dma_wait3A_914, %dma_wait3A_915] : memref<2x4096xf32, #tpu.memory_space<vmem>> -> memref<1x4096xf32, #tpu.memory_space<vmem>>
    %dma_wait3A_917 = tpu.memref_squeeze %dma_wait3A_916 : memref<1x4096xf32, #tpu.memory_space<vmem>> -> memref<4096xf32, #tpu.memory_space<vmem>>
    %dma_wait3A_918 = arith.constant 0 : i32
    %dma_wait3A_919 = tpu.memref_slice %arg5[%select_n3A_913, %dma_wait3A_918] : memref<2x4096xi32, #tpu.memory_space<vmem>> -> memref<1x4096xi32, #tpu.memory_space<vmem>>
    %dma_wait3A_920 = tpu.memref_squeeze %dma_wait3A_919 : memref<1x4096xi32, #tpu.memory_space<vmem>> -> memref<4096xi32, #tpu.memory_space<vmem>>
    %dma_wait3A_921 = arith.constant 0 : i32
    %dma_wait3A_922 = arith.constant 0 : i32
    %dma_wait3A_923 = tpu.memref_slice %arg2[%select_n3A_893, %dma_wait3A_921, %dma_wait3A_922] : memref<26x32x100000xf32, #tpu.memory_space<hbm>> -> memref<1x32x100000xf32, #tpu.memory_space<hbm>>
    %dma_wait3A_924 = tpu.memref_squeeze %dma_wait3A_923 : memref<1x32x100000xf32, #tpu.memory_space<hbm>> -> memref<32x100000xf32, #tpu.memory_space<hbm>>
    %dma_wait3A_925 = arith.constant 0 : i32
    %dma_wait3A_926 = tpu.memref_slice %dma_wait3A_924[%select_n3A_909, %dma_wait3A_925] : memref<32x100000xf32, #tpu.memory_space<hbm>> -> memref<1x100000xf32, #tpu.memory_space<hbm>>
    %dma_wait3A_927 = tpu.memref_squeeze %dma_wait3A_926 : memref<1x100000xf32, #tpu.memory_space<hbm>> -> memref<100000xf32, #tpu.memory_space<hbm>>
    %dma_wait3A_928 = arith.constant 0 : i32
    %dma_wait3A_929 = tpu.memref_slice %dma_wait3A_927[%dma_wait3A_928] : memref<100000xf32, #tpu.memory_space<hbm>> -> memref<100000xf32, #tpu.memory_space<hbm>>
    tpu.wait_indirect_dma semaphore(%arg7 : memref<!tpu.dma_semaphore, #tpu.memory_space<semaphore_mem>>) src(%dma_wait3A_929 : memref<100000xf32, #tpu.memory_space<hbm>>) dst(%dma_wait3A_917 : memref<4096xf32, #tpu.memory_space<vmem>>)
    %add3A_930 = arith.constant 7 : i32
    %add3A_931 = arith.addi %mul3A_2, %add3A_930 : i32
    %jit3A_932 = arith.constant 32 : i32
    %div3A_933 = arith.divsi %add3A_931, %jit3A_932 : i32
    %sign3A_934 = arith.constant 0 : i32
    %sign3A_935 = arith.cmpi sgt, %add3A_931, %sign3A_934 : i32
    %sign3A_936 = arith.extui %sign3A_935 : i1 to i32
    %sign3A_937 = arith.constant 0 : i32
    %sign3A_938 = arith.cmpi slt, %add3A_931, %sign3A_937 : i32
    %sign3A_939 = arith.extui %sign3A_938 : i1 to i32
    %sign3A_940 = arith.subi %sign3A_936, %sign3A_939 : i32
    %sign3A_941 = arith.constant 0 : i32
    %sign3A_942 = arith.cmpi sgt, %jit3A_932, %sign3A_941 : i32
    %sign3A_943 = arith.extui %sign3A_942 : i1 to i32
    %sign3A_944 = arith.constant 0 : i32
    %sign3A_945 = arith.cmpi slt, %jit3A_932, %sign3A_944 : i32
    %sign3A_946 = arith.extui %sign3A_945 : i1 to i32
    %sign3A_947 = arith.subi %sign3A_943, %sign3A_946 : i32
    %ne3A_948 = arith.cmpi ne, %sign3A_940, %sign3A_947 : i32
    %rem3A_949 = arith.remsi %add3A_931, %jit3A_932 : i32
    %ne3A_950 = arith.constant 0 : i32
    %ne3A_951 = arith.cmpi ne, %rem3A_949, %ne3A_950 : i32
    %and3A_952 = arith.andi %ne3A_948, %ne3A_951 : i1
    %sub3A_953 = arith.constant 1 : i32
    %sub3A_954 = arith.subi %div3A_933, %sub3A_953 : i32
    %select_n3A_955 = arith.select %and3A_952, %sub3A_954, %div3A_933 : i32
    %jit3A_956 = arith.constant 32 : i32
    %eq3A_957 = arith.constant 0 : i32
    %eq3A_958 = arith.cmpi eq, %jit3A_956, %eq3A_957 : i32
    %jit3A_959 = arith.constant 1 : i32
    %select_n3A_960 = arith.select %eq3A_958, %jit3A_959, %jit3A_956 : i32
    %rem3A_961 = arith.remsi %add3A_931, %select_n3A_960 : i32
    %ne3A_962 = arith.constant 0 : i32
    %ne3A_963 = arith.cmpi ne, %rem3A_961, %ne3A_962 : i32
    %lt3A_964 = arith.constant 0 : i32
    %lt3A_965 = arith.cmpi slt, %rem3A_961, %lt3A_964 : i32
    %lt3A_966 = arith.constant 0 : i32
    %lt3A_967 = arith.cmpi slt, %select_n3A_960, %lt3A_966 : i32
    %ne3A_968 = arith.xori %lt3A_965, %lt3A_967 : i1
    %and3A_969 = arith.andi %ne3A_968, %ne3A_963 : i1
    %add3A_970 = arith.addi %rem3A_961, %select_n3A_960 : i32
    %select_n3A_971 = arith.select %and3A_969, %add3A_970, %rem3A_961 : i32
    %eq3A_972 = arith.cmpi eq, %select_n3A_955, %select_n3A : i32
    %jit3A_973 = arith.constant 0 : i32
    %jit3A_974 = arith.constant 1 : i32
    %select_n3A_975 = arith.select %eq3A_972, %jit3A_973, %jit3A_974 : i32
    %dma_start3A_976 = arith.constant 1 : i32
    %dma_start3A_977 = arith.constant 0 : i32
    %dma_start3A_978 = tpu.memref_slice %arg6[%dma_start3A_976, %dma_start3A_977] : memref<2x4096xf32, #tpu.memory_space<vmem>> -> memref<1x4096xf32, #tpu.memory_space<vmem>>
    %dma_start3A_979 = tpu.memref_squeeze %dma_start3A_978 : memref<1x4096xf32, #tpu.memory_space<vmem>> -> memref<4096xf32, #tpu.memory_space<vmem>>
    %dma_start3A_980 = arith.constant 0 : i32
    %dma_start3A_981 = tpu.memref_slice %arg5[%select_n3A_975, %dma_start3A_980] : memref<2x4096xi32, #tpu.memory_space<vmem>> -> memref<1x4096xi32, #tpu.memory_space<vmem>>
    %dma_start3A_982 = tpu.memref_squeeze %dma_start3A_981 : memref<1x4096xi32, #tpu.memory_space<vmem>> -> memref<4096xi32, #tpu.memory_space<vmem>>
    %dma_start3A_983 = arith.constant 0 : i32
    %dma_start3A_984 = arith.constant 0 : i32
    %dma_start3A_985 = tpu.memref_slice %arg2[%select_n3A_955, %dma_start3A_983, %dma_start3A_984] : memref<26x32x100000xf32, #tpu.memory_space<hbm>> -> memref<1x32x100000xf32, #tpu.memory_space<hbm>>
    %dma_start3A_986 = tpu.memref_squeeze %dma_start3A_985 : memref<1x32x100000xf32, #tpu.memory_space<hbm>> -> memref<32x100000xf32, #tpu.memory_space<hbm>>
    %dma_start3A_987 = arith.constant 0 : i32
    %dma_start3A_988 = tpu.memref_slice %dma_start3A_986[%select_n3A_971, %dma_start3A_987] : memref<32x100000xf32, #tpu.memory_space<hbm>> -> memref<1x100000xf32, #tpu.memory_space<hbm>>
    %dma_start3A_989 = tpu.memref_squeeze %dma_start3A_988 : memref<1x100000xf32, #tpu.memory_space<hbm>> -> memref<100000xf32, #tpu.memory_space<hbm>>
    %dma_start3A_990 = arith.constant 0 : i32
    %dma_start3A_991 = tpu.memref_slice %dma_start3A_989[%dma_start3A_990] : memref<100000xf32, #tpu.memory_space<hbm>> -> memref<100000xf32, #tpu.memory_space<hbm>>
    tpu.enqueue_indirect_dma source(%dma_start3A_991 : memref<100000xf32, #tpu.memory_space<hbm>>) target(%dma_start3A_979 : memref<4096xf32, #tpu.memory_space<vmem>>) offsets(%dma_start3A_982 : memref<4096xi32, #tpu.memory_space<vmem>>) semaphore(%arg7 : memref<!tpu.dma_semaphore, #tpu.memory_space<semaphore_mem>>)
    %add3A_992 = arith.constant 6 : i32
    %add3A_993 = arith.addi %mul3A_2, %add3A_992 : i32
    %run_scoped3A_994 = arith.constant 0 : i32
    "tpu.region"() ({
      %run_scoped3A_3346 = tpu.sem_alloc : memref<!tpu.dma_semaphore, #tpu.memory_space<semaphore_mem>>
      %dma_start3A_3347 = arith.constant 0 : i32
      %dma_start3A_3348 = tpu.memref_slice %arg6[%run_scoped3A_994, %dma_start3A_3347] : memref<2x4096xf32, #tpu.memory_space<vmem>> -> memref<1x4096xf32, #tpu.memory_space<vmem>>
      %dma_start3A_3349 = tpu.memref_squeeze %dma_start3A_3348 : memref<1x4096xf32, #tpu.memory_space<vmem>> -> memref<4096xf32, #tpu.memory_space<vmem>>
      %dma_start3A_3350 = arith.constant 0 : i32
      %dma_start3A_3351 = tpu.memref_slice %arg4[%add3A_993, %dma_start3A_3350] : memref<832x4096xf32, #tpu.memory_space<hbm>> -> memref<1x4096xf32, #tpu.memory_space<hbm>>
      %dma_start3A_3352 = tpu.memref_squeeze %dma_start3A_3351 : memref<1x4096xf32, #tpu.memory_space<hbm>> -> memref<4096xf32, #tpu.memory_space<hbm>>
      %dma_start3A_3353 = arith.constant 0 : i32
      %dma_start3A_3354 = tpu.memref_slice %arg4[%add3A_993, %dma_start3A_3353] : memref<832x4096xf32, #tpu.memory_space<hbm>> -> memref<1x4096xf32, #tpu.memory_space<hbm>>
      %dma_start3A_3355 = tpu.memref_squeeze %dma_start3A_3354 : memref<1x4096xf32, #tpu.memory_space<hbm>> -> memref<4096xf32, #tpu.memory_space<hbm>>
      %dma_start3A_3356 = arith.constant 0 : i32
      %dma_start3A_3357 = tpu.memref_slice %arg6[%run_scoped3A_994, %dma_start3A_3356] : memref<2x4096xf32, #tpu.memory_space<vmem>> -> memref<1x4096xf32, #tpu.memory_space<vmem>>
      %dma_start3A_3358 = tpu.memref_squeeze %dma_start3A_3357 : memref<1x4096xf32, #tpu.memory_space<vmem>> -> memref<4096xf32, #tpu.memory_space<vmem>>
      tpu.enqueue_dma source(%dma_start3A_3358 : memref<4096xf32, #tpu.memory_space<vmem>>) target(%dma_start3A_3355 : memref<4096xf32, #tpu.memory_space<hbm>>) target_semaphore(%run_scoped3A_3346 : memref<!tpu.dma_semaphore, #tpu.memory_space<semaphore_mem>>)
      %dma_wait3A_3359 = arith.constant 0 : i32
      %dma_wait3A_3360 = tpu.memref_slice %arg6[%run_scoped3A_994, %dma_wait3A_3359] : memref<2x4096xf32, #tpu.memory_space<vmem>> -> memref<1x4096xf32, #tpu.memory_space<vmem>>
      %dma_wait3A_3361 = tpu.memref_squeeze %dma_wait3A_3360 : memref<1x4096xf32, #tpu.memory_space<vmem>> -> memref<4096xf32, #tpu.memory_space<vmem>>
      %dma_wait3A_3362 = arith.constant 0 : i32
      %dma_wait3A_3363 = tpu.memref_slice %arg4[%add3A_993, %dma_wait3A_3362] : memref<832x4096xf32, #tpu.memory_space<hbm>> -> memref<1x4096xf32, #tpu.memory_space<hbm>>
      %dma_wait3A_3364 = tpu.memref_squeeze %dma_wait3A_3363 : memref<1x4096xf32, #tpu.memory_space<hbm>> -> memref<4096xf32, #tpu.memory_space<hbm>>
      %dma_wait3A_3365 = arith.constant 0 : i32
      %dma_wait3A_3366 = tpu.memref_slice %arg4[%add3A_993, %dma_wait3A_3365] : memref<832x4096xf32, #tpu.memory_space<hbm>> -> memref<1x4096xf32, #tpu.memory_space<hbm>>
      %dma_wait3A_3367 = tpu.memref_squeeze %dma_wait3A_3366 : memref<1x4096xf32, #tpu.memory_space<hbm>> -> memref<4096xf32, #tpu.memory_space<hbm>>
      %dma_wait3A_3368 = arith.constant 0 : i32
      %dma_wait3A_3369 = tpu.memref_slice %arg6[%run_scoped3A_994, %dma_wait3A_3368] : memref<2x4096xf32, #tpu.memory_space<vmem>> -> memref<1x4096xf32, #tpu.memory_space<vmem>>
      %dma_wait3A_3370 = tpu.memref_squeeze %dma_wait3A_3369 : memref<1x4096xf32, #tpu.memory_space<vmem>> -> memref<4096xf32, #tpu.memory_space<vmem>>
      tpu.wait_dma2 semaphore(%run_scoped3A_3346 : memref<!tpu.dma_semaphore, #tpu.memory_space<semaphore_mem>>) src(%dma_wait3A_3370 : memref<4096xf32, #tpu.memory_space<vmem>>) dst(%dma_wait3A_3367 : memref<4096xf32, #tpu.memory_space<hbm>>)
      tpu.yield
    }) : () -> ()
    %add3A_995 = arith.constant 7 : i32
    %add3A_996 = arith.addi %mul3A_2, %add3A_995 : i32
    %jit3A_997 = arith.constant 32 : i32
    %div3A_998 = arith.divsi %add3A_996, %jit3A_997 : i32
    %sign3A_999 = arith.constant 0 : i32
    %sign3A_1000 = arith.cmpi sgt, %add3A_996, %sign3A_999 : i32
    %sign3A_1001 = arith.extui %sign3A_1000 : i1 to i32
    %sign3A_1002 = arith.constant 0 : i32
    %sign3A_1003 = arith.cmpi slt, %add3A_996, %sign3A_1002 : i32
    %sign3A_1004 = arith.extui %sign3A_1003 : i1 to i32
    %sign3A_1005 = arith.subi %sign3A_1001, %sign3A_1004 : i32
    %sign3A_1006 = arith.constant 0 : i32
    %sign3A_1007 = arith.cmpi sgt, %jit3A_997, %sign3A_1006 : i32
    %sign3A_1008 = arith.extui %sign3A_1007 : i1 to i32
    %sign3A_1009 = arith.constant 0 : i32
    %sign3A_1010 = arith.cmpi slt, %jit3A_997, %sign3A_1009 : i32
    %sign3A_1011 = arith.extui %sign3A_1010 : i1 to i32
    %sign3A_1012 = arith.subi %sign3A_1008, %sign3A_1011 : i32
    %ne3A_1013 = arith.cmpi ne, %sign3A_1005, %sign3A_1012 : i32
    %rem3A_1014 = arith.remsi %add3A_996, %jit3A_997 : i32
    %ne3A_1015 = arith.constant 0 : i32
    %ne3A_1016 = arith.cmpi ne, %rem3A_1014, %ne3A_1015 : i32
    %and3A_1017 = arith.andi %ne3A_1013, %ne3A_1016 : i1
    %sub3A_1018 = arith.constant 1 : i32
    %sub3A_1019 = arith.subi %div3A_998, %sub3A_1018 : i32
    %select_n3A_1020 = arith.select %and3A_1017, %sub3A_1019, %div3A_998 : i32
    %jit3A_1021 = arith.constant 32 : i32
    %eq3A_1022 = arith.constant 0 : i32
    %eq3A_1023 = arith.cmpi eq, %jit3A_1021, %eq3A_1022 : i32
    %jit3A_1024 = arith.constant 1 : i32
    %select_n3A_1025 = arith.select %eq3A_1023, %jit3A_1024, %jit3A_1021 : i32
    %rem3A_1026 = arith.remsi %add3A_996, %select_n3A_1025 : i32
    %ne3A_1027 = arith.constant 0 : i32
    %ne3A_1028 = arith.cmpi ne, %rem3A_1026, %ne3A_1027 : i32
    %lt3A_1029 = arith.constant 0 : i32
    %lt3A_1030 = arith.cmpi slt, %rem3A_1026, %lt3A_1029 : i32
    %lt3A_1031 = arith.constant 0 : i32
    %lt3A_1032 = arith.cmpi slt, %select_n3A_1025, %lt3A_1031 : i32
    %ne3A_1033 = arith.xori %lt3A_1030, %lt3A_1032 : i1
    %and3A_1034 = arith.andi %ne3A_1033, %ne3A_1028 : i1
    %add3A_1035 = arith.addi %rem3A_1026, %select_n3A_1025 : i32
    %select_n3A_1036 = arith.select %and3A_1034, %add3A_1035, %rem3A_1026 : i32
    %eq3A_1037 = arith.cmpi eq, %select_n3A_1020, %select_n3A : i32
    %jit3A_1038 = arith.constant 0 : i32
    %jit3A_1039 = arith.constant 1 : i32
    %select_n3A_1040 = arith.select %eq3A_1037, %jit3A_1038, %jit3A_1039 : i32
    %dma_wait3A_1041 = arith.constant 1 : i32
    %dma_wait3A_1042 = arith.constant 0 : i32
    %dma_wait3A_1043 = tpu.memref_slice %arg6[%dma_wait3A_1041, %dma_wait3A_1042] : memref<2x4096xf32, #tpu.memory_space<vmem>> -> memref<1x4096xf32, #tpu.memory_space<vmem>>
    %dma_wait3A_1044 = tpu.memref_squeeze %dma_wait3A_1043 : memref<1x4096xf32, #tpu.memory_space<vmem>> -> memref<4096xf32, #tpu.memory_space<vmem>>
    %dma_wait3A_1045 = arith.constant 0 : i32
    %dma_wait3A_1046 = tpu.memref_slice %arg5[%select_n3A_1040, %dma_wait3A_1045] : memref<2x4096xi32, #tpu.memory_space<vmem>> -> memref<1x4096xi32, #tpu.memory_space<vmem>>
    %dma_wait3A_1047 = tpu.memref_squeeze %dma_wait3A_1046 : memref<1x4096xi32, #tpu.memory_space<vmem>> -> memref<4096xi32, #tpu.memory_space<vmem>>
    %dma_wait3A_1048 = arith.constant 0 : i32
    %dma_wait3A_1049 = arith.constant 0 : i32
    %dma_wait3A_1050 = tpu.memref_slice %arg2[%select_n3A_1020, %dma_wait3A_1048, %dma_wait3A_1049] : memref<26x32x100000xf32, #tpu.memory_space<hbm>> -> memref<1x32x100000xf32, #tpu.memory_space<hbm>>
    %dma_wait3A_1051 = tpu.memref_squeeze %dma_wait3A_1050 : memref<1x32x100000xf32, #tpu.memory_space<hbm>> -> memref<32x100000xf32, #tpu.memory_space<hbm>>
    %dma_wait3A_1052 = arith.constant 0 : i32
    %dma_wait3A_1053 = tpu.memref_slice %dma_wait3A_1051[%select_n3A_1036, %dma_wait3A_1052] : memref<32x100000xf32, #tpu.memory_space<hbm>> -> memref<1x100000xf32, #tpu.memory_space<hbm>>
    %dma_wait3A_1054 = tpu.memref_squeeze %dma_wait3A_1053 : memref<1x100000xf32, #tpu.memory_space<hbm>> -> memref<100000xf32, #tpu.memory_space<hbm>>
    %dma_wait3A_1055 = arith.constant 0 : i32
    %dma_wait3A_1056 = tpu.memref_slice %dma_wait3A_1054[%dma_wait3A_1055] : memref<100000xf32, #tpu.memory_space<hbm>> -> memref<100000xf32, #tpu.memory_space<hbm>>
    tpu.wait_indirect_dma semaphore(%arg7 : memref<!tpu.dma_semaphore, #tpu.memory_space<semaphore_mem>>) src(%dma_wait3A_1056 : memref<100000xf32, #tpu.memory_space<hbm>>) dst(%dma_wait3A_1044 : memref<4096xf32, #tpu.memory_space<vmem>>)
    %add3A_1057 = arith.constant 8 : i32
    %add3A_1058 = arith.addi %mul3A_2, %add3A_1057 : i32
    %jit3A_1059 = arith.constant 32 : i32
    %div3A_1060 = arith.divsi %add3A_1058, %jit3A_1059 : i32
    %sign3A_1061 = arith.constant 0 : i32
    %sign3A_1062 = arith.cmpi sgt, %add3A_1058, %sign3A_1061 : i32
    %sign3A_1063 = arith.extui %sign3A_1062 : i1 to i32
    %sign3A_1064 = arith.constant 0 : i32
    %sign3A_1065 = arith.cmpi slt, %add3A_1058, %sign3A_1064 : i32
    %sign3A_1066 = arith.extui %sign3A_1065 : i1 to i32
    %sign3A_1067 = arith.subi %sign3A_1063, %sign3A_1066 : i32
    %sign3A_1068 = arith.constant 0 : i32
    %sign3A_1069 = arith.cmpi sgt, %jit3A_1059, %sign3A_1068 : i32
    %sign3A_1070 = arith.extui %sign3A_1069 : i1 to i32
    %sign3A_1071 = arith.constant 0 : i32
    %sign3A_1072 = arith.cmpi slt, %jit3A_1059, %sign3A_1071 : i32
    %sign3A_1073 = arith.extui %sign3A_1072 : i1 to i32
    %sign3A_1074 = arith.subi %sign3A_1070, %sign3A_1073 : i32
    %ne3A_1075 = arith.cmpi ne, %sign3A_1067, %sign3A_1074 : i32
    %rem3A_1076 = arith.remsi %add3A_1058, %jit3A_1059 : i32
    %ne3A_1077 = arith.constant 0 : i32
    %ne3A_1078 = arith.cmpi ne, %rem3A_1076, %ne3A_1077 : i32
    %and3A_1079 = arith.andi %ne3A_1075, %ne3A_1078 : i1
    %sub3A_1080 = arith.constant 1 : i32
    %sub3A_1081 = arith.subi %div3A_1060, %sub3A_1080 : i32
    %select_n3A_1082 = arith.select %and3A_1079, %sub3A_1081, %div3A_1060 : i32
    %jit3A_1083 = arith.constant 32 : i32
    %eq3A_1084 = arith.constant 0 : i32
    %eq3A_1085 = arith.cmpi eq, %jit3A_1083, %eq3A_1084 : i32
    %jit3A_1086 = arith.constant 1 : i32
    %select_n3A_1087 = arith.select %eq3A_1085, %jit3A_1086, %jit3A_1083 : i32
    %rem3A_1088 = arith.remsi %add3A_1058, %select_n3A_1087 : i32
    %ne3A_1089 = arith.constant 0 : i32
    %ne3A_1090 = arith.cmpi ne, %rem3A_1088, %ne3A_1089 : i32
    %lt3A_1091 = arith.constant 0 : i32
    %lt3A_1092 = arith.cmpi slt, %rem3A_1088, %lt3A_1091 : i32
    %lt3A_1093 = arith.constant 0 : i32
    %lt3A_1094 = arith.cmpi slt, %select_n3A_1087, %lt3A_1093 : i32
    %ne3A_1095 = arith.xori %lt3A_1092, %lt3A_1094 : i1
    %and3A_1096 = arith.andi %ne3A_1095, %ne3A_1090 : i1
    %add3A_1097 = arith.addi %rem3A_1088, %select_n3A_1087 : i32
    %select_n3A_1098 = arith.select %and3A_1096, %add3A_1097, %rem3A_1088 : i32
    %eq3A_1099 = arith.cmpi eq, %select_n3A_1082, %select_n3A : i32
    %jit3A_1100 = arith.constant 0 : i32
    %jit3A_1101 = arith.constant 1 : i32
    %select_n3A_1102 = arith.select %eq3A_1099, %jit3A_1100, %jit3A_1101 : i32
    %dma_start3A_1103 = arith.constant 0 : i32
    %dma_start3A_1104 = arith.constant 0 : i32
    %dma_start3A_1105 = tpu.memref_slice %arg6[%dma_start3A_1103, %dma_start3A_1104] : memref<2x4096xf32, #tpu.memory_space<vmem>> -> memref<1x4096xf32, #tpu.memory_space<vmem>>
    %dma_start3A_1106 = tpu.memref_squeeze %dma_start3A_1105 : memref<1x4096xf32, #tpu.memory_space<vmem>> -> memref<4096xf32, #tpu.memory_space<vmem>>
    %dma_start3A_1107 = arith.constant 0 : i32
    %dma_start3A_1108 = tpu.memref_slice %arg5[%select_n3A_1102, %dma_start3A_1107] : memref<2x4096xi32, #tpu.memory_space<vmem>> -> memref<1x4096xi32, #tpu.memory_space<vmem>>
    %dma_start3A_1109 = tpu.memref_squeeze %dma_start3A_1108 : memref<1x4096xi32, #tpu.memory_space<vmem>> -> memref<4096xi32, #tpu.memory_space<vmem>>
    %dma_start3A_1110 = arith.constant 0 : i32
    %dma_start3A_1111 = arith.constant 0 : i32
    %dma_start3A_1112 = tpu.memref_slice %arg2[%select_n3A_1082, %dma_start3A_1110, %dma_start3A_1111] : memref<26x32x100000xf32, #tpu.memory_space<hbm>> -> memref<1x32x100000xf32, #tpu.memory_space<hbm>>
    %dma_start3A_1113 = tpu.memref_squeeze %dma_start3A_1112 : memref<1x32x100000xf32, #tpu.memory_space<hbm>> -> memref<32x100000xf32, #tpu.memory_space<hbm>>
    %dma_start3A_1114 = arith.constant 0 : i32
    %dma_start3A_1115 = tpu.memref_slice %dma_start3A_1113[%select_n3A_1098, %dma_start3A_1114] : memref<32x100000xf32, #tpu.memory_space<hbm>> -> memref<1x100000xf32, #tpu.memory_space<hbm>>
    %dma_start3A_1116 = tpu.memref_squeeze %dma_start3A_1115 : memref<1x100000xf32, #tpu.memory_space<hbm>> -> memref<100000xf32, #tpu.memory_space<hbm>>
    %dma_start3A_1117 = arith.constant 0 : i32
    %dma_start3A_1118 = tpu.memref_slice %dma_start3A_1116[%dma_start3A_1117] : memref<100000xf32, #tpu.memory_space<hbm>> -> memref<100000xf32, #tpu.memory_space<hbm>>
    tpu.enqueue_indirect_dma source(%dma_start3A_1118 : memref<100000xf32, #tpu.memory_space<hbm>>) target(%dma_start3A_1106 : memref<4096xf32, #tpu.memory_space<vmem>>) offsets(%dma_start3A_1109 : memref<4096xi32, #tpu.memory_space<vmem>>) semaphore(%arg7 : memref<!tpu.dma_semaphore, #tpu.memory_space<semaphore_mem>>)
    %add3A_1119 = arith.constant 7 : i32
    %add3A_1120 = arith.addi %mul3A_2, %add3A_1119 : i32
    %run_scoped3A_1121 = arith.constant 1 : i32
    "tpu.region"() ({
      %run_scoped3A_3346 = tpu.sem_alloc : memref<!tpu.dma_semaphore, #tpu.memory_space<semaphore_mem>>
      %dma_start3A_3347 = arith.constant 0 : i32
      %dma_start3A_3348 = tpu.memref_slice %arg6[%run_scoped3A_1121, %dma_start3A_3347] : memref<2x4096xf32, #tpu.memory_space<vmem>> -> memref<1x4096xf32, #tpu.memory_space<vmem>>
      %dma_start3A_3349 = tpu.memref_squeeze %dma_start3A_3348 : memref<1x4096xf32, #tpu.memory_space<vmem>> -> memref<4096xf32, #tpu.memory_space<vmem>>
      %dma_start3A_3350 = arith.constant 0 : i32
      %dma_start3A_3351 = tpu.memref_slice %arg4[%add3A_1120, %dma_start3A_3350] : memref<832x4096xf32, #tpu.memory_space<hbm>> -> memref<1x4096xf32, #tpu.memory_space<hbm>>
      %dma_start3A_3352 = tpu.memref_squeeze %dma_start3A_3351 : memref<1x4096xf32, #tpu.memory_space<hbm>> -> memref<4096xf32, #tpu.memory_space<hbm>>
      %dma_start3A_3353 = arith.constant 0 : i32
      %dma_start3A_3354 = tpu.memref_slice %arg4[%add3A_1120, %dma_start3A_3353] : memref<832x4096xf32, #tpu.memory_space<hbm>> -> memref<1x4096xf32, #tpu.memory_space<hbm>>
      %dma_start3A_3355 = tpu.memref_squeeze %dma_start3A_3354 : memref<1x4096xf32, #tpu.memory_space<hbm>> -> memref<4096xf32, #tpu.memory_space<hbm>>
      %dma_start3A_3356 = arith.constant 0 : i32
      %dma_start3A_3357 = tpu.memref_slice %arg6[%run_scoped3A_1121, %dma_start3A_3356] : memref<2x4096xf32, #tpu.memory_space<vmem>> -> memref<1x4096xf32, #tpu.memory_space<vmem>>
      %dma_start3A_3358 = tpu.memref_squeeze %dma_start3A_3357 : memref<1x4096xf32, #tpu.memory_space<vmem>> -> memref<4096xf32, #tpu.memory_space<vmem>>
      tpu.enqueue_dma source(%dma_start3A_3358 : memref<4096xf32, #tpu.memory_space<vmem>>) target(%dma_start3A_3355 : memref<4096xf32, #tpu.memory_space<hbm>>) target_semaphore(%run_scoped3A_3346 : memref<!tpu.dma_semaphore, #tpu.memory_space<semaphore_mem>>)
      %dma_wait3A_3359 = arith.constant 0 : i32
      %dma_wait3A_3360 = tpu.memref_slice %arg6[%run_scoped3A_1121, %dma_wait3A_3359] : memref<2x4096xf32, #tpu.memory_space<vmem>> -> memref<1x4096xf32, #tpu.memory_space<vmem>>
      %dma_wait3A_3361 = tpu.memref_squeeze %dma_wait3A_3360 : memref<1x4096xf32, #tpu.memory_space<vmem>> -> memref<4096xf32, #tpu.memory_space<vmem>>
      %dma_wait3A_3362 = arith.constant 0 : i32
      %dma_wait3A_3363 = tpu.memref_slice %arg4[%add3A_1120, %dma_wait3A_3362] : memref<832x4096xf32, #tpu.memory_space<hbm>> -> memref<1x4096xf32, #tpu.memory_space<hbm>>
      %dma_wait3A_3364 = tpu.memref_squeeze %dma_wait3A_3363 : memref<1x4096xf32, #tpu.memory_space<hbm>> -> memref<4096xf32, #tpu.memory_space<hbm>>
      %dma_wait3A_3365 = arith.constant 0 : i32
      %dma_wait3A_3366 = tpu.memref_slice %arg4[%add3A_1120, %dma_wait3A_3365] : memref<832x4096xf32, #tpu.memory_space<hbm>> -> memref<1x4096xf32, #tpu.memory_space<hbm>>
      %dma_wait3A_3367 = tpu.memref_squeeze %dma_wait3A_3366 : memref<1x4096xf32, #tpu.memory_space<hbm>> -> memref<4096xf32, #tpu.memory_space<hbm>>
      %dma_wait3A_3368 = arith.constant 0 : i32
      %dma_wait3A_3369 = tpu.memref_slice %arg6[%run_scoped3A_1121, %dma_wait3A_3368] : memref<2x4096xf32, #tpu.memory_space<vmem>> -> memref<1x4096xf32, #tpu.memory_space<vmem>>
      %dma_wait3A_3370 = tpu.memref_squeeze %dma_wait3A_3369 : memref<1x4096xf32, #tpu.memory_space<vmem>> -> memref<4096xf32, #tpu.memory_space<vmem>>
      tpu.wait_dma2 semaphore(%run_scoped3A_3346 : memref<!tpu.dma_semaphore, #tpu.memory_space<semaphore_mem>>) src(%dma_wait3A_3370 : memref<4096xf32, #tpu.memory_space<vmem>>) dst(%dma_wait3A_3367 : memref<4096xf32, #tpu.memory_space<hbm>>)
      tpu.yield
    }) : () -> ()
    %add3A_1122 = arith.constant 8 : i32
    %add3A_1123 = arith.addi %mul3A_2, %add3A_1122 : i32
    %jit3A_1124 = arith.constant 32 : i32
    %div3A_1125 = arith.divsi %add3A_1123, %jit3A_1124 : i32
    %sign3A_1126 = arith.constant 0 : i32
    %sign3A_1127 = arith.cmpi sgt, %add3A_1123, %sign3A_1126 : i32
    %sign3A_1128 = arith.extui %sign3A_1127 : i1 to i32
    %sign3A_1129 = arith.constant 0 : i32
    %sign3A_1130 = arith.cmpi slt, %add3A_1123, %sign3A_1129 : i32
    %sign3A_1131 = arith.extui %sign3A_1130 : i1 to i32
    %sign3A_1132 = arith.subi %sign3A_1128, %sign3A_1131 : i32
    %sign3A_1133 = arith.constant 0 : i32
    %sign3A_1134 = arith.cmpi sgt, %jit3A_1124, %sign3A_1133 : i32
    %sign3A_1135 = arith.extui %sign3A_1134 : i1 to i32
    %sign3A_1136 = arith.constant 0 : i32
    %sign3A_1137 = arith.cmpi slt, %jit3A_1124, %sign3A_1136 : i32
    %sign3A_1138 = arith.extui %sign3A_1137 : i1 to i32
    %sign3A_1139 = arith.subi %sign3A_1135, %sign3A_1138 : i32
    %ne3A_1140 = arith.cmpi ne, %sign3A_1132, %sign3A_1139 : i32
    %rem3A_1141 = arith.remsi %add3A_1123, %jit3A_1124 : i32
    %ne3A_1142 = arith.constant 0 : i32
    %ne3A_1143 = arith.cmpi ne, %rem3A_1141, %ne3A_1142 : i32
    %and3A_1144 = arith.andi %ne3A_1140, %ne3A_1143 : i1
    %sub3A_1145 = arith.constant 1 : i32
    %sub3A_1146 = arith.subi %div3A_1125, %sub3A_1145 : i32
    %select_n3A_1147 = arith.select %and3A_1144, %sub3A_1146, %div3A_1125 : i32
    %jit3A_1148 = arith.constant 32 : i32
    %eq3A_1149 = arith.constant 0 : i32
    %eq3A_1150 = arith.cmpi eq, %jit3A_1148, %eq3A_1149 : i32
    %jit3A_1151 = arith.constant 1 : i32
    %select_n3A_1152 = arith.select %eq3A_1150, %jit3A_1151, %jit3A_1148 : i32
    %rem3A_1153 = arith.remsi %add3A_1123, %select_n3A_1152 : i32
    %ne3A_1154 = arith.constant 0 : i32
    %ne3A_1155 = arith.cmpi ne, %rem3A_1153, %ne3A_1154 : i32
    %lt3A_1156 = arith.constant 0 : i32
    %lt3A_1157 = arith.cmpi slt, %rem3A_1153, %lt3A_1156 : i32
    %lt3A_1158 = arith.constant 0 : i32
    %lt3A_1159 = arith.cmpi slt, %select_n3A_1152, %lt3A_1158 : i32
    %ne3A_1160 = arith.xori %lt3A_1157, %lt3A_1159 : i1
    %and3A_1161 = arith.andi %ne3A_1160, %ne3A_1155 : i1
    %add3A_1162 = arith.addi %rem3A_1153, %select_n3A_1152 : i32
    %select_n3A_1163 = arith.select %and3A_1161, %add3A_1162, %rem3A_1153 : i32
    %eq3A_1164 = arith.cmpi eq, %select_n3A_1147, %select_n3A : i32
    %jit3A_1165 = arith.constant 0 : i32
    %jit3A_1166 = arith.constant 1 : i32
    %select_n3A_1167 = arith.select %eq3A_1164, %jit3A_1165, %jit3A_1166 : i32
    %dma_wait3A_1168 = arith.constant 0 : i32
    %dma_wait3A_1169 = arith.constant 0 : i32
    %dma_wait3A_1170 = tpu.memref_slice %arg6[%dma_wait3A_1168, %dma_wait3A_1169] : memref<2x4096xf32, #tpu.memory_space<vmem>> -> memref<1x4096xf32, #tpu.memory_space<vmem>>
    %dma_wait3A_1171 = tpu.memref_squeeze %dma_wait3A_1170 : memref<1x4096xf32, #tpu.memory_space<vmem>> -> memref<4096xf32, #tpu.memory_space<vmem>>
    %dma_wait3A_1172 = arith.constant 0 : i32
    %dma_wait3A_1173 = tpu.memref_slice %arg5[%select_n3A_1167, %dma_wait3A_1172] : memref<2x4096xi32, #tpu.memory_space<vmem>> -> memref<1x4096xi32, #tpu.memory_space<vmem>>
    %dma_wait3A_1174 = tpu.memref_squeeze %dma_wait3A_1173 : memref<1x4096xi32, #tpu.memory_space<vmem>> -> memref<4096xi32, #tpu.memory_space<vmem>>
    %dma_wait3A_1175 = arith.constant 0 : i32
    %dma_wait3A_1176 = arith.constant 0 : i32
    %dma_wait3A_1177 = tpu.memref_slice %arg2[%select_n3A_1147, %dma_wait3A_1175, %dma_wait3A_1176] : memref<26x32x100000xf32, #tpu.memory_space<hbm>> -> memref<1x32x100000xf32, #tpu.memory_space<hbm>>
    %dma_wait3A_1178 = tpu.memref_squeeze %dma_wait3A_1177 : memref<1x32x100000xf32, #tpu.memory_space<hbm>> -> memref<32x100000xf32, #tpu.memory_space<hbm>>
    %dma_wait3A_1179 = arith.constant 0 : i32
    %dma_wait3A_1180 = tpu.memref_slice %dma_wait3A_1178[%select_n3A_1163, %dma_wait3A_1179] : memref<32x100000xf32, #tpu.memory_space<hbm>> -> memref<1x100000xf32, #tpu.memory_space<hbm>>
    %dma_wait3A_1181 = tpu.memref_squeeze %dma_wait3A_1180 : memref<1x100000xf32, #tpu.memory_space<hbm>> -> memref<100000xf32, #tpu.memory_space<hbm>>
    %dma_wait3A_1182 = arith.constant 0 : i32
    %dma_wait3A_1183 = tpu.memref_slice %dma_wait3A_1181[%dma_wait3A_1182] : memref<100000xf32, #tpu.memory_space<hbm>> -> memref<100000xf32, #tpu.memory_space<hbm>>
    tpu.wait_indirect_dma semaphore(%arg7 : memref<!tpu.dma_semaphore, #tpu.memory_space<semaphore_mem>>) src(%dma_wait3A_1183 : memref<100000xf32, #tpu.memory_space<hbm>>) dst(%dma_wait3A_1171 : memref<4096xf32, #tpu.memory_space<vmem>>)
    %add3A_1184 = arith.constant 9 : i32
    %add3A_1185 = arith.addi %mul3A_2, %add3A_1184 : i32
    %jit3A_1186 = arith.constant 32 : i32
    %div3A_1187 = arith.divsi %add3A_1185, %jit3A_1186 : i32
    %sign3A_1188 = arith.constant 0 : i32
    %sign3A_1189 = arith.cmpi sgt, %add3A_1185, %sign3A_1188 : i32
    %sign3A_1190 = arith.extui %sign3A_1189 : i1 to i32
    %sign3A_1191 = arith.constant 0 : i32
    %sign3A_1192 = arith.cmpi slt, %add3A_1185, %sign3A_1191 : i32
    %sign3A_1193 = arith.extui %sign3A_1192 : i1 to i32
    %sign3A_1194 = arith.subi %sign3A_1190, %sign3A_1193 : i32
    %sign3A_1195 = arith.constant 0 : i32
    %sign3A_1196 = arith.cmpi sgt, %jit3A_1186, %sign3A_1195 : i32
    %sign3A_1197 = arith.extui %sign3A_1196 : i1 to i32
    %sign3A_1198 = arith.constant 0 : i32
    %sign3A_1199 = arith.cmpi slt, %jit3A_1186, %sign3A_1198 : i32
    %sign3A_1200 = arith.extui %sign3A_1199 : i1 to i32
    %sign3A_1201 = arith.subi %sign3A_1197, %sign3A_1200 : i32
    %ne3A_1202 = arith.cmpi ne, %sign3A_1194, %sign3A_1201 : i32
    %rem3A_1203 = arith.remsi %add3A_1185, %jit3A_1186 : i32
    %ne3A_1204 = arith.constant 0 : i32
    %ne3A_1205 = arith.cmpi ne, %rem3A_1203, %ne3A_1204 : i32
    %and3A_1206 = arith.andi %ne3A_1202, %ne3A_1205 : i1
    %sub3A_1207 = arith.constant 1 : i32
    %sub3A_1208 = arith.subi %div3A_1187, %sub3A_1207 : i32
    %select_n3A_1209 = arith.select %and3A_1206, %sub3A_1208, %div3A_1187 : i32
    %jit3A_1210 = arith.constant 32 : i32
    %eq3A_1211 = arith.constant 0 : i32
    %eq3A_1212 = arith.cmpi eq, %jit3A_1210, %eq3A_1211 : i32
    %jit3A_1213 = arith.constant 1 : i32
    %select_n3A_1214 = arith.select %eq3A_1212, %jit3A_1213, %jit3A_1210 : i32
    %rem3A_1215 = arith.remsi %add3A_1185, %select_n3A_1214 : i32
    %ne3A_1216 = arith.constant 0 : i32
    %ne3A_1217 = arith.cmpi ne, %rem3A_1215, %ne3A_1216 : i32
    %lt3A_1218 = arith.constant 0 : i32
    %lt3A_1219 = arith.cmpi slt, %rem3A_1215, %lt3A_1218 : i32
    %lt3A_1220 = arith.constant 0 : i32
    %lt3A_1221 = arith.cmpi slt, %select_n3A_1214, %lt3A_1220 : i32
    %ne3A_1222 = arith.xori %lt3A_1219, %lt3A_1221 : i1
    %and3A_1223 = arith.andi %ne3A_1222, %ne3A_1217 : i1
    %add3A_1224 = arith.addi %rem3A_1215, %select_n3A_1214 : i32
    %select_n3A_1225 = arith.select %and3A_1223, %add3A_1224, %rem3A_1215 : i32
    %eq3A_1226 = arith.cmpi eq, %select_n3A_1209, %select_n3A : i32
    %jit3A_1227 = arith.constant 0 : i32
    %jit3A_1228 = arith.constant 1 : i32
    %select_n3A_1229 = arith.select %eq3A_1226, %jit3A_1227, %jit3A_1228 : i32
    %dma_start3A_1230 = arith.constant 1 : i32
    %dma_start3A_1231 = arith.constant 0 : i32
    %dma_start3A_1232 = tpu.memref_slice %arg6[%dma_start3A_1230, %dma_start3A_1231] : memref<2x4096xf32, #tpu.memory_space<vmem>> -> memref<1x4096xf32, #tpu.memory_space<vmem>>
    %dma_start3A_1233 = tpu.memref_squeeze %dma_start3A_1232 : memref<1x4096xf32, #tpu.memory_space<vmem>> -> memref<4096xf32, #tpu.memory_space<vmem>>
    %dma_start3A_1234 = arith.constant 0 : i32
    %dma_start3A_1235 = tpu.memref_slice %arg5[%select_n3A_1229, %dma_start3A_1234] : memref<2x4096xi32, #tpu.memory_space<vmem>> -> memref<1x4096xi32, #tpu.memory_space<vmem>>
    %dma_start3A_1236 = tpu.memref_squeeze %dma_start3A_1235 : memref<1x4096xi32, #tpu.memory_space<vmem>> -> memref<4096xi32, #tpu.memory_space<vmem>>
    %dma_start3A_1237 = arith.constant 0 : i32
    %dma_start3A_1238 = arith.constant 0 : i32
    %dma_start3A_1239 = tpu.memref_slice %arg2[%select_n3A_1209, %dma_start3A_1237, %dma_start3A_1238] : memref<26x32x100000xf32, #tpu.memory_space<hbm>> -> memref<1x32x100000xf32, #tpu.memory_space<hbm>>
    %dma_start3A_1240 = tpu.memref_squeeze %dma_start3A_1239 : memref<1x32x100000xf32, #tpu.memory_space<hbm>> -> memref<32x100000xf32, #tpu.memory_space<hbm>>
    %dma_start3A_1241 = arith.constant 0 : i32
    %dma_start3A_1242 = tpu.memref_slice %dma_start3A_1240[%select_n3A_1225, %dma_start3A_1241] : memref<32x100000xf32, #tpu.memory_space<hbm>> -> memref<1x100000xf32, #tpu.memory_space<hbm>>
    %dma_start3A_1243 = tpu.memref_squeeze %dma_start3A_1242 : memref<1x100000xf32, #tpu.memory_space<hbm>> -> memref<100000xf32, #tpu.memory_space<hbm>>
    %dma_start3A_1244 = arith.constant 0 : i32
    %dma_start3A_1245 = tpu.memref_slice %dma_start3A_1243[%dma_start3A_1244] : memref<100000xf32, #tpu.memory_space<hbm>> -> memref<100000xf32, #tpu.memory_space<hbm>>
    tpu.enqueue_indirect_dma source(%dma_start3A_1245 : memref<100000xf32, #tpu.memory_space<hbm>>) target(%dma_start3A_1233 : memref<4096xf32, #tpu.memory_space<vmem>>) offsets(%dma_start3A_1236 : memref<4096xi32, #tpu.memory_space<vmem>>) semaphore(%arg7 : memref<!tpu.dma_semaphore, #tpu.memory_space<semaphore_mem>>)
    %add3A_1246 = arith.constant 8 : i32
    %add3A_1247 = arith.addi %mul3A_2, %add3A_1246 : i32
    %run_scoped3A_1248 = arith.constant 0 : i32
    "tpu.region"() ({
      %run_scoped3A_3346 = tpu.sem_alloc : memref<!tpu.dma_semaphore, #tpu.memory_space<semaphore_mem>>
      %dma_start3A_3347 = arith.constant 0 : i32
      %dma_start3A_3348 = tpu.memref_slice %arg6[%run_scoped3A_1248, %dma_start3A_3347] : memref<2x4096xf32, #tpu.memory_space<vmem>> -> memref<1x4096xf32, #tpu.memory_space<vmem>>
      %dma_start3A_3349 = tpu.memref_squeeze %dma_start3A_3348 : memref<1x4096xf32, #tpu.memory_space<vmem>> -> memref<4096xf32, #tpu.memory_space<vmem>>
      %dma_start3A_3350 = arith.constant 0 : i32
      %dma_start3A_3351 = tpu.memref_slice %arg4[%add3A_1247, %dma_start3A_3350] : memref<832x4096xf32, #tpu.memory_space<hbm>> -> memref<1x4096xf32, #tpu.memory_space<hbm>>
      %dma_start3A_3352 = tpu.memref_squeeze %dma_start3A_3351 : memref<1x4096xf32, #tpu.memory_space<hbm>> -> memref<4096xf32, #tpu.memory_space<hbm>>
      %dma_start3A_3353 = arith.constant 0 : i32
      %dma_start3A_3354 = tpu.memref_slice %arg4[%add3A_1247, %dma_start3A_3353] : memref<832x4096xf32, #tpu.memory_space<hbm>> -> memref<1x4096xf32, #tpu.memory_space<hbm>>
      %dma_start3A_3355 = tpu.memref_squeeze %dma_start3A_3354 : memref<1x4096xf32, #tpu.memory_space<hbm>> -> memref<4096xf32, #tpu.memory_space<hbm>>
      %dma_start3A_3356 = arith.constant 0 : i32
      %dma_start3A_3357 = tpu.memref_slice %arg6[%run_scoped3A_1248, %dma_start3A_3356] : memref<2x4096xf32, #tpu.memory_space<vmem>> -> memref<1x4096xf32, #tpu.memory_space<vmem>>
      %dma_start3A_3358 = tpu.memref_squeeze %dma_start3A_3357 : memref<1x4096xf32, #tpu.memory_space<vmem>> -> memref<4096xf32, #tpu.memory_space<vmem>>
      tpu.enqueue_dma source(%dma_start3A_3358 : memref<4096xf32, #tpu.memory_space<vmem>>) target(%dma_start3A_3355 : memref<4096xf32, #tpu.memory_space<hbm>>) target_semaphore(%run_scoped3A_3346 : memref<!tpu.dma_semaphore, #tpu.memory_space<semaphore_mem>>)
      %dma_wait3A_3359 = arith.constant 0 : i32
      %dma_wait3A_3360 = tpu.memref_slice %arg6[%run_scoped3A_1248, %dma_wait3A_3359] : memref<2x4096xf32, #tpu.memory_space<vmem>> -> memref<1x4096xf32, #tpu.memory_space<vmem>>
      %dma_wait3A_3361 = tpu.memref_squeeze %dma_wait3A_3360 : memref<1x4096xf32, #tpu.memory_space<vmem>> -> memref<4096xf32, #tpu.memory_space<vmem>>
      %dma_wait3A_3362 = arith.constant 0 : i32
      %dma_wait3A_3363 = tpu.memref_slice %arg4[%add3A_1247, %dma_wait3A_3362] : memref<832x4096xf32, #tpu.memory_space<hbm>> -> memref<1x4096xf32, #tpu.memory_space<hbm>>
      %dma_wait3A_3364 = tpu.memref_squeeze %dma_wait3A_3363 : memref<1x4096xf32, #tpu.memory_space<hbm>> -> memref<4096xf32, #tpu.memory_space<hbm>>
      %dma_wait3A_3365 = arith.constant 0 : i32
      %dma_wait3A_3366 = tpu.memref_slice %arg4[%add3A_1247, %dma_wait3A_3365] : memref<832x4096xf32, #tpu.memory_space<hbm>> -> memref<1x4096xf32, #tpu.memory_space<hbm>>
      %dma_wait3A_3367 = tpu.memref_squeeze %dma_wait3A_3366 : memref<1x4096xf32, #tpu.memory_space<hbm>> -> memref<4096xf32, #tpu.memory_space<hbm>>
      %dma_wait3A_3368 = arith.constant 0 : i32
      %dma_wait3A_3369 = tpu.memref_slice %arg6[%run_scoped3A_1248, %dma_wait3A_3368] : memref<2x4096xf32, #tpu.memory_space<vmem>> -> memref<1x4096xf32, #tpu.memory_space<vmem>>
      %dma_wait3A_3370 = tpu.memref_squeeze %dma_wait3A_3369 : memref<1x4096xf32, #tpu.memory_space<vmem>> -> memref<4096xf32, #tpu.memory_space<vmem>>
      tpu.wait_dma2 semaphore(%run_scoped3A_3346 : memref<!tpu.dma_semaphore, #tpu.memory_space<semaphore_mem>>) src(%dma_wait3A_3370 : memref<4096xf32, #tpu.memory_space<vmem>>) dst(%dma_wait3A_3367 : memref<4096xf32, #tpu.memory_space<hbm>>)
      tpu.yield
    }) : () -> ()
    %add3A_1249 = arith.constant 9 : i32
    %add3A_1250 = arith.addi %mul3A_2, %add3A_1249 : i32
    %jit3A_1251 = arith.constant 32 : i32
    %div3A_1252 = arith.divsi %add3A_1250, %jit3A_1251 : i32
    %sign3A_1253 = arith.constant 0 : i32
    %sign3A_1254 = arith.cmpi sgt, %add3A_1250, %sign3A_1253 : i32
    %sign3A_1255 = arith.extui %sign3A_1254 : i1 to i32
    %sign3A_1256 = arith.constant 0 : i32
    %sign3A_1257 = arith.cmpi slt, %add3A_1250, %sign3A_1256 : i32
    %sign3A_1258 = arith.extui %sign3A_1257 : i1 to i32
    %sign3A_1259 = arith.subi %sign3A_1255, %sign3A_1258 : i32
    %sign3A_1260 = arith.constant 0 : i32
    %sign3A_1261 = arith.cmpi sgt, %jit3A_1251, %sign3A_1260 : i32
    %sign3A_1262 = arith.extui %sign3A_1261 : i1 to i32
    %sign3A_1263 = arith.constant 0 : i32
    %sign3A_1264 = arith.cmpi slt, %jit3A_1251, %sign3A_1263 : i32
    %sign3A_1265 = arith.extui %sign3A_1264 : i1 to i32
    %sign3A_1266 = arith.subi %sign3A_1262, %sign3A_1265 : i32
    %ne3A_1267 = arith.cmpi ne, %sign3A_1259, %sign3A_1266 : i32
    %rem3A_1268 = arith.remsi %add3A_1250, %jit3A_1251 : i32
    %ne3A_1269 = arith.constant 0 : i32
    %ne3A_1270 = arith.cmpi ne, %rem3A_1268, %ne3A_1269 : i32
    %and3A_1271 = arith.andi %ne3A_1267, %ne3A_1270 : i1
    %sub3A_1272 = arith.constant 1 : i32
    %sub3A_1273 = arith.subi %div3A_1252, %sub3A_1272 : i32
    %select_n3A_1274 = arith.select %and3A_1271, %sub3A_1273, %div3A_1252 : i32
    %jit3A_1275 = arith.constant 32 : i32
    %eq3A_1276 = arith.constant 0 : i32
    %eq3A_1277 = arith.cmpi eq, %jit3A_1275, %eq3A_1276 : i32
    %jit3A_1278 = arith.constant 1 : i32
    %select_n3A_1279 = arith.select %eq3A_1277, %jit3A_1278, %jit3A_1275 : i32
    %rem3A_1280 = arith.remsi %add3A_1250, %select_n3A_1279 : i32
    %ne3A_1281 = arith.constant 0 : i32
    %ne3A_1282 = arith.cmpi ne, %rem3A_1280, %ne3A_1281 : i32
    %lt3A_1283 = arith.constant 0 : i32
    %lt3A_1284 = arith.cmpi slt, %rem3A_1280, %lt3A_1283 : i32
    %lt3A_1285 = arith.constant 0 : i32
    %lt3A_1286 = arith.cmpi slt, %select_n3A_1279, %lt3A_1285 : i32
    %ne3A_1287 = arith.xori %lt3A_1284, %lt3A_1286 : i1
    %and3A_1288 = arith.andi %ne3A_1287, %ne3A_1282 : i1
    %add3A_1289 = arith.addi %rem3A_1280, %select_n3A_1279 : i32
    %select_n3A_1290 = arith.select %and3A_1288, %add3A_1289, %rem3A_1280 : i32
    %eq3A_1291 = arith.cmpi eq, %select_n3A_1274, %select_n3A : i32
    %jit3A_1292 = arith.constant 0 : i32
    %jit3A_1293 = arith.constant 1 : i32
    %select_n3A_1294 = arith.select %eq3A_1291, %jit3A_1292, %jit3A_1293 : i32
    %dma_wait3A_1295 = arith.constant 1 : i32
    %dma_wait3A_1296 = arith.constant 0 : i32
    %dma_wait3A_1297 = tpu.memref_slice %arg6[%dma_wait3A_1295, %dma_wait3A_1296] : memref<2x4096xf32, #tpu.memory_space<vmem>> -> memref<1x4096xf32, #tpu.memory_space<vmem>>
    %dma_wait3A_1298 = tpu.memref_squeeze %dma_wait3A_1297 : memref<1x4096xf32, #tpu.memory_space<vmem>> -> memref<4096xf32, #tpu.memory_space<vmem>>
    %dma_wait3A_1299 = arith.constant 0 : i32
    %dma_wait3A_1300 = tpu.memref_slice %arg5[%select_n3A_1294, %dma_wait3A_1299] : memref<2x4096xi32, #tpu.memory_space<vmem>> -> memref<1x4096xi32, #tpu.memory_space<vmem>>
    %dma_wait3A_1301 = tpu.memref_squeeze %dma_wait3A_1300 : memref<1x4096xi32, #tpu.memory_space<vmem>> -> memref<4096xi32, #tpu.memory_space<vmem>>
    %dma_wait3A_1302 = arith.constant 0 : i32
    %dma_wait3A_1303 = arith.constant 0 : i32
    %dma_wait3A_1304 = tpu.memref_slice %arg2[%select_n3A_1274, %dma_wait3A_1302, %dma_wait3A_1303] : memref<26x32x100000xf32, #tpu.memory_space<hbm>> -> memref<1x32x100000xf32, #tpu.memory_space<hbm>>
    %dma_wait3A_1305 = tpu.memref_squeeze %dma_wait3A_1304 : memref<1x32x100000xf32, #tpu.memory_space<hbm>> -> memref<32x100000xf32, #tpu.memory_space<hbm>>
    %dma_wait3A_1306 = arith.constant 0 : i32
    %dma_wait3A_1307 = tpu.memref_slice %dma_wait3A_1305[%select_n3A_1290, %dma_wait3A_1306] : memref<32x100000xf32, #tpu.memory_space<hbm>> -> memref<1x100000xf32, #tpu.memory_space<hbm>>
    %dma_wait3A_1308 = tpu.memref_squeeze %dma_wait3A_1307 : memref<1x100000xf32, #tpu.memory_space<hbm>> -> memref<100000xf32, #tpu.memory_space<hbm>>
    %dma_wait3A_1309 = arith.constant 0 : i32
    %dma_wait3A_1310 = tpu.memref_slice %dma_wait3A_1308[%dma_wait3A_1309] : memref<100000xf32, #tpu.memory_space<hbm>> -> memref<100000xf32, #tpu.memory_space<hbm>>
    tpu.wait_indirect_dma semaphore(%arg7 : memref<!tpu.dma_semaphore, #tpu.memory_space<semaphore_mem>>) src(%dma_wait3A_1310 : memref<100000xf32, #tpu.memory_space<hbm>>) dst(%dma_wait3A_1298 : memref<4096xf32, #tpu.memory_space<vmem>>)
    %add3A_1311 = arith.constant 10 : i32
    %add3A_1312 = arith.addi %mul3A_2, %add3A_1311 : i32
    %jit3A_1313 = arith.constant 32 : i32
    %div3A_1314 = arith.divsi %add3A_1312, %jit3A_1313 : i32
    %sign3A_1315 = arith.constant 0 : i32
    %sign3A_1316 = arith.cmpi sgt, %add3A_1312, %sign3A_1315 : i32
    %sign3A_1317 = arith.extui %sign3A_1316 : i1 to i32
    %sign3A_1318 = arith.constant 0 : i32
    %sign3A_1319 = arith.cmpi slt, %add3A_1312, %sign3A_1318 : i32
    %sign3A_1320 = arith.extui %sign3A_1319 : i1 to i32
    %sign3A_1321 = arith.subi %sign3A_1317, %sign3A_1320 : i32
    %sign3A_1322 = arith.constant 0 : i32
    %sign3A_1323 = arith.cmpi sgt, %jit3A_1313, %sign3A_1322 : i32
    %sign3A_1324 = arith.extui %sign3A_1323 : i1 to i32
    %sign3A_1325 = arith.constant 0 : i32
    %sign3A_1326 = arith.cmpi slt, %jit3A_1313, %sign3A_1325 : i32
    %sign3A_1327 = arith.extui %sign3A_1326 : i1 to i32
    %sign3A_1328 = arith.subi %sign3A_1324, %sign3A_1327 : i32
    %ne3A_1329 = arith.cmpi ne, %sign3A_1321, %sign3A_1328 : i32
    %rem3A_1330 = arith.remsi %add3A_1312, %jit3A_1313 : i32
    %ne3A_1331 = arith.constant 0 : i32
    %ne3A_1332 = arith.cmpi ne, %rem3A_1330, %ne3A_1331 : i32
    %and3A_1333 = arith.andi %ne3A_1329, %ne3A_1332 : i1
    %sub3A_1334 = arith.constant 1 : i32
    %sub3A_1335 = arith.subi %div3A_1314, %sub3A_1334 : i32
    %select_n3A_1336 = arith.select %and3A_1333, %sub3A_1335, %div3A_1314 : i32
    %jit3A_1337 = arith.constant 32 : i32
    %eq3A_1338 = arith.constant 0 : i32
    %eq3A_1339 = arith.cmpi eq, %jit3A_1337, %eq3A_1338 : i32
    %jit3A_1340 = arith.constant 1 : i32
    %select_n3A_1341 = arith.select %eq3A_1339, %jit3A_1340, %jit3A_1337 : i32
    %rem3A_1342 = arith.remsi %add3A_1312, %select_n3A_1341 : i32
    %ne3A_1343 = arith.constant 0 : i32
    %ne3A_1344 = arith.cmpi ne, %rem3A_1342, %ne3A_1343 : i32
    %lt3A_1345 = arith.constant 0 : i32
    %lt3A_1346 = arith.cmpi slt, %rem3A_1342, %lt3A_1345 : i32
    %lt3A_1347 = arith.constant 0 : i32
    %lt3A_1348 = arith.cmpi slt, %select_n3A_1341, %lt3A_1347 : i32
    %ne3A_1349 = arith.xori %lt3A_1346, %lt3A_1348 : i1
    %and3A_1350 = arith.andi %ne3A_1349, %ne3A_1344 : i1
    %add3A_1351 = arith.addi %rem3A_1342, %select_n3A_1341 : i32
    %select_n3A_1352 = arith.select %and3A_1350, %add3A_1351, %rem3A_1342 : i32
    %eq3A_1353 = arith.cmpi eq, %select_n3A_1336, %select_n3A : i32
    %jit3A_1354 = arith.constant 0 : i32
    %jit3A_1355 = arith.constant 1 : i32
    %select_n3A_1356 = arith.select %eq3A_1353, %jit3A_1354, %jit3A_1355 : i32
    %dma_start3A_1357 = arith.constant 0 : i32
    %dma_start3A_1358 = arith.constant 0 : i32
    %dma_start3A_1359 = tpu.memref_slice %arg6[%dma_start3A_1357, %dma_start3A_1358] : memref<2x4096xf32, #tpu.memory_space<vmem>> -> memref<1x4096xf32, #tpu.memory_space<vmem>>
    %dma_start3A_1360 = tpu.memref_squeeze %dma_start3A_1359 : memref<1x4096xf32, #tpu.memory_space<vmem>> -> memref<4096xf32, #tpu.memory_space<vmem>>
    %dma_start3A_1361 = arith.constant 0 : i32
    %dma_start3A_1362 = tpu.memref_slice %arg5[%select_n3A_1356, %dma_start3A_1361] : memref<2x4096xi32, #tpu.memory_space<vmem>> -> memref<1x4096xi32, #tpu.memory_space<vmem>>
    %dma_start3A_1363 = tpu.memref_squeeze %dma_start3A_1362 : memref<1x4096xi32, #tpu.memory_space<vmem>> -> memref<4096xi32, #tpu.memory_space<vmem>>
    %dma_start3A_1364 = arith.constant 0 : i32
    %dma_start3A_1365 = arith.constant 0 : i32
    %dma_start3A_1366 = tpu.memref_slice %arg2[%select_n3A_1336, %dma_start3A_1364, %dma_start3A_1365] : memref<26x32x100000xf32, #tpu.memory_space<hbm>> -> memref<1x32x100000xf32, #tpu.memory_space<hbm>>
    %dma_start3A_1367 = tpu.memref_squeeze %dma_start3A_1366 : memref<1x32x100000xf32, #tpu.memory_space<hbm>> -> memref<32x100000xf32, #tpu.memory_space<hbm>>
    %dma_start3A_1368 = arith.constant 0 : i32
    %dma_start3A_1369 = tpu.memref_slice %dma_start3A_1367[%select_n3A_1352, %dma_start3A_1368] : memref<32x100000xf32, #tpu.memory_space<hbm>> -> memref<1x100000xf32, #tpu.memory_space<hbm>>
    %dma_start3A_1370 = tpu.memref_squeeze %dma_start3A_1369 : memref<1x100000xf32, #tpu.memory_space<hbm>> -> memref<100000xf32, #tpu.memory_space<hbm>>
    %dma_start3A_1371 = arith.constant 0 : i32
    %dma_start3A_1372 = tpu.memref_slice %dma_start3A_1370[%dma_start3A_1371] : memref<100000xf32, #tpu.memory_space<hbm>> -> memref<100000xf32, #tpu.memory_space<hbm>>
    tpu.enqueue_indirect_dma source(%dma_start3A_1372 : memref<100000xf32, #tpu.memory_space<hbm>>) target(%dma_start3A_1360 : memref<4096xf32, #tpu.memory_space<vmem>>) offsets(%dma_start3A_1363 : memref<4096xi32, #tpu.memory_space<vmem>>) semaphore(%arg7 : memref<!tpu.dma_semaphore, #tpu.memory_space<semaphore_mem>>)
    %add3A_1373 = arith.constant 9 : i32
    %add3A_1374 = arith.addi %mul3A_2, %add3A_1373 : i32
    %run_scoped3A_1375 = arith.constant 1 : i32
    "tpu.region"() ({
      %run_scoped3A_3346 = tpu.sem_alloc : memref<!tpu.dma_semaphore, #tpu.memory_space<semaphore_mem>>
      %dma_start3A_3347 = arith.constant 0 : i32
      %dma_start3A_3348 = tpu.memref_slice %arg6[%run_scoped3A_1375, %dma_start3A_3347] : memref<2x4096xf32, #tpu.memory_space<vmem>> -> memref<1x4096xf32, #tpu.memory_space<vmem>>
      %dma_start3A_3349 = tpu.memref_squeeze %dma_start3A_3348 : memref<1x4096xf32, #tpu.memory_space<vmem>> -> memref<4096xf32, #tpu.memory_space<vmem>>
      %dma_start3A_3350 = arith.constant 0 : i32
      %dma_start3A_3351 = tpu.memref_slice %arg4[%add3A_1374, %dma_start3A_3350] : memref<832x4096xf32, #tpu.memory_space<hbm>> -> memref<1x4096xf32, #tpu.memory_space<hbm>>
      %dma_start3A_3352 = tpu.memref_squeeze %dma_start3A_3351 : memref<1x4096xf32, #tpu.memory_space<hbm>> -> memref<4096xf32, #tpu.memory_space<hbm>>
      %dma_start3A_3353 = arith.constant 0 : i32
      %dma_start3A_3354 = tpu.memref_slice %arg4[%add3A_1374, %dma_start3A_3353] : memref<832x4096xf32, #tpu.memory_space<hbm>> -> memref<1x4096xf32, #tpu.memory_space<hbm>>
      %dma_start3A_3355 = tpu.memref_squeeze %dma_start3A_3354 : memref<1x4096xf32, #tpu.memory_space<hbm>> -> memref<4096xf32, #tpu.memory_space<hbm>>
      %dma_start3A_3356 = arith.constant 0 : i32
      %dma_start3A_3357 = tpu.memref_slice %arg6[%run_scoped3A_1375, %dma_start3A_3356] : memref<2x4096xf32, #tpu.memory_space<vmem>> -> memref<1x4096xf32, #tpu.memory_space<vmem>>
      %dma_start3A_3358 = tpu.memref_squeeze %dma_start3A_3357 : memref<1x4096xf32, #tpu.memory_space<vmem>> -> memref<4096xf32, #tpu.memory_space<vmem>>
      tpu.enqueue_dma source(%dma_start3A_3358 : memref<4096xf32, #tpu.memory_space<vmem>>) target(%dma_start3A_3355 : memref<4096xf32, #tpu.memory_space<hbm>>) target_semaphore(%run_scoped3A_3346 : memref<!tpu.dma_semaphore, #tpu.memory_space<semaphore_mem>>)
      %dma_wait3A_3359 = arith.constant 0 : i32
      %dma_wait3A_3360 = tpu.memref_slice %arg6[%run_scoped3A_1375, %dma_wait3A_3359] : memref<2x4096xf32, #tpu.memory_space<vmem>> -> memref<1x4096xf32, #tpu.memory_space<vmem>>
      %dma_wait3A_3361 = tpu.memref_squeeze %dma_wait3A_3360 : memref<1x4096xf32, #tpu.memory_space<vmem>> -> memref<4096xf32, #tpu.memory_space<vmem>>
      %dma_wait3A_3362 = arith.constant 0 : i32
      %dma_wait3A_3363 = tpu.memref_slice %arg4[%add3A_1374, %dma_wait3A_3362] : memref<832x4096xf32, #tpu.memory_space<hbm>> -> memref<1x4096xf32, #tpu.memory_space<hbm>>
      %dma_wait3A_3364 = tpu.memref_squeeze %dma_wait3A_3363 : memref<1x4096xf32, #tpu.memory_space<hbm>> -> memref<4096xf32, #tpu.memory_space<hbm>>
      %dma_wait3A_3365 = arith.constant 0 : i32
      %dma_wait3A_3366 = tpu.memref_slice %arg4[%add3A_1374, %dma_wait3A_3365] : memref<832x4096xf32, #tpu.memory_space<hbm>> -> memref<1x4096xf32, #tpu.memory_space<hbm>>
      %dma_wait3A_3367 = tpu.memref_squeeze %dma_wait3A_3366 : memref<1x4096xf32, #tpu.memory_space<hbm>> -> memref<4096xf32, #tpu.memory_space<hbm>>
      %dma_wait3A_3368 = arith.constant 0 : i32
      %dma_wait3A_3369 = tpu.memref_slice %arg6[%run_scoped3A_1375, %dma_wait3A_3368] : memref<2x4096xf32, #tpu.memory_space<vmem>> -> memref<1x4096xf32, #tpu.memory_space<vmem>>
      %dma_wait3A_3370 = tpu.memref_squeeze %dma_wait3A_3369 : memref<1x4096xf32, #tpu.memory_space<vmem>> -> memref<4096xf32, #tpu.memory_space<vmem>>
      tpu.wait_dma2 semaphore(%run_scoped3A_3346 : memref<!tpu.dma_semaphore, #tpu.memory_space<semaphore_mem>>) src(%dma_wait3A_3370 : memref<4096xf32, #tpu.memory_space<vmem>>) dst(%dma_wait3A_3367 : memref<4096xf32, #tpu.memory_space<hbm>>)
      tpu.yield
    }) : () -> ()
    %add3A_1376 = arith.constant 10 : i32
    %add3A_1377 = arith.addi %mul3A_2, %add3A_1376 : i32
    %jit3A_1378 = arith.constant 32 : i32
    %div3A_1379 = arith.divsi %add3A_1377, %jit3A_1378 : i32
    %sign3A_1380 = arith.constant 0 : i32
    %sign3A_1381 = arith.cmpi sgt, %add3A_1377, %sign3A_1380 : i32
    %sign3A_1382 = arith.extui %sign3A_1381 : i1 to i32
    %sign3A_1383 = arith.constant 0 : i32
    %sign3A_1384 = arith.cmpi slt, %add3A_1377, %sign3A_1383 : i32
    %sign3A_1385 = arith.extui %sign3A_1384 : i1 to i32
    %sign3A_1386 = arith.subi %sign3A_1382, %sign3A_1385 : i32
    %sign3A_1387 = arith.constant 0 : i32
    %sign3A_1388 = arith.cmpi sgt, %jit3A_1378, %sign3A_1387 : i32
    %sign3A_1389 = arith.extui %sign3A_1388 : i1 to i32
    %sign3A_1390 = arith.constant 0 : i32
    %sign3A_1391 = arith.cmpi slt, %jit3A_1378, %sign3A_1390 : i32
    %sign3A_1392 = arith.extui %sign3A_1391 : i1 to i32
    %sign3A_1393 = arith.subi %sign3A_1389, %sign3A_1392 : i32
    %ne3A_1394 = arith.cmpi ne, %sign3A_1386, %sign3A_1393 : i32
    %rem3A_1395 = arith.remsi %add3A_1377, %jit3A_1378 : i32
    %ne3A_1396 = arith.constant 0 : i32
    %ne3A_1397 = arith.cmpi ne, %rem3A_1395, %ne3A_1396 : i32
    %and3A_1398 = arith.andi %ne3A_1394, %ne3A_1397 : i1
    %sub3A_1399 = arith.constant 1 : i32
    %sub3A_1400 = arith.subi %div3A_1379, %sub3A_1399 : i32
    %select_n3A_1401 = arith.select %and3A_1398, %sub3A_1400, %div3A_1379 : i32
    %jit3A_1402 = arith.constant 32 : i32
    %eq3A_1403 = arith.constant 0 : i32
    %eq3A_1404 = arith.cmpi eq, %jit3A_1402, %eq3A_1403 : i32
    %jit3A_1405 = arith.constant 1 : i32
    %select_n3A_1406 = arith.select %eq3A_1404, %jit3A_1405, %jit3A_1402 : i32
    %rem3A_1407 = arith.remsi %add3A_1377, %select_n3A_1406 : i32
    %ne3A_1408 = arith.constant 0 : i32
    %ne3A_1409 = arith.cmpi ne, %rem3A_1407, %ne3A_1408 : i32
    %lt3A_1410 = arith.constant 0 : i32
    %lt3A_1411 = arith.cmpi slt, %rem3A_1407, %lt3A_1410 : i32
    %lt3A_1412 = arith.constant 0 : i32
    %lt3A_1413 = arith.cmpi slt, %select_n3A_1406, %lt3A_1412 : i32
    %ne3A_1414 = arith.xori %lt3A_1411, %lt3A_1413 : i1
    %and3A_1415 = arith.andi %ne3A_1414, %ne3A_1409 : i1
    %add3A_1416 = arith.addi %rem3A_1407, %select_n3A_1406 : i32
    %select_n3A_1417 = arith.select %and3A_1415, %add3A_1416, %rem3A_1407 : i32
    %eq3A_1418 = arith.cmpi eq, %select_n3A_1401, %select_n3A : i32
    %jit3A_1419 = arith.constant 0 : i32
    %jit3A_1420 = arith.constant 1 : i32
    %select_n3A_1421 = arith.select %eq3A_1418, %jit3A_1419, %jit3A_1420 : i32
    %dma_wait3A_1422 = arith.constant 0 : i32
    %dma_wait3A_1423 = arith.constant 0 : i32
    %dma_wait3A_1424 = tpu.memref_slice %arg6[%dma_wait3A_1422, %dma_wait3A_1423] : memref<2x4096xf32, #tpu.memory_space<vmem>> -> memref<1x4096xf32, #tpu.memory_space<vmem>>
    %dma_wait3A_1425 = tpu.memref_squeeze %dma_wait3A_1424 : memref<1x4096xf32, #tpu.memory_space<vmem>> -> memref<4096xf32, #tpu.memory_space<vmem>>
    %dma_wait3A_1426 = arith.constant 0 : i32
    %dma_wait3A_1427 = tpu.memref_slice %arg5[%select_n3A_1421, %dma_wait3A_1426] : memref<2x4096xi32, #tpu.memory_space<vmem>> -> memref<1x4096xi32, #tpu.memory_space<vmem>>
    %dma_wait3A_1428 = tpu.memref_squeeze %dma_wait3A_1427 : memref<1x4096xi32, #tpu.memory_space<vmem>> -> memref<4096xi32, #tpu.memory_space<vmem>>
    %dma_wait3A_1429 = arith.constant 0 : i32
    %dma_wait3A_1430 = arith.constant 0 : i32
    %dma_wait3A_1431 = tpu.memref_slice %arg2[%select_n3A_1401, %dma_wait3A_1429, %dma_wait3A_1430] : memref<26x32x100000xf32, #tpu.memory_space<hbm>> -> memref<1x32x100000xf32, #tpu.memory_space<hbm>>
    %dma_wait3A_1432 = tpu.memref_squeeze %dma_wait3A_1431 : memref<1x32x100000xf32, #tpu.memory_space<hbm>> -> memref<32x100000xf32, #tpu.memory_space<hbm>>
    %dma_wait3A_1433 = arith.constant 0 : i32
    %dma_wait3A_1434 = tpu.memref_slice %dma_wait3A_1432[%select_n3A_1417, %dma_wait3A_1433] : memref<32x100000xf32, #tpu.memory_space<hbm>> -> memref<1x100000xf32, #tpu.memory_space<hbm>>
    %dma_wait3A_1435 = tpu.memref_squeeze %dma_wait3A_1434 : memref<1x100000xf32, #tpu.memory_space<hbm>> -> memref<100000xf32, #tpu.memory_space<hbm>>
    %dma_wait3A_1436 = arith.constant 0 : i32
    %dma_wait3A_1437 = tpu.memref_slice %dma_wait3A_1435[%dma_wait3A_1436] : memref<100000xf32, #tpu.memory_space<hbm>> -> memref<100000xf32, #tpu.memory_space<hbm>>
    tpu.wait_indirect_dma semaphore(%arg7 : memref<!tpu.dma_semaphore, #tpu.memory_space<semaphore_mem>>) src(%dma_wait3A_1437 : memref<100000xf32, #tpu.memory_space<hbm>>) dst(%dma_wait3A_1425 : memref<4096xf32, #tpu.memory_space<vmem>>)
    %add3A_1438 = arith.constant 11 : i32
    %add3A_1439 = arith.addi %mul3A_2, %add3A_1438 : i32
    %jit3A_1440 = arith.constant 32 : i32
    %div3A_1441 = arith.divsi %add3A_1439, %jit3A_1440 : i32
    %sign3A_1442 = arith.constant 0 : i32
    %sign3A_1443 = arith.cmpi sgt, %add3A_1439, %sign3A_1442 : i32
    %sign3A_1444 = arith.extui %sign3A_1443 : i1 to i32
    %sign3A_1445 = arith.constant 0 : i32
    %sign3A_1446 = arith.cmpi slt, %add3A_1439, %sign3A_1445 : i32
    %sign3A_1447 = arith.extui %sign3A_1446 : i1 to i32
    %sign3A_1448 = arith.subi %sign3A_1444, %sign3A_1447 : i32
    %sign3A_1449 = arith.constant 0 : i32
    %sign3A_1450 = arith.cmpi sgt, %jit3A_1440, %sign3A_1449 : i32
    %sign3A_1451 = arith.extui %sign3A_1450 : i1 to i32
    %sign3A_1452 = arith.constant 0 : i32
    %sign3A_1453 = arith.cmpi slt, %jit3A_1440, %sign3A_1452 : i32
    %sign3A_1454 = arith.extui %sign3A_1453 : i1 to i32
    %sign3A_1455 = arith.subi %sign3A_1451, %sign3A_1454 : i32
    %ne3A_1456 = arith.cmpi ne, %sign3A_1448, %sign3A_1455 : i32
    %rem3A_1457 = arith.remsi %add3A_1439, %jit3A_1440 : i32
    %ne3A_1458 = arith.constant 0 : i32
    %ne3A_1459 = arith.cmpi ne, %rem3A_1457, %ne3A_1458 : i32
    %and3A_1460 = arith.andi %ne3A_1456, %ne3A_1459 : i1
    %sub3A_1461 = arith.constant 1 : i32
    %sub3A_1462 = arith.subi %div3A_1441, %sub3A_1461 : i32
    %select_n3A_1463 = arith.select %and3A_1460, %sub3A_1462, %div3A_1441 : i32
    %jit3A_1464 = arith.constant 32 : i32
    %eq3A_1465 = arith.constant 0 : i32
    %eq3A_1466 = arith.cmpi eq, %jit3A_1464, %eq3A_1465 : i32
    %jit3A_1467 = arith.constant 1 : i32
    %select_n3A_1468 = arith.select %eq3A_1466, %jit3A_1467, %jit3A_1464 : i32
    %rem3A_1469 = arith.remsi %add3A_1439, %select_n3A_1468 : i32
    %ne3A_1470 = arith.constant 0 : i32
    %ne3A_1471 = arith.cmpi ne, %rem3A_1469, %ne3A_1470 : i32
    %lt3A_1472 = arith.constant 0 : i32
    %lt3A_1473 = arith.cmpi slt, %rem3A_1469, %lt3A_1472 : i32
    %lt3A_1474 = arith.constant 0 : i32
    %lt3A_1475 = arith.cmpi slt, %select_n3A_1468, %lt3A_1474 : i32
    %ne3A_1476 = arith.xori %lt3A_1473, %lt3A_1475 : i1
    %and3A_1477 = arith.andi %ne3A_1476, %ne3A_1471 : i1
    %add3A_1478 = arith.addi %rem3A_1469, %select_n3A_1468 : i32
    %select_n3A_1479 = arith.select %and3A_1477, %add3A_1478, %rem3A_1469 : i32
    %eq3A_1480 = arith.cmpi eq, %select_n3A_1463, %select_n3A : i32
    %jit3A_1481 = arith.constant 0 : i32
    %jit3A_1482 = arith.constant 1 : i32
    %select_n3A_1483 = arith.select %eq3A_1480, %jit3A_1481, %jit3A_1482 : i32
    %dma_start3A_1484 = arith.constant 1 : i32
    %dma_start3A_1485 = arith.constant 0 : i32
    %dma_start3A_1486 = tpu.memref_slice %arg6[%dma_start3A_1484, %dma_start3A_1485] : memref<2x4096xf32, #tpu.memory_space<vmem>> -> memref<1x4096xf32, #tpu.memory_space<vmem>>
    %dma_start3A_1487 = tpu.memref_squeeze %dma_start3A_1486 : memref<1x4096xf32, #tpu.memory_space<vmem>> -> memref<4096xf32, #tpu.memory_space<vmem>>
    %dma_start3A_1488 = arith.constant 0 : i32
    %dma_start3A_1489 = tpu.memref_slice %arg5[%select_n3A_1483, %dma_start3A_1488] : memref<2x4096xi32, #tpu.memory_space<vmem>> -> memref<1x4096xi32, #tpu.memory_space<vmem>>
    %dma_start3A_1490 = tpu.memref_squeeze %dma_start3A_1489 : memref<1x4096xi32, #tpu.memory_space<vmem>> -> memref<4096xi32, #tpu.memory_space<vmem>>
    %dma_start3A_1491 = arith.constant 0 : i32
    %dma_start3A_1492 = arith.constant 0 : i32
    %dma_start3A_1493 = tpu.memref_slice %arg2[%select_n3A_1463, %dma_start3A_1491, %dma_start3A_1492] : memref<26x32x100000xf32, #tpu.memory_space<hbm>> -> memref<1x32x100000xf32, #tpu.memory_space<hbm>>
    %dma_start3A_1494 = tpu.memref_squeeze %dma_start3A_1493 : memref<1x32x100000xf32, #tpu.memory_space<hbm>> -> memref<32x100000xf32, #tpu.memory_space<hbm>>
    %dma_start3A_1495 = arith.constant 0 : i32
    %dma_start3A_1496 = tpu.memref_slice %dma_start3A_1494[%select_n3A_1479, %dma_start3A_1495] : memref<32x100000xf32, #tpu.memory_space<hbm>> -> memref<1x100000xf32, #tpu.memory_space<hbm>>
    %dma_start3A_1497 = tpu.memref_squeeze %dma_start3A_1496 : memref<1x100000xf32, #tpu.memory_space<hbm>> -> memref<100000xf32, #tpu.memory_space<hbm>>
    %dma_start3A_1498 = arith.constant 0 : i32
    %dma_start3A_1499 = tpu.memref_slice %dma_start3A_1497[%dma_start3A_1498] : memref<100000xf32, #tpu.memory_space<hbm>> -> memref<100000xf32, #tpu.memory_space<hbm>>
    tpu.enqueue_indirect_dma source(%dma_start3A_1499 : memref<100000xf32, #tpu.memory_space<hbm>>) target(%dma_start3A_1487 : memref<4096xf32, #tpu.memory_space<vmem>>) offsets(%dma_start3A_1490 : memref<4096xi32, #tpu.memory_space<vmem>>) semaphore(%arg7 : memref<!tpu.dma_semaphore, #tpu.memory_space<semaphore_mem>>)
    %add3A_1500 = arith.constant 10 : i32
    %add3A_1501 = arith.addi %mul3A_2, %add3A_1500 : i32
    %run_scoped3A_1502 = arith.constant 0 : i32
    "tpu.region"() ({
      %run_scoped3A_3346 = tpu.sem_alloc : memref<!tpu.dma_semaphore, #tpu.memory_space<semaphore_mem>>
      %dma_start3A_3347 = arith.constant 0 : i32
      %dma_start3A_3348 = tpu.memref_slice %arg6[%run_scoped3A_1502, %dma_start3A_3347] : memref<2x4096xf32, #tpu.memory_space<vmem>> -> memref<1x4096xf32, #tpu.memory_space<vmem>>
      %dma_start3A_3349 = tpu.memref_squeeze %dma_start3A_3348 : memref<1x4096xf32, #tpu.memory_space<vmem>> -> memref<4096xf32, #tpu.memory_space<vmem>>
      %dma_start3A_3350 = arith.constant 0 : i32
      %dma_start3A_3351 = tpu.memref_slice %arg4[%add3A_1501, %dma_start3A_3350] : memref<832x4096xf32, #tpu.memory_space<hbm>> -> memref<1x4096xf32, #tpu.memory_space<hbm>>
      %dma_start3A_3352 = tpu.memref_squeeze %dma_start3A_3351 : memref<1x4096xf32, #tpu.memory_space<hbm>> -> memref<4096xf32, #tpu.memory_space<hbm>>
      %dma_start3A_3353 = arith.constant 0 : i32
      %dma_start3A_3354 = tpu.memref_slice %arg4[%add3A_1501, %dma_start3A_3353] : memref<832x4096xf32, #tpu.memory_space<hbm>> -> memref<1x4096xf32, #tpu.memory_space<hbm>>
      %dma_start3A_3355 = tpu.memref_squeeze %dma_start3A_3354 : memref<1x4096xf32, #tpu.memory_space<hbm>> -> memref<4096xf32, #tpu.memory_space<hbm>>
      %dma_start3A_3356 = arith.constant 0 : i32
      %dma_start3A_3357 = tpu.memref_slice %arg6[%run_scoped3A_1502, %dma_start3A_3356] : memref<2x4096xf32, #tpu.memory_space<vmem>> -> memref<1x4096xf32, #tpu.memory_space<vmem>>
      %dma_start3A_3358 = tpu.memref_squeeze %dma_start3A_3357 : memref<1x4096xf32, #tpu.memory_space<vmem>> -> memref<4096xf32, #tpu.memory_space<vmem>>
      tpu.enqueue_dma source(%dma_start3A_3358 : memref<4096xf32, #tpu.memory_space<vmem>>) target(%dma_start3A_3355 : memref<4096xf32, #tpu.memory_space<hbm>>) target_semaphore(%run_scoped3A_3346 : memref<!tpu.dma_semaphore, #tpu.memory_space<semaphore_mem>>)
      %dma_wait3A_3359 = arith.constant 0 : i32
      %dma_wait3A_3360 = tpu.memref_slice %arg6[%run_scoped3A_1502, %dma_wait3A_3359] : memref<2x4096xf32, #tpu.memory_space<vmem>> -> memref<1x4096xf32, #tpu.memory_space<vmem>>
      %dma_wait3A_3361 = tpu.memref_squeeze %dma_wait3A_3360 : memref<1x4096xf32, #tpu.memory_space<vmem>> -> memref<4096xf32, #tpu.memory_space<vmem>>
      %dma_wait3A_3362 = arith.constant 0 : i32
      %dma_wait3A_3363 = tpu.memref_slice %arg4[%add3A_1501, %dma_wait3A_3362] : memref<832x4096xf32, #tpu.memory_space<hbm>> -> memref<1x4096xf32, #tpu.memory_space<hbm>>
      %dma_wait3A_3364 = tpu.memref_squeeze %dma_wait3A_3363 : memref<1x4096xf32, #tpu.memory_space<hbm>> -> memref<4096xf32, #tpu.memory_space<hbm>>
      %dma_wait3A_3365 = arith.constant 0 : i32
      %dma_wait3A_3366 = tpu.memref_slice %arg4[%add3A_1501, %dma_wait3A_3365] : memref<832x4096xf32, #tpu.memory_space<hbm>> -> memref<1x4096xf32, #tpu.memory_space<hbm>>
      %dma_wait3A_3367 = tpu.memref_squeeze %dma_wait3A_3366 : memref<1x4096xf32, #tpu.memory_space<hbm>> -> memref<4096xf32, #tpu.memory_space<hbm>>
      %dma_wait3A_3368 = arith.constant 0 : i32
      %dma_wait3A_3369 = tpu.memref_slice %arg6[%run_scoped3A_1502, %dma_wait3A_3368] : memref<2x4096xf32, #tpu.memory_space<vmem>> -> memref<1x4096xf32, #tpu.memory_space<vmem>>
      %dma_wait3A_3370 = tpu.memref_squeeze %dma_wait3A_3369 : memref<1x4096xf32, #tpu.memory_space<vmem>> -> memref<4096xf32, #tpu.memory_space<vmem>>
      tpu.wait_dma2 semaphore(%run_scoped3A_3346 : memref<!tpu.dma_semaphore, #tpu.memory_space<semaphore_mem>>) src(%dma_wait3A_3370 : memref<4096xf32, #tpu.memory_space<vmem>>) dst(%dma_wait3A_3367 : memref<4096xf32, #tpu.memory_space<hbm>>)
      tpu.yield
    }) : () -> ()
    %add3A_1503 = arith.constant 11 : i32
    %add3A_1504 = arith.addi %mul3A_2, %add3A_1503 : i32
    %jit3A_1505 = arith.constant 32 : i32
    %div3A_1506 = arith.divsi %add3A_1504, %jit3A_1505 : i32
    %sign3A_1507 = arith.constant 0 : i32
    %sign3A_1508 = arith.cmpi sgt, %add3A_1504, %sign3A_1507 : i32
    %sign3A_1509 = arith.extui %sign3A_1508 : i1 to i32
    %sign3A_1510 = arith.constant 0 : i32
    %sign3A_1511 = arith.cmpi slt, %add3A_1504, %sign3A_1510 : i32
    %sign3A_1512 = arith.extui %sign3A_1511 : i1 to i32
    %sign3A_1513 = arith.subi %sign3A_1509, %sign3A_1512 : i32
    %sign3A_1514 = arith.constant 0 : i32
    %sign3A_1515 = arith.cmpi sgt, %jit3A_1505, %sign3A_1514 : i32
    %sign3A_1516 = arith.extui %sign3A_1515 : i1 to i32
    %sign3A_1517 = arith.constant 0 : i32
    %sign3A_1518 = arith.cmpi slt, %jit3A_1505, %sign3A_1517 : i32
    %sign3A_1519 = arith.extui %sign3A_1518 : i1 to i32
    %sign3A_1520 = arith.subi %sign3A_1516, %sign3A_1519 : i32
    %ne3A_1521 = arith.cmpi ne, %sign3A_1513, %sign3A_1520 : i32
    %rem3A_1522 = arith.remsi %add3A_1504, %jit3A_1505 : i32
    %ne3A_1523 = arith.constant 0 : i32
    %ne3A_1524 = arith.cmpi ne, %rem3A_1522, %ne3A_1523 : i32
    %and3A_1525 = arith.andi %ne3A_1521, %ne3A_1524 : i1
    %sub3A_1526 = arith.constant 1 : i32
    %sub3A_1527 = arith.subi %div3A_1506, %sub3A_1526 : i32
    %select_n3A_1528 = arith.select %and3A_1525, %sub3A_1527, %div3A_1506 : i32
    %jit3A_1529 = arith.constant 32 : i32
    %eq3A_1530 = arith.constant 0 : i32
    %eq3A_1531 = arith.cmpi eq, %jit3A_1529, %eq3A_1530 : i32
    %jit3A_1532 = arith.constant 1 : i32
    %select_n3A_1533 = arith.select %eq3A_1531, %jit3A_1532, %jit3A_1529 : i32
    %rem3A_1534 = arith.remsi %add3A_1504, %select_n3A_1533 : i32
    %ne3A_1535 = arith.constant 0 : i32
    %ne3A_1536 = arith.cmpi ne, %rem3A_1534, %ne3A_1535 : i32
    %lt3A_1537 = arith.constant 0 : i32
    %lt3A_1538 = arith.cmpi slt, %rem3A_1534, %lt3A_1537 : i32
    %lt3A_1539 = arith.constant 0 : i32
    %lt3A_1540 = arith.cmpi slt, %select_n3A_1533, %lt3A_1539 : i32
    %ne3A_1541 = arith.xori %lt3A_1538, %lt3A_1540 : i1
    %and3A_1542 = arith.andi %ne3A_1541, %ne3A_1536 : i1
    %add3A_1543 = arith.addi %rem3A_1534, %select_n3A_1533 : i32
    %select_n3A_1544 = arith.select %and3A_1542, %add3A_1543, %rem3A_1534 : i32
    %eq3A_1545 = arith.cmpi eq, %select_n3A_1528, %select_n3A : i32
    %jit3A_1546 = arith.constant 0 : i32
    %jit3A_1547 = arith.constant 1 : i32
    %select_n3A_1548 = arith.select %eq3A_1545, %jit3A_1546, %jit3A_1547 : i32
    %dma_wait3A_1549 = arith.constant 1 : i32
    %dma_wait3A_1550 = arith.constant 0 : i32
    %dma_wait3A_1551 = tpu.memref_slice %arg6[%dma_wait3A_1549, %dma_wait3A_1550] : memref<2x4096xf32, #tpu.memory_space<vmem>> -> memref<1x4096xf32, #tpu.memory_space<vmem>>
    %dma_wait3A_1552 = tpu.memref_squeeze %dma_wait3A_1551 : memref<1x4096xf32, #tpu.memory_space<vmem>> -> memref<4096xf32, #tpu.memory_space<vmem>>
    %dma_wait3A_1553 = arith.constant 0 : i32
    %dma_wait3A_1554 = tpu.memref_slice %arg5[%select_n3A_1548, %dma_wait3A_1553] : memref<2x4096xi32, #tpu.memory_space<vmem>> -> memref<1x4096xi32, #tpu.memory_space<vmem>>
    %dma_wait3A_1555 = tpu.memref_squeeze %dma_wait3A_1554 : memref<1x4096xi32, #tpu.memory_space<vmem>> -> memref<4096xi32, #tpu.memory_space<vmem>>
    %dma_wait3A_1556 = arith.constant 0 : i32
    %dma_wait3A_1557 = arith.constant 0 : i32
    %dma_wait3A_1558 = tpu.memref_slice %arg2[%select_n3A_1528, %dma_wait3A_1556, %dma_wait3A_1557] : memref<26x32x100000xf32, #tpu.memory_space<hbm>> -> memref<1x32x100000xf32, #tpu.memory_space<hbm>>
    %dma_wait3A_1559 = tpu.memref_squeeze %dma_wait3A_1558 : memref<1x32x100000xf32, #tpu.memory_space<hbm>> -> memref<32x100000xf32, #tpu.memory_space<hbm>>
    %dma_wait3A_1560 = arith.constant 0 : i32
    %dma_wait3A_1561 = tpu.memref_slice %dma_wait3A_1559[%select_n3A_1544, %dma_wait3A_1560] : memref<32x100000xf32, #tpu.memory_space<hbm>> -> memref<1x100000xf32, #tpu.memory_space<hbm>>
    %dma_wait3A_1562 = tpu.memref_squeeze %dma_wait3A_1561 : memref<1x100000xf32, #tpu.memory_space<hbm>> -> memref<100000xf32, #tpu.memory_space<hbm>>
    %dma_wait3A_1563 = arith.constant 0 : i32
    %dma_wait3A_1564 = tpu.memref_slice %dma_wait3A_1562[%dma_wait3A_1563] : memref<100000xf32, #tpu.memory_space<hbm>> -> memref<100000xf32, #tpu.memory_space<hbm>>
    tpu.wait_indirect_dma semaphore(%arg7 : memref<!tpu.dma_semaphore, #tpu.memory_space<semaphore_mem>>) src(%dma_wait3A_1564 : memref<100000xf32, #tpu.memory_space<hbm>>) dst(%dma_wait3A_1552 : memref<4096xf32, #tpu.memory_space<vmem>>)
    %add3A_1565 = arith.constant 12 : i32
    %add3A_1566 = arith.addi %mul3A_2, %add3A_1565 : i32
    %jit3A_1567 = arith.constant 32 : i32
    %div3A_1568 = arith.divsi %add3A_1566, %jit3A_1567 : i32
    %sign3A_1569 = arith.constant 0 : i32
    %sign3A_1570 = arith.cmpi sgt, %add3A_1566, %sign3A_1569 : i32
    %sign3A_1571 = arith.extui %sign3A_1570 : i1 to i32
    %sign3A_1572 = arith.constant 0 : i32
    %sign3A_1573 = arith.cmpi slt, %add3A_1566, %sign3A_1572 : i32
    %sign3A_1574 = arith.extui %sign3A_1573 : i1 to i32
    %sign3A_1575 = arith.subi %sign3A_1571, %sign3A_1574 : i32
    %sign3A_1576 = arith.constant 0 : i32
    %sign3A_1577 = arith.cmpi sgt, %jit3A_1567, %sign3A_1576 : i32
    %sign3A_1578 = arith.extui %sign3A_1577 : i1 to i32
    %sign3A_1579 = arith.constant 0 : i32
    %sign3A_1580 = arith.cmpi slt, %jit3A_1567, %sign3A_1579 : i32
    %sign3A_1581 = arith.extui %sign3A_1580 : i1 to i32
    %sign3A_1582 = arith.subi %sign3A_1578, %sign3A_1581 : i32
    %ne3A_1583 = arith.cmpi ne, %sign3A_1575, %sign3A_1582 : i32
    %rem3A_1584 = arith.remsi %add3A_1566, %jit3A_1567 : i32
    %ne3A_1585 = arith.constant 0 : i32
    %ne3A_1586 = arith.cmpi ne, %rem3A_1584, %ne3A_1585 : i32
    %and3A_1587 = arith.andi %ne3A_1583, %ne3A_1586 : i1
    %sub3A_1588 = arith.constant 1 : i32
    %sub3A_1589 = arith.subi %div3A_1568, %sub3A_1588 : i32
    %select_n3A_1590 = arith.select %and3A_1587, %sub3A_1589, %div3A_1568 : i32
    %jit3A_1591 = arith.constant 32 : i32
    %eq3A_1592 = arith.constant 0 : i32
    %eq3A_1593 = arith.cmpi eq, %jit3A_1591, %eq3A_1592 : i32
    %jit3A_1594 = arith.constant 1 : i32
    %select_n3A_1595 = arith.select %eq3A_1593, %jit3A_1594, %jit3A_1591 : i32
    %rem3A_1596 = arith.remsi %add3A_1566, %select_n3A_1595 : i32
    %ne3A_1597 = arith.constant 0 : i32
    %ne3A_1598 = arith.cmpi ne, %rem3A_1596, %ne3A_1597 : i32
    %lt3A_1599 = arith.constant 0 : i32
    %lt3A_1600 = arith.cmpi slt, %rem3A_1596, %lt3A_1599 : i32
    %lt3A_1601 = arith.constant 0 : i32
    %lt3A_1602 = arith.cmpi slt, %select_n3A_1595, %lt3A_1601 : i32
    %ne3A_1603 = arith.xori %lt3A_1600, %lt3A_1602 : i1
    %and3A_1604 = arith.andi %ne3A_1603, %ne3A_1598 : i1
    %add3A_1605 = arith.addi %rem3A_1596, %select_n3A_1595 : i32
    %select_n3A_1606 = arith.select %and3A_1604, %add3A_1605, %rem3A_1596 : i32
    %eq3A_1607 = arith.cmpi eq, %select_n3A_1590, %select_n3A : i32
    %jit3A_1608 = arith.constant 0 : i32
    %jit3A_1609 = arith.constant 1 : i32
    %select_n3A_1610 = arith.select %eq3A_1607, %jit3A_1608, %jit3A_1609 : i32
    %dma_start3A_1611 = arith.constant 0 : i32
    %dma_start3A_1612 = arith.constant 0 : i32
    %dma_start3A_1613 = tpu.memref_slice %arg6[%dma_start3A_1611, %dma_start3A_1612] : memref<2x4096xf32, #tpu.memory_space<vmem>> -> memref<1x4096xf32, #tpu.memory_space<vmem>>
    %dma_start3A_1614 = tpu.memref_squeeze %dma_start3A_1613 : memref<1x4096xf32, #tpu.memory_space<vmem>> -> memref<4096xf32, #tpu.memory_space<vmem>>
    %dma_start3A_1615 = arith.constant 0 : i32
    %dma_start3A_1616 = tpu.memref_slice %arg5[%select_n3A_1610, %dma_start3A_1615] : memref<2x4096xi32, #tpu.memory_space<vmem>> -> memref<1x4096xi32, #tpu.memory_space<vmem>>
    %dma_start3A_1617 = tpu.memref_squeeze %dma_start3A_1616 : memref<1x4096xi32, #tpu.memory_space<vmem>> -> memref<4096xi32, #tpu.memory_space<vmem>>
    %dma_start3A_1618 = arith.constant 0 : i32
    %dma_start3A_1619 = arith.constant 0 : i32
    %dma_start3A_1620 = tpu.memref_slice %arg2[%select_n3A_1590, %dma_start3A_1618, %dma_start3A_1619] : memref<26x32x100000xf32, #tpu.memory_space<hbm>> -> memref<1x32x100000xf32, #tpu.memory_space<hbm>>
    %dma_start3A_1621 = tpu.memref_squeeze %dma_start3A_1620 : memref<1x32x100000xf32, #tpu.memory_space<hbm>> -> memref<32x100000xf32, #tpu.memory_space<hbm>>
    %dma_start3A_1622 = arith.constant 0 : i32
    %dma_start3A_1623 = tpu.memref_slice %dma_start3A_1621[%select_n3A_1606, %dma_start3A_1622] : memref<32x100000xf32, #tpu.memory_space<hbm>> -> memref<1x100000xf32, #tpu.memory_space<hbm>>
    %dma_start3A_1624 = tpu.memref_squeeze %dma_start3A_1623 : memref<1x100000xf32, #tpu.memory_space<hbm>> -> memref<100000xf32, #tpu.memory_space<hbm>>
    %dma_start3A_1625 = arith.constant 0 : i32
    %dma_start3A_1626 = tpu.memref_slice %dma_start3A_1624[%dma_start3A_1625] : memref<100000xf32, #tpu.memory_space<hbm>> -> memref<100000xf32, #tpu.memory_space<hbm>>
    tpu.enqueue_indirect_dma source(%dma_start3A_1626 : memref<100000xf32, #tpu.memory_space<hbm>>) target(%dma_start3A_1614 : memref<4096xf32, #tpu.memory_space<vmem>>) offsets(%dma_start3A_1617 : memref<4096xi32, #tpu.memory_space<vmem>>) semaphore(%arg7 : memref<!tpu.dma_semaphore, #tpu.memory_space<semaphore_mem>>)
    %add3A_1627 = arith.constant 11 : i32
    %add3A_1628 = arith.addi %mul3A_2, %add3A_1627 : i32
    %run_scoped3A_1629 = arith.constant 1 : i32
    "tpu.region"() ({
      %run_scoped3A_3346 = tpu.sem_alloc : memref<!tpu.dma_semaphore, #tpu.memory_space<semaphore_mem>>
      %dma_start3A_3347 = arith.constant 0 : i32
      %dma_start3A_3348 = tpu.memref_slice %arg6[%run_scoped3A_1629, %dma_start3A_3347] : memref<2x4096xf32, #tpu.memory_space<vmem>> -> memref<1x4096xf32, #tpu.memory_space<vmem>>
      %dma_start3A_3349 = tpu.memref_squeeze %dma_start3A_3348 : memref<1x4096xf32, #tpu.memory_space<vmem>> -> memref<4096xf32, #tpu.memory_space<vmem>>
      %dma_start3A_3350 = arith.constant 0 : i32
      %dma_start3A_3351 = tpu.memref_slice %arg4[%add3A_1628, %dma_start3A_3350] : memref<832x4096xf32, #tpu.memory_space<hbm>> -> memref<1x4096xf32, #tpu.memory_space<hbm>>
      %dma_start3A_3352 = tpu.memref_squeeze %dma_start3A_3351 : memref<1x4096xf32, #tpu.memory_space<hbm>> -> memref<4096xf32, #tpu.memory_space<hbm>>
      %dma_start3A_3353 = arith.constant 0 : i32
      %dma_start3A_3354 = tpu.memref_slice %arg4[%add3A_1628, %dma_start3A_3353] : memref<832x4096xf32, #tpu.memory_space<hbm>> -> memref<1x4096xf32, #tpu.memory_space<hbm>>
      %dma_start3A_3355 = tpu.memref_squeeze %dma_start3A_3354 : memref<1x4096xf32, #tpu.memory_space<hbm>> -> memref<4096xf32, #tpu.memory_space<hbm>>
      %dma_start3A_3356 = arith.constant 0 : i32
      %dma_start3A_3357 = tpu.memref_slice %arg6[%run_scoped3A_1629, %dma_start3A_3356] : memref<2x4096xf32, #tpu.memory_space<vmem>> -> memref<1x4096xf32, #tpu.memory_space<vmem>>
      %dma_start3A_3358 = tpu.memref_squeeze %dma_start3A_3357 : memref<1x4096xf32, #tpu.memory_space<vmem>> -> memref<4096xf32, #tpu.memory_space<vmem>>
      tpu.enqueue_dma source(%dma_start3A_3358 : memref<4096xf32, #tpu.memory_space<vmem>>) target(%dma_start3A_3355 : memref<4096xf32, #tpu.memory_space<hbm>>) target_semaphore(%run_scoped3A_3346 : memref<!tpu.dma_semaphore, #tpu.memory_space<semaphore_mem>>)
      %dma_wait3A_3359 = arith.constant 0 : i32
      %dma_wait3A_3360 = tpu.memref_slice %arg6[%run_scoped3A_1629, %dma_wait3A_3359] : memref<2x4096xf32, #tpu.memory_space<vmem>> -> memref<1x4096xf32, #tpu.memory_space<vmem>>
      %dma_wait3A_3361 = tpu.memref_squeeze %dma_wait3A_3360 : memref<1x4096xf32, #tpu.memory_space<vmem>> -> memref<4096xf32, #tpu.memory_space<vmem>>
      %dma_wait3A_3362 = arith.constant 0 : i32
      %dma_wait3A_3363 = tpu.memref_slice %arg4[%add3A_1628, %dma_wait3A_3362] : memref<832x4096xf32, #tpu.memory_space<hbm>> -> memref<1x4096xf32, #tpu.memory_space<hbm>>
      %dma_wait3A_3364 = tpu.memref_squeeze %dma_wait3A_3363 : memref<1x4096xf32, #tpu.memory_space<hbm>> -> memref<4096xf32, #tpu.memory_space<hbm>>
      %dma_wait3A_3365 = arith.constant 0 : i32
      %dma_wait3A_3366 = tpu.memref_slice %arg4[%add3A_1628, %dma_wait3A_3365] : memref<832x4096xf32, #tpu.memory_space<hbm>> -> memref<1x4096xf32, #tpu.memory_space<hbm>>
      %dma_wait3A_3367 = tpu.memref_squeeze %dma_wait3A_3366 : memref<1x4096xf32, #tpu.memory_space<hbm>> -> memref<4096xf32, #tpu.memory_space<hbm>>
      %dma_wait3A_3368 = arith.constant 0 : i32
      %dma_wait3A_3369 = tpu.memref_slice %arg6[%run_scoped3A_1629, %dma_wait3A_3368] : memref<2x4096xf32, #tpu.memory_space<vmem>> -> memref<1x4096xf32, #tpu.memory_space<vmem>>
      %dma_wait3A_3370 = tpu.memref_squeeze %dma_wait3A_3369 : memref<1x4096xf32, #tpu.memory_space<vmem>> -> memref<4096xf32, #tpu.memory_space<vmem>>
      tpu.wait_dma2 semaphore(%run_scoped3A_3346 : memref<!tpu.dma_semaphore, #tpu.memory_space<semaphore_mem>>) src(%dma_wait3A_3370 : memref<4096xf32, #tpu.memory_space<vmem>>) dst(%dma_wait3A_3367 : memref<4096xf32, #tpu.memory_space<hbm>>)
      tpu.yield
    }) : () -> ()
    %add3A_1630 = arith.constant 12 : i32
    %add3A_1631 = arith.addi %mul3A_2, %add3A_1630 : i32
    %jit3A_1632 = arith.constant 32 : i32
    %div3A_1633 = arith.divsi %add3A_1631, %jit3A_1632 : i32
    %sign3A_1634 = arith.constant 0 : i32
    %sign3A_1635 = arith.cmpi sgt, %add3A_1631, %sign3A_1634 : i32
    %sign3A_1636 = arith.extui %sign3A_1635 : i1 to i32
    %sign3A_1637 = arith.constant 0 : i32
    %sign3A_1638 = arith.cmpi slt, %add3A_1631, %sign3A_1637 : i32
    %sign3A_1639 = arith.extui %sign3A_1638 : i1 to i32
    %sign3A_1640 = arith.subi %sign3A_1636, %sign3A_1639 : i32
    %sign3A_1641 = arith.constant 0 : i32
    %sign3A_1642 = arith.cmpi sgt, %jit3A_1632, %sign3A_1641 : i32
    %sign3A_1643 = arith.extui %sign3A_1642 : i1 to i32
    %sign3A_1644 = arith.constant 0 : i32
    %sign3A_1645 = arith.cmpi slt, %jit3A_1632, %sign3A_1644 : i32
    %sign3A_1646 = arith.extui %sign3A_1645 : i1 to i32
    %sign3A_1647 = arith.subi %sign3A_1643, %sign3A_1646 : i32
    %ne3A_1648 = arith.cmpi ne, %sign3A_1640, %sign3A_1647 : i32
    %rem3A_1649 = arith.remsi %add3A_1631, %jit3A_1632 : i32
    %ne3A_1650 = arith.constant 0 : i32
    %ne3A_1651 = arith.cmpi ne, %rem3A_1649, %ne3A_1650 : i32
    %and3A_1652 = arith.andi %ne3A_1648, %ne3A_1651 : i1
    %sub3A_1653 = arith.constant 1 : i32
    %sub3A_1654 = arith.subi %div3A_1633, %sub3A_1653 : i32
    %select_n3A_1655 = arith.select %and3A_1652, %sub3A_1654, %div3A_1633 : i32
    %jit3A_1656 = arith.constant 32 : i32
    %eq3A_1657 = arith.constant 0 : i32
    %eq3A_1658 = arith.cmpi eq, %jit3A_1656, %eq3A_1657 : i32
    %jit3A_1659 = arith.constant 1 : i32
    %select_n3A_1660 = arith.select %eq3A_1658, %jit3A_1659, %jit3A_1656 : i32
    %rem3A_1661 = arith.remsi %add3A_1631, %select_n3A_1660 : i32
    %ne3A_1662 = arith.constant 0 : i32
    %ne3A_1663 = arith.cmpi ne, %rem3A_1661, %ne3A_1662 : i32
    %lt3A_1664 = arith.constant 0 : i32
    %lt3A_1665 = arith.cmpi slt, %rem3A_1661, %lt3A_1664 : i32
    %lt3A_1666 = arith.constant 0 : i32
    %lt3A_1667 = arith.cmpi slt, %select_n3A_1660, %lt3A_1666 : i32
    %ne3A_1668 = arith.xori %lt3A_1665, %lt3A_1667 : i1
    %and3A_1669 = arith.andi %ne3A_1668, %ne3A_1663 : i1
    %add3A_1670 = arith.addi %rem3A_1661, %select_n3A_1660 : i32
    %select_n3A_1671 = arith.select %and3A_1669, %add3A_1670, %rem3A_1661 : i32
    %eq3A_1672 = arith.cmpi eq, %select_n3A_1655, %select_n3A : i32
    %jit3A_1673 = arith.constant 0 : i32
    %jit3A_1674 = arith.constant 1 : i32
    %select_n3A_1675 = arith.select %eq3A_1672, %jit3A_1673, %jit3A_1674 : i32
    %dma_wait3A_1676 = arith.constant 0 : i32
    %dma_wait3A_1677 = arith.constant 0 : i32
    %dma_wait3A_1678 = tpu.memref_slice %arg6[%dma_wait3A_1676, %dma_wait3A_1677] : memref<2x4096xf32, #tpu.memory_space<vmem>> -> memref<1x4096xf32, #tpu.memory_space<vmem>>
    %dma_wait3A_1679 = tpu.memref_squeeze %dma_wait3A_1678 : memref<1x4096xf32, #tpu.memory_space<vmem>> -> memref<4096xf32, #tpu.memory_space<vmem>>
    %dma_wait3A_1680 = arith.constant 0 : i32
    %dma_wait3A_1681 = tpu.memref_slice %arg5[%select_n3A_1675, %dma_wait3A_1680] : memref<2x4096xi32, #tpu.memory_space<vmem>> -> memref<1x4096xi32, #tpu.memory_space<vmem>>
    %dma_wait3A_1682 = tpu.memref_squeeze %dma_wait3A_1681 : memref<1x4096xi32, #tpu.memory_space<vmem>> -> memref<4096xi32, #tpu.memory_space<vmem>>
    %dma_wait3A_1683 = arith.constant 0 : i32
    %dma_wait3A_1684 = arith.constant 0 : i32
    %dma_wait3A_1685 = tpu.memref_slice %arg2[%select_n3A_1655, %dma_wait3A_1683, %dma_wait3A_1684] : memref<26x32x100000xf32, #tpu.memory_space<hbm>> -> memref<1x32x100000xf32, #tpu.memory_space<hbm>>
    %dma_wait3A_1686 = tpu.memref_squeeze %dma_wait3A_1685 : memref<1x32x100000xf32, #tpu.memory_space<hbm>> -> memref<32x100000xf32, #tpu.memory_space<hbm>>
    %dma_wait3A_1687 = arith.constant 0 : i32
    %dma_wait3A_1688 = tpu.memref_slice %dma_wait3A_1686[%select_n3A_1671, %dma_wait3A_1687] : memref<32x100000xf32, #tpu.memory_space<hbm>> -> memref<1x100000xf32, #tpu.memory_space<hbm>>
    %dma_wait3A_1689 = tpu.memref_squeeze %dma_wait3A_1688 : memref<1x100000xf32, #tpu.memory_space<hbm>> -> memref<100000xf32, #tpu.memory_space<hbm>>
    %dma_wait3A_1690 = arith.constant 0 : i32
    %dma_wait3A_1691 = tpu.memref_slice %dma_wait3A_1689[%dma_wait3A_1690] : memref<100000xf32, #tpu.memory_space<hbm>> -> memref<100000xf32, #tpu.memory_space<hbm>>
    tpu.wait_indirect_dma semaphore(%arg7 : memref<!tpu.dma_semaphore, #tpu.memory_space<semaphore_mem>>) src(%dma_wait3A_1691 : memref<100000xf32, #tpu.memory_space<hbm>>) dst(%dma_wait3A_1679 : memref<4096xf32, #tpu.memory_space<vmem>>)
    %add3A_1692 = arith.constant 13 : i32
    %add3A_1693 = arith.addi %mul3A_2, %add3A_1692 : i32
    %jit3A_1694 = arith.constant 32 : i32
    %div3A_1695 = arith.divsi %add3A_1693, %jit3A_1694 : i32
    %sign3A_1696 = arith.constant 0 : i32
    %sign3A_1697 = arith.cmpi sgt, %add3A_1693, %sign3A_1696 : i32
    %sign3A_1698 = arith.extui %sign3A_1697 : i1 to i32
    %sign3A_1699 = arith.constant 0 : i32
    %sign3A_1700 = arith.cmpi slt, %add3A_1693, %sign3A_1699 : i32
    %sign3A_1701 = arith.extui %sign3A_1700 : i1 to i32
    %sign3A_1702 = arith.subi %sign3A_1698, %sign3A_1701 : i32
    %sign3A_1703 = arith.constant 0 : i32
    %sign3A_1704 = arith.cmpi sgt, %jit3A_1694, %sign3A_1703 : i32
    %sign3A_1705 = arith.extui %sign3A_1704 : i1 to i32
    %sign3A_1706 = arith.constant 0 : i32
    %sign3A_1707 = arith.cmpi slt, %jit3A_1694, %sign3A_1706 : i32
    %sign3A_1708 = arith.extui %sign3A_1707 : i1 to i32
    %sign3A_1709 = arith.subi %sign3A_1705, %sign3A_1708 : i32
    %ne3A_1710 = arith.cmpi ne, %sign3A_1702, %sign3A_1709 : i32
    %rem3A_1711 = arith.remsi %add3A_1693, %jit3A_1694 : i32
    %ne3A_1712 = arith.constant 0 : i32
    %ne3A_1713 = arith.cmpi ne, %rem3A_1711, %ne3A_1712 : i32
    %and3A_1714 = arith.andi %ne3A_1710, %ne3A_1713 : i1
    %sub3A_1715 = arith.constant 1 : i32
    %sub3A_1716 = arith.subi %div3A_1695, %sub3A_1715 : i32
    %select_n3A_1717 = arith.select %and3A_1714, %sub3A_1716, %div3A_1695 : i32
    %jit3A_1718 = arith.constant 32 : i32
    %eq3A_1719 = arith.constant 0 : i32
    %eq3A_1720 = arith.cmpi eq, %jit3A_1718, %eq3A_1719 : i32
    %jit3A_1721 = arith.constant 1 : i32
    %select_n3A_1722 = arith.select %eq3A_1720, %jit3A_1721, %jit3A_1718 : i32
    %rem3A_1723 = arith.remsi %add3A_1693, %select_n3A_1722 : i32
    %ne3A_1724 = arith.constant 0 : i32
    %ne3A_1725 = arith.cmpi ne, %rem3A_1723, %ne3A_1724 : i32
    %lt3A_1726 = arith.constant 0 : i32
    %lt3A_1727 = arith.cmpi slt, %rem3A_1723, %lt3A_1726 : i32
    %lt3A_1728 = arith.constant 0 : i32
    %lt3A_1729 = arith.cmpi slt, %select_n3A_1722, %lt3A_1728 : i32
    %ne3A_1730 = arith.xori %lt3A_1727, %lt3A_1729 : i1
    %and3A_1731 = arith.andi %ne3A_1730, %ne3A_1725 : i1
    %add3A_1732 = arith.addi %rem3A_1723, %select_n3A_1722 : i32
    %select_n3A_1733 = arith.select %and3A_1731, %add3A_1732, %rem3A_1723 : i32
    %eq3A_1734 = arith.cmpi eq, %select_n3A_1717, %select_n3A : i32
    %jit3A_1735 = arith.constant 0 : i32
    %jit3A_1736 = arith.constant 1 : i32
    %select_n3A_1737 = arith.select %eq3A_1734, %jit3A_1735, %jit3A_1736 : i32
    %dma_start3A_1738 = arith.constant 1 : i32
    %dma_start3A_1739 = arith.constant 0 : i32
    %dma_start3A_1740 = tpu.memref_slice %arg6[%dma_start3A_1738, %dma_start3A_1739] : memref<2x4096xf32, #tpu.memory_space<vmem>> -> memref<1x4096xf32, #tpu.memory_space<vmem>>
    %dma_start3A_1741 = tpu.memref_squeeze %dma_start3A_1740 : memref<1x4096xf32, #tpu.memory_space<vmem>> -> memref<4096xf32, #tpu.memory_space<vmem>>
    %dma_start3A_1742 = arith.constant 0 : i32
    %dma_start3A_1743 = tpu.memref_slice %arg5[%select_n3A_1737, %dma_start3A_1742] : memref<2x4096xi32, #tpu.memory_space<vmem>> -> memref<1x4096xi32, #tpu.memory_space<vmem>>
    %dma_start3A_1744 = tpu.memref_squeeze %dma_start3A_1743 : memref<1x4096xi32, #tpu.memory_space<vmem>> -> memref<4096xi32, #tpu.memory_space<vmem>>
    %dma_start3A_1745 = arith.constant 0 : i32
    %dma_start3A_1746 = arith.constant 0 : i32
    %dma_start3A_1747 = tpu.memref_slice %arg2[%select_n3A_1717, %dma_start3A_1745, %dma_start3A_1746] : memref<26x32x100000xf32, #tpu.memory_space<hbm>> -> memref<1x32x100000xf32, #tpu.memory_space<hbm>>
    %dma_start3A_1748 = tpu.memref_squeeze %dma_start3A_1747 : memref<1x32x100000xf32, #tpu.memory_space<hbm>> -> memref<32x100000xf32, #tpu.memory_space<hbm>>
    %dma_start3A_1749 = arith.constant 0 : i32
    %dma_start3A_1750 = tpu.memref_slice %dma_start3A_1748[%select_n3A_1733, %dma_start3A_1749] : memref<32x100000xf32, #tpu.memory_space<hbm>> -> memref<1x100000xf32, #tpu.memory_space<hbm>>
    %dma_start3A_1751 = tpu.memref_squeeze %dma_start3A_1750 : memref<1x100000xf32, #tpu.memory_space<hbm>> -> memref<100000xf32, #tpu.memory_space<hbm>>
    %dma_start3A_1752 = arith.constant 0 : i32
    %dma_start3A_1753 = tpu.memref_slice %dma_start3A_1751[%dma_start3A_1752] : memref<100000xf32, #tpu.memory_space<hbm>> -> memref<100000xf32, #tpu.memory_space<hbm>>
    tpu.enqueue_indirect_dma source(%dma_start3A_1753 : memref<100000xf32, #tpu.memory_space<hbm>>) target(%dma_start3A_1741 : memref<4096xf32, #tpu.memory_space<vmem>>) offsets(%dma_start3A_1744 : memref<4096xi32, #tpu.memory_space<vmem>>) semaphore(%arg7 : memref<!tpu.dma_semaphore, #tpu.memory_space<semaphore_mem>>)
    %add3A_1754 = arith.constant 12 : i32
    %add3A_1755 = arith.addi %mul3A_2, %add3A_1754 : i32
    %run_scoped3A_1756 = arith.constant 0 : i32
    "tpu.region"() ({
      %run_scoped3A_3346 = tpu.sem_alloc : memref<!tpu.dma_semaphore, #tpu.memory_space<semaphore_mem>>
      %dma_start3A_3347 = arith.constant 0 : i32
      %dma_start3A_3348 = tpu.memref_slice %arg6[%run_scoped3A_1756, %dma_start3A_3347] : memref<2x4096xf32, #tpu.memory_space<vmem>> -> memref<1x4096xf32, #tpu.memory_space<vmem>>
      %dma_start3A_3349 = tpu.memref_squeeze %dma_start3A_3348 : memref<1x4096xf32, #tpu.memory_space<vmem>> -> memref<4096xf32, #tpu.memory_space<vmem>>
      %dma_start3A_3350 = arith.constant 0 : i32
      %dma_start3A_3351 = tpu.memref_slice %arg4[%add3A_1755, %dma_start3A_3350] : memref<832x4096xf32, #tpu.memory_space<hbm>> -> memref<1x4096xf32, #tpu.memory_space<hbm>>
      %dma_start3A_3352 = tpu.memref_squeeze %dma_start3A_3351 : memref<1x4096xf32, #tpu.memory_space<hbm>> -> memref<4096xf32, #tpu.memory_space<hbm>>
      %dma_start3A_3353 = arith.constant 0 : i32
      %dma_start3A_3354 = tpu.memref_slice %arg4[%add3A_1755, %dma_start3A_3353] : memref<832x4096xf32, #tpu.memory_space<hbm>> -> memref<1x4096xf32, #tpu.memory_space<hbm>>
      %dma_start3A_3355 = tpu.memref_squeeze %dma_start3A_3354 : memref<1x4096xf32, #tpu.memory_space<hbm>> -> memref<4096xf32, #tpu.memory_space<hbm>>
      %dma_start3A_3356 = arith.constant 0 : i32
      %dma_start3A_3357 = tpu.memref_slice %arg6[%run_scoped3A_1756, %dma_start3A_3356] : memref<2x4096xf32, #tpu.memory_space<vmem>> -> memref<1x4096xf32, #tpu.memory_space<vmem>>
      %dma_start3A_3358 = tpu.memref_squeeze %dma_start3A_3357 : memref<1x4096xf32, #tpu.memory_space<vmem>> -> memref<4096xf32, #tpu.memory_space<vmem>>
      tpu.enqueue_dma source(%dma_start3A_3358 : memref<4096xf32, #tpu.memory_space<vmem>>) target(%dma_start3A_3355 : memref<4096xf32, #tpu.memory_space<hbm>>) target_semaphore(%run_scoped3A_3346 : memref<!tpu.dma_semaphore, #tpu.memory_space<semaphore_mem>>)
      %dma_wait3A_3359 = arith.constant 0 : i32
      %dma_wait3A_3360 = tpu.memref_slice %arg6[%run_scoped3A_1756, %dma_wait3A_3359] : memref<2x4096xf32, #tpu.memory_space<vmem>> -> memref<1x4096xf32, #tpu.memory_space<vmem>>
      %dma_wait3A_3361 = tpu.memref_squeeze %dma_wait3A_3360 : memref<1x4096xf32, #tpu.memory_space<vmem>> -> memref<4096xf32, #tpu.memory_space<vmem>>
      %dma_wait3A_3362 = arith.constant 0 : i32
      %dma_wait3A_3363 = tpu.memref_slice %arg4[%add3A_1755, %dma_wait3A_3362] : memref<832x4096xf32, #tpu.memory_space<hbm>> -> memref<1x4096xf32, #tpu.memory_space<hbm>>
      %dma_wait3A_3364 = tpu.memref_squeeze %dma_wait3A_3363 : memref<1x4096xf32, #tpu.memory_space<hbm>> -> memref<4096xf32, #tpu.memory_space<hbm>>
      %dma_wait3A_3365 = arith.constant 0 : i32
      %dma_wait3A_3366 = tpu.memref_slice %arg4[%add3A_1755, %dma_wait3A_3365] : memref<832x4096xf32, #tpu.memory_space<hbm>> -> memref<1x4096xf32, #tpu.memory_space<hbm>>
      %dma_wait3A_3367 = tpu.memref_squeeze %dma_wait3A_3366 : memref<1x4096xf32, #tpu.memory_space<hbm>> -> memref<4096xf32, #tpu.memory_space<hbm>>
      %dma_wait3A_3368 = arith.constant 0 : i32
      %dma_wait3A_3369 = tpu.memref_slice %arg6[%run_scoped3A_1756, %dma_wait3A_3368] : memref<2x4096xf32, #tpu.memory_space<vmem>> -> memref<1x4096xf32, #tpu.memory_space<vmem>>
      %dma_wait3A_3370 = tpu.memref_squeeze %dma_wait3A_3369 : memref<1x4096xf32, #tpu.memory_space<vmem>> -> memref<4096xf32, #tpu.memory_space<vmem>>
      tpu.wait_dma2 semaphore(%run_scoped3A_3346 : memref<!tpu.dma_semaphore, #tpu.memory_space<semaphore_mem>>) src(%dma_wait3A_3370 : memref<4096xf32, #tpu.memory_space<vmem>>) dst(%dma_wait3A_3367 : memref<4096xf32, #tpu.memory_space<hbm>>)
      tpu.yield
    }) : () -> ()
    %add3A_1757 = arith.constant 13 : i32
    %add3A_1758 = arith.addi %mul3A_2, %add3A_1757 : i32
    %jit3A_1759 = arith.constant 32 : i32
    %div3A_1760 = arith.divsi %add3A_1758, %jit3A_1759 : i32
    %sign3A_1761 = arith.constant 0 : i32
    %sign3A_1762 = arith.cmpi sgt, %add3A_1758, %sign3A_1761 : i32
    %sign3A_1763 = arith.extui %sign3A_1762 : i1 to i32
    %sign3A_1764 = arith.constant 0 : i32
    %sign3A_1765 = arith.cmpi slt, %add3A_1758, %sign3A_1764 : i32
    %sign3A_1766 = arith.extui %sign3A_1765 : i1 to i32
    %sign3A_1767 = arith.subi %sign3A_1763, %sign3A_1766 : i32
    %sign3A_1768 = arith.constant 0 : i32
    %sign3A_1769 = arith.cmpi sgt, %jit3A_1759, %sign3A_1768 : i32
    %sign3A_1770 = arith.extui %sign3A_1769 : i1 to i32
    %sign3A_1771 = arith.constant 0 : i32
    %sign3A_1772 = arith.cmpi slt, %jit3A_1759, %sign3A_1771 : i32
    %sign3A_1773 = arith.extui %sign3A_1772 : i1 to i32
    %sign3A_1774 = arith.subi %sign3A_1770, %sign3A_1773 : i32
    %ne3A_1775 = arith.cmpi ne, %sign3A_1767, %sign3A_1774 : i32
    %rem3A_1776 = arith.remsi %add3A_1758, %jit3A_1759 : i32
    %ne3A_1777 = arith.constant 0 : i32
    %ne3A_1778 = arith.cmpi ne, %rem3A_1776, %ne3A_1777 : i32
    %and3A_1779 = arith.andi %ne3A_1775, %ne3A_1778 : i1
    %sub3A_1780 = arith.constant 1 : i32
    %sub3A_1781 = arith.subi %div3A_1760, %sub3A_1780 : i32
    %select_n3A_1782 = arith.select %and3A_1779, %sub3A_1781, %div3A_1760 : i32
    %jit3A_1783 = arith.constant 32 : i32
    %eq3A_1784 = arith.constant 0 : i32
    %eq3A_1785 = arith.cmpi eq, %jit3A_1783, %eq3A_1784 : i32
    %jit3A_1786 = arith.constant 1 : i32
    %select_n3A_1787 = arith.select %eq3A_1785, %jit3A_1786, %jit3A_1783 : i32
    %rem3A_1788 = arith.remsi %add3A_1758, %select_n3A_1787 : i32
    %ne3A_1789 = arith.constant 0 : i32
    %ne3A_1790 = arith.cmpi ne, %rem3A_1788, %ne3A_1789 : i32
    %lt3A_1791 = arith.constant 0 : i32
    %lt3A_1792 = arith.cmpi slt, %rem3A_1788, %lt3A_1791 : i32
    %lt3A_1793 = arith.constant 0 : i32
    %lt3A_1794 = arith.cmpi slt, %select_n3A_1787, %lt3A_1793 : i32
    %ne3A_1795 = arith.xori %lt3A_1792, %lt3A_1794 : i1
    %and3A_1796 = arith.andi %ne3A_1795, %ne3A_1790 : i1
    %add3A_1797 = arith.addi %rem3A_1788, %select_n3A_1787 : i32
    %select_n3A_1798 = arith.select %and3A_1796, %add3A_1797, %rem3A_1788 : i32
    %eq3A_1799 = arith.cmpi eq, %select_n3A_1782, %select_n3A : i32
    %jit3A_1800 = arith.constant 0 : i32
    %jit3A_1801 = arith.constant 1 : i32
    %select_n3A_1802 = arith.select %eq3A_1799, %jit3A_1800, %jit3A_1801 : i32
    %dma_wait3A_1803 = arith.constant 1 : i32
    %dma_wait3A_1804 = arith.constant 0 : i32
    %dma_wait3A_1805 = tpu.memref_slice %arg6[%dma_wait3A_1803, %dma_wait3A_1804] : memref<2x4096xf32, #tpu.memory_space<vmem>> -> memref<1x4096xf32, #tpu.memory_space<vmem>>
    %dma_wait3A_1806 = tpu.memref_squeeze %dma_wait3A_1805 : memref<1x4096xf32, #tpu.memory_space<vmem>> -> memref<4096xf32, #tpu.memory_space<vmem>>
    %dma_wait3A_1807 = arith.constant 0 : i32
    %dma_wait3A_1808 = tpu.memref_slice %arg5[%select_n3A_1802, %dma_wait3A_1807] : memref<2x4096xi32, #tpu.memory_space<vmem>> -> memref<1x4096xi32, #tpu.memory_space<vmem>>
    %dma_wait3A_1809 = tpu.memref_squeeze %dma_wait3A_1808 : memref<1x4096xi32, #tpu.memory_space<vmem>> -> memref<4096xi32, #tpu.memory_space<vmem>>
    %dma_wait3A_1810 = arith.constant 0 : i32
    %dma_wait3A_1811 = arith.constant 0 : i32
    %dma_wait3A_1812 = tpu.memref_slice %arg2[%select_n3A_1782, %dma_wait3A_1810, %dma_wait3A_1811] : memref<26x32x100000xf32, #tpu.memory_space<hbm>> -> memref<1x32x100000xf32, #tpu.memory_space<hbm>>
    %dma_wait3A_1813 = tpu.memref_squeeze %dma_wait3A_1812 : memref<1x32x100000xf32, #tpu.memory_space<hbm>> -> memref<32x100000xf32, #tpu.memory_space<hbm>>
    %dma_wait3A_1814 = arith.constant 0 : i32
    %dma_wait3A_1815 = tpu.memref_slice %dma_wait3A_1813[%select_n3A_1798, %dma_wait3A_1814] : memref<32x100000xf32, #tpu.memory_space<hbm>> -> memref<1x100000xf32, #tpu.memory_space<hbm>>
    %dma_wait3A_1816 = tpu.memref_squeeze %dma_wait3A_1815 : memref<1x100000xf32, #tpu.memory_space<hbm>> -> memref<100000xf32, #tpu.memory_space<hbm>>
    %dma_wait3A_1817 = arith.constant 0 : i32
    %dma_wait3A_1818 = tpu.memref_slice %dma_wait3A_1816[%dma_wait3A_1817] : memref<100000xf32, #tpu.memory_space<hbm>> -> memref<100000xf32, #tpu.memory_space<hbm>>
    tpu.wait_indirect_dma semaphore(%arg7 : memref<!tpu.dma_semaphore, #tpu.memory_space<semaphore_mem>>) src(%dma_wait3A_1818 : memref<100000xf32, #tpu.memory_space<hbm>>) dst(%dma_wait3A_1806 : memref<4096xf32, #tpu.memory_space<vmem>>)
    %add3A_1819 = arith.constant 14 : i32
    %add3A_1820 = arith.addi %mul3A_2, %add3A_1819 : i32
    %jit3A_1821 = arith.constant 32 : i32
    %div3A_1822 = arith.divsi %add3A_1820, %jit3A_1821 : i32
    %sign3A_1823 = arith.constant 0 : i32
    %sign3A_1824 = arith.cmpi sgt, %add3A_1820, %sign3A_1823 : i32
    %sign3A_1825 = arith.extui %sign3A_1824 : i1 to i32
    %sign3A_1826 = arith.constant 0 : i32
    %sign3A_1827 = arith.cmpi slt, %add3A_1820, %sign3A_1826 : i32
    %sign3A_1828 = arith.extui %sign3A_1827 : i1 to i32
    %sign3A_1829 = arith.subi %sign3A_1825, %sign3A_1828 : i32
    %sign3A_1830 = arith.constant 0 : i32
    %sign3A_1831 = arith.cmpi sgt, %jit3A_1821, %sign3A_1830 : i32
    %sign3A_1832 = arith.extui %sign3A_1831 : i1 to i32
    %sign3A_1833 = arith.constant 0 : i32
    %sign3A_1834 = arith.cmpi slt, %jit3A_1821, %sign3A_1833 : i32
    %sign3A_1835 = arith.extui %sign3A_1834 : i1 to i32
    %sign3A_1836 = arith.subi %sign3A_1832, %sign3A_1835 : i32
    %ne3A_1837 = arith.cmpi ne, %sign3A_1829, %sign3A_1836 : i32
    %rem3A_1838 = arith.remsi %add3A_1820, %jit3A_1821 : i32
    %ne3A_1839 = arith.constant 0 : i32
    %ne3A_1840 = arith.cmpi ne, %rem3A_1838, %ne3A_1839 : i32
    %and3A_1841 = arith.andi %ne3A_1837, %ne3A_1840 : i1
    %sub3A_1842 = arith.constant 1 : i32
    %sub3A_1843 = arith.subi %div3A_1822, %sub3A_1842 : i32
    %select_n3A_1844 = arith.select %and3A_1841, %sub3A_1843, %div3A_1822 : i32
    %jit3A_1845 = arith.constant 32 : i32
    %eq3A_1846 = arith.constant 0 : i32
    %eq3A_1847 = arith.cmpi eq, %jit3A_1845, %eq3A_1846 : i32
    %jit3A_1848 = arith.constant 1 : i32
    %select_n3A_1849 = arith.select %eq3A_1847, %jit3A_1848, %jit3A_1845 : i32
    %rem3A_1850 = arith.remsi %add3A_1820, %select_n3A_1849 : i32
    %ne3A_1851 = arith.constant 0 : i32
    %ne3A_1852 = arith.cmpi ne, %rem3A_1850, %ne3A_1851 : i32
    %lt3A_1853 = arith.constant 0 : i32
    %lt3A_1854 = arith.cmpi slt, %rem3A_1850, %lt3A_1853 : i32
    %lt3A_1855 = arith.constant 0 : i32
    %lt3A_1856 = arith.cmpi slt, %select_n3A_1849, %lt3A_1855 : i32
    %ne3A_1857 = arith.xori %lt3A_1854, %lt3A_1856 : i1
    %and3A_1858 = arith.andi %ne3A_1857, %ne3A_1852 : i1
    %add3A_1859 = arith.addi %rem3A_1850, %select_n3A_1849 : i32
    %select_n3A_1860 = arith.select %and3A_1858, %add3A_1859, %rem3A_1850 : i32
    %eq3A_1861 = arith.cmpi eq, %select_n3A_1844, %select_n3A : i32
    %jit3A_1862 = arith.constant 0 : i32
    %jit3A_1863 = arith.constant 1 : i32
    %select_n3A_1864 = arith.select %eq3A_1861, %jit3A_1862, %jit3A_1863 : i32
    %dma_start3A_1865 = arith.constant 0 : i32
    %dma_start3A_1866 = arith.constant 0 : i32
    %dma_start3A_1867 = tpu.memref_slice %arg6[%dma_start3A_1865, %dma_start3A_1866] : memref<2x4096xf32, #tpu.memory_space<vmem>> -> memref<1x4096xf32, #tpu.memory_space<vmem>>
    %dma_start3A_1868 = tpu.memref_squeeze %dma_start3A_1867 : memref<1x4096xf32, #tpu.memory_space<vmem>> -> memref<4096xf32, #tpu.memory_space<vmem>>
    %dma_start3A_1869 = arith.constant 0 : i32
    %dma_start3A_1870 = tpu.memref_slice %arg5[%select_n3A_1864, %dma_start3A_1869] : memref<2x4096xi32, #tpu.memory_space<vmem>> -> memref<1x4096xi32, #tpu.memory_space<vmem>>
    %dma_start3A_1871 = tpu.memref_squeeze %dma_start3A_1870 : memref<1x4096xi32, #tpu.memory_space<vmem>> -> memref<4096xi32, #tpu.memory_space<vmem>>
    %dma_start3A_1872 = arith.constant 0 : i32
    %dma_start3A_1873 = arith.constant 0 : i32
    %dma_start3A_1874 = tpu.memref_slice %arg2[%select_n3A_1844, %dma_start3A_1872, %dma_start3A_1873] : memref<26x32x100000xf32, #tpu.memory_space<hbm>> -> memref<1x32x100000xf32, #tpu.memory_space<hbm>>
    %dma_start3A_1875 = tpu.memref_squeeze %dma_start3A_1874 : memref<1x32x100000xf32, #tpu.memory_space<hbm>> -> memref<32x100000xf32, #tpu.memory_space<hbm>>
    %dma_start3A_1876 = arith.constant 0 : i32
    %dma_start3A_1877 = tpu.memref_slice %dma_start3A_1875[%select_n3A_1860, %dma_start3A_1876] : memref<32x100000xf32, #tpu.memory_space<hbm>> -> memref<1x100000xf32, #tpu.memory_space<hbm>>
    %dma_start3A_1878 = tpu.memref_squeeze %dma_start3A_1877 : memref<1x100000xf32, #tpu.memory_space<hbm>> -> memref<100000xf32, #tpu.memory_space<hbm>>
    %dma_start3A_1879 = arith.constant 0 : i32
    %dma_start3A_1880 = tpu.memref_slice %dma_start3A_1878[%dma_start3A_1879] : memref<100000xf32, #tpu.memory_space<hbm>> -> memref<100000xf32, #tpu.memory_space<hbm>>
    tpu.enqueue_indirect_dma source(%dma_start3A_1880 : memref<100000xf32, #tpu.memory_space<hbm>>) target(%dma_start3A_1868 : memref<4096xf32, #tpu.memory_space<vmem>>) offsets(%dma_start3A_1871 : memref<4096xi32, #tpu.memory_space<vmem>>) semaphore(%arg7 : memref<!tpu.dma_semaphore, #tpu.memory_space<semaphore_mem>>)
    %add3A_1881 = arith.constant 13 : i32
    %add3A_1882 = arith.addi %mul3A_2, %add3A_1881 : i32
    %run_scoped3A_1883 = arith.constant 1 : i32
    "tpu.region"() ({
      %run_scoped3A_3346 = tpu.sem_alloc : memref<!tpu.dma_semaphore, #tpu.memory_space<semaphore_mem>>
      %dma_start3A_3347 = arith.constant 0 : i32
      %dma_start3A_3348 = tpu.memref_slice %arg6[%run_scoped3A_1883, %dma_start3A_3347] : memref<2x4096xf32, #tpu.memory_space<vmem>> -> memref<1x4096xf32, #tpu.memory_space<vmem>>
      %dma_start3A_3349 = tpu.memref_squeeze %dma_start3A_3348 : memref<1x4096xf32, #tpu.memory_space<vmem>> -> memref<4096xf32, #tpu.memory_space<vmem>>
      %dma_start3A_3350 = arith.constant 0 : i32
      %dma_start3A_3351 = tpu.memref_slice %arg4[%add3A_1882, %dma_start3A_3350] : memref<832x4096xf32, #tpu.memory_space<hbm>> -> memref<1x4096xf32, #tpu.memory_space<hbm>>
      %dma_start3A_3352 = tpu.memref_squeeze %dma_start3A_3351 : memref<1x4096xf32, #tpu.memory_space<hbm>> -> memref<4096xf32, #tpu.memory_space<hbm>>
      %dma_start3A_3353 = arith.constant 0 : i32
      %dma_start3A_3354 = tpu.memref_slice %arg4[%add3A_1882, %dma_start3A_3353] : memref<832x4096xf32, #tpu.memory_space<hbm>> -> memref<1x4096xf32, #tpu.memory_space<hbm>>
      %dma_start3A_3355 = tpu.memref_squeeze %dma_start3A_3354 : memref<1x4096xf32, #tpu.memory_space<hbm>> -> memref<4096xf32, #tpu.memory_space<hbm>>
      %dma_start3A_3356 = arith.constant 0 : i32
      %dma_start3A_3357 = tpu.memref_slice %arg6[%run_scoped3A_1883, %dma_start3A_3356] : memref<2x4096xf32, #tpu.memory_space<vmem>> -> memref<1x4096xf32, #tpu.memory_space<vmem>>
      %dma_start3A_3358 = tpu.memref_squeeze %dma_start3A_3357 : memref<1x4096xf32, #tpu.memory_space<vmem>> -> memref<4096xf32, #tpu.memory_space<vmem>>
      tpu.enqueue_dma source(%dma_start3A_3358 : memref<4096xf32, #tpu.memory_space<vmem>>) target(%dma_start3A_3355 : memref<4096xf32, #tpu.memory_space<hbm>>) target_semaphore(%run_scoped3A_3346 : memref<!tpu.dma_semaphore, #tpu.memory_space<semaphore_mem>>)
      %dma_wait3A_3359 = arith.constant 0 : i32
      %dma_wait3A_3360 = tpu.memref_slice %arg6[%run_scoped3A_1883, %dma_wait3A_3359] : memref<2x4096xf32, #tpu.memory_space<vmem>> -> memref<1x4096xf32, #tpu.memory_space<vmem>>
      %dma_wait3A_3361 = tpu.memref_squeeze %dma_wait3A_3360 : memref<1x4096xf32, #tpu.memory_space<vmem>> -> memref<4096xf32, #tpu.memory_space<vmem>>
      %dma_wait3A_3362 = arith.constant 0 : i32
      %dma_wait3A_3363 = tpu.memref_slice %arg4[%add3A_1882, %dma_wait3A_3362] : memref<832x4096xf32, #tpu.memory_space<hbm>> -> memref<1x4096xf32, #tpu.memory_space<hbm>>
      %dma_wait3A_3364 = tpu.memref_squeeze %dma_wait3A_3363 : memref<1x4096xf32, #tpu.memory_space<hbm>> -> memref<4096xf32, #tpu.memory_space<hbm>>
      %dma_wait3A_3365 = arith.constant 0 : i32
      %dma_wait3A_3366 = tpu.memref_slice %arg4[%add3A_1882, %dma_wait3A_3365] : memref<832x4096xf32, #tpu.memory_space<hbm>> -> memref<1x4096xf32, #tpu.memory_space<hbm>>
      %dma_wait3A_3367 = tpu.memref_squeeze %dma_wait3A_3366 : memref<1x4096xf32, #tpu.memory_space<hbm>> -> memref<4096xf32, #tpu.memory_space<hbm>>
      %dma_wait3A_3368 = arith.constant 0 : i32
      %dma_wait3A_3369 = tpu.memref_slice %arg6[%run_scoped3A_1883, %dma_wait3A_3368] : memref<2x4096xf32, #tpu.memory_space<vmem>> -> memref<1x4096xf32, #tpu.memory_space<vmem>>
      %dma_wait3A_3370 = tpu.memref_squeeze %dma_wait3A_3369 : memref<1x4096xf32, #tpu.memory_space<vmem>> -> memref<4096xf32, #tpu.memory_space<vmem>>
      tpu.wait_dma2 semaphore(%run_scoped3A_3346 : memref<!tpu.dma_semaphore, #tpu.memory_space<semaphore_mem>>) src(%dma_wait3A_3370 : memref<4096xf32, #tpu.memory_space<vmem>>) dst(%dma_wait3A_3367 : memref<4096xf32, #tpu.memory_space<hbm>>)
      tpu.yield
    }) : () -> ()
    %add3A_1884 = arith.constant 14 : i32
    %add3A_1885 = arith.addi %mul3A_2, %add3A_1884 : i32
    %jit3A_1886 = arith.constant 32 : i32
    %div3A_1887 = arith.divsi %add3A_1885, %jit3A_1886 : i32
    %sign3A_1888 = arith.constant 0 : i32
    %sign3A_1889 = arith.cmpi sgt, %add3A_1885, %sign3A_1888 : i32
    %sign3A_1890 = arith.extui %sign3A_1889 : i1 to i32
    %sign3A_1891 = arith.constant 0 : i32
    %sign3A_1892 = arith.cmpi slt, %add3A_1885, %sign3A_1891 : i32
    %sign3A_1893 = arith.extui %sign3A_1892 : i1 to i32
    %sign3A_1894 = arith.subi %sign3A_1890, %sign3A_1893 : i32
    %sign3A_1895 = arith.constant 0 : i32
    %sign3A_1896 = arith.cmpi sgt, %jit3A_1886, %sign3A_1895 : i32
    %sign3A_1897 = arith.extui %sign3A_1896 : i1 to i32
    %sign3A_1898 = arith.constant 0 : i32
    %sign3A_1899 = arith.cmpi slt, %jit3A_1886, %sign3A_1898 : i32
    %sign3A_1900 = arith.extui %sign3A_1899 : i1 to i32
    %sign3A_1901 = arith.subi %sign3A_1897, %sign3A_1900 : i32
    %ne3A_1902 = arith.cmpi ne, %sign3A_1894, %sign3A_1901 : i32
    %rem3A_1903 = arith.remsi %add3A_1885, %jit3A_1886 : i32
    %ne3A_1904 = arith.constant 0 : i32
    %ne3A_1905 = arith.cmpi ne, %rem3A_1903, %ne3A_1904 : i32
    %and3A_1906 = arith.andi %ne3A_1902, %ne3A_1905 : i1
    %sub3A_1907 = arith.constant 1 : i32
    %sub3A_1908 = arith.subi %div3A_1887, %sub3A_1907 : i32
    %select_n3A_1909 = arith.select %and3A_1906, %sub3A_1908, %div3A_1887 : i32
    %jit3A_1910 = arith.constant 32 : i32
    %eq3A_1911 = arith.constant 0 : i32
    %eq3A_1912 = arith.cmpi eq, %jit3A_1910, %eq3A_1911 : i32
    %jit3A_1913 = arith.constant 1 : i32
    %select_n3A_1914 = arith.select %eq3A_1912, %jit3A_1913, %jit3A_1910 : i32
    %rem3A_1915 = arith.remsi %add3A_1885, %select_n3A_1914 : i32
    %ne3A_1916 = arith.constant 0 : i32
    %ne3A_1917 = arith.cmpi ne, %rem3A_1915, %ne3A_1916 : i32
    %lt3A_1918 = arith.constant 0 : i32
    %lt3A_1919 = arith.cmpi slt, %rem3A_1915, %lt3A_1918 : i32
    %lt3A_1920 = arith.constant 0 : i32
    %lt3A_1921 = arith.cmpi slt, %select_n3A_1914, %lt3A_1920 : i32
    %ne3A_1922 = arith.xori %lt3A_1919, %lt3A_1921 : i1
    %and3A_1923 = arith.andi %ne3A_1922, %ne3A_1917 : i1
    %add3A_1924 = arith.addi %rem3A_1915, %select_n3A_1914 : i32
    %select_n3A_1925 = arith.select %and3A_1923, %add3A_1924, %rem3A_1915 : i32
    %eq3A_1926 = arith.cmpi eq, %select_n3A_1909, %select_n3A : i32
    %jit3A_1927 = arith.constant 0 : i32
    %jit3A_1928 = arith.constant 1 : i32
    %select_n3A_1929 = arith.select %eq3A_1926, %jit3A_1927, %jit3A_1928 : i32
    %dma_wait3A_1930 = arith.constant 0 : i32
    %dma_wait3A_1931 = arith.constant 0 : i32
    %dma_wait3A_1932 = tpu.memref_slice %arg6[%dma_wait3A_1930, %dma_wait3A_1931] : memref<2x4096xf32, #tpu.memory_space<vmem>> -> memref<1x4096xf32, #tpu.memory_space<vmem>>
    %dma_wait3A_1933 = tpu.memref_squeeze %dma_wait3A_1932 : memref<1x4096xf32, #tpu.memory_space<vmem>> -> memref<4096xf32, #tpu.memory_space<vmem>>
    %dma_wait3A_1934 = arith.constant 0 : i32
    %dma_wait3A_1935 = tpu.memref_slice %arg5[%select_n3A_1929, %dma_wait3A_1934] : memref<2x4096xi32, #tpu.memory_space<vmem>> -> memref<1x4096xi32, #tpu.memory_space<vmem>>
    %dma_wait3A_1936 = tpu.memref_squeeze %dma_wait3A_1935 : memref<1x4096xi32, #tpu.memory_space<vmem>> -> memref<4096xi32, #tpu.memory_space<vmem>>
    %dma_wait3A_1937 = arith.constant 0 : i32
    %dma_wait3A_1938 = arith.constant 0 : i32
    %dma_wait3A_1939 = tpu.memref_slice %arg2[%select_n3A_1909, %dma_wait3A_1937, %dma_wait3A_1938] : memref<26x32x100000xf32, #tpu.memory_space<hbm>> -> memref<1x32x100000xf32, #tpu.memory_space<hbm>>
    %dma_wait3A_1940 = tpu.memref_squeeze %dma_wait3A_1939 : memref<1x32x100000xf32, #tpu.memory_space<hbm>> -> memref<32x100000xf32, #tpu.memory_space<hbm>>
    %dma_wait3A_1941 = arith.constant 0 : i32
    %dma_wait3A_1942 = tpu.memref_slice %dma_wait3A_1940[%select_n3A_1925, %dma_wait3A_1941] : memref<32x100000xf32, #tpu.memory_space<hbm>> -> memref<1x100000xf32, #tpu.memory_space<hbm>>
    %dma_wait3A_1943 = tpu.memref_squeeze %dma_wait3A_1942 : memref<1x100000xf32, #tpu.memory_space<hbm>> -> memref<100000xf32, #tpu.memory_space<hbm>>
    %dma_wait3A_1944 = arith.constant 0 : i32
    %dma_wait3A_1945 = tpu.memref_slice %dma_wait3A_1943[%dma_wait3A_1944] : memref<100000xf32, #tpu.memory_space<hbm>> -> memref<100000xf32, #tpu.memory_space<hbm>>
    tpu.wait_indirect_dma semaphore(%arg7 : memref<!tpu.dma_semaphore, #tpu.memory_space<semaphore_mem>>) src(%dma_wait3A_1945 : memref<100000xf32, #tpu.memory_space<hbm>>) dst(%dma_wait3A_1933 : memref<4096xf32, #tpu.memory_space<vmem>>)
    %add3A_1946 = arith.constant 15 : i32
    %add3A_1947 = arith.addi %mul3A_2, %add3A_1946 : i32
    %jit3A_1948 = arith.constant 32 : i32
    %div3A_1949 = arith.divsi %add3A_1947, %jit3A_1948 : i32
    %sign3A_1950 = arith.constant 0 : i32
    %sign3A_1951 = arith.cmpi sgt, %add3A_1947, %sign3A_1950 : i32
    %sign3A_1952 = arith.extui %sign3A_1951 : i1 to i32
    %sign3A_1953 = arith.constant 0 : i32
    %sign3A_1954 = arith.cmpi slt, %add3A_1947, %sign3A_1953 : i32
    %sign3A_1955 = arith.extui %sign3A_1954 : i1 to i32
    %sign3A_1956 = arith.subi %sign3A_1952, %sign3A_1955 : i32
    %sign3A_1957 = arith.constant 0 : i32
    %sign3A_1958 = arith.cmpi sgt, %jit3A_1948, %sign3A_1957 : i32
    %sign3A_1959 = arith.extui %sign3A_1958 : i1 to i32
    %sign3A_1960 = arith.constant 0 : i32
    %sign3A_1961 = arith.cmpi slt, %jit3A_1948, %sign3A_1960 : i32
    %sign3A_1962 = arith.extui %sign3A_1961 : i1 to i32
    %sign3A_1963 = arith.subi %sign3A_1959, %sign3A_1962 : i32
    %ne3A_1964 = arith.cmpi ne, %sign3A_1956, %sign3A_1963 : i32
    %rem3A_1965 = arith.remsi %add3A_1947, %jit3A_1948 : i32
    %ne3A_1966 = arith.constant 0 : i32
    %ne3A_1967 = arith.cmpi ne, %rem3A_1965, %ne3A_1966 : i32
    %and3A_1968 = arith.andi %ne3A_1964, %ne3A_1967 : i1
    %sub3A_1969 = arith.constant 1 : i32
    %sub3A_1970 = arith.subi %div3A_1949, %sub3A_1969 : i32
    %select_n3A_1971 = arith.select %and3A_1968, %sub3A_1970, %div3A_1949 : i32
    %jit3A_1972 = arith.constant 32 : i32
    %eq3A_1973 = arith.constant 0 : i32
    %eq3A_1974 = arith.cmpi eq, %jit3A_1972, %eq3A_1973 : i32
    %jit3A_1975 = arith.constant 1 : i32
    %select_n3A_1976 = arith.select %eq3A_1974, %jit3A_1975, %jit3A_1972 : i32
    %rem3A_1977 = arith.remsi %add3A_1947, %select_n3A_1976 : i32
    %ne3A_1978 = arith.constant 0 : i32
    %ne3A_1979 = arith.cmpi ne, %rem3A_1977, %ne3A_1978 : i32
    %lt3A_1980 = arith.constant 0 : i32
    %lt3A_1981 = arith.cmpi slt, %rem3A_1977, %lt3A_1980 : i32
    %lt3A_1982 = arith.constant 0 : i32
    %lt3A_1983 = arith.cmpi slt, %select_n3A_1976, %lt3A_1982 : i32
    %ne3A_1984 = arith.xori %lt3A_1981, %lt3A_1983 : i1
    %and3A_1985 = arith.andi %ne3A_1984, %ne3A_1979 : i1
    %add3A_1986 = arith.addi %rem3A_1977, %select_n3A_1976 : i32
    %select_n3A_1987 = arith.select %and3A_1985, %add3A_1986, %rem3A_1977 : i32
    %eq3A_1988 = arith.cmpi eq, %select_n3A_1971, %select_n3A : i32
    %jit3A_1989 = arith.constant 0 : i32
    %jit3A_1990 = arith.constant 1 : i32
    %select_n3A_1991 = arith.select %eq3A_1988, %jit3A_1989, %jit3A_1990 : i32
    %dma_start3A_1992 = arith.constant 1 : i32
    %dma_start3A_1993 = arith.constant 0 : i32
    %dma_start3A_1994 = tpu.memref_slice %arg6[%dma_start3A_1992, %dma_start3A_1993] : memref<2x4096xf32, #tpu.memory_space<vmem>> -> memref<1x4096xf32, #tpu.memory_space<vmem>>
    %dma_start3A_1995 = tpu.memref_squeeze %dma_start3A_1994 : memref<1x4096xf32, #tpu.memory_space<vmem>> -> memref<4096xf32, #tpu.memory_space<vmem>>
    %dma_start3A_1996 = arith.constant 0 : i32
    %dma_start3A_1997 = tpu.memref_slice %arg5[%select_n3A_1991, %dma_start3A_1996] : memref<2x4096xi32, #tpu.memory_space<vmem>> -> memref<1x4096xi32, #tpu.memory_space<vmem>>
    %dma_start3A_1998 = tpu.memref_squeeze %dma_start3A_1997 : memref<1x4096xi32, #tpu.memory_space<vmem>> -> memref<4096xi32, #tpu.memory_space<vmem>>
    %dma_start3A_1999 = arith.constant 0 : i32
    %dma_start3A_2000 = arith.constant 0 : i32
    %dma_start3A_2001 = tpu.memref_slice %arg2[%select_n3A_1971, %dma_start3A_1999, %dma_start3A_2000] : memref<26x32x100000xf32, #tpu.memory_space<hbm>> -> memref<1x32x100000xf32, #tpu.memory_space<hbm>>
    %dma_start3A_2002 = tpu.memref_squeeze %dma_start3A_2001 : memref<1x32x100000xf32, #tpu.memory_space<hbm>> -> memref<32x100000xf32, #tpu.memory_space<hbm>>
    %dma_start3A_2003 = arith.constant 0 : i32
    %dma_start3A_2004 = tpu.memref_slice %dma_start3A_2002[%select_n3A_1987, %dma_start3A_2003] : memref<32x100000xf32, #tpu.memory_space<hbm>> -> memref<1x100000xf32, #tpu.memory_space<hbm>>
    %dma_start3A_2005 = tpu.memref_squeeze %dma_start3A_2004 : memref<1x100000xf32, #tpu.memory_space<hbm>> -> memref<100000xf32, #tpu.memory_space<hbm>>
    %dma_start3A_2006 = arith.constant 0 : i32
    %dma_start3A_2007 = tpu.memref_slice %dma_start3A_2005[%dma_start3A_2006] : memref<100000xf32, #tpu.memory_space<hbm>> -> memref<100000xf32, #tpu.memory_space<hbm>>
    tpu.enqueue_indirect_dma source(%dma_start3A_2007 : memref<100000xf32, #tpu.memory_space<hbm>>) target(%dma_start3A_1995 : memref<4096xf32, #tpu.memory_space<vmem>>) offsets(%dma_start3A_1998 : memref<4096xi32, #tpu.memory_space<vmem>>) semaphore(%arg7 : memref<!tpu.dma_semaphore, #tpu.memory_space<semaphore_mem>>)
    %add3A_2008 = arith.constant 14 : i32
    %add3A_2009 = arith.addi %mul3A_2, %add3A_2008 : i32
    %run_scoped3A_2010 = arith.constant 0 : i32
    "tpu.region"() ({
      %run_scoped3A_3346 = tpu.sem_alloc : memref<!tpu.dma_semaphore, #tpu.memory_space<semaphore_mem>>
      %dma_start3A_3347 = arith.constant 0 : i32
      %dma_start3A_3348 = tpu.memref_slice %arg6[%run_scoped3A_2010, %dma_start3A_3347] : memref<2x4096xf32, #tpu.memory_space<vmem>> -> memref<1x4096xf32, #tpu.memory_space<vmem>>
      %dma_start3A_3349 = tpu.memref_squeeze %dma_start3A_3348 : memref<1x4096xf32, #tpu.memory_space<vmem>> -> memref<4096xf32, #tpu.memory_space<vmem>>
      %dma_start3A_3350 = arith.constant 0 : i32
      %dma_start3A_3351 = tpu.memref_slice %arg4[%add3A_2009, %dma_start3A_3350] : memref<832x4096xf32, #tpu.memory_space<hbm>> -> memref<1x4096xf32, #tpu.memory_space<hbm>>
      %dma_start3A_3352 = tpu.memref_squeeze %dma_start3A_3351 : memref<1x4096xf32, #tpu.memory_space<hbm>> -> memref<4096xf32, #tpu.memory_space<hbm>>
      %dma_start3A_3353 = arith.constant 0 : i32
      %dma_start3A_3354 = tpu.memref_slice %arg4[%add3A_2009, %dma_start3A_3353] : memref<832x4096xf32, #tpu.memory_space<hbm>> -> memref<1x4096xf32, #tpu.memory_space<hbm>>
      %dma_start3A_3355 = tpu.memref_squeeze %dma_start3A_3354 : memref<1x4096xf32, #tpu.memory_space<hbm>> -> memref<4096xf32, #tpu.memory_space<hbm>>
      %dma_start3A_3356 = arith.constant 0 : i32
      %dma_start3A_3357 = tpu.memref_slice %arg6[%run_scoped3A_2010, %dma_start3A_3356] : memref<2x4096xf32, #tpu.memory_space<vmem>> -> memref<1x4096xf32, #tpu.memory_space<vmem>>
      %dma_start3A_3358 = tpu.memref_squeeze %dma_start3A_3357 : memref<1x4096xf32, #tpu.memory_space<vmem>> -> memref<4096xf32, #tpu.memory_space<vmem>>
      tpu.enqueue_dma source(%dma_start3A_3358 : memref<4096xf32, #tpu.memory_space<vmem>>) target(%dma_start3A_3355 : memref<4096xf32, #tpu.memory_space<hbm>>) target_semaphore(%run_scoped3A_3346 : memref<!tpu.dma_semaphore, #tpu.memory_space<semaphore_mem>>)
      %dma_wait3A_3359 = arith.constant 0 : i32
      %dma_wait3A_3360 = tpu.memref_slice %arg6[%run_scoped3A_2010, %dma_wait3A_3359] : memref<2x4096xf32, #tpu.memory_space<vmem>> -> memref<1x4096xf32, #tpu.memory_space<vmem>>
      %dma_wait3A_3361 = tpu.memref_squeeze %dma_wait3A_3360 : memref<1x4096xf32, #tpu.memory_space<vmem>> -> memref<4096xf32, #tpu.memory_space<vmem>>
      %dma_wait3A_3362 = arith.constant 0 : i32
      %dma_wait3A_3363 = tpu.memref_slice %arg4[%add3A_2009, %dma_wait3A_3362] : memref<832x4096xf32, #tpu.memory_space<hbm>> -> memref<1x4096xf32, #tpu.memory_space<hbm>>
      %dma_wait3A_3364 = tpu.memref_squeeze %dma_wait3A_3363 : memref<1x4096xf32, #tpu.memory_space<hbm>> -> memref<4096xf32, #tpu.memory_space<hbm>>
      %dma_wait3A_3365 = arith.constant 0 : i32
      %dma_wait3A_3366 = tpu.memref_slice %arg4[%add3A_2009, %dma_wait3A_3365] : memref<832x4096xf32, #tpu.memory_space<hbm>> -> memref<1x4096xf32, #tpu.memory_space<hbm>>
      %dma_wait3A_3367 = tpu.memref_squeeze %dma_wait3A_3366 : memref<1x4096xf32, #tpu.memory_space<hbm>> -> memref<4096xf32, #tpu.memory_space<hbm>>
      %dma_wait3A_3368 = arith.constant 0 : i32
      %dma_wait3A_3369 = tpu.memref_slice %arg6[%run_scoped3A_2010, %dma_wait3A_3368] : memref<2x4096xf32, #tpu.memory_space<vmem>> -> memref<1x4096xf32, #tpu.memory_space<vmem>>
      %dma_wait3A_3370 = tpu.memref_squeeze %dma_wait3A_3369 : memref<1x4096xf32, #tpu.memory_space<vmem>> -> memref<4096xf32, #tpu.memory_space<vmem>>
      tpu.wait_dma2 semaphore(%run_scoped3A_3346 : memref<!tpu.dma_semaphore, #tpu.memory_space<semaphore_mem>>) src(%dma_wait3A_3370 : memref<4096xf32, #tpu.memory_space<vmem>>) dst(%dma_wait3A_3367 : memref<4096xf32, #tpu.memory_space<hbm>>)
      tpu.yield
    }) : () -> ()
    %add3A_2011 = arith.constant 15 : i32
    %add3A_2012 = arith.addi %mul3A_2, %add3A_2011 : i32
    %jit3A_2013 = arith.constant 32 : i32
    %div3A_2014 = arith.divsi %add3A_2012, %jit3A_2013 : i32
    %sign3A_2015 = arith.constant 0 : i32
    %sign3A_2016 = arith.cmpi sgt, %add3A_2012, %sign3A_2015 : i32
    %sign3A_2017 = arith.extui %sign3A_2016 : i1 to i32
    %sign3A_2018 = arith.constant 0 : i32
    %sign3A_2019 = arith.cmpi slt, %add3A_2012, %sign3A_2018 : i32
    %sign3A_2020 = arith.extui %sign3A_2019 : i1 to i32
    %sign3A_2021 = arith.subi %sign3A_2017, %sign3A_2020 : i32
    %sign3A_2022 = arith.constant 0 : i32
    %sign3A_2023 = arith.cmpi sgt, %jit3A_2013, %sign3A_2022 : i32
    %sign3A_2024 = arith.extui %sign3A_2023 : i1 to i32
    %sign3A_2025 = arith.constant 0 : i32
    %sign3A_2026 = arith.cmpi slt, %jit3A_2013, %sign3A_2025 : i32
    %sign3A_2027 = arith.extui %sign3A_2026 : i1 to i32
    %sign3A_2028 = arith.subi %sign3A_2024, %sign3A_2027 : i32
    %ne3A_2029 = arith.cmpi ne, %sign3A_2021, %sign3A_2028 : i32
    %rem3A_2030 = arith.remsi %add3A_2012, %jit3A_2013 : i32
    %ne3A_2031 = arith.constant 0 : i32
    %ne3A_2032 = arith.cmpi ne, %rem3A_2030, %ne3A_2031 : i32
    %and3A_2033 = arith.andi %ne3A_2029, %ne3A_2032 : i1
    %sub3A_2034 = arith.constant 1 : i32
    %sub3A_2035 = arith.subi %div3A_2014, %sub3A_2034 : i32
    %select_n3A_2036 = arith.select %and3A_2033, %sub3A_2035, %div3A_2014 : i32
    %jit3A_2037 = arith.constant 32 : i32
    %eq3A_2038 = arith.constant 0 : i32
    %eq3A_2039 = arith.cmpi eq, %jit3A_2037, %eq3A_2038 : i32
    %jit3A_2040 = arith.constant 1 : i32
    %select_n3A_2041 = arith.select %eq3A_2039, %jit3A_2040, %jit3A_2037 : i32
    %rem3A_2042 = arith.remsi %add3A_2012, %select_n3A_2041 : i32
    %ne3A_2043 = arith.constant 0 : i32
    %ne3A_2044 = arith.cmpi ne, %rem3A_2042, %ne3A_2043 : i32
    %lt3A_2045 = arith.constant 0 : i32
    %lt3A_2046 = arith.cmpi slt, %rem3A_2042, %lt3A_2045 : i32
    %lt3A_2047 = arith.constant 0 : i32
    %lt3A_2048 = arith.cmpi slt, %select_n3A_2041, %lt3A_2047 : i32
    %ne3A_2049 = arith.xori %lt3A_2046, %lt3A_2048 : i1
    %and3A_2050 = arith.andi %ne3A_2049, %ne3A_2044 : i1
    %add3A_2051 = arith.addi %rem3A_2042, %select_n3A_2041 : i32
    %select_n3A_2052 = arith.select %and3A_2050, %add3A_2051, %rem3A_2042 : i32
    %eq3A_2053 = arith.cmpi eq, %select_n3A_2036, %select_n3A : i32
    %jit3A_2054 = arith.constant 0 : i32
    %jit3A_2055 = arith.constant 1 : i32
    %select_n3A_2056 = arith.select %eq3A_2053, %jit3A_2054, %jit3A_2055 : i32
    %dma_wait3A_2057 = arith.constant 1 : i32
    %dma_wait3A_2058 = arith.constant 0 : i32
    %dma_wait3A_2059 = tpu.memref_slice %arg6[%dma_wait3A_2057, %dma_wait3A_2058] : memref<2x4096xf32, #tpu.memory_space<vmem>> -> memref<1x4096xf32, #tpu.memory_space<vmem>>
    %dma_wait3A_2060 = tpu.memref_squeeze %dma_wait3A_2059 : memref<1x4096xf32, #tpu.memory_space<vmem>> -> memref<4096xf32, #tpu.memory_space<vmem>>
    %dma_wait3A_2061 = arith.constant 0 : i32
    %dma_wait3A_2062 = tpu.memref_slice %arg5[%select_n3A_2056, %dma_wait3A_2061] : memref<2x4096xi32, #tpu.memory_space<vmem>> -> memref<1x4096xi32, #tpu.memory_space<vmem>>
    %dma_wait3A_2063 = tpu.memref_squeeze %dma_wait3A_2062 : memref<1x4096xi32, #tpu.memory_space<vmem>> -> memref<4096xi32, #tpu.memory_space<vmem>>
    %dma_wait3A_2064 = arith.constant 0 : i32
    %dma_wait3A_2065 = arith.constant 0 : i32
    %dma_wait3A_2066 = tpu.memref_slice %arg2[%select_n3A_2036, %dma_wait3A_2064, %dma_wait3A_2065] : memref<26x32x100000xf32, #tpu.memory_space<hbm>> -> memref<1x32x100000xf32, #tpu.memory_space<hbm>>
    %dma_wait3A_2067 = tpu.memref_squeeze %dma_wait3A_2066 : memref<1x32x100000xf32, #tpu.memory_space<hbm>> -> memref<32x100000xf32, #tpu.memory_space<hbm>>
    %dma_wait3A_2068 = arith.constant 0 : i32
    %dma_wait3A_2069 = tpu.memref_slice %dma_wait3A_2067[%select_n3A_2052, %dma_wait3A_2068] : memref<32x100000xf32, #tpu.memory_space<hbm>> -> memref<1x100000xf32, #tpu.memory_space<hbm>>
    %dma_wait3A_2070 = tpu.memref_squeeze %dma_wait3A_2069 : memref<1x100000xf32, #tpu.memory_space<hbm>> -> memref<100000xf32, #tpu.memory_space<hbm>>
    %dma_wait3A_2071 = arith.constant 0 : i32
    %dma_wait3A_2072 = tpu.memref_slice %dma_wait3A_2070[%dma_wait3A_2071] : memref<100000xf32, #tpu.memory_space<hbm>> -> memref<100000xf32, #tpu.memory_space<hbm>>
    tpu.wait_indirect_dma semaphore(%arg7 : memref<!tpu.dma_semaphore, #tpu.memory_space<semaphore_mem>>) src(%dma_wait3A_2072 : memref<100000xf32, #tpu.memory_space<hbm>>) dst(%dma_wait3A_2060 : memref<4096xf32, #tpu.memory_space<vmem>>)
    %add3A_2073 = arith.constant 16 : i32
    %add3A_2074 = arith.addi %mul3A_2, %add3A_2073 : i32
    %jit3A_2075 = arith.constant 32 : i32
    %div3A_2076 = arith.divsi %add3A_2074, %jit3A_2075 : i32
    %sign3A_2077 = arith.constant 0 : i32
    %sign3A_2078 = arith.cmpi sgt, %add3A_2074, %sign3A_2077 : i32
    %sign3A_2079 = arith.extui %sign3A_2078 : i1 to i32
    %sign3A_2080 = arith.constant 0 : i32
    %sign3A_2081 = arith.cmpi slt, %add3A_2074, %sign3A_2080 : i32
    %sign3A_2082 = arith.extui %sign3A_2081 : i1 to i32
    %sign3A_2083 = arith.subi %sign3A_2079, %sign3A_2082 : i32
    %sign3A_2084 = arith.constant 0 : i32
    %sign3A_2085 = arith.cmpi sgt, %jit3A_2075, %sign3A_2084 : i32
    %sign3A_2086 = arith.extui %sign3A_2085 : i1 to i32
    %sign3A_2087 = arith.constant 0 : i32
    %sign3A_2088 = arith.cmpi slt, %jit3A_2075, %sign3A_2087 : i32
    %sign3A_2089 = arith.extui %sign3A_2088 : i1 to i32
    %sign3A_2090 = arith.subi %sign3A_2086, %sign3A_2089 : i32
    %ne3A_2091 = arith.cmpi ne, %sign3A_2083, %sign3A_2090 : i32
    %rem3A_2092 = arith.remsi %add3A_2074, %jit3A_2075 : i32
    %ne3A_2093 = arith.constant 0 : i32
    %ne3A_2094 = arith.cmpi ne, %rem3A_2092, %ne3A_2093 : i32
    %and3A_2095 = arith.andi %ne3A_2091, %ne3A_2094 : i1
    %sub3A_2096 = arith.constant 1 : i32
    %sub3A_2097 = arith.subi %div3A_2076, %sub3A_2096 : i32
    %select_n3A_2098 = arith.select %and3A_2095, %sub3A_2097, %div3A_2076 : i32
    %jit3A_2099 = arith.constant 32 : i32
    %eq3A_2100 = arith.constant 0 : i32
    %eq3A_2101 = arith.cmpi eq, %jit3A_2099, %eq3A_2100 : i32
    %jit3A_2102 = arith.constant 1 : i32
    %select_n3A_2103 = arith.select %eq3A_2101, %jit3A_2102, %jit3A_2099 : i32
    %rem3A_2104 = arith.remsi %add3A_2074, %select_n3A_2103 : i32
    %ne3A_2105 = arith.constant 0 : i32
    %ne3A_2106 = arith.cmpi ne, %rem3A_2104, %ne3A_2105 : i32
    %lt3A_2107 = arith.constant 0 : i32
    %lt3A_2108 = arith.cmpi slt, %rem3A_2104, %lt3A_2107 : i32
    %lt3A_2109 = arith.constant 0 : i32
    %lt3A_2110 = arith.cmpi slt, %select_n3A_2103, %lt3A_2109 : i32
    %ne3A_2111 = arith.xori %lt3A_2108, %lt3A_2110 : i1
    %and3A_2112 = arith.andi %ne3A_2111, %ne3A_2106 : i1
    %add3A_2113 = arith.addi %rem3A_2104, %select_n3A_2103 : i32
    %select_n3A_2114 = arith.select %and3A_2112, %add3A_2113, %rem3A_2104 : i32
    %eq3A_2115 = arith.cmpi eq, %select_n3A_2098, %select_n3A : i32
    %jit3A_2116 = arith.constant 0 : i32
    %jit3A_2117 = arith.constant 1 : i32
    %select_n3A_2118 = arith.select %eq3A_2115, %jit3A_2116, %jit3A_2117 : i32
    %dma_start3A_2119 = arith.constant 0 : i32
    %dma_start3A_2120 = arith.constant 0 : i32
    %dma_start3A_2121 = tpu.memref_slice %arg6[%dma_start3A_2119, %dma_start3A_2120] : memref<2x4096xf32, #tpu.memory_space<vmem>> -> memref<1x4096xf32, #tpu.memory_space<vmem>>
    %dma_start3A_2122 = tpu.memref_squeeze %dma_start3A_2121 : memref<1x4096xf32, #tpu.memory_space<vmem>> -> memref<4096xf32, #tpu.memory_space<vmem>>
    %dma_start3A_2123 = arith.constant 0 : i32
    %dma_start3A_2124 = tpu.memref_slice %arg5[%select_n3A_2118, %dma_start3A_2123] : memref<2x4096xi32, #tpu.memory_space<vmem>> -> memref<1x4096xi32, #tpu.memory_space<vmem>>
    %dma_start3A_2125 = tpu.memref_squeeze %dma_start3A_2124 : memref<1x4096xi32, #tpu.memory_space<vmem>> -> memref<4096xi32, #tpu.memory_space<vmem>>
    %dma_start3A_2126 = arith.constant 0 : i32
    %dma_start3A_2127 = arith.constant 0 : i32
    %dma_start3A_2128 = tpu.memref_slice %arg2[%select_n3A_2098, %dma_start3A_2126, %dma_start3A_2127] : memref<26x32x100000xf32, #tpu.memory_space<hbm>> -> memref<1x32x100000xf32, #tpu.memory_space<hbm>>
    %dma_start3A_2129 = tpu.memref_squeeze %dma_start3A_2128 : memref<1x32x100000xf32, #tpu.memory_space<hbm>> -> memref<32x100000xf32, #tpu.memory_space<hbm>>
    %dma_start3A_2130 = arith.constant 0 : i32
    %dma_start3A_2131 = tpu.memref_slice %dma_start3A_2129[%select_n3A_2114, %dma_start3A_2130] : memref<32x100000xf32, #tpu.memory_space<hbm>> -> memref<1x100000xf32, #tpu.memory_space<hbm>>
    %dma_start3A_2132 = tpu.memref_squeeze %dma_start3A_2131 : memref<1x100000xf32, #tpu.memory_space<hbm>> -> memref<100000xf32, #tpu.memory_space<hbm>>
    %dma_start3A_2133 = arith.constant 0 : i32
    %dma_start3A_2134 = tpu.memref_slice %dma_start3A_2132[%dma_start3A_2133] : memref<100000xf32, #tpu.memory_space<hbm>> -> memref<100000xf32, #tpu.memory_space<hbm>>
    tpu.enqueue_indirect_dma source(%dma_start3A_2134 : memref<100000xf32, #tpu.memory_space<hbm>>) target(%dma_start3A_2122 : memref<4096xf32, #tpu.memory_space<vmem>>) offsets(%dma_start3A_2125 : memref<4096xi32, #tpu.memory_space<vmem>>) semaphore(%arg7 : memref<!tpu.dma_semaphore, #tpu.memory_space<semaphore_mem>>)
    %add3A_2135 = arith.constant 15 : i32
    %add3A_2136 = arith.addi %mul3A_2, %add3A_2135 : i32
    %run_scoped3A_2137 = arith.constant 1 : i32
    "tpu.region"() ({
      %run_scoped3A_3346 = tpu.sem_alloc : memref<!tpu.dma_semaphore, #tpu.memory_space<semaphore_mem>>
      %dma_start3A_3347 = arith.constant 0 : i32
      %dma_start3A_3348 = tpu.memref_slice %arg6[%run_scoped3A_2137, %dma_start3A_3347] : memref<2x4096xf32, #tpu.memory_space<vmem>> -> memref<1x4096xf32, #tpu.memory_space<vmem>>
      %dma_start3A_3349 = tpu.memref_squeeze %dma_start3A_3348 : memref<1x4096xf32, #tpu.memory_space<vmem>> -> memref<4096xf32, #tpu.memory_space<vmem>>
      %dma_start3A_3350 = arith.constant 0 : i32
      %dma_start3A_3351 = tpu.memref_slice %arg4[%add3A_2136, %dma_start3A_3350] : memref<832x4096xf32, #tpu.memory_space<hbm>> -> memref<1x4096xf32, #tpu.memory_space<hbm>>
      %dma_start3A_3352 = tpu.memref_squeeze %dma_start3A_3351 : memref<1x4096xf32, #tpu.memory_space<hbm>> -> memref<4096xf32, #tpu.memory_space<hbm>>
      %dma_start3A_3353 = arith.constant 0 : i32
      %dma_start3A_3354 = tpu.memref_slice %arg4[%add3A_2136, %dma_start3A_3353] : memref<832x4096xf32, #tpu.memory_space<hbm>> -> memref<1x4096xf32, #tpu.memory_space<hbm>>
      %dma_start3A_3355 = tpu.memref_squeeze %dma_start3A_3354 : memref<1x4096xf32, #tpu.memory_space<hbm>> -> memref<4096xf32, #tpu.memory_space<hbm>>
      %dma_start3A_3356 = arith.constant 0 : i32
      %dma_start3A_3357 = tpu.memref_slice %arg6[%run_scoped3A_2137, %dma_start3A_3356] : memref<2x4096xf32, #tpu.memory_space<vmem>> -> memref<1x4096xf32, #tpu.memory_space<vmem>>
      %dma_start3A_3358 = tpu.memref_squeeze %dma_start3A_3357 : memref<1x4096xf32, #tpu.memory_space<vmem>> -> memref<4096xf32, #tpu.memory_space<vmem>>
      tpu.enqueue_dma source(%dma_start3A_3358 : memref<4096xf32, #tpu.memory_space<vmem>>) target(%dma_start3A_3355 : memref<4096xf32, #tpu.memory_space<hbm>>) target_semaphore(%run_scoped3A_3346 : memref<!tpu.dma_semaphore, #tpu.memory_space<semaphore_mem>>)
      %dma_wait3A_3359 = arith.constant 0 : i32
      %dma_wait3A_3360 = tpu.memref_slice %arg6[%run_scoped3A_2137, %dma_wait3A_3359] : memref<2x4096xf32, #tpu.memory_space<vmem>> -> memref<1x4096xf32, #tpu.memory_space<vmem>>
      %dma_wait3A_3361 = tpu.memref_squeeze %dma_wait3A_3360 : memref<1x4096xf32, #tpu.memory_space<vmem>> -> memref<4096xf32, #tpu.memory_space<vmem>>
      %dma_wait3A_3362 = arith.constant 0 : i32
      %dma_wait3A_3363 = tpu.memref_slice %arg4[%add3A_2136, %dma_wait3A_3362] : memref<832x4096xf32, #tpu.memory_space<hbm>> -> memref<1x4096xf32, #tpu.memory_space<hbm>>
      %dma_wait3A_3364 = tpu.memref_squeeze %dma_wait3A_3363 : memref<1x4096xf32, #tpu.memory_space<hbm>> -> memref<4096xf32, #tpu.memory_space<hbm>>
      %dma_wait3A_3365 = arith.constant 0 : i32
      %dma_wait3A_3366 = tpu.memref_slice %arg4[%add3A_2136, %dma_wait3A_3365] : memref<832x4096xf32, #tpu.memory_space<hbm>> -> memref<1x4096xf32, #tpu.memory_space<hbm>>
      %dma_wait3A_3367 = tpu.memref_squeeze %dma_wait3A_3366 : memref<1x4096xf32, #tpu.memory_space<hbm>> -> memref<4096xf32, #tpu.memory_space<hbm>>
      %dma_wait3A_3368 = arith.constant 0 : i32
      %dma_wait3A_3369 = tpu.memref_slice %arg6[%run_scoped3A_2137, %dma_wait3A_3368] : memref<2x4096xf32, #tpu.memory_space<vmem>> -> memref<1x4096xf32, #tpu.memory_space<vmem>>
      %dma_wait3A_3370 = tpu.memref_squeeze %dma_wait3A_3369 : memref<1x4096xf32, #tpu.memory_space<vmem>> -> memref<4096xf32, #tpu.memory_space<vmem>>
      tpu.wait_dma2 semaphore(%run_scoped3A_3346 : memref<!tpu.dma_semaphore, #tpu.memory_space<semaphore_mem>>) src(%dma_wait3A_3370 : memref<4096xf32, #tpu.memory_space<vmem>>) dst(%dma_wait3A_3367 : memref<4096xf32, #tpu.memory_space<hbm>>)
      tpu.yield
    }) : () -> ()
    %add3A_2138 = arith.constant 16 : i32
    %add3A_2139 = arith.addi %mul3A_2, %add3A_2138 : i32
    %jit3A_2140 = arith.constant 32 : i32
    %div3A_2141 = arith.divsi %add3A_2139, %jit3A_2140 : i32
    %sign3A_2142 = arith.constant 0 : i32
    %sign3A_2143 = arith.cmpi sgt, %add3A_2139, %sign3A_2142 : i32
    %sign3A_2144 = arith.extui %sign3A_2143 : i1 to i32
    %sign3A_2145 = arith.constant 0 : i32
    %sign3A_2146 = arith.cmpi slt, %add3A_2139, %sign3A_2145 : i32
    %sign3A_2147 = arith.extui %sign3A_2146 : i1 to i32
    %sign3A_2148 = arith.subi %sign3A_2144, %sign3A_2147 : i32
    %sign3A_2149 = arith.constant 0 : i32
    %sign3A_2150 = arith.cmpi sgt, %jit3A_2140, %sign3A_2149 : i32
    %sign3A_2151 = arith.extui %sign3A_2150 : i1 to i32
    %sign3A_2152 = arith.constant 0 : i32
    %sign3A_2153 = arith.cmpi slt, %jit3A_2140, %sign3A_2152 : i32
    %sign3A_2154 = arith.extui %sign3A_2153 : i1 to i32
    %sign3A_2155 = arith.subi %sign3A_2151, %sign3A_2154 : i32
    %ne3A_2156 = arith.cmpi ne, %sign3A_2148, %sign3A_2155 : i32
    %rem3A_2157 = arith.remsi %add3A_2139, %jit3A_2140 : i32
    %ne3A_2158 = arith.constant 0 : i32
    %ne3A_2159 = arith.cmpi ne, %rem3A_2157, %ne3A_2158 : i32
    %and3A_2160 = arith.andi %ne3A_2156, %ne3A_2159 : i1
    %sub3A_2161 = arith.constant 1 : i32
    %sub3A_2162 = arith.subi %div3A_2141, %sub3A_2161 : i32
    %select_n3A_2163 = arith.select %and3A_2160, %sub3A_2162, %div3A_2141 : i32
    %jit3A_2164 = arith.constant 32 : i32
    %eq3A_2165 = arith.constant 0 : i32
    %eq3A_2166 = arith.cmpi eq, %jit3A_2164, %eq3A_2165 : i32
    %jit3A_2167 = arith.constant 1 : i32
    %select_n3A_2168 = arith.select %eq3A_2166, %jit3A_2167, %jit3A_2164 : i32
    %rem3A_2169 = arith.remsi %add3A_2139, %select_n3A_2168 : i32
    %ne3A_2170 = arith.constant 0 : i32
    %ne3A_2171 = arith.cmpi ne, %rem3A_2169, %ne3A_2170 : i32
    %lt3A_2172 = arith.constant 0 : i32
    %lt3A_2173 = arith.cmpi slt, %rem3A_2169, %lt3A_2172 : i32
    %lt3A_2174 = arith.constant 0 : i32
    %lt3A_2175 = arith.cmpi slt, %select_n3A_2168, %lt3A_2174 : i32
    %ne3A_2176 = arith.xori %lt3A_2173, %lt3A_2175 : i1
    %and3A_2177 = arith.andi %ne3A_2176, %ne3A_2171 : i1
    %add3A_2178 = arith.addi %rem3A_2169, %select_n3A_2168 : i32
    %select_n3A_2179 = arith.select %and3A_2177, %add3A_2178, %rem3A_2169 : i32
    %eq3A_2180 = arith.cmpi eq, %select_n3A_2163, %select_n3A : i32
    %jit3A_2181 = arith.constant 0 : i32
    %jit3A_2182 = arith.constant 1 : i32
    %select_n3A_2183 = arith.select %eq3A_2180, %jit3A_2181, %jit3A_2182 : i32
    %dma_wait3A_2184 = arith.constant 0 : i32
    %dma_wait3A_2185 = arith.constant 0 : i32
    %dma_wait3A_2186 = tpu.memref_slice %arg6[%dma_wait3A_2184, %dma_wait3A_2185] : memref<2x4096xf32, #tpu.memory_space<vmem>> -> memref<1x4096xf32, #tpu.memory_space<vmem>>
    %dma_wait3A_2187 = tpu.memref_squeeze %dma_wait3A_2186 : memref<1x4096xf32, #tpu.memory_space<vmem>> -> memref<4096xf32, #tpu.memory_space<vmem>>
    %dma_wait3A_2188 = arith.constant 0 : i32
    %dma_wait3A_2189 = tpu.memref_slice %arg5[%select_n3A_2183, %dma_wait3A_2188] : memref<2x4096xi32, #tpu.memory_space<vmem>> -> memref<1x4096xi32, #tpu.memory_space<vmem>>
    %dma_wait3A_2190 = tpu.memref_squeeze %dma_wait3A_2189 : memref<1x4096xi32, #tpu.memory_space<vmem>> -> memref<4096xi32, #tpu.memory_space<vmem>>
    %dma_wait3A_2191 = arith.constant 0 : i32
    %dma_wait3A_2192 = arith.constant 0 : i32
    %dma_wait3A_2193 = tpu.memref_slice %arg2[%select_n3A_2163, %dma_wait3A_2191, %dma_wait3A_2192] : memref<26x32x100000xf32, #tpu.memory_space<hbm>> -> memref<1x32x100000xf32, #tpu.memory_space<hbm>>
    %dma_wait3A_2194 = tpu.memref_squeeze %dma_wait3A_2193 : memref<1x32x100000xf32, #tpu.memory_space<hbm>> -> memref<32x100000xf32, #tpu.memory_space<hbm>>
    %dma_wait3A_2195 = arith.constant 0 : i32
    %dma_wait3A_2196 = tpu.memref_slice %dma_wait3A_2194[%select_n3A_2179, %dma_wait3A_2195] : memref<32x100000xf32, #tpu.memory_space<hbm>> -> memref<1x100000xf32, #tpu.memory_space<hbm>>
    %dma_wait3A_2197 = tpu.memref_squeeze %dma_wait3A_2196 : memref<1x100000xf32, #tpu.memory_space<hbm>> -> memref<100000xf32, #tpu.memory_space<hbm>>
    %dma_wait3A_2198 = arith.constant 0 : i32
    %dma_wait3A_2199 = tpu.memref_slice %dma_wait3A_2197[%dma_wait3A_2198] : memref<100000xf32, #tpu.memory_space<hbm>> -> memref<100000xf32, #tpu.memory_space<hbm>>
    tpu.wait_indirect_dma semaphore(%arg7 : memref<!tpu.dma_semaphore, #tpu.memory_space<semaphore_mem>>) src(%dma_wait3A_2199 : memref<100000xf32, #tpu.memory_space<hbm>>) dst(%dma_wait3A_2187 : memref<4096xf32, #tpu.memory_space<vmem>>)
    %add3A_2200 = arith.constant 17 : i32
    %add3A_2201 = arith.addi %mul3A_2, %add3A_2200 : i32
    %jit3A_2202 = arith.constant 32 : i32
    %div3A_2203 = arith.divsi %add3A_2201, %jit3A_2202 : i32
    %sign3A_2204 = arith.constant 0 : i32
    %sign3A_2205 = arith.cmpi sgt, %add3A_2201, %sign3A_2204 : i32
    %sign3A_2206 = arith.extui %sign3A_2205 : i1 to i32
    %sign3A_2207 = arith.constant 0 : i32
    %sign3A_2208 = arith.cmpi slt, %add3A_2201, %sign3A_2207 : i32
    %sign3A_2209 = arith.extui %sign3A_2208 : i1 to i32
    %sign3A_2210 = arith.subi %sign3A_2206, %sign3A_2209 : i32
    %sign3A_2211 = arith.constant 0 : i32
    %sign3A_2212 = arith.cmpi sgt, %jit3A_2202, %sign3A_2211 : i32
    %sign3A_2213 = arith.extui %sign3A_2212 : i1 to i32
    %sign3A_2214 = arith.constant 0 : i32
    %sign3A_2215 = arith.cmpi slt, %jit3A_2202, %sign3A_2214 : i32
    %sign3A_2216 = arith.extui %sign3A_2215 : i1 to i32
    %sign3A_2217 = arith.subi %sign3A_2213, %sign3A_2216 : i32
    %ne3A_2218 = arith.cmpi ne, %sign3A_2210, %sign3A_2217 : i32
    %rem3A_2219 = arith.remsi %add3A_2201, %jit3A_2202 : i32
    %ne3A_2220 = arith.constant 0 : i32
    %ne3A_2221 = arith.cmpi ne, %rem3A_2219, %ne3A_2220 : i32
    %and3A_2222 = arith.andi %ne3A_2218, %ne3A_2221 : i1
    %sub3A_2223 = arith.constant 1 : i32
    %sub3A_2224 = arith.subi %div3A_2203, %sub3A_2223 : i32
    %select_n3A_2225 = arith.select %and3A_2222, %sub3A_2224, %div3A_2203 : i32
    %jit3A_2226 = arith.constant 32 : i32
    %eq3A_2227 = arith.constant 0 : i32
    %eq3A_2228 = arith.cmpi eq, %jit3A_2226, %eq3A_2227 : i32
    %jit3A_2229 = arith.constant 1 : i32
    %select_n3A_2230 = arith.select %eq3A_2228, %jit3A_2229, %jit3A_2226 : i32
    %rem3A_2231 = arith.remsi %add3A_2201, %select_n3A_2230 : i32
    %ne3A_2232 = arith.constant 0 : i32
    %ne3A_2233 = arith.cmpi ne, %rem3A_2231, %ne3A_2232 : i32
    %lt3A_2234 = arith.constant 0 : i32
    %lt3A_2235 = arith.cmpi slt, %rem3A_2231, %lt3A_2234 : i32
    %lt3A_2236 = arith.constant 0 : i32
    %lt3A_2237 = arith.cmpi slt, %select_n3A_2230, %lt3A_2236 : i32
    %ne3A_2238 = arith.xori %lt3A_2235, %lt3A_2237 : i1
    %and3A_2239 = arith.andi %ne3A_2238, %ne3A_2233 : i1
    %add3A_2240 = arith.addi %rem3A_2231, %select_n3A_2230 : i32
    %select_n3A_2241 = arith.select %and3A_2239, %add3A_2240, %rem3A_2231 : i32
    %eq3A_2242 = arith.cmpi eq, %select_n3A_2225, %select_n3A : i32
    %jit3A_2243 = arith.constant 0 : i32
    %jit3A_2244 = arith.constant 1 : i32
    %select_n3A_2245 = arith.select %eq3A_2242, %jit3A_2243, %jit3A_2244 : i32
    %dma_start3A_2246 = arith.constant 1 : i32
    %dma_start3A_2247 = arith.constant 0 : i32
    %dma_start3A_2248 = tpu.memref_slice %arg6[%dma_start3A_2246, %dma_start3A_2247] : memref<2x4096xf32, #tpu.memory_space<vmem>> -> memref<1x4096xf32, #tpu.memory_space<vmem>>
    %dma_start3A_2249 = tpu.memref_squeeze %dma_start3A_2248 : memref<1x4096xf32, #tpu.memory_space<vmem>> -> memref<4096xf32, #tpu.memory_space<vmem>>
    %dma_start3A_2250 = arith.constant 0 : i32
    %dma_start3A_2251 = tpu.memref_slice %arg5[%select_n3A_2245, %dma_start3A_2250] : memref<2x4096xi32, #tpu.memory_space<vmem>> -> memref<1x4096xi32, #tpu.memory_space<vmem>>
    %dma_start3A_2252 = tpu.memref_squeeze %dma_start3A_2251 : memref<1x4096xi32, #tpu.memory_space<vmem>> -> memref<4096xi32, #tpu.memory_space<vmem>>
    %dma_start3A_2253 = arith.constant 0 : i32
    %dma_start3A_2254 = arith.constant 0 : i32
    %dma_start3A_2255 = tpu.memref_slice %arg2[%select_n3A_2225, %dma_start3A_2253, %dma_start3A_2254] : memref<26x32x100000xf32, #tpu.memory_space<hbm>> -> memref<1x32x100000xf32, #tpu.memory_space<hbm>>
    %dma_start3A_2256 = tpu.memref_squeeze %dma_start3A_2255 : memref<1x32x100000xf32, #tpu.memory_space<hbm>> -> memref<32x100000xf32, #tpu.memory_space<hbm>>
    %dma_start3A_2257 = arith.constant 0 : i32
    %dma_start3A_2258 = tpu.memref_slice %dma_start3A_2256[%select_n3A_2241, %dma_start3A_2257] : memref<32x100000xf32, #tpu.memory_space<hbm>> -> memref<1x100000xf32, #tpu.memory_space<hbm>>
    %dma_start3A_2259 = tpu.memref_squeeze %dma_start3A_2258 : memref<1x100000xf32, #tpu.memory_space<hbm>> -> memref<100000xf32, #tpu.memory_space<hbm>>
    %dma_start3A_2260 = arith.constant 0 : i32
    %dma_start3A_2261 = tpu.memref_slice %dma_start3A_2259[%dma_start3A_2260] : memref<100000xf32, #tpu.memory_space<hbm>> -> memref<100000xf32, #tpu.memory_space<hbm>>
    tpu.enqueue_indirect_dma source(%dma_start3A_2261 : memref<100000xf32, #tpu.memory_space<hbm>>) target(%dma_start3A_2249 : memref<4096xf32, #tpu.memory_space<vmem>>) offsets(%dma_start3A_2252 : memref<4096xi32, #tpu.memory_space<vmem>>) semaphore(%arg7 : memref<!tpu.dma_semaphore, #tpu.memory_space<semaphore_mem>>)
    %add3A_2262 = arith.constant 16 : i32
    %add3A_2263 = arith.addi %mul3A_2, %add3A_2262 : i32
    %run_scoped3A_2264 = arith.constant 0 : i32
    "tpu.region"() ({
      %run_scoped3A_3346 = tpu.sem_alloc : memref<!tpu.dma_semaphore, #tpu.memory_space<semaphore_mem>>
      %dma_start3A_3347 = arith.constant 0 : i32
      %dma_start3A_3348 = tpu.memref_slice %arg6[%run_scoped3A_2264, %dma_start3A_3347] : memref<2x4096xf32, #tpu.memory_space<vmem>> -> memref<1x4096xf32, #tpu.memory_space<vmem>>
      %dma_start3A_3349 = tpu.memref_squeeze %dma_start3A_3348 : memref<1x4096xf32, #tpu.memory_space<vmem>> -> memref<4096xf32, #tpu.memory_space<vmem>>
      %dma_start3A_3350 = arith.constant 0 : i32
      %dma_start3A_3351 = tpu.memref_slice %arg4[%add3A_2263, %dma_start3A_3350] : memref<832x4096xf32, #tpu.memory_space<hbm>> -> memref<1x4096xf32, #tpu.memory_space<hbm>>
      %dma_start3A_3352 = tpu.memref_squeeze %dma_start3A_3351 : memref<1x4096xf32, #tpu.memory_space<hbm>> -> memref<4096xf32, #tpu.memory_space<hbm>>
      %dma_start3A_3353 = arith.constant 0 : i32
      %dma_start3A_3354 = tpu.memref_slice %arg4[%add3A_2263, %dma_start3A_3353] : memref<832x4096xf32, #tpu.memory_space<hbm>> -> memref<1x4096xf32, #tpu.memory_space<hbm>>
      %dma_start3A_3355 = tpu.memref_squeeze %dma_start3A_3354 : memref<1x4096xf32, #tpu.memory_space<hbm>> -> memref<4096xf32, #tpu.memory_space<hbm>>
      %dma_start3A_3356 = arith.constant 0 : i32
      %dma_start3A_3357 = tpu.memref_slice %arg6[%run_scoped3A_2264, %dma_start3A_3356] : memref<2x4096xf32, #tpu.memory_space<vmem>> -> memref<1x4096xf32, #tpu.memory_space<vmem>>
      %dma_start3A_3358 = tpu.memref_squeeze %dma_start3A_3357 : memref<1x4096xf32, #tpu.memory_space<vmem>> -> memref<4096xf32, #tpu.memory_space<vmem>>
      tpu.enqueue_dma source(%dma_start3A_3358 : memref<4096xf32, #tpu.memory_space<vmem>>) target(%dma_start3A_3355 : memref<4096xf32, #tpu.memory_space<hbm>>) target_semaphore(%run_scoped3A_3346 : memref<!tpu.dma_semaphore, #tpu.memory_space<semaphore_mem>>)
      %dma_wait3A_3359 = arith.constant 0 : i32
      %dma_wait3A_3360 = tpu.memref_slice %arg6[%run_scoped3A_2264, %dma_wait3A_3359] : memref<2x4096xf32, #tpu.memory_space<vmem>> -> memref<1x4096xf32, #tpu.memory_space<vmem>>
      %dma_wait3A_3361 = tpu.memref_squeeze %dma_wait3A_3360 : memref<1x4096xf32, #tpu.memory_space<vmem>> -> memref<4096xf32, #tpu.memory_space<vmem>>
      %dma_wait3A_3362 = arith.constant 0 : i32
      %dma_wait3A_3363 = tpu.memref_slice %arg4[%add3A_2263, %dma_wait3A_3362] : memref<832x4096xf32, #tpu.memory_space<hbm>> -> memref<1x4096xf32, #tpu.memory_space<hbm>>
      %dma_wait3A_3364 = tpu.memref_squeeze %dma_wait3A_3363 : memref<1x4096xf32, #tpu.memory_space<hbm>> -> memref<4096xf32, #tpu.memory_space<hbm>>
      %dma_wait3A_3365 = arith.constant 0 : i32
      %dma_wait3A_3366 = tpu.memref_slice %arg4[%add3A_2263, %dma_wait3A_3365] : memref<832x4096xf32, #tpu.memory_space<hbm>> -> memref<1x4096xf32, #tpu.memory_space<hbm>>
      %dma_wait3A_3367 = tpu.memref_squeeze %dma_wait3A_3366 : memref<1x4096xf32, #tpu.memory_space<hbm>> -> memref<4096xf32, #tpu.memory_space<hbm>>
      %dma_wait3A_3368 = arith.constant 0 : i32
      %dma_wait3A_3369 = tpu.memref_slice %arg6[%run_scoped3A_2264, %dma_wait3A_3368] : memref<2x4096xf32, #tpu.memory_space<vmem>> -> memref<1x4096xf32, #tpu.memory_space<vmem>>
      %dma_wait3A_3370 = tpu.memref_squeeze %dma_wait3A_3369 : memref<1x4096xf32, #tpu.memory_space<vmem>> -> memref<4096xf32, #tpu.memory_space<vmem>>
      tpu.wait_dma2 semaphore(%run_scoped3A_3346 : memref<!tpu.dma_semaphore, #tpu.memory_space<semaphore_mem>>) src(%dma_wait3A_3370 : memref<4096xf32, #tpu.memory_space<vmem>>) dst(%dma_wait3A_3367 : memref<4096xf32, #tpu.memory_space<hbm>>)
      tpu.yield
    }) : () -> ()
    %add3A_2265 = arith.constant 17 : i32
    %add3A_2266 = arith.addi %mul3A_2, %add3A_2265 : i32
    %jit3A_2267 = arith.constant 32 : i32
    %div3A_2268 = arith.divsi %add3A_2266, %jit3A_2267 : i32
    %sign3A_2269 = arith.constant 0 : i32
    %sign3A_2270 = arith.cmpi sgt, %add3A_2266, %sign3A_2269 : i32
    %sign3A_2271 = arith.extui %sign3A_2270 : i1 to i32
    %sign3A_2272 = arith.constant 0 : i32
    %sign3A_2273 = arith.cmpi slt, %add3A_2266, %sign3A_2272 : i32
    %sign3A_2274 = arith.extui %sign3A_2273 : i1 to i32
    %sign3A_2275 = arith.subi %sign3A_2271, %sign3A_2274 : i32
    %sign3A_2276 = arith.constant 0 : i32
    %sign3A_2277 = arith.cmpi sgt, %jit3A_2267, %sign3A_2276 : i32
    %sign3A_2278 = arith.extui %sign3A_2277 : i1 to i32
    %sign3A_2279 = arith.constant 0 : i32
    %sign3A_2280 = arith.cmpi slt, %jit3A_2267, %sign3A_2279 : i32
    %sign3A_2281 = arith.extui %sign3A_2280 : i1 to i32
    %sign3A_2282 = arith.subi %sign3A_2278, %sign3A_2281 : i32
    %ne3A_2283 = arith.cmpi ne, %sign3A_2275, %sign3A_2282 : i32
    %rem3A_2284 = arith.remsi %add3A_2266, %jit3A_2267 : i32
    %ne3A_2285 = arith.constant 0 : i32
    %ne3A_2286 = arith.cmpi ne, %rem3A_2284, %ne3A_2285 : i32
    %and3A_2287 = arith.andi %ne3A_2283, %ne3A_2286 : i1
    %sub3A_2288 = arith.constant 1 : i32
    %sub3A_2289 = arith.subi %div3A_2268, %sub3A_2288 : i32
    %select_n3A_2290 = arith.select %and3A_2287, %sub3A_2289, %div3A_2268 : i32
    %jit3A_2291 = arith.constant 32 : i32
    %eq3A_2292 = arith.constant 0 : i32
    %eq3A_2293 = arith.cmpi eq, %jit3A_2291, %eq3A_2292 : i32
    %jit3A_2294 = arith.constant 1 : i32
    %select_n3A_2295 = arith.select %eq3A_2293, %jit3A_2294, %jit3A_2291 : i32
    %rem3A_2296 = arith.remsi %add3A_2266, %select_n3A_2295 : i32
    %ne3A_2297 = arith.constant 0 : i32
    %ne3A_2298 = arith.cmpi ne, %rem3A_2296, %ne3A_2297 : i32
    %lt3A_2299 = arith.constant 0 : i32
    %lt3A_2300 = arith.cmpi slt, %rem3A_2296, %lt3A_2299 : i32
    %lt3A_2301 = arith.constant 0 : i32
    %lt3A_2302 = arith.cmpi slt, %select_n3A_2295, %lt3A_2301 : i32
    %ne3A_2303 = arith.xori %lt3A_2300, %lt3A_2302 : i1
    %and3A_2304 = arith.andi %ne3A_2303, %ne3A_2298 : i1
    %add3A_2305 = arith.addi %rem3A_2296, %select_n3A_2295 : i32
    %select_n3A_2306 = arith.select %and3A_2304, %add3A_2305, %rem3A_2296 : i32
    %eq3A_2307 = arith.cmpi eq, %select_n3A_2290, %select_n3A : i32
    %jit3A_2308 = arith.constant 0 : i32
    %jit3A_2309 = arith.constant 1 : i32
    %select_n3A_2310 = arith.select %eq3A_2307, %jit3A_2308, %jit3A_2309 : i32
    %dma_wait3A_2311 = arith.constant 1 : i32
    %dma_wait3A_2312 = arith.constant 0 : i32
    %dma_wait3A_2313 = tpu.memref_slice %arg6[%dma_wait3A_2311, %dma_wait3A_2312] : memref<2x4096xf32, #tpu.memory_space<vmem>> -> memref<1x4096xf32, #tpu.memory_space<vmem>>
    %dma_wait3A_2314 = tpu.memref_squeeze %dma_wait3A_2313 : memref<1x4096xf32, #tpu.memory_space<vmem>> -> memref<4096xf32, #tpu.memory_space<vmem>>
    %dma_wait3A_2315 = arith.constant 0 : i32
    %dma_wait3A_2316 = tpu.memref_slice %arg5[%select_n3A_2310, %dma_wait3A_2315] : memref<2x4096xi32, #tpu.memory_space<vmem>> -> memref<1x4096xi32, #tpu.memory_space<vmem>>
    %dma_wait3A_2317 = tpu.memref_squeeze %dma_wait3A_2316 : memref<1x4096xi32, #tpu.memory_space<vmem>> -> memref<4096xi32, #tpu.memory_space<vmem>>
    %dma_wait3A_2318 = arith.constant 0 : i32
    %dma_wait3A_2319 = arith.constant 0 : i32
    %dma_wait3A_2320 = tpu.memref_slice %arg2[%select_n3A_2290, %dma_wait3A_2318, %dma_wait3A_2319] : memref<26x32x100000xf32, #tpu.memory_space<hbm>> -> memref<1x32x100000xf32, #tpu.memory_space<hbm>>
    %dma_wait3A_2321 = tpu.memref_squeeze %dma_wait3A_2320 : memref<1x32x100000xf32, #tpu.memory_space<hbm>> -> memref<32x100000xf32, #tpu.memory_space<hbm>>
    %dma_wait3A_2322 = arith.constant 0 : i32
    %dma_wait3A_2323 = tpu.memref_slice %dma_wait3A_2321[%select_n3A_2306, %dma_wait3A_2322] : memref<32x100000xf32, #tpu.memory_space<hbm>> -> memref<1x100000xf32, #tpu.memory_space<hbm>>
    %dma_wait3A_2324 = tpu.memref_squeeze %dma_wait3A_2323 : memref<1x100000xf32, #tpu.memory_space<hbm>> -> memref<100000xf32, #tpu.memory_space<hbm>>
    %dma_wait3A_2325 = arith.constant 0 : i32
    %dma_wait3A_2326 = tpu.memref_slice %dma_wait3A_2324[%dma_wait3A_2325] : memref<100000xf32, #tpu.memory_space<hbm>> -> memref<100000xf32, #tpu.memory_space<hbm>>
    tpu.wait_indirect_dma semaphore(%arg7 : memref<!tpu.dma_semaphore, #tpu.memory_space<semaphore_mem>>) src(%dma_wait3A_2326 : memref<100000xf32, #tpu.memory_space<hbm>>) dst(%dma_wait3A_2314 : memref<4096xf32, #tpu.memory_space<vmem>>)
    %add3A_2327 = arith.constant 18 : i32
    %add3A_2328 = arith.addi %mul3A_2, %add3A_2327 : i32
    %jit3A_2329 = arith.constant 32 : i32
    %div3A_2330 = arith.divsi %add3A_2328, %jit3A_2329 : i32
    %sign3A_2331 = arith.constant 0 : i32
    %sign3A_2332 = arith.cmpi sgt, %add3A_2328, %sign3A_2331 : i32
    %sign3A_2333 = arith.extui %sign3A_2332 : i1 to i32
    %sign3A_2334 = arith.constant 0 : i32
    %sign3A_2335 = arith.cmpi slt, %add3A_2328, %sign3A_2334 : i32
    %sign3A_2336 = arith.extui %sign3A_2335 : i1 to i32
    %sign3A_2337 = arith.subi %sign3A_2333, %sign3A_2336 : i32
    %sign3A_2338 = arith.constant 0 : i32
    %sign3A_2339 = arith.cmpi sgt, %jit3A_2329, %sign3A_2338 : i32
    %sign3A_2340 = arith.extui %sign3A_2339 : i1 to i32
    %sign3A_2341 = arith.constant 0 : i32
    %sign3A_2342 = arith.cmpi slt, %jit3A_2329, %sign3A_2341 : i32
    %sign3A_2343 = arith.extui %sign3A_2342 : i1 to i32
    %sign3A_2344 = arith.subi %sign3A_2340, %sign3A_2343 : i32
    %ne3A_2345 = arith.cmpi ne, %sign3A_2337, %sign3A_2344 : i32
    %rem3A_2346 = arith.remsi %add3A_2328, %jit3A_2329 : i32
    %ne3A_2347 = arith.constant 0 : i32
    %ne3A_2348 = arith.cmpi ne, %rem3A_2346, %ne3A_2347 : i32
    %and3A_2349 = arith.andi %ne3A_2345, %ne3A_2348 : i1
    %sub3A_2350 = arith.constant 1 : i32
    %sub3A_2351 = arith.subi %div3A_2330, %sub3A_2350 : i32
    %select_n3A_2352 = arith.select %and3A_2349, %sub3A_2351, %div3A_2330 : i32
    %jit3A_2353 = arith.constant 32 : i32
    %eq3A_2354 = arith.constant 0 : i32
    %eq3A_2355 = arith.cmpi eq, %jit3A_2353, %eq3A_2354 : i32
    %jit3A_2356 = arith.constant 1 : i32
    %select_n3A_2357 = arith.select %eq3A_2355, %jit3A_2356, %jit3A_2353 : i32
    %rem3A_2358 = arith.remsi %add3A_2328, %select_n3A_2357 : i32
    %ne3A_2359 = arith.constant 0 : i32
    %ne3A_2360 = arith.cmpi ne, %rem3A_2358, %ne3A_2359 : i32
    %lt3A_2361 = arith.constant 0 : i32
    %lt3A_2362 = arith.cmpi slt, %rem3A_2358, %lt3A_2361 : i32
    %lt3A_2363 = arith.constant 0 : i32
    %lt3A_2364 = arith.cmpi slt, %select_n3A_2357, %lt3A_2363 : i32
    %ne3A_2365 = arith.xori %lt3A_2362, %lt3A_2364 : i1
    %and3A_2366 = arith.andi %ne3A_2365, %ne3A_2360 : i1
    %add3A_2367 = arith.addi %rem3A_2358, %select_n3A_2357 : i32
    %select_n3A_2368 = arith.select %and3A_2366, %add3A_2367, %rem3A_2358 : i32
    %eq3A_2369 = arith.cmpi eq, %select_n3A_2352, %select_n3A : i32
    %jit3A_2370 = arith.constant 0 : i32
    %jit3A_2371 = arith.constant 1 : i32
    %select_n3A_2372 = arith.select %eq3A_2369, %jit3A_2370, %jit3A_2371 : i32
    %dma_start3A_2373 = arith.constant 0 : i32
    %dma_start3A_2374 = arith.constant 0 : i32
    %dma_start3A_2375 = tpu.memref_slice %arg6[%dma_start3A_2373, %dma_start3A_2374] : memref<2x4096xf32, #tpu.memory_space<vmem>> -> memref<1x4096xf32, #tpu.memory_space<vmem>>
    %dma_start3A_2376 = tpu.memref_squeeze %dma_start3A_2375 : memref<1x4096xf32, #tpu.memory_space<vmem>> -> memref<4096xf32, #tpu.memory_space<vmem>>
    %dma_start3A_2377 = arith.constant 0 : i32
    %dma_start3A_2378 = tpu.memref_slice %arg5[%select_n3A_2372, %dma_start3A_2377] : memref<2x4096xi32, #tpu.memory_space<vmem>> -> memref<1x4096xi32, #tpu.memory_space<vmem>>
    %dma_start3A_2379 = tpu.memref_squeeze %dma_start3A_2378 : memref<1x4096xi32, #tpu.memory_space<vmem>> -> memref<4096xi32, #tpu.memory_space<vmem>>
    %dma_start3A_2380 = arith.constant 0 : i32
    %dma_start3A_2381 = arith.constant 0 : i32
    %dma_start3A_2382 = tpu.memref_slice %arg2[%select_n3A_2352, %dma_start3A_2380, %dma_start3A_2381] : memref<26x32x100000xf32, #tpu.memory_space<hbm>> -> memref<1x32x100000xf32, #tpu.memory_space<hbm>>
    %dma_start3A_2383 = tpu.memref_squeeze %dma_start3A_2382 : memref<1x32x100000xf32, #tpu.memory_space<hbm>> -> memref<32x100000xf32, #tpu.memory_space<hbm>>
    %dma_start3A_2384 = arith.constant 0 : i32
    %dma_start3A_2385 = tpu.memref_slice %dma_start3A_2383[%select_n3A_2368, %dma_start3A_2384] : memref<32x100000xf32, #tpu.memory_space<hbm>> -> memref<1x100000xf32, #tpu.memory_space<hbm>>
    %dma_start3A_2386 = tpu.memref_squeeze %dma_start3A_2385 : memref<1x100000xf32, #tpu.memory_space<hbm>> -> memref<100000xf32, #tpu.memory_space<hbm>>
    %dma_start3A_2387 = arith.constant 0 : i32
    %dma_start3A_2388 = tpu.memref_slice %dma_start3A_2386[%dma_start3A_2387] : memref<100000xf32, #tpu.memory_space<hbm>> -> memref<100000xf32, #tpu.memory_space<hbm>>
    tpu.enqueue_indirect_dma source(%dma_start3A_2388 : memref<100000xf32, #tpu.memory_space<hbm>>) target(%dma_start3A_2376 : memref<4096xf32, #tpu.memory_space<vmem>>) offsets(%dma_start3A_2379 : memref<4096xi32, #tpu.memory_space<vmem>>) semaphore(%arg7 : memref<!tpu.dma_semaphore, #tpu.memory_space<semaphore_mem>>)
    %add3A_2389 = arith.constant 17 : i32
    %add3A_2390 = arith.addi %mul3A_2, %add3A_2389 : i32
    %run_scoped3A_2391 = arith.constant 1 : i32
    "tpu.region"() ({
      %run_scoped3A_3346 = tpu.sem_alloc : memref<!tpu.dma_semaphore, #tpu.memory_space<semaphore_mem>>
      %dma_start3A_3347 = arith.constant 0 : i32
      %dma_start3A_3348 = tpu.memref_slice %arg6[%run_scoped3A_2391, %dma_start3A_3347] : memref<2x4096xf32, #tpu.memory_space<vmem>> -> memref<1x4096xf32, #tpu.memory_space<vmem>>
      %dma_start3A_3349 = tpu.memref_squeeze %dma_start3A_3348 : memref<1x4096xf32, #tpu.memory_space<vmem>> -> memref<4096xf32, #tpu.memory_space<vmem>>
      %dma_start3A_3350 = arith.constant 0 : i32
      %dma_start3A_3351 = tpu.memref_slice %arg4[%add3A_2390, %dma_start3A_3350] : memref<832x4096xf32, #tpu.memory_space<hbm>> -> memref<1x4096xf32, #tpu.memory_space<hbm>>
      %dma_start3A_3352 = tpu.memref_squeeze %dma_start3A_3351 : memref<1x4096xf32, #tpu.memory_space<hbm>> -> memref<4096xf32, #tpu.memory_space<hbm>>
      %dma_start3A_3353 = arith.constant 0 : i32
      %dma_start3A_3354 = tpu.memref_slice %arg4[%add3A_2390, %dma_start3A_3353] : memref<832x4096xf32, #tpu.memory_space<hbm>> -> memref<1x4096xf32, #tpu.memory_space<hbm>>
      %dma_start3A_3355 = tpu.memref_squeeze %dma_start3A_3354 : memref<1x4096xf32, #tpu.memory_space<hbm>> -> memref<4096xf32, #tpu.memory_space<hbm>>
      %dma_start3A_3356 = arith.constant 0 : i32
      %dma_start3A_3357 = tpu.memref_slice %arg6[%run_scoped3A_2391, %dma_start3A_3356] : memref<2x4096xf32, #tpu.memory_space<vmem>> -> memref<1x4096xf32, #tpu.memory_space<vmem>>
      %dma_start3A_3358 = tpu.memref_squeeze %dma_start3A_3357 : memref<1x4096xf32, #tpu.memory_space<vmem>> -> memref<4096xf32, #tpu.memory_space<vmem>>
      tpu.enqueue_dma source(%dma_start3A_3358 : memref<4096xf32, #tpu.memory_space<vmem>>) target(%dma_start3A_3355 : memref<4096xf32, #tpu.memory_space<hbm>>) target_semaphore(%run_scoped3A_3346 : memref<!tpu.dma_semaphore, #tpu.memory_space<semaphore_mem>>)
      %dma_wait3A_3359 = arith.constant 0 : i32
      %dma_wait3A_3360 = tpu.memref_slice %arg6[%run_scoped3A_2391, %dma_wait3A_3359] : memref<2x4096xf32, #tpu.memory_space<vmem>> -> memref<1x4096xf32, #tpu.memory_space<vmem>>
      %dma_wait3A_3361 = tpu.memref_squeeze %dma_wait3A_3360 : memref<1x4096xf32, #tpu.memory_space<vmem>> -> memref<4096xf32, #tpu.memory_space<vmem>>
      %dma_wait3A_3362 = arith.constant 0 : i32
      %dma_wait3A_3363 = tpu.memref_slice %arg4[%add3A_2390, %dma_wait3A_3362] : memref<832x4096xf32, #tpu.memory_space<hbm>> -> memref<1x4096xf32, #tpu.memory_space<hbm>>
      %dma_wait3A_3364 = tpu.memref_squeeze %dma_wait3A_3363 : memref<1x4096xf32, #tpu.memory_space<hbm>> -> memref<4096xf32, #tpu.memory_space<hbm>>
      %dma_wait3A_3365 = arith.constant 0 : i32
      %dma_wait3A_3366 = tpu.memref_slice %arg4[%add3A_2390, %dma_wait3A_3365] : memref<832x4096xf32, #tpu.memory_space<hbm>> -> memref<1x4096xf32, #tpu.memory_space<hbm>>
      %dma_wait3A_3367 = tpu.memref_squeeze %dma_wait3A_3366 : memref<1x4096xf32, #tpu.memory_space<hbm>> -> memref<4096xf32, #tpu.memory_space<hbm>>
      %dma_wait3A_3368 = arith.constant 0 : i32
      %dma_wait3A_3369 = tpu.memref_slice %arg6[%run_scoped3A_2391, %dma_wait3A_3368] : memref<2x4096xf32, #tpu.memory_space<vmem>> -> memref<1x4096xf32, #tpu.memory_space<vmem>>
      %dma_wait3A_3370 = tpu.memref_squeeze %dma_wait3A_3369 : memref<1x4096xf32, #tpu.memory_space<vmem>> -> memref<4096xf32, #tpu.memory_space<vmem>>
      tpu.wait_dma2 semaphore(%run_scoped3A_3346 : memref<!tpu.dma_semaphore, #tpu.memory_space<semaphore_mem>>) src(%dma_wait3A_3370 : memref<4096xf32, #tpu.memory_space<vmem>>) dst(%dma_wait3A_3367 : memref<4096xf32, #tpu.memory_space<hbm>>)
      tpu.yield
    }) : () -> ()
    %add3A_2392 = arith.constant 18 : i32
    %add3A_2393 = arith.addi %mul3A_2, %add3A_2392 : i32
    %jit3A_2394 = arith.constant 32 : i32
    %div3A_2395 = arith.divsi %add3A_2393, %jit3A_2394 : i32
    %sign3A_2396 = arith.constant 0 : i32
    %sign3A_2397 = arith.cmpi sgt, %add3A_2393, %sign3A_2396 : i32
    %sign3A_2398 = arith.extui %sign3A_2397 : i1 to i32
    %sign3A_2399 = arith.constant 0 : i32
    %sign3A_2400 = arith.cmpi slt, %add3A_2393, %sign3A_2399 : i32
    %sign3A_2401 = arith.extui %sign3A_2400 : i1 to i32
    %sign3A_2402 = arith.subi %sign3A_2398, %sign3A_2401 : i32
    %sign3A_2403 = arith.constant 0 : i32
    %sign3A_2404 = arith.cmpi sgt, %jit3A_2394, %sign3A_2403 : i32
    %sign3A_2405 = arith.extui %sign3A_2404 : i1 to i32
    %sign3A_2406 = arith.constant 0 : i32
    %sign3A_2407 = arith.cmpi slt, %jit3A_2394, %sign3A_2406 : i32
    %sign3A_2408 = arith.extui %sign3A_2407 : i1 to i32
    %sign3A_2409 = arith.subi %sign3A_2405, %sign3A_2408 : i32
    %ne3A_2410 = arith.cmpi ne, %sign3A_2402, %sign3A_2409 : i32
    %rem3A_2411 = arith.remsi %add3A_2393, %jit3A_2394 : i32
    %ne3A_2412 = arith.constant 0 : i32
    %ne3A_2413 = arith.cmpi ne, %rem3A_2411, %ne3A_2412 : i32
    %and3A_2414 = arith.andi %ne3A_2410, %ne3A_2413 : i1
    %sub3A_2415 = arith.constant 1 : i32
    %sub3A_2416 = arith.subi %div3A_2395, %sub3A_2415 : i32
    %select_n3A_2417 = arith.select %and3A_2414, %sub3A_2416, %div3A_2395 : i32
    %jit3A_2418 = arith.constant 32 : i32
    %eq3A_2419 = arith.constant 0 : i32
    %eq3A_2420 = arith.cmpi eq, %jit3A_2418, %eq3A_2419 : i32
    %jit3A_2421 = arith.constant 1 : i32
    %select_n3A_2422 = arith.select %eq3A_2420, %jit3A_2421, %jit3A_2418 : i32
    %rem3A_2423 = arith.remsi %add3A_2393, %select_n3A_2422 : i32
    %ne3A_2424 = arith.constant 0 : i32
    %ne3A_2425 = arith.cmpi ne, %rem3A_2423, %ne3A_2424 : i32
    %lt3A_2426 = arith.constant 0 : i32
    %lt3A_2427 = arith.cmpi slt, %rem3A_2423, %lt3A_2426 : i32
    %lt3A_2428 = arith.constant 0 : i32
    %lt3A_2429 = arith.cmpi slt, %select_n3A_2422, %lt3A_2428 : i32
    %ne3A_2430 = arith.xori %lt3A_2427, %lt3A_2429 : i1
    %and3A_2431 = arith.andi %ne3A_2430, %ne3A_2425 : i1
    %add3A_2432 = arith.addi %rem3A_2423, %select_n3A_2422 : i32
    %select_n3A_2433 = arith.select %and3A_2431, %add3A_2432, %rem3A_2423 : i32
    %eq3A_2434 = arith.cmpi eq, %select_n3A_2417, %select_n3A : i32
    %jit3A_2435 = arith.constant 0 : i32
    %jit3A_2436 = arith.constant 1 : i32
    %select_n3A_2437 = arith.select %eq3A_2434, %jit3A_2435, %jit3A_2436 : i32
    %dma_wait3A_2438 = arith.constant 0 : i32
    %dma_wait3A_2439 = arith.constant 0 : i32
    %dma_wait3A_2440 = tpu.memref_slice %arg6[%dma_wait3A_2438, %dma_wait3A_2439] : memref<2x4096xf32, #tpu.memory_space<vmem>> -> memref<1x4096xf32, #tpu.memory_space<vmem>>
    %dma_wait3A_2441 = tpu.memref_squeeze %dma_wait3A_2440 : memref<1x4096xf32, #tpu.memory_space<vmem>> -> memref<4096xf32, #tpu.memory_space<vmem>>
    %dma_wait3A_2442 = arith.constant 0 : i32
    %dma_wait3A_2443 = tpu.memref_slice %arg5[%select_n3A_2437, %dma_wait3A_2442] : memref<2x4096xi32, #tpu.memory_space<vmem>> -> memref<1x4096xi32, #tpu.memory_space<vmem>>
    %dma_wait3A_2444 = tpu.memref_squeeze %dma_wait3A_2443 : memref<1x4096xi32, #tpu.memory_space<vmem>> -> memref<4096xi32, #tpu.memory_space<vmem>>
    %dma_wait3A_2445 = arith.constant 0 : i32
    %dma_wait3A_2446 = arith.constant 0 : i32
    %dma_wait3A_2447 = tpu.memref_slice %arg2[%select_n3A_2417, %dma_wait3A_2445, %dma_wait3A_2446] : memref<26x32x100000xf32, #tpu.memory_space<hbm>> -> memref<1x32x100000xf32, #tpu.memory_space<hbm>>
    %dma_wait3A_2448 = tpu.memref_squeeze %dma_wait3A_2447 : memref<1x32x100000xf32, #tpu.memory_space<hbm>> -> memref<32x100000xf32, #tpu.memory_space<hbm>>
    %dma_wait3A_2449 = arith.constant 0 : i32
    %dma_wait3A_2450 = tpu.memref_slice %dma_wait3A_2448[%select_n3A_2433, %dma_wait3A_2449] : memref<32x100000xf32, #tpu.memory_space<hbm>> -> memref<1x100000xf32, #tpu.memory_space<hbm>>
    %dma_wait3A_2451 = tpu.memref_squeeze %dma_wait3A_2450 : memref<1x100000xf32, #tpu.memory_space<hbm>> -> memref<100000xf32, #tpu.memory_space<hbm>>
    %dma_wait3A_2452 = arith.constant 0 : i32
    %dma_wait3A_2453 = tpu.memref_slice %dma_wait3A_2451[%dma_wait3A_2452] : memref<100000xf32, #tpu.memory_space<hbm>> -> memref<100000xf32, #tpu.memory_space<hbm>>
    tpu.wait_indirect_dma semaphore(%arg7 : memref<!tpu.dma_semaphore, #tpu.memory_space<semaphore_mem>>) src(%dma_wait3A_2453 : memref<100000xf32, #tpu.memory_space<hbm>>) dst(%dma_wait3A_2441 : memref<4096xf32, #tpu.memory_space<vmem>>)
    %add3A_2454 = arith.constant 19 : i32
    %add3A_2455 = arith.addi %mul3A_2, %add3A_2454 : i32
    %jit3A_2456 = arith.constant 32 : i32
    %div3A_2457 = arith.divsi %add3A_2455, %jit3A_2456 : i32
    %sign3A_2458 = arith.constant 0 : i32
    %sign3A_2459 = arith.cmpi sgt, %add3A_2455, %sign3A_2458 : i32
    %sign3A_2460 = arith.extui %sign3A_2459 : i1 to i32
    %sign3A_2461 = arith.constant 0 : i32
    %sign3A_2462 = arith.cmpi slt, %add3A_2455, %sign3A_2461 : i32
    %sign3A_2463 = arith.extui %sign3A_2462 : i1 to i32
    %sign3A_2464 = arith.subi %sign3A_2460, %sign3A_2463 : i32
    %sign3A_2465 = arith.constant 0 : i32
    %sign3A_2466 = arith.cmpi sgt, %jit3A_2456, %sign3A_2465 : i32
    %sign3A_2467 = arith.extui %sign3A_2466 : i1 to i32
    %sign3A_2468 = arith.constant 0 : i32
    %sign3A_2469 = arith.cmpi slt, %jit3A_2456, %sign3A_2468 : i32
    %sign3A_2470 = arith.extui %sign3A_2469 : i1 to i32
    %sign3A_2471 = arith.subi %sign3A_2467, %sign3A_2470 : i32
    %ne3A_2472 = arith.cmpi ne, %sign3A_2464, %sign3A_2471 : i32
    %rem3A_2473 = arith.remsi %add3A_2455, %jit3A_2456 : i32
    %ne3A_2474 = arith.constant 0 : i32
    %ne3A_2475 = arith.cmpi ne, %rem3A_2473, %ne3A_2474 : i32
    %and3A_2476 = arith.andi %ne3A_2472, %ne3A_2475 : i1
    %sub3A_2477 = arith.constant 1 : i32
    %sub3A_2478 = arith.subi %div3A_2457, %sub3A_2477 : i32
    %select_n3A_2479 = arith.select %and3A_2476, %sub3A_2478, %div3A_2457 : i32
    %jit3A_2480 = arith.constant 32 : i32
    %eq3A_2481 = arith.constant 0 : i32
    %eq3A_2482 = arith.cmpi eq, %jit3A_2480, %eq3A_2481 : i32
    %jit3A_2483 = arith.constant 1 : i32
    %select_n3A_2484 = arith.select %eq3A_2482, %jit3A_2483, %jit3A_2480 : i32
    %rem3A_2485 = arith.remsi %add3A_2455, %select_n3A_2484 : i32
    %ne3A_2486 = arith.constant 0 : i32
    %ne3A_2487 = arith.cmpi ne, %rem3A_2485, %ne3A_2486 : i32
    %lt3A_2488 = arith.constant 0 : i32
    %lt3A_2489 = arith.cmpi slt, %rem3A_2485, %lt3A_2488 : i32
    %lt3A_2490 = arith.constant 0 : i32
    %lt3A_2491 = arith.cmpi slt, %select_n3A_2484, %lt3A_2490 : i32
    %ne3A_2492 = arith.xori %lt3A_2489, %lt3A_2491 : i1
    %and3A_2493 = arith.andi %ne3A_2492, %ne3A_2487 : i1
    %add3A_2494 = arith.addi %rem3A_2485, %select_n3A_2484 : i32
    %select_n3A_2495 = arith.select %and3A_2493, %add3A_2494, %rem3A_2485 : i32
    %eq3A_2496 = arith.cmpi eq, %select_n3A_2479, %select_n3A : i32
    %jit3A_2497 = arith.constant 0 : i32
    %jit3A_2498 = arith.constant 1 : i32
    %select_n3A_2499 = arith.select %eq3A_2496, %jit3A_2497, %jit3A_2498 : i32
    %dma_start3A_2500 = arith.constant 1 : i32
    %dma_start3A_2501 = arith.constant 0 : i32
    %dma_start3A_2502 = tpu.memref_slice %arg6[%dma_start3A_2500, %dma_start3A_2501] : memref<2x4096xf32, #tpu.memory_space<vmem>> -> memref<1x4096xf32, #tpu.memory_space<vmem>>
    %dma_start3A_2503 = tpu.memref_squeeze %dma_start3A_2502 : memref<1x4096xf32, #tpu.memory_space<vmem>> -> memref<4096xf32, #tpu.memory_space<vmem>>
    %dma_start3A_2504 = arith.constant 0 : i32
    %dma_start3A_2505 = tpu.memref_slice %arg5[%select_n3A_2499, %dma_start3A_2504] : memref<2x4096xi32, #tpu.memory_space<vmem>> -> memref<1x4096xi32, #tpu.memory_space<vmem>>
    %dma_start3A_2506 = tpu.memref_squeeze %dma_start3A_2505 : memref<1x4096xi32, #tpu.memory_space<vmem>> -> memref<4096xi32, #tpu.memory_space<vmem>>
    %dma_start3A_2507 = arith.constant 0 : i32
    %dma_start3A_2508 = arith.constant 0 : i32
    %dma_start3A_2509 = tpu.memref_slice %arg2[%select_n3A_2479, %dma_start3A_2507, %dma_start3A_2508] : memref<26x32x100000xf32, #tpu.memory_space<hbm>> -> memref<1x32x100000xf32, #tpu.memory_space<hbm>>
    %dma_start3A_2510 = tpu.memref_squeeze %dma_start3A_2509 : memref<1x32x100000xf32, #tpu.memory_space<hbm>> -> memref<32x100000xf32, #tpu.memory_space<hbm>>
    %dma_start3A_2511 = arith.constant 0 : i32
    %dma_start3A_2512 = tpu.memref_slice %dma_start3A_2510[%select_n3A_2495, %dma_start3A_2511] : memref<32x100000xf32, #tpu.memory_space<hbm>> -> memref<1x100000xf32, #tpu.memory_space<hbm>>
    %dma_start3A_2513 = tpu.memref_squeeze %dma_start3A_2512 : memref<1x100000xf32, #tpu.memory_space<hbm>> -> memref<100000xf32, #tpu.memory_space<hbm>>
    %dma_start3A_2514 = arith.constant 0 : i32
    %dma_start3A_2515 = tpu.memref_slice %dma_start3A_2513[%dma_start3A_2514] : memref<100000xf32, #tpu.memory_space<hbm>> -> memref<100000xf32, #tpu.memory_space<hbm>>
    tpu.enqueue_indirect_dma source(%dma_start3A_2515 : memref<100000xf32, #tpu.memory_space<hbm>>) target(%dma_start3A_2503 : memref<4096xf32, #tpu.memory_space<vmem>>) offsets(%dma_start3A_2506 : memref<4096xi32, #tpu.memory_space<vmem>>) semaphore(%arg7 : memref<!tpu.dma_semaphore, #tpu.memory_space<semaphore_mem>>)
    %add3A_2516 = arith.constant 18 : i32
    %add3A_2517 = arith.addi %mul3A_2, %add3A_2516 : i32
    %run_scoped3A_2518 = arith.constant 0 : i32
    "tpu.region"() ({
      %run_scoped3A_3346 = tpu.sem_alloc : memref<!tpu.dma_semaphore, #tpu.memory_space<semaphore_mem>>
      %dma_start3A_3347 = arith.constant 0 : i32
      %dma_start3A_3348 = tpu.memref_slice %arg6[%run_scoped3A_2518, %dma_start3A_3347] : memref<2x4096xf32, #tpu.memory_space<vmem>> -> memref<1x4096xf32, #tpu.memory_space<vmem>>
      %dma_start3A_3349 = tpu.memref_squeeze %dma_start3A_3348 : memref<1x4096xf32, #tpu.memory_space<vmem>> -> memref<4096xf32, #tpu.memory_space<vmem>>
      %dma_start3A_3350 = arith.constant 0 : i32
      %dma_start3A_3351 = tpu.memref_slice %arg4[%add3A_2517, %dma_start3A_3350] : memref<832x4096xf32, #tpu.memory_space<hbm>> -> memref<1x4096xf32, #tpu.memory_space<hbm>>
      %dma_start3A_3352 = tpu.memref_squeeze %dma_start3A_3351 : memref<1x4096xf32, #tpu.memory_space<hbm>> -> memref<4096xf32, #tpu.memory_space<hbm>>
      %dma_start3A_3353 = arith.constant 0 : i32
      %dma_start3A_3354 = tpu.memref_slice %arg4[%add3A_2517, %dma_start3A_3353] : memref<832x4096xf32, #tpu.memory_space<hbm>> -> memref<1x4096xf32, #tpu.memory_space<hbm>>
      %dma_start3A_3355 = tpu.memref_squeeze %dma_start3A_3354 : memref<1x4096xf32, #tpu.memory_space<hbm>> -> memref<4096xf32, #tpu.memory_space<hbm>>
      %dma_start3A_3356 = arith.constant 0 : i32
      %dma_start3A_3357 = tpu.memref_slice %arg6[%run_scoped3A_2518, %dma_start3A_3356] : memref<2x4096xf32, #tpu.memory_space<vmem>> -> memref<1x4096xf32, #tpu.memory_space<vmem>>
      %dma_start3A_3358 = tpu.memref_squeeze %dma_start3A_3357 : memref<1x4096xf32, #tpu.memory_space<vmem>> -> memref<4096xf32, #tpu.memory_space<vmem>>
      tpu.enqueue_dma source(%dma_start3A_3358 : memref<4096xf32, #tpu.memory_space<vmem>>) target(%dma_start3A_3355 : memref<4096xf32, #tpu.memory_space<hbm>>) target_semaphore(%run_scoped3A_3346 : memref<!tpu.dma_semaphore, #tpu.memory_space<semaphore_mem>>)
      %dma_wait3A_3359 = arith.constant 0 : i32
      %dma_wait3A_3360 = tpu.memref_slice %arg6[%run_scoped3A_2518, %dma_wait3A_3359] : memref<2x4096xf32, #tpu.memory_space<vmem>> -> memref<1x4096xf32, #tpu.memory_space<vmem>>
      %dma_wait3A_3361 = tpu.memref_squeeze %dma_wait3A_3360 : memref<1x4096xf32, #tpu.memory_space<vmem>> -> memref<4096xf32, #tpu.memory_space<vmem>>
      %dma_wait3A_3362 = arith.constant 0 : i32
      %dma_wait3A_3363 = tpu.memref_slice %arg4[%add3A_2517, %dma_wait3A_3362] : memref<832x4096xf32, #tpu.memory_space<hbm>> -> memref<1x4096xf32, #tpu.memory_space<hbm>>
      %dma_wait3A_3364 = tpu.memref_squeeze %dma_wait3A_3363 : memref<1x4096xf32, #tpu.memory_space<hbm>> -> memref<4096xf32, #tpu.memory_space<hbm>>
      %dma_wait3A_3365 = arith.constant 0 : i32
      %dma_wait3A_3366 = tpu.memref_slice %arg4[%add3A_2517, %dma_wait3A_3365] : memref<832x4096xf32, #tpu.memory_space<hbm>> -> memref<1x4096xf32, #tpu.memory_space<hbm>>
      %dma_wait3A_3367 = tpu.memref_squeeze %dma_wait3A_3366 : memref<1x4096xf32, #tpu.memory_space<hbm>> -> memref<4096xf32, #tpu.memory_space<hbm>>
      %dma_wait3A_3368 = arith.constant 0 : i32
      %dma_wait3A_3369 = tpu.memref_slice %arg6[%run_scoped3A_2518, %dma_wait3A_3368] : memref<2x4096xf32, #tpu.memory_space<vmem>> -> memref<1x4096xf32, #tpu.memory_space<vmem>>
      %dma_wait3A_3370 = tpu.memref_squeeze %dma_wait3A_3369 : memref<1x4096xf32, #tpu.memory_space<vmem>> -> memref<4096xf32, #tpu.memory_space<vmem>>
      tpu.wait_dma2 semaphore(%run_scoped3A_3346 : memref<!tpu.dma_semaphore, #tpu.memory_space<semaphore_mem>>) src(%dma_wait3A_3370 : memref<4096xf32, #tpu.memory_space<vmem>>) dst(%dma_wait3A_3367 : memref<4096xf32, #tpu.memory_space<hbm>>)
      tpu.yield
    }) : () -> ()
    %add3A_2519 = arith.constant 19 : i32
    %add3A_2520 = arith.addi %mul3A_2, %add3A_2519 : i32
    %jit3A_2521 = arith.constant 32 : i32
    %div3A_2522 = arith.divsi %add3A_2520, %jit3A_2521 : i32
    %sign3A_2523 = arith.constant 0 : i32
    %sign3A_2524 = arith.cmpi sgt, %add3A_2520, %sign3A_2523 : i32
    %sign3A_2525 = arith.extui %sign3A_2524 : i1 to i32
    %sign3A_2526 = arith.constant 0 : i32
    %sign3A_2527 = arith.cmpi slt, %add3A_2520, %sign3A_2526 : i32
    %sign3A_2528 = arith.extui %sign3A_2527 : i1 to i32
    %sign3A_2529 = arith.subi %sign3A_2525, %sign3A_2528 : i32
    %sign3A_2530 = arith.constant 0 : i32
    %sign3A_2531 = arith.cmpi sgt, %jit3A_2521, %sign3A_2530 : i32
    %sign3A_2532 = arith.extui %sign3A_2531 : i1 to i32
    %sign3A_2533 = arith.constant 0 : i32
    %sign3A_2534 = arith.cmpi slt, %jit3A_2521, %sign3A_2533 : i32
    %sign3A_2535 = arith.extui %sign3A_2534 : i1 to i32
    %sign3A_2536 = arith.subi %sign3A_2532, %sign3A_2535 : i32
    %ne3A_2537 = arith.cmpi ne, %sign3A_2529, %sign3A_2536 : i32
    %rem3A_2538 = arith.remsi %add3A_2520, %jit3A_2521 : i32
    %ne3A_2539 = arith.constant 0 : i32
    %ne3A_2540 = arith.cmpi ne, %rem3A_2538, %ne3A_2539 : i32
    %and3A_2541 = arith.andi %ne3A_2537, %ne3A_2540 : i1
    %sub3A_2542 = arith.constant 1 : i32
    %sub3A_2543 = arith.subi %div3A_2522, %sub3A_2542 : i32
    %select_n3A_2544 = arith.select %and3A_2541, %sub3A_2543, %div3A_2522 : i32
    %jit3A_2545 = arith.constant 32 : i32
    %eq3A_2546 = arith.constant 0 : i32
    %eq3A_2547 = arith.cmpi eq, %jit3A_2545, %eq3A_2546 : i32
    %jit3A_2548 = arith.constant 1 : i32
    %select_n3A_2549 = arith.select %eq3A_2547, %jit3A_2548, %jit3A_2545 : i32
    %rem3A_2550 = arith.remsi %add3A_2520, %select_n3A_2549 : i32
    %ne3A_2551 = arith.constant 0 : i32
    %ne3A_2552 = arith.cmpi ne, %rem3A_2550, %ne3A_2551 : i32
    %lt3A_2553 = arith.constant 0 : i32
    %lt3A_2554 = arith.cmpi slt, %rem3A_2550, %lt3A_2553 : i32
    %lt3A_2555 = arith.constant 0 : i32
    %lt3A_2556 = arith.cmpi slt, %select_n3A_2549, %lt3A_2555 : i32
    %ne3A_2557 = arith.xori %lt3A_2554, %lt3A_2556 : i1
    %and3A_2558 = arith.andi %ne3A_2557, %ne3A_2552 : i1
    %add3A_2559 = arith.addi %rem3A_2550, %select_n3A_2549 : i32
    %select_n3A_2560 = arith.select %and3A_2558, %add3A_2559, %rem3A_2550 : i32
    %eq3A_2561 = arith.cmpi eq, %select_n3A_2544, %select_n3A : i32
    %jit3A_2562 = arith.constant 0 : i32
    %jit3A_2563 = arith.constant 1 : i32
    %select_n3A_2564 = arith.select %eq3A_2561, %jit3A_2562, %jit3A_2563 : i32
    %dma_wait3A_2565 = arith.constant 1 : i32
    %dma_wait3A_2566 = arith.constant 0 : i32
    %dma_wait3A_2567 = tpu.memref_slice %arg6[%dma_wait3A_2565, %dma_wait3A_2566] : memref<2x4096xf32, #tpu.memory_space<vmem>> -> memref<1x4096xf32, #tpu.memory_space<vmem>>
    %dma_wait3A_2568 = tpu.memref_squeeze %dma_wait3A_2567 : memref<1x4096xf32, #tpu.memory_space<vmem>> -> memref<4096xf32, #tpu.memory_space<vmem>>
    %dma_wait3A_2569 = arith.constant 0 : i32
    %dma_wait3A_2570 = tpu.memref_slice %arg5[%select_n3A_2564, %dma_wait3A_2569] : memref<2x4096xi32, #tpu.memory_space<vmem>> -> memref<1x4096xi32, #tpu.memory_space<vmem>>
    %dma_wait3A_2571 = tpu.memref_squeeze %dma_wait3A_2570 : memref<1x4096xi32, #tpu.memory_space<vmem>> -> memref<4096xi32, #tpu.memory_space<vmem>>
    %dma_wait3A_2572 = arith.constant 0 : i32
    %dma_wait3A_2573 = arith.constant 0 : i32
    %dma_wait3A_2574 = tpu.memref_slice %arg2[%select_n3A_2544, %dma_wait3A_2572, %dma_wait3A_2573] : memref<26x32x100000xf32, #tpu.memory_space<hbm>> -> memref<1x32x100000xf32, #tpu.memory_space<hbm>>
    %dma_wait3A_2575 = tpu.memref_squeeze %dma_wait3A_2574 : memref<1x32x100000xf32, #tpu.memory_space<hbm>> -> memref<32x100000xf32, #tpu.memory_space<hbm>>
    %dma_wait3A_2576 = arith.constant 0 : i32
    %dma_wait3A_2577 = tpu.memref_slice %dma_wait3A_2575[%select_n3A_2560, %dma_wait3A_2576] : memref<32x100000xf32, #tpu.memory_space<hbm>> -> memref<1x100000xf32, #tpu.memory_space<hbm>>
    %dma_wait3A_2578 = tpu.memref_squeeze %dma_wait3A_2577 : memref<1x100000xf32, #tpu.memory_space<hbm>> -> memref<100000xf32, #tpu.memory_space<hbm>>
    %dma_wait3A_2579 = arith.constant 0 : i32
    %dma_wait3A_2580 = tpu.memref_slice %dma_wait3A_2578[%dma_wait3A_2579] : memref<100000xf32, #tpu.memory_space<hbm>> -> memref<100000xf32, #tpu.memory_space<hbm>>
    tpu.wait_indirect_dma semaphore(%arg7 : memref<!tpu.dma_semaphore, #tpu.memory_space<semaphore_mem>>) src(%dma_wait3A_2580 : memref<100000xf32, #tpu.memory_space<hbm>>) dst(%dma_wait3A_2568 : memref<4096xf32, #tpu.memory_space<vmem>>)
    %add3A_2581 = arith.constant 20 : i32
    %add3A_2582 = arith.addi %mul3A_2, %add3A_2581 : i32
    %jit3A_2583 = arith.constant 32 : i32
    %div3A_2584 = arith.divsi %add3A_2582, %jit3A_2583 : i32
    %sign3A_2585 = arith.constant 0 : i32
    %sign3A_2586 = arith.cmpi sgt, %add3A_2582, %sign3A_2585 : i32
    %sign3A_2587 = arith.extui %sign3A_2586 : i1 to i32
    %sign3A_2588 = arith.constant 0 : i32
    %sign3A_2589 = arith.cmpi slt, %add3A_2582, %sign3A_2588 : i32
    %sign3A_2590 = arith.extui %sign3A_2589 : i1 to i32
    %sign3A_2591 = arith.subi %sign3A_2587, %sign3A_2590 : i32
    %sign3A_2592 = arith.constant 0 : i32
    %sign3A_2593 = arith.cmpi sgt, %jit3A_2583, %sign3A_2592 : i32
    %sign3A_2594 = arith.extui %sign3A_2593 : i1 to i32
    %sign3A_2595 = arith.constant 0 : i32
    %sign3A_2596 = arith.cmpi slt, %jit3A_2583, %sign3A_2595 : i32
    %sign3A_2597 = arith.extui %sign3A_2596 : i1 to i32
    %sign3A_2598 = arith.subi %sign3A_2594, %sign3A_2597 : i32
    %ne3A_2599 = arith.cmpi ne, %sign3A_2591, %sign3A_2598 : i32
    %rem3A_2600 = arith.remsi %add3A_2582, %jit3A_2583 : i32
    %ne3A_2601 = arith.constant 0 : i32
    %ne3A_2602 = arith.cmpi ne, %rem3A_2600, %ne3A_2601 : i32
    %and3A_2603 = arith.andi %ne3A_2599, %ne3A_2602 : i1
    %sub3A_2604 = arith.constant 1 : i32
    %sub3A_2605 = arith.subi %div3A_2584, %sub3A_2604 : i32
    %select_n3A_2606 = arith.select %and3A_2603, %sub3A_2605, %div3A_2584 : i32
    %jit3A_2607 = arith.constant 32 : i32
    %eq3A_2608 = arith.constant 0 : i32
    %eq3A_2609 = arith.cmpi eq, %jit3A_2607, %eq3A_2608 : i32
    %jit3A_2610 = arith.constant 1 : i32
    %select_n3A_2611 = arith.select %eq3A_2609, %jit3A_2610, %jit3A_2607 : i32
    %rem3A_2612 = arith.remsi %add3A_2582, %select_n3A_2611 : i32
    %ne3A_2613 = arith.constant 0 : i32
    %ne3A_2614 = arith.cmpi ne, %rem3A_2612, %ne3A_2613 : i32
    %lt3A_2615 = arith.constant 0 : i32
    %lt3A_2616 = arith.cmpi slt, %rem3A_2612, %lt3A_2615 : i32
    %lt3A_2617 = arith.constant 0 : i32
    %lt3A_2618 = arith.cmpi slt, %select_n3A_2611, %lt3A_2617 : i32
    %ne3A_2619 = arith.xori %lt3A_2616, %lt3A_2618 : i1
    %and3A_2620 = arith.andi %ne3A_2619, %ne3A_2614 : i1
    %add3A_2621 = arith.addi %rem3A_2612, %select_n3A_2611 : i32
    %select_n3A_2622 = arith.select %and3A_2620, %add3A_2621, %rem3A_2612 : i32
    %eq3A_2623 = arith.cmpi eq, %select_n3A_2606, %select_n3A : i32
    %jit3A_2624 = arith.constant 0 : i32
    %jit3A_2625 = arith.constant 1 : i32
    %select_n3A_2626 = arith.select %eq3A_2623, %jit3A_2624, %jit3A_2625 : i32
    %dma_start3A_2627 = arith.constant 0 : i32
    %dma_start3A_2628 = arith.constant 0 : i32
    %dma_start3A_2629 = tpu.memref_slice %arg6[%dma_start3A_2627, %dma_start3A_2628] : memref<2x4096xf32, #tpu.memory_space<vmem>> -> memref<1x4096xf32, #tpu.memory_space<vmem>>
    %dma_start3A_2630 = tpu.memref_squeeze %dma_start3A_2629 : memref<1x4096xf32, #tpu.memory_space<vmem>> -> memref<4096xf32, #tpu.memory_space<vmem>>
    %dma_start3A_2631 = arith.constant 0 : i32
    %dma_start3A_2632 = tpu.memref_slice %arg5[%select_n3A_2626, %dma_start3A_2631] : memref<2x4096xi32, #tpu.memory_space<vmem>> -> memref<1x4096xi32, #tpu.memory_space<vmem>>
    %dma_start3A_2633 = tpu.memref_squeeze %dma_start3A_2632 : memref<1x4096xi32, #tpu.memory_space<vmem>> -> memref<4096xi32, #tpu.memory_space<vmem>>
    %dma_start3A_2634 = arith.constant 0 : i32
    %dma_start3A_2635 = arith.constant 0 : i32
    %dma_start3A_2636 = tpu.memref_slice %arg2[%select_n3A_2606, %dma_start3A_2634, %dma_start3A_2635] : memref<26x32x100000xf32, #tpu.memory_space<hbm>> -> memref<1x32x100000xf32, #tpu.memory_space<hbm>>
    %dma_start3A_2637 = tpu.memref_squeeze %dma_start3A_2636 : memref<1x32x100000xf32, #tpu.memory_space<hbm>> -> memref<32x100000xf32, #tpu.memory_space<hbm>>
    %dma_start3A_2638 = arith.constant 0 : i32
    %dma_start3A_2639 = tpu.memref_slice %dma_start3A_2637[%select_n3A_2622, %dma_start3A_2638] : memref<32x100000xf32, #tpu.memory_space<hbm>> -> memref<1x100000xf32, #tpu.memory_space<hbm>>
    %dma_start3A_2640 = tpu.memref_squeeze %dma_start3A_2639 : memref<1x100000xf32, #tpu.memory_space<hbm>> -> memref<100000xf32, #tpu.memory_space<hbm>>
    %dma_start3A_2641 = arith.constant 0 : i32
    %dma_start3A_2642 = tpu.memref_slice %dma_start3A_2640[%dma_start3A_2641] : memref<100000xf32, #tpu.memory_space<hbm>> -> memref<100000xf32, #tpu.memory_space<hbm>>
    tpu.enqueue_indirect_dma source(%dma_start3A_2642 : memref<100000xf32, #tpu.memory_space<hbm>>) target(%dma_start3A_2630 : memref<4096xf32, #tpu.memory_space<vmem>>) offsets(%dma_start3A_2633 : memref<4096xi32, #tpu.memory_space<vmem>>) semaphore(%arg7 : memref<!tpu.dma_semaphore, #tpu.memory_space<semaphore_mem>>)
    %add3A_2643 = arith.constant 19 : i32
    %add3A_2644 = arith.addi %mul3A_2, %add3A_2643 : i32
    %run_scoped3A_2645 = arith.constant 1 : i32
    "tpu.region"() ({
      %run_scoped3A_3346 = tpu.sem_alloc : memref<!tpu.dma_semaphore, #tpu.memory_space<semaphore_mem>>
      %dma_start3A_3347 = arith.constant 0 : i32
      %dma_start3A_3348 = tpu.memref_slice %arg6[%run_scoped3A_2645, %dma_start3A_3347] : memref<2x4096xf32, #tpu.memory_space<vmem>> -> memref<1x4096xf32, #tpu.memory_space<vmem>>
      %dma_start3A_3349 = tpu.memref_squeeze %dma_start3A_3348 : memref<1x4096xf32, #tpu.memory_space<vmem>> -> memref<4096xf32, #tpu.memory_space<vmem>>
      %dma_start3A_3350 = arith.constant 0 : i32
      %dma_start3A_3351 = tpu.memref_slice %arg4[%add3A_2644, %dma_start3A_3350] : memref<832x4096xf32, #tpu.memory_space<hbm>> -> memref<1x4096xf32, #tpu.memory_space<hbm>>
      %dma_start3A_3352 = tpu.memref_squeeze %dma_start3A_3351 : memref<1x4096xf32, #tpu.memory_space<hbm>> -> memref<4096xf32, #tpu.memory_space<hbm>>
      %dma_start3A_3353 = arith.constant 0 : i32
      %dma_start3A_3354 = tpu.memref_slice %arg4[%add3A_2644, %dma_start3A_3353] : memref<832x4096xf32, #tpu.memory_space<hbm>> -> memref<1x4096xf32, #tpu.memory_space<hbm>>
      %dma_start3A_3355 = tpu.memref_squeeze %dma_start3A_3354 : memref<1x4096xf32, #tpu.memory_space<hbm>> -> memref<4096xf32, #tpu.memory_space<hbm>>
      %dma_start3A_3356 = arith.constant 0 : i32
      %dma_start3A_3357 = tpu.memref_slice %arg6[%run_scoped3A_2645, %dma_start3A_3356] : memref<2x4096xf32, #tpu.memory_space<vmem>> -> memref<1x4096xf32, #tpu.memory_space<vmem>>
      %dma_start3A_3358 = tpu.memref_squeeze %dma_start3A_3357 : memref<1x4096xf32, #tpu.memory_space<vmem>> -> memref<4096xf32, #tpu.memory_space<vmem>>
      tpu.enqueue_dma source(%dma_start3A_3358 : memref<4096xf32, #tpu.memory_space<vmem>>) target(%dma_start3A_3355 : memref<4096xf32, #tpu.memory_space<hbm>>) target_semaphore(%run_scoped3A_3346 : memref<!tpu.dma_semaphore, #tpu.memory_space<semaphore_mem>>)
      %dma_wait3A_3359 = arith.constant 0 : i32
      %dma_wait3A_3360 = tpu.memref_slice %arg6[%run_scoped3A_2645, %dma_wait3A_3359] : memref<2x4096xf32, #tpu.memory_space<vmem>> -> memref<1x4096xf32, #tpu.memory_space<vmem>>
      %dma_wait3A_3361 = tpu.memref_squeeze %dma_wait3A_3360 : memref<1x4096xf32, #tpu.memory_space<vmem>> -> memref<4096xf32, #tpu.memory_space<vmem>>
      %dma_wait3A_3362 = arith.constant 0 : i32
      %dma_wait3A_3363 = tpu.memref_slice %arg4[%add3A_2644, %dma_wait3A_3362] : memref<832x4096xf32, #tpu.memory_space<hbm>> -> memref<1x4096xf32, #tpu.memory_space<hbm>>
      %dma_wait3A_3364 = tpu.memref_squeeze %dma_wait3A_3363 : memref<1x4096xf32, #tpu.memory_space<hbm>> -> memref<4096xf32, #tpu.memory_space<hbm>>
      %dma_wait3A_3365 = arith.constant 0 : i32
      %dma_wait3A_3366 = tpu.memref_slice %arg4[%add3A_2644, %dma_wait3A_3365] : memref<832x4096xf32, #tpu.memory_space<hbm>> -> memref<1x4096xf32, #tpu.memory_space<hbm>>
      %dma_wait3A_3367 = tpu.memref_squeeze %dma_wait3A_3366 : memref<1x4096xf32, #tpu.memory_space<hbm>> -> memref<4096xf32, #tpu.memory_space<hbm>>
      %dma_wait3A_3368 = arith.constant 0 : i32
      %dma_wait3A_3369 = tpu.memref_slice %arg6[%run_scoped3A_2645, %dma_wait3A_3368] : memref<2x4096xf32, #tpu.memory_space<vmem>> -> memref<1x4096xf32, #tpu.memory_space<vmem>>
      %dma_wait3A_3370 = tpu.memref_squeeze %dma_wait3A_3369 : memref<1x4096xf32, #tpu.memory_space<vmem>> -> memref<4096xf32, #tpu.memory_space<vmem>>
      tpu.wait_dma2 semaphore(%run_scoped3A_3346 : memref<!tpu.dma_semaphore, #tpu.memory_space<semaphore_mem>>) src(%dma_wait3A_3370 : memref<4096xf32, #tpu.memory_space<vmem>>) dst(%dma_wait3A_3367 : memref<4096xf32, #tpu.memory_space<hbm>>)
      tpu.yield
    }) : () -> ()
    %add3A_2646 = arith.constant 20 : i32
    %add3A_2647 = arith.addi %mul3A_2, %add3A_2646 : i32
    %jit3A_2648 = arith.constant 32 : i32
    %div3A_2649 = arith.divsi %add3A_2647, %jit3A_2648 : i32
    %sign3A_2650 = arith.constant 0 : i32
    %sign3A_2651 = arith.cmpi sgt, %add3A_2647, %sign3A_2650 : i32
    %sign3A_2652 = arith.extui %sign3A_2651 : i1 to i32
    %sign3A_2653 = arith.constant 0 : i32
    %sign3A_2654 = arith.cmpi slt, %add3A_2647, %sign3A_2653 : i32
    %sign3A_2655 = arith.extui %sign3A_2654 : i1 to i32
    %sign3A_2656 = arith.subi %sign3A_2652, %sign3A_2655 : i32
    %sign3A_2657 = arith.constant 0 : i32
    %sign3A_2658 = arith.cmpi sgt, %jit3A_2648, %sign3A_2657 : i32
    %sign3A_2659 = arith.extui %sign3A_2658 : i1 to i32
    %sign3A_2660 = arith.constant 0 : i32
    %sign3A_2661 = arith.cmpi slt, %jit3A_2648, %sign3A_2660 : i32
    %sign3A_2662 = arith.extui %sign3A_2661 : i1 to i32
    %sign3A_2663 = arith.subi %sign3A_2659, %sign3A_2662 : i32
    %ne3A_2664 = arith.cmpi ne, %sign3A_2656, %sign3A_2663 : i32
    %rem3A_2665 = arith.remsi %add3A_2647, %jit3A_2648 : i32
    %ne3A_2666 = arith.constant 0 : i32
    %ne3A_2667 = arith.cmpi ne, %rem3A_2665, %ne3A_2666 : i32
    %and3A_2668 = arith.andi %ne3A_2664, %ne3A_2667 : i1
    %sub3A_2669 = arith.constant 1 : i32
    %sub3A_2670 = arith.subi %div3A_2649, %sub3A_2669 : i32
    %select_n3A_2671 = arith.select %and3A_2668, %sub3A_2670, %div3A_2649 : i32
    %jit3A_2672 = arith.constant 32 : i32
    %eq3A_2673 = arith.constant 0 : i32
    %eq3A_2674 = arith.cmpi eq, %jit3A_2672, %eq3A_2673 : i32
    %jit3A_2675 = arith.constant 1 : i32
    %select_n3A_2676 = arith.select %eq3A_2674, %jit3A_2675, %jit3A_2672 : i32
    %rem3A_2677 = arith.remsi %add3A_2647, %select_n3A_2676 : i32
    %ne3A_2678 = arith.constant 0 : i32
    %ne3A_2679 = arith.cmpi ne, %rem3A_2677, %ne3A_2678 : i32
    %lt3A_2680 = arith.constant 0 : i32
    %lt3A_2681 = arith.cmpi slt, %rem3A_2677, %lt3A_2680 : i32
    %lt3A_2682 = arith.constant 0 : i32
    %lt3A_2683 = arith.cmpi slt, %select_n3A_2676, %lt3A_2682 : i32
    %ne3A_2684 = arith.xori %lt3A_2681, %lt3A_2683 : i1
    %and3A_2685 = arith.andi %ne3A_2684, %ne3A_2679 : i1
    %add3A_2686 = arith.addi %rem3A_2677, %select_n3A_2676 : i32
    %select_n3A_2687 = arith.select %and3A_2685, %add3A_2686, %rem3A_2677 : i32
    %eq3A_2688 = arith.cmpi eq, %select_n3A_2671, %select_n3A : i32
    %jit3A_2689 = arith.constant 0 : i32
    %jit3A_2690 = arith.constant 1 : i32
    %select_n3A_2691 = arith.select %eq3A_2688, %jit3A_2689, %jit3A_2690 : i32
    %dma_wait3A_2692 = arith.constant 0 : i32
    %dma_wait3A_2693 = arith.constant 0 : i32
    %dma_wait3A_2694 = tpu.memref_slice %arg6[%dma_wait3A_2692, %dma_wait3A_2693] : memref<2x4096xf32, #tpu.memory_space<vmem>> -> memref<1x4096xf32, #tpu.memory_space<vmem>>
    %dma_wait3A_2695 = tpu.memref_squeeze %dma_wait3A_2694 : memref<1x4096xf32, #tpu.memory_space<vmem>> -> memref<4096xf32, #tpu.memory_space<vmem>>
    %dma_wait3A_2696 = arith.constant 0 : i32
    %dma_wait3A_2697 = tpu.memref_slice %arg5[%select_n3A_2691, %dma_wait3A_2696] : memref<2x4096xi32, #tpu.memory_space<vmem>> -> memref<1x4096xi32, #tpu.memory_space<vmem>>
    %dma_wait3A_2698 = tpu.memref_squeeze %dma_wait3A_2697 : memref<1x4096xi32, #tpu.memory_space<vmem>> -> memref<4096xi32, #tpu.memory_space<vmem>>
    %dma_wait3A_2699 = arith.constant 0 : i32
    %dma_wait3A_2700 = arith.constant 0 : i32
    %dma_wait3A_2701 = tpu.memref_slice %arg2[%select_n3A_2671, %dma_wait3A_2699, %dma_wait3A_2700] : memref<26x32x100000xf32, #tpu.memory_space<hbm>> -> memref<1x32x100000xf32, #tpu.memory_space<hbm>>
    %dma_wait3A_2702 = tpu.memref_squeeze %dma_wait3A_2701 : memref<1x32x100000xf32, #tpu.memory_space<hbm>> -> memref<32x100000xf32, #tpu.memory_space<hbm>>
    %dma_wait3A_2703 = arith.constant 0 : i32
    %dma_wait3A_2704 = tpu.memref_slice %dma_wait3A_2702[%select_n3A_2687, %dma_wait3A_2703] : memref<32x100000xf32, #tpu.memory_space<hbm>> -> memref<1x100000xf32, #tpu.memory_space<hbm>>
    %dma_wait3A_2705 = tpu.memref_squeeze %dma_wait3A_2704 : memref<1x100000xf32, #tpu.memory_space<hbm>> -> memref<100000xf32, #tpu.memory_space<hbm>>
    %dma_wait3A_2706 = arith.constant 0 : i32
    %dma_wait3A_2707 = tpu.memref_slice %dma_wait3A_2705[%dma_wait3A_2706] : memref<100000xf32, #tpu.memory_space<hbm>> -> memref<100000xf32, #tpu.memory_space<hbm>>
    tpu.wait_indirect_dma semaphore(%arg7 : memref<!tpu.dma_semaphore, #tpu.memory_space<semaphore_mem>>) src(%dma_wait3A_2707 : memref<100000xf32, #tpu.memory_space<hbm>>) dst(%dma_wait3A_2695 : memref<4096xf32, #tpu.memory_space<vmem>>)
    %add3A_2708 = arith.constant 21 : i32
    %add3A_2709 = arith.addi %mul3A_2, %add3A_2708 : i32
    %jit3A_2710 = arith.constant 32 : i32
    %div3A_2711 = arith.divsi %add3A_2709, %jit3A_2710 : i32
    %sign3A_2712 = arith.constant 0 : i32
    %sign3A_2713 = arith.cmpi sgt, %add3A_2709, %sign3A_2712 : i32
    %sign3A_2714 = arith.extui %sign3A_2713 : i1 to i32
    %sign3A_2715 = arith.constant 0 : i32
    %sign3A_2716 = arith.cmpi slt, %add3A_2709, %sign3A_2715 : i32
    %sign3A_2717 = arith.extui %sign3A_2716 : i1 to i32
    %sign3A_2718 = arith.subi %sign3A_2714, %sign3A_2717 : i32
    %sign3A_2719 = arith.constant 0 : i32
    %sign3A_2720 = arith.cmpi sgt, %jit3A_2710, %sign3A_2719 : i32
    %sign3A_2721 = arith.extui %sign3A_2720 : i1 to i32
    %sign3A_2722 = arith.constant 0 : i32
    %sign3A_2723 = arith.cmpi slt, %jit3A_2710, %sign3A_2722 : i32
    %sign3A_2724 = arith.extui %sign3A_2723 : i1 to i32
    %sign3A_2725 = arith.subi %sign3A_2721, %sign3A_2724 : i32
    %ne3A_2726 = arith.cmpi ne, %sign3A_2718, %sign3A_2725 : i32
    %rem3A_2727 = arith.remsi %add3A_2709, %jit3A_2710 : i32
    %ne3A_2728 = arith.constant 0 : i32
    %ne3A_2729 = arith.cmpi ne, %rem3A_2727, %ne3A_2728 : i32
    %and3A_2730 = arith.andi %ne3A_2726, %ne3A_2729 : i1
    %sub3A_2731 = arith.constant 1 : i32
    %sub3A_2732 = arith.subi %div3A_2711, %sub3A_2731 : i32
    %select_n3A_2733 = arith.select %and3A_2730, %sub3A_2732, %div3A_2711 : i32
    %jit3A_2734 = arith.constant 32 : i32
    %eq3A_2735 = arith.constant 0 : i32
    %eq3A_2736 = arith.cmpi eq, %jit3A_2734, %eq3A_2735 : i32
    %jit3A_2737 = arith.constant 1 : i32
    %select_n3A_2738 = arith.select %eq3A_2736, %jit3A_2737, %jit3A_2734 : i32
    %rem3A_2739 = arith.remsi %add3A_2709, %select_n3A_2738 : i32
    %ne3A_2740 = arith.constant 0 : i32
    %ne3A_2741 = arith.cmpi ne, %rem3A_2739, %ne3A_2740 : i32
    %lt3A_2742 = arith.constant 0 : i32
    %lt3A_2743 = arith.cmpi slt, %rem3A_2739, %lt3A_2742 : i32
    %lt3A_2744 = arith.constant 0 : i32
    %lt3A_2745 = arith.cmpi slt, %select_n3A_2738, %lt3A_2744 : i32
    %ne3A_2746 = arith.xori %lt3A_2743, %lt3A_2745 : i1
    %and3A_2747 = arith.andi %ne3A_2746, %ne3A_2741 : i1
    %add3A_2748 = arith.addi %rem3A_2739, %select_n3A_2738 : i32
    %select_n3A_2749 = arith.select %and3A_2747, %add3A_2748, %rem3A_2739 : i32
    %eq3A_2750 = arith.cmpi eq, %select_n3A_2733, %select_n3A : i32
    %jit3A_2751 = arith.constant 0 : i32
    %jit3A_2752 = arith.constant 1 : i32
    %select_n3A_2753 = arith.select %eq3A_2750, %jit3A_2751, %jit3A_2752 : i32
    %dma_start3A_2754 = arith.constant 1 : i32
    %dma_start3A_2755 = arith.constant 0 : i32
    %dma_start3A_2756 = tpu.memref_slice %arg6[%dma_start3A_2754, %dma_start3A_2755] : memref<2x4096xf32, #tpu.memory_space<vmem>> -> memref<1x4096xf32, #tpu.memory_space<vmem>>
    %dma_start3A_2757 = tpu.memref_squeeze %dma_start3A_2756 : memref<1x4096xf32, #tpu.memory_space<vmem>> -> memref<4096xf32, #tpu.memory_space<vmem>>
    %dma_start3A_2758 = arith.constant 0 : i32
    %dma_start3A_2759 = tpu.memref_slice %arg5[%select_n3A_2753, %dma_start3A_2758] : memref<2x4096xi32, #tpu.memory_space<vmem>> -> memref<1x4096xi32, #tpu.memory_space<vmem>>
    %dma_start3A_2760 = tpu.memref_squeeze %dma_start3A_2759 : memref<1x4096xi32, #tpu.memory_space<vmem>> -> memref<4096xi32, #tpu.memory_space<vmem>>
    %dma_start3A_2761 = arith.constant 0 : i32
    %dma_start3A_2762 = arith.constant 0 : i32
    %dma_start3A_2763 = tpu.memref_slice %arg2[%select_n3A_2733, %dma_start3A_2761, %dma_start3A_2762] : memref<26x32x100000xf32, #tpu.memory_space<hbm>> -> memref<1x32x100000xf32, #tpu.memory_space<hbm>>
    %dma_start3A_2764 = tpu.memref_squeeze %dma_start3A_2763 : memref<1x32x100000xf32, #tpu.memory_space<hbm>> -> memref<32x100000xf32, #tpu.memory_space<hbm>>
    %dma_start3A_2765 = arith.constant 0 : i32
    %dma_start3A_2766 = tpu.memref_slice %dma_start3A_2764[%select_n3A_2749, %dma_start3A_2765] : memref<32x100000xf32, #tpu.memory_space<hbm>> -> memref<1x100000xf32, #tpu.memory_space<hbm>>
    %dma_start3A_2767 = tpu.memref_squeeze %dma_start3A_2766 : memref<1x100000xf32, #tpu.memory_space<hbm>> -> memref<100000xf32, #tpu.memory_space<hbm>>
    %dma_start3A_2768 = arith.constant 0 : i32
    %dma_start3A_2769 = tpu.memref_slice %dma_start3A_2767[%dma_start3A_2768] : memref<100000xf32, #tpu.memory_space<hbm>> -> memref<100000xf32, #tpu.memory_space<hbm>>
    tpu.enqueue_indirect_dma source(%dma_start3A_2769 : memref<100000xf32, #tpu.memory_space<hbm>>) target(%dma_start3A_2757 : memref<4096xf32, #tpu.memory_space<vmem>>) offsets(%dma_start3A_2760 : memref<4096xi32, #tpu.memory_space<vmem>>) semaphore(%arg7 : memref<!tpu.dma_semaphore, #tpu.memory_space<semaphore_mem>>)
    %add3A_2770 = arith.constant 20 : i32
    %add3A_2771 = arith.addi %mul3A_2, %add3A_2770 : i32
    %run_scoped3A_2772 = arith.constant 0 : i32
    "tpu.region"() ({
      %run_scoped3A_3346 = tpu.sem_alloc : memref<!tpu.dma_semaphore, #tpu.memory_space<semaphore_mem>>
      %dma_start3A_3347 = arith.constant 0 : i32
      %dma_start3A_3348 = tpu.memref_slice %arg6[%run_scoped3A_2772, %dma_start3A_3347] : memref<2x4096xf32, #tpu.memory_space<vmem>> -> memref<1x4096xf32, #tpu.memory_space<vmem>>
      %dma_start3A_3349 = tpu.memref_squeeze %dma_start3A_3348 : memref<1x4096xf32, #tpu.memory_space<vmem>> -> memref<4096xf32, #tpu.memory_space<vmem>>
      %dma_start3A_3350 = arith.constant 0 : i32
      %dma_start3A_3351 = tpu.memref_slice %arg4[%add3A_2771, %dma_start3A_3350] : memref<832x4096xf32, #tpu.memory_space<hbm>> -> memref<1x4096xf32, #tpu.memory_space<hbm>>
      %dma_start3A_3352 = tpu.memref_squeeze %dma_start3A_3351 : memref<1x4096xf32, #tpu.memory_space<hbm>> -> memref<4096xf32, #tpu.memory_space<hbm>>
      %dma_start3A_3353 = arith.constant 0 : i32
      %dma_start3A_3354 = tpu.memref_slice %arg4[%add3A_2771, %dma_start3A_3353] : memref<832x4096xf32, #tpu.memory_space<hbm>> -> memref<1x4096xf32, #tpu.memory_space<hbm>>
      %dma_start3A_3355 = tpu.memref_squeeze %dma_start3A_3354 : memref<1x4096xf32, #tpu.memory_space<hbm>> -> memref<4096xf32, #tpu.memory_space<hbm>>
      %dma_start3A_3356 = arith.constant 0 : i32
      %dma_start3A_3357 = tpu.memref_slice %arg6[%run_scoped3A_2772, %dma_start3A_3356] : memref<2x4096xf32, #tpu.memory_space<vmem>> -> memref<1x4096xf32, #tpu.memory_space<vmem>>
      %dma_start3A_3358 = tpu.memref_squeeze %dma_start3A_3357 : memref<1x4096xf32, #tpu.memory_space<vmem>> -> memref<4096xf32, #tpu.memory_space<vmem>>
      tpu.enqueue_dma source(%dma_start3A_3358 : memref<4096xf32, #tpu.memory_space<vmem>>) target(%dma_start3A_3355 : memref<4096xf32, #tpu.memory_space<hbm>>) target_semaphore(%run_scoped3A_3346 : memref<!tpu.dma_semaphore, #tpu.memory_space<semaphore_mem>>)
      %dma_wait3A_3359 = arith.constant 0 : i32
      %dma_wait3A_3360 = tpu.memref_slice %arg6[%run_scoped3A_2772, %dma_wait3A_3359] : memref<2x4096xf32, #tpu.memory_space<vmem>> -> memref<1x4096xf32, #tpu.memory_space<vmem>>
      %dma_wait3A_3361 = tpu.memref_squeeze %dma_wait3A_3360 : memref<1x4096xf32, #tpu.memory_space<vmem>> -> memref<4096xf32, #tpu.memory_space<vmem>>
      %dma_wait3A_3362 = arith.constant 0 : i32
      %dma_wait3A_3363 = tpu.memref_slice %arg4[%add3A_2771, %dma_wait3A_3362] : memref<832x4096xf32, #tpu.memory_space<hbm>> -> memref<1x4096xf32, #tpu.memory_space<hbm>>
      %dma_wait3A_3364 = tpu.memref_squeeze %dma_wait3A_3363 : memref<1x4096xf32, #tpu.memory_space<hbm>> -> memref<4096xf32, #tpu.memory_space<hbm>>
      %dma_wait3A_3365 = arith.constant 0 : i32
      %dma_wait3A_3366 = tpu.memref_slice %arg4[%add3A_2771, %dma_wait3A_3365] : memref<832x4096xf32, #tpu.memory_space<hbm>> -> memref<1x4096xf32, #tpu.memory_space<hbm>>
      %dma_wait3A_3367 = tpu.memref_squeeze %dma_wait3A_3366 : memref<1x4096xf32, #tpu.memory_space<hbm>> -> memref<4096xf32, #tpu.memory_space<hbm>>
      %dma_wait3A_3368 = arith.constant 0 : i32
      %dma_wait3A_3369 = tpu.memref_slice %arg6[%run_scoped3A_2772, %dma_wait3A_3368] : memref<2x4096xf32, #tpu.memory_space<vmem>> -> memref<1x4096xf32, #tpu.memory_space<vmem>>
      %dma_wait3A_3370 = tpu.memref_squeeze %dma_wait3A_3369 : memref<1x4096xf32, #tpu.memory_space<vmem>> -> memref<4096xf32, #tpu.memory_space<vmem>>
      tpu.wait_dma2 semaphore(%run_scoped3A_3346 : memref<!tpu.dma_semaphore, #tpu.memory_space<semaphore_mem>>) src(%dma_wait3A_3370 : memref<4096xf32, #tpu.memory_space<vmem>>) dst(%dma_wait3A_3367 : memref<4096xf32, #tpu.memory_space<hbm>>)
      tpu.yield
    }) : () -> ()
    %add3A_2773 = arith.constant 21 : i32
    %add3A_2774 = arith.addi %mul3A_2, %add3A_2773 : i32
    %jit3A_2775 = arith.constant 32 : i32
    %div3A_2776 = arith.divsi %add3A_2774, %jit3A_2775 : i32
    %sign3A_2777 = arith.constant 0 : i32
    %sign3A_2778 = arith.cmpi sgt, %add3A_2774, %sign3A_2777 : i32
    %sign3A_2779 = arith.extui %sign3A_2778 : i1 to i32
    %sign3A_2780 = arith.constant 0 : i32
    %sign3A_2781 = arith.cmpi slt, %add3A_2774, %sign3A_2780 : i32
    %sign3A_2782 = arith.extui %sign3A_2781 : i1 to i32
    %sign3A_2783 = arith.subi %sign3A_2779, %sign3A_2782 : i32
    %sign3A_2784 = arith.constant 0 : i32
    %sign3A_2785 = arith.cmpi sgt, %jit3A_2775, %sign3A_2784 : i32
    %sign3A_2786 = arith.extui %sign3A_2785 : i1 to i32
    %sign3A_2787 = arith.constant 0 : i32
    %sign3A_2788 = arith.cmpi slt, %jit3A_2775, %sign3A_2787 : i32
    %sign3A_2789 = arith.extui %sign3A_2788 : i1 to i32
    %sign3A_2790 = arith.subi %sign3A_2786, %sign3A_2789 : i32
    %ne3A_2791 = arith.cmpi ne, %sign3A_2783, %sign3A_2790 : i32
    %rem3A_2792 = arith.remsi %add3A_2774, %jit3A_2775 : i32
    %ne3A_2793 = arith.constant 0 : i32
    %ne3A_2794 = arith.cmpi ne, %rem3A_2792, %ne3A_2793 : i32
    %and3A_2795 = arith.andi %ne3A_2791, %ne3A_2794 : i1
    %sub3A_2796 = arith.constant 1 : i32
    %sub3A_2797 = arith.subi %div3A_2776, %sub3A_2796 : i32
    %select_n3A_2798 = arith.select %and3A_2795, %sub3A_2797, %div3A_2776 : i32
    %jit3A_2799 = arith.constant 32 : i32
    %eq3A_2800 = arith.constant 0 : i32
    %eq3A_2801 = arith.cmpi eq, %jit3A_2799, %eq3A_2800 : i32
    %jit3A_2802 = arith.constant 1 : i32
    %select_n3A_2803 = arith.select %eq3A_2801, %jit3A_2802, %jit3A_2799 : i32
    %rem3A_2804 = arith.remsi %add3A_2774, %select_n3A_2803 : i32
    %ne3A_2805 = arith.constant 0 : i32
    %ne3A_2806 = arith.cmpi ne, %rem3A_2804, %ne3A_2805 : i32
    %lt3A_2807 = arith.constant 0 : i32
    %lt3A_2808 = arith.cmpi slt, %rem3A_2804, %lt3A_2807 : i32
    %lt3A_2809 = arith.constant 0 : i32
    %lt3A_2810 = arith.cmpi slt, %select_n3A_2803, %lt3A_2809 : i32
    %ne3A_2811 = arith.xori %lt3A_2808, %lt3A_2810 : i1
    %and3A_2812 = arith.andi %ne3A_2811, %ne3A_2806 : i1
    %add3A_2813 = arith.addi %rem3A_2804, %select_n3A_2803 : i32
    %select_n3A_2814 = arith.select %and3A_2812, %add3A_2813, %rem3A_2804 : i32
    %eq3A_2815 = arith.cmpi eq, %select_n3A_2798, %select_n3A : i32
    %jit3A_2816 = arith.constant 0 : i32
    %jit3A_2817 = arith.constant 1 : i32
    %select_n3A_2818 = arith.select %eq3A_2815, %jit3A_2816, %jit3A_2817 : i32
    %dma_wait3A_2819 = arith.constant 1 : i32
    %dma_wait3A_2820 = arith.constant 0 : i32
    %dma_wait3A_2821 = tpu.memref_slice %arg6[%dma_wait3A_2819, %dma_wait3A_2820] : memref<2x4096xf32, #tpu.memory_space<vmem>> -> memref<1x4096xf32, #tpu.memory_space<vmem>>
    %dma_wait3A_2822 = tpu.memref_squeeze %dma_wait3A_2821 : memref<1x4096xf32, #tpu.memory_space<vmem>> -> memref<4096xf32, #tpu.memory_space<vmem>>
    %dma_wait3A_2823 = arith.constant 0 : i32
    %dma_wait3A_2824 = tpu.memref_slice %arg5[%select_n3A_2818, %dma_wait3A_2823] : memref<2x4096xi32, #tpu.memory_space<vmem>> -> memref<1x4096xi32, #tpu.memory_space<vmem>>
    %dma_wait3A_2825 = tpu.memref_squeeze %dma_wait3A_2824 : memref<1x4096xi32, #tpu.memory_space<vmem>> -> memref<4096xi32, #tpu.memory_space<vmem>>
    %dma_wait3A_2826 = arith.constant 0 : i32
    %dma_wait3A_2827 = arith.constant 0 : i32
    %dma_wait3A_2828 = tpu.memref_slice %arg2[%select_n3A_2798, %dma_wait3A_2826, %dma_wait3A_2827] : memref<26x32x100000xf32, #tpu.memory_space<hbm>> -> memref<1x32x100000xf32, #tpu.memory_space<hbm>>
    %dma_wait3A_2829 = tpu.memref_squeeze %dma_wait3A_2828 : memref<1x32x100000xf32, #tpu.memory_space<hbm>> -> memref<32x100000xf32, #tpu.memory_space<hbm>>
    %dma_wait3A_2830 = arith.constant 0 : i32
    %dma_wait3A_2831 = tpu.memref_slice %dma_wait3A_2829[%select_n3A_2814, %dma_wait3A_2830] : memref<32x100000xf32, #tpu.memory_space<hbm>> -> memref<1x100000xf32, #tpu.memory_space<hbm>>
    %dma_wait3A_2832 = tpu.memref_squeeze %dma_wait3A_2831 : memref<1x100000xf32, #tpu.memory_space<hbm>> -> memref<100000xf32, #tpu.memory_space<hbm>>
    %dma_wait3A_2833 = arith.constant 0 : i32
    %dma_wait3A_2834 = tpu.memref_slice %dma_wait3A_2832[%dma_wait3A_2833] : memref<100000xf32, #tpu.memory_space<hbm>> -> memref<100000xf32, #tpu.memory_space<hbm>>
    tpu.wait_indirect_dma semaphore(%arg7 : memref<!tpu.dma_semaphore, #tpu.memory_space<semaphore_mem>>) src(%dma_wait3A_2834 : memref<100000xf32, #tpu.memory_space<hbm>>) dst(%dma_wait3A_2822 : memref<4096xf32, #tpu.memory_space<vmem>>)
    %add3A_2835 = arith.constant 22 : i32
    %add3A_2836 = arith.addi %mul3A_2, %add3A_2835 : i32
    %jit3A_2837 = arith.constant 32 : i32
    %div3A_2838 = arith.divsi %add3A_2836, %jit3A_2837 : i32
    %sign3A_2839 = arith.constant 0 : i32
    %sign3A_2840 = arith.cmpi sgt, %add3A_2836, %sign3A_2839 : i32
    %sign3A_2841 = arith.extui %sign3A_2840 : i1 to i32
    %sign3A_2842 = arith.constant 0 : i32
    %sign3A_2843 = arith.cmpi slt, %add3A_2836, %sign3A_2842 : i32
    %sign3A_2844 = arith.extui %sign3A_2843 : i1 to i32
    %sign3A_2845 = arith.subi %sign3A_2841, %sign3A_2844 : i32
    %sign3A_2846 = arith.constant 0 : i32
    %sign3A_2847 = arith.cmpi sgt, %jit3A_2837, %sign3A_2846 : i32
    %sign3A_2848 = arith.extui %sign3A_2847 : i1 to i32
    %sign3A_2849 = arith.constant 0 : i32
    %sign3A_2850 = arith.cmpi slt, %jit3A_2837, %sign3A_2849 : i32
    %sign3A_2851 = arith.extui %sign3A_2850 : i1 to i32
    %sign3A_2852 = arith.subi %sign3A_2848, %sign3A_2851 : i32
    %ne3A_2853 = arith.cmpi ne, %sign3A_2845, %sign3A_2852 : i32
    %rem3A_2854 = arith.remsi %add3A_2836, %jit3A_2837 : i32
    %ne3A_2855 = arith.constant 0 : i32
    %ne3A_2856 = arith.cmpi ne, %rem3A_2854, %ne3A_2855 : i32
    %and3A_2857 = arith.andi %ne3A_2853, %ne3A_2856 : i1
    %sub3A_2858 = arith.constant 1 : i32
    %sub3A_2859 = arith.subi %div3A_2838, %sub3A_2858 : i32
    %select_n3A_2860 = arith.select %and3A_2857, %sub3A_2859, %div3A_2838 : i32
    %jit3A_2861 = arith.constant 32 : i32
    %eq3A_2862 = arith.constant 0 : i32
    %eq3A_2863 = arith.cmpi eq, %jit3A_2861, %eq3A_2862 : i32
    %jit3A_2864 = arith.constant 1 : i32
    %select_n3A_2865 = arith.select %eq3A_2863, %jit3A_2864, %jit3A_2861 : i32
    %rem3A_2866 = arith.remsi %add3A_2836, %select_n3A_2865 : i32
    %ne3A_2867 = arith.constant 0 : i32
    %ne3A_2868 = arith.cmpi ne, %rem3A_2866, %ne3A_2867 : i32
    %lt3A_2869 = arith.constant 0 : i32
    %lt3A_2870 = arith.cmpi slt, %rem3A_2866, %lt3A_2869 : i32
    %lt3A_2871 = arith.constant 0 : i32
    %lt3A_2872 = arith.cmpi slt, %select_n3A_2865, %lt3A_2871 : i32
    %ne3A_2873 = arith.xori %lt3A_2870, %lt3A_2872 : i1
    %and3A_2874 = arith.andi %ne3A_2873, %ne3A_2868 : i1
    %add3A_2875 = arith.addi %rem3A_2866, %select_n3A_2865 : i32
    %select_n3A_2876 = arith.select %and3A_2874, %add3A_2875, %rem3A_2866 : i32
    %eq3A_2877 = arith.cmpi eq, %select_n3A_2860, %select_n3A : i32
    %jit3A_2878 = arith.constant 0 : i32
    %jit3A_2879 = arith.constant 1 : i32
    %select_n3A_2880 = arith.select %eq3A_2877, %jit3A_2878, %jit3A_2879 : i32
    %dma_start3A_2881 = arith.constant 0 : i32
    %dma_start3A_2882 = arith.constant 0 : i32
    %dma_start3A_2883 = tpu.memref_slice %arg6[%dma_start3A_2881, %dma_start3A_2882] : memref<2x4096xf32, #tpu.memory_space<vmem>> -> memref<1x4096xf32, #tpu.memory_space<vmem>>
    %dma_start3A_2884 = tpu.memref_squeeze %dma_start3A_2883 : memref<1x4096xf32, #tpu.memory_space<vmem>> -> memref<4096xf32, #tpu.memory_space<vmem>>
    %dma_start3A_2885 = arith.constant 0 : i32
    %dma_start3A_2886 = tpu.memref_slice %arg5[%select_n3A_2880, %dma_start3A_2885] : memref<2x4096xi32, #tpu.memory_space<vmem>> -> memref<1x4096xi32, #tpu.memory_space<vmem>>
    %dma_start3A_2887 = tpu.memref_squeeze %dma_start3A_2886 : memref<1x4096xi32, #tpu.memory_space<vmem>> -> memref<4096xi32, #tpu.memory_space<vmem>>
    %dma_start3A_2888 = arith.constant 0 : i32
    %dma_start3A_2889 = arith.constant 0 : i32
    %dma_start3A_2890 = tpu.memref_slice %arg2[%select_n3A_2860, %dma_start3A_2888, %dma_start3A_2889] : memref<26x32x100000xf32, #tpu.memory_space<hbm>> -> memref<1x32x100000xf32, #tpu.memory_space<hbm>>
    %dma_start3A_2891 = tpu.memref_squeeze %dma_start3A_2890 : memref<1x32x100000xf32, #tpu.memory_space<hbm>> -> memref<32x100000xf32, #tpu.memory_space<hbm>>
    %dma_start3A_2892 = arith.constant 0 : i32
    %dma_start3A_2893 = tpu.memref_slice %dma_start3A_2891[%select_n3A_2876, %dma_start3A_2892] : memref<32x100000xf32, #tpu.memory_space<hbm>> -> memref<1x100000xf32, #tpu.memory_space<hbm>>
    %dma_start3A_2894 = tpu.memref_squeeze %dma_start3A_2893 : memref<1x100000xf32, #tpu.memory_space<hbm>> -> memref<100000xf32, #tpu.memory_space<hbm>>
    %dma_start3A_2895 = arith.constant 0 : i32
    %dma_start3A_2896 = tpu.memref_slice %dma_start3A_2894[%dma_start3A_2895] : memref<100000xf32, #tpu.memory_space<hbm>> -> memref<100000xf32, #tpu.memory_space<hbm>>
    tpu.enqueue_indirect_dma source(%dma_start3A_2896 : memref<100000xf32, #tpu.memory_space<hbm>>) target(%dma_start3A_2884 : memref<4096xf32, #tpu.memory_space<vmem>>) offsets(%dma_start3A_2887 : memref<4096xi32, #tpu.memory_space<vmem>>) semaphore(%arg7 : memref<!tpu.dma_semaphore, #tpu.memory_space<semaphore_mem>>)
    %add3A_2897 = arith.constant 21 : i32
    %add3A_2898 = arith.addi %mul3A_2, %add3A_2897 : i32
    %run_scoped3A_2899 = arith.constant 1 : i32
    "tpu.region"() ({
      %run_scoped3A_3346 = tpu.sem_alloc : memref<!tpu.dma_semaphore, #tpu.memory_space<semaphore_mem>>
      %dma_start3A_3347 = arith.constant 0 : i32
      %dma_start3A_3348 = tpu.memref_slice %arg6[%run_scoped3A_2899, %dma_start3A_3347] : memref<2x4096xf32, #tpu.memory_space<vmem>> -> memref<1x4096xf32, #tpu.memory_space<vmem>>
      %dma_start3A_3349 = tpu.memref_squeeze %dma_start3A_3348 : memref<1x4096xf32, #tpu.memory_space<vmem>> -> memref<4096xf32, #tpu.memory_space<vmem>>
      %dma_start3A_3350 = arith.constant 0 : i32
      %dma_start3A_3351 = tpu.memref_slice %arg4[%add3A_2898, %dma_start3A_3350] : memref<832x4096xf32, #tpu.memory_space<hbm>> -> memref<1x4096xf32, #tpu.memory_space<hbm>>
      %dma_start3A_3352 = tpu.memref_squeeze %dma_start3A_3351 : memref<1x4096xf32, #tpu.memory_space<hbm>> -> memref<4096xf32, #tpu.memory_space<hbm>>
      %dma_start3A_3353 = arith.constant 0 : i32
      %dma_start3A_3354 = tpu.memref_slice %arg4[%add3A_2898, %dma_start3A_3353] : memref<832x4096xf32, #tpu.memory_space<hbm>> -> memref<1x4096xf32, #tpu.memory_space<hbm>>
      %dma_start3A_3355 = tpu.memref_squeeze %dma_start3A_3354 : memref<1x4096xf32, #tpu.memory_space<hbm>> -> memref<4096xf32, #tpu.memory_space<hbm>>
      %dma_start3A_3356 = arith.constant 0 : i32
      %dma_start3A_3357 = tpu.memref_slice %arg6[%run_scoped3A_2899, %dma_start3A_3356] : memref<2x4096xf32, #tpu.memory_space<vmem>> -> memref<1x4096xf32, #tpu.memory_space<vmem>>
      %dma_start3A_3358 = tpu.memref_squeeze %dma_start3A_3357 : memref<1x4096xf32, #tpu.memory_space<vmem>> -> memref<4096xf32, #tpu.memory_space<vmem>>
      tpu.enqueue_dma source(%dma_start3A_3358 : memref<4096xf32, #tpu.memory_space<vmem>>) target(%dma_start3A_3355 : memref<4096xf32, #tpu.memory_space<hbm>>) target_semaphore(%run_scoped3A_3346 : memref<!tpu.dma_semaphore, #tpu.memory_space<semaphore_mem>>)
      %dma_wait3A_3359 = arith.constant 0 : i32
      %dma_wait3A_3360 = tpu.memref_slice %arg6[%run_scoped3A_2899, %dma_wait3A_3359] : memref<2x4096xf32, #tpu.memory_space<vmem>> -> memref<1x4096xf32, #tpu.memory_space<vmem>>
      %dma_wait3A_3361 = tpu.memref_squeeze %dma_wait3A_3360 : memref<1x4096xf32, #tpu.memory_space<vmem>> -> memref<4096xf32, #tpu.memory_space<vmem>>
      %dma_wait3A_3362 = arith.constant 0 : i32
      %dma_wait3A_3363 = tpu.memref_slice %arg4[%add3A_2898, %dma_wait3A_3362] : memref<832x4096xf32, #tpu.memory_space<hbm>> -> memref<1x4096xf32, #tpu.memory_space<hbm>>
      %dma_wait3A_3364 = tpu.memref_squeeze %dma_wait3A_3363 : memref<1x4096xf32, #tpu.memory_space<hbm>> -> memref<4096xf32, #tpu.memory_space<hbm>>
      %dma_wait3A_3365 = arith.constant 0 : i32
      %dma_wait3A_3366 = tpu.memref_slice %arg4[%add3A_2898, %dma_wait3A_3365] : memref<832x4096xf32, #tpu.memory_space<hbm>> -> memref<1x4096xf32, #tpu.memory_space<hbm>>
      %dma_wait3A_3367 = tpu.memref_squeeze %dma_wait3A_3366 : memref<1x4096xf32, #tpu.memory_space<hbm>> -> memref<4096xf32, #tpu.memory_space<hbm>>
      %dma_wait3A_3368 = arith.constant 0 : i32
      %dma_wait3A_3369 = tpu.memref_slice %arg6[%run_scoped3A_2899, %dma_wait3A_3368] : memref<2x4096xf32, #tpu.memory_space<vmem>> -> memref<1x4096xf32, #tpu.memory_space<vmem>>
      %dma_wait3A_3370 = tpu.memref_squeeze %dma_wait3A_3369 : memref<1x4096xf32, #tpu.memory_space<vmem>> -> memref<4096xf32, #tpu.memory_space<vmem>>
      tpu.wait_dma2 semaphore(%run_scoped3A_3346 : memref<!tpu.dma_semaphore, #tpu.memory_space<semaphore_mem>>) src(%dma_wait3A_3370 : memref<4096xf32, #tpu.memory_space<vmem>>) dst(%dma_wait3A_3367 : memref<4096xf32, #tpu.memory_space<hbm>>)
      tpu.yield
    }) : () -> ()
    %add3A_2900 = arith.constant 22 : i32
    %add3A_2901 = arith.addi %mul3A_2, %add3A_2900 : i32
    %jit3A_2902 = arith.constant 32 : i32
    %div3A_2903 = arith.divsi %add3A_2901, %jit3A_2902 : i32
    %sign3A_2904 = arith.constant 0 : i32
    %sign3A_2905 = arith.cmpi sgt, %add3A_2901, %sign3A_2904 : i32
    %sign3A_2906 = arith.extui %sign3A_2905 : i1 to i32
    %sign3A_2907 = arith.constant 0 : i32
    %sign3A_2908 = arith.cmpi slt, %add3A_2901, %sign3A_2907 : i32
    %sign3A_2909 = arith.extui %sign3A_2908 : i1 to i32
    %sign3A_2910 = arith.subi %sign3A_2906, %sign3A_2909 : i32
    %sign3A_2911 = arith.constant 0 : i32
    %sign3A_2912 = arith.cmpi sgt, %jit3A_2902, %sign3A_2911 : i32
    %sign3A_2913 = arith.extui %sign3A_2912 : i1 to i32
    %sign3A_2914 = arith.constant 0 : i32
    %sign3A_2915 = arith.cmpi slt, %jit3A_2902, %sign3A_2914 : i32
    %sign3A_2916 = arith.extui %sign3A_2915 : i1 to i32
    %sign3A_2917 = arith.subi %sign3A_2913, %sign3A_2916 : i32
    %ne3A_2918 = arith.cmpi ne, %sign3A_2910, %sign3A_2917 : i32
    %rem3A_2919 = arith.remsi %add3A_2901, %jit3A_2902 : i32
    %ne3A_2920 = arith.constant 0 : i32
    %ne3A_2921 = arith.cmpi ne, %rem3A_2919, %ne3A_2920 : i32
    %and3A_2922 = arith.andi %ne3A_2918, %ne3A_2921 : i1
    %sub3A_2923 = arith.constant 1 : i32
    %sub3A_2924 = arith.subi %div3A_2903, %sub3A_2923 : i32
    %select_n3A_2925 = arith.select %and3A_2922, %sub3A_2924, %div3A_2903 : i32
    %jit3A_2926 = arith.constant 32 : i32
    %eq3A_2927 = arith.constant 0 : i32
    %eq3A_2928 = arith.cmpi eq, %jit3A_2926, %eq3A_2927 : i32
    %jit3A_2929 = arith.constant 1 : i32
    %select_n3A_2930 = arith.select %eq3A_2928, %jit3A_2929, %jit3A_2926 : i32
    %rem3A_2931 = arith.remsi %add3A_2901, %select_n3A_2930 : i32
    %ne3A_2932 = arith.constant 0 : i32
    %ne3A_2933 = arith.cmpi ne, %rem3A_2931, %ne3A_2932 : i32
    %lt3A_2934 = arith.constant 0 : i32
    %lt3A_2935 = arith.cmpi slt, %rem3A_2931, %lt3A_2934 : i32
    %lt3A_2936 = arith.constant 0 : i32
    %lt3A_2937 = arith.cmpi slt, %select_n3A_2930, %lt3A_2936 : i32
    %ne3A_2938 = arith.xori %lt3A_2935, %lt3A_2937 : i1
    %and3A_2939 = arith.andi %ne3A_2938, %ne3A_2933 : i1
    %add3A_2940 = arith.addi %rem3A_2931, %select_n3A_2930 : i32
    %select_n3A_2941 = arith.select %and3A_2939, %add3A_2940, %rem3A_2931 : i32
    %eq3A_2942 = arith.cmpi eq, %select_n3A_2925, %select_n3A : i32
    %jit3A_2943 = arith.constant 0 : i32
    %jit3A_2944 = arith.constant 1 : i32
    %select_n3A_2945 = arith.select %eq3A_2942, %jit3A_2943, %jit3A_2944 : i32
    %dma_wait3A_2946 = arith.constant 0 : i32
    %dma_wait3A_2947 = arith.constant 0 : i32
    %dma_wait3A_2948 = tpu.memref_slice %arg6[%dma_wait3A_2946, %dma_wait3A_2947] : memref<2x4096xf32, #tpu.memory_space<vmem>> -> memref<1x4096xf32, #tpu.memory_space<vmem>>
    %dma_wait3A_2949 = tpu.memref_squeeze %dma_wait3A_2948 : memref<1x4096xf32, #tpu.memory_space<vmem>> -> memref<4096xf32, #tpu.memory_space<vmem>>
    %dma_wait3A_2950 = arith.constant 0 : i32
    %dma_wait3A_2951 = tpu.memref_slice %arg5[%select_n3A_2945, %dma_wait3A_2950] : memref<2x4096xi32, #tpu.memory_space<vmem>> -> memref<1x4096xi32, #tpu.memory_space<vmem>>
    %dma_wait3A_2952 = tpu.memref_squeeze %dma_wait3A_2951 : memref<1x4096xi32, #tpu.memory_space<vmem>> -> memref<4096xi32, #tpu.memory_space<vmem>>
    %dma_wait3A_2953 = arith.constant 0 : i32
    %dma_wait3A_2954 = arith.constant 0 : i32
    %dma_wait3A_2955 = tpu.memref_slice %arg2[%select_n3A_2925, %dma_wait3A_2953, %dma_wait3A_2954] : memref<26x32x100000xf32, #tpu.memory_space<hbm>> -> memref<1x32x100000xf32, #tpu.memory_space<hbm>>
    %dma_wait3A_2956 = tpu.memref_squeeze %dma_wait3A_2955 : memref<1x32x100000xf32, #tpu.memory_space<hbm>> -> memref<32x100000xf32, #tpu.memory_space<hbm>>
    %dma_wait3A_2957 = arith.constant 0 : i32
    %dma_wait3A_2958 = tpu.memref_slice %dma_wait3A_2956[%select_n3A_2941, %dma_wait3A_2957] : memref<32x100000xf32, #tpu.memory_space<hbm>> -> memref<1x100000xf32, #tpu.memory_space<hbm>>
    %dma_wait3A_2959 = tpu.memref_squeeze %dma_wait3A_2958 : memref<1x100000xf32, #tpu.memory_space<hbm>> -> memref<100000xf32, #tpu.memory_space<hbm>>
    %dma_wait3A_2960 = arith.constant 0 : i32
    %dma_wait3A_2961 = tpu.memref_slice %dma_wait3A_2959[%dma_wait3A_2960] : memref<100000xf32, #tpu.memory_space<hbm>> -> memref<100000xf32, #tpu.memory_space<hbm>>
    tpu.wait_indirect_dma semaphore(%arg7 : memref<!tpu.dma_semaphore, #tpu.memory_space<semaphore_mem>>) src(%dma_wait3A_2961 : memref<100000xf32, #tpu.memory_space<hbm>>) dst(%dma_wait3A_2949 : memref<4096xf32, #tpu.memory_space<vmem>>)
    %add3A_2962 = arith.constant 23 : i32
    %add3A_2963 = arith.addi %mul3A_2, %add3A_2962 : i32
    %jit3A_2964 = arith.constant 32 : i32
    %div3A_2965 = arith.divsi %add3A_2963, %jit3A_2964 : i32
    %sign3A_2966 = arith.constant 0 : i32
    %sign3A_2967 = arith.cmpi sgt, %add3A_2963, %sign3A_2966 : i32
    %sign3A_2968 = arith.extui %sign3A_2967 : i1 to i32
    %sign3A_2969 = arith.constant 0 : i32
    %sign3A_2970 = arith.cmpi slt, %add3A_2963, %sign3A_2969 : i32
    %sign3A_2971 = arith.extui %sign3A_2970 : i1 to i32
    %sign3A_2972 = arith.subi %sign3A_2968, %sign3A_2971 : i32
    %sign3A_2973 = arith.constant 0 : i32
    %sign3A_2974 = arith.cmpi sgt, %jit3A_2964, %sign3A_2973 : i32
    %sign3A_2975 = arith.extui %sign3A_2974 : i1 to i32
    %sign3A_2976 = arith.constant 0 : i32
    %sign3A_2977 = arith.cmpi slt, %jit3A_2964, %sign3A_2976 : i32
    %sign3A_2978 = arith.extui %sign3A_2977 : i1 to i32
    %sign3A_2979 = arith.subi %sign3A_2975, %sign3A_2978 : i32
    %ne3A_2980 = arith.cmpi ne, %sign3A_2972, %sign3A_2979 : i32
    %rem3A_2981 = arith.remsi %add3A_2963, %jit3A_2964 : i32
    %ne3A_2982 = arith.constant 0 : i32
    %ne3A_2983 = arith.cmpi ne, %rem3A_2981, %ne3A_2982 : i32
    %and3A_2984 = arith.andi %ne3A_2980, %ne3A_2983 : i1
    %sub3A_2985 = arith.constant 1 : i32
    %sub3A_2986 = arith.subi %div3A_2965, %sub3A_2985 : i32
    %select_n3A_2987 = arith.select %and3A_2984, %sub3A_2986, %div3A_2965 : i32
    %jit3A_2988 = arith.constant 32 : i32
    %eq3A_2989 = arith.constant 0 : i32
    %eq3A_2990 = arith.cmpi eq, %jit3A_2988, %eq3A_2989 : i32
    %jit3A_2991 = arith.constant 1 : i32
    %select_n3A_2992 = arith.select %eq3A_2990, %jit3A_2991, %jit3A_2988 : i32
    %rem3A_2993 = arith.remsi %add3A_2963, %select_n3A_2992 : i32
    %ne3A_2994 = arith.constant 0 : i32
    %ne3A_2995 = arith.cmpi ne, %rem3A_2993, %ne3A_2994 : i32
    %lt3A_2996 = arith.constant 0 : i32
    %lt3A_2997 = arith.cmpi slt, %rem3A_2993, %lt3A_2996 : i32
    %lt3A_2998 = arith.constant 0 : i32
    %lt3A_2999 = arith.cmpi slt, %select_n3A_2992, %lt3A_2998 : i32
    %ne3A_3000 = arith.xori %lt3A_2997, %lt3A_2999 : i1
    %and3A_3001 = arith.andi %ne3A_3000, %ne3A_2995 : i1
    %add3A_3002 = arith.addi %rem3A_2993, %select_n3A_2992 : i32
    %select_n3A_3003 = arith.select %and3A_3001, %add3A_3002, %rem3A_2993 : i32
    %eq3A_3004 = arith.cmpi eq, %select_n3A_2987, %select_n3A : i32
    %jit3A_3005 = arith.constant 0 : i32
    %jit3A_3006 = arith.constant 1 : i32
    %select_n3A_3007 = arith.select %eq3A_3004, %jit3A_3005, %jit3A_3006 : i32
    %dma_start3A_3008 = arith.constant 1 : i32
    %dma_start3A_3009 = arith.constant 0 : i32
    %dma_start3A_3010 = tpu.memref_slice %arg6[%dma_start3A_3008, %dma_start3A_3009] : memref<2x4096xf32, #tpu.memory_space<vmem>> -> memref<1x4096xf32, #tpu.memory_space<vmem>>
    %dma_start3A_3011 = tpu.memref_squeeze %dma_start3A_3010 : memref<1x4096xf32, #tpu.memory_space<vmem>> -> memref<4096xf32, #tpu.memory_space<vmem>>
    %dma_start3A_3012 = arith.constant 0 : i32
    %dma_start3A_3013 = tpu.memref_slice %arg5[%select_n3A_3007, %dma_start3A_3012] : memref<2x4096xi32, #tpu.memory_space<vmem>> -> memref<1x4096xi32, #tpu.memory_space<vmem>>
    %dma_start3A_3014 = tpu.memref_squeeze %dma_start3A_3013 : memref<1x4096xi32, #tpu.memory_space<vmem>> -> memref<4096xi32, #tpu.memory_space<vmem>>
    %dma_start3A_3015 = arith.constant 0 : i32
    %dma_start3A_3016 = arith.constant 0 : i32
    %dma_start3A_3017 = tpu.memref_slice %arg2[%select_n3A_2987, %dma_start3A_3015, %dma_start3A_3016] : memref<26x32x100000xf32, #tpu.memory_space<hbm>> -> memref<1x32x100000xf32, #tpu.memory_space<hbm>>
    %dma_start3A_3018 = tpu.memref_squeeze %dma_start3A_3017 : memref<1x32x100000xf32, #tpu.memory_space<hbm>> -> memref<32x100000xf32, #tpu.memory_space<hbm>>
    %dma_start3A_3019 = arith.constant 0 : i32
    %dma_start3A_3020 = tpu.memref_slice %dma_start3A_3018[%select_n3A_3003, %dma_start3A_3019] : memref<32x100000xf32, #tpu.memory_space<hbm>> -> memref<1x100000xf32, #tpu.memory_space<hbm>>
    %dma_start3A_3021 = tpu.memref_squeeze %dma_start3A_3020 : memref<1x100000xf32, #tpu.memory_space<hbm>> -> memref<100000xf32, #tpu.memory_space<hbm>>
    %dma_start3A_3022 = arith.constant 0 : i32
    %dma_start3A_3023 = tpu.memref_slice %dma_start3A_3021[%dma_start3A_3022] : memref<100000xf32, #tpu.memory_space<hbm>> -> memref<100000xf32, #tpu.memory_space<hbm>>
    tpu.enqueue_indirect_dma source(%dma_start3A_3023 : memref<100000xf32, #tpu.memory_space<hbm>>) target(%dma_start3A_3011 : memref<4096xf32, #tpu.memory_space<vmem>>) offsets(%dma_start3A_3014 : memref<4096xi32, #tpu.memory_space<vmem>>) semaphore(%arg7 : memref<!tpu.dma_semaphore, #tpu.memory_space<semaphore_mem>>)
    %add3A_3024 = arith.constant 22 : i32
    %add3A_3025 = arith.addi %mul3A_2, %add3A_3024 : i32
    %run_scoped3A_3026 = arith.constant 0 : i32
    "tpu.region"() ({
      %run_scoped3A_3346 = tpu.sem_alloc : memref<!tpu.dma_semaphore, #tpu.memory_space<semaphore_mem>>
      %dma_start3A_3347 = arith.constant 0 : i32
      %dma_start3A_3348 = tpu.memref_slice %arg6[%run_scoped3A_3026, %dma_start3A_3347] : memref<2x4096xf32, #tpu.memory_space<vmem>> -> memref<1x4096xf32, #tpu.memory_space<vmem>>
      %dma_start3A_3349 = tpu.memref_squeeze %dma_start3A_3348 : memref<1x4096xf32, #tpu.memory_space<vmem>> -> memref<4096xf32, #tpu.memory_space<vmem>>
      %dma_start3A_3350 = arith.constant 0 : i32
      %dma_start3A_3351 = tpu.memref_slice %arg4[%add3A_3025, %dma_start3A_3350] : memref<832x4096xf32, #tpu.memory_space<hbm>> -> memref<1x4096xf32, #tpu.memory_space<hbm>>
      %dma_start3A_3352 = tpu.memref_squeeze %dma_start3A_3351 : memref<1x4096xf32, #tpu.memory_space<hbm>> -> memref<4096xf32, #tpu.memory_space<hbm>>
      %dma_start3A_3353 = arith.constant 0 : i32
      %dma_start3A_3354 = tpu.memref_slice %arg4[%add3A_3025, %dma_start3A_3353] : memref<832x4096xf32, #tpu.memory_space<hbm>> -> memref<1x4096xf32, #tpu.memory_space<hbm>>
      %dma_start3A_3355 = tpu.memref_squeeze %dma_start3A_3354 : memref<1x4096xf32, #tpu.memory_space<hbm>> -> memref<4096xf32, #tpu.memory_space<hbm>>
      %dma_start3A_3356 = arith.constant 0 : i32
      %dma_start3A_3357 = tpu.memref_slice %arg6[%run_scoped3A_3026, %dma_start3A_3356] : memref<2x4096xf32, #tpu.memory_space<vmem>> -> memref<1x4096xf32, #tpu.memory_space<vmem>>
      %dma_start3A_3358 = tpu.memref_squeeze %dma_start3A_3357 : memref<1x4096xf32, #tpu.memory_space<vmem>> -> memref<4096xf32, #tpu.memory_space<vmem>>
      tpu.enqueue_dma source(%dma_start3A_3358 : memref<4096xf32, #tpu.memory_space<vmem>>) target(%dma_start3A_3355 : memref<4096xf32, #tpu.memory_space<hbm>>) target_semaphore(%run_scoped3A_3346 : memref<!tpu.dma_semaphore, #tpu.memory_space<semaphore_mem>>)
      %dma_wait3A_3359 = arith.constant 0 : i32
      %dma_wait3A_3360 = tpu.memref_slice %arg6[%run_scoped3A_3026, %dma_wait3A_3359] : memref<2x4096xf32, #tpu.memory_space<vmem>> -> memref<1x4096xf32, #tpu.memory_space<vmem>>
      %dma_wait3A_3361 = tpu.memref_squeeze %dma_wait3A_3360 : memref<1x4096xf32, #tpu.memory_space<vmem>> -> memref<4096xf32, #tpu.memory_space<vmem>>
      %dma_wait3A_3362 = arith.constant 0 : i32
      %dma_wait3A_3363 = tpu.memref_slice %arg4[%add3A_3025, %dma_wait3A_3362] : memref<832x4096xf32, #tpu.memory_space<hbm>> -> memref<1x4096xf32, #tpu.memory_space<hbm>>
      %dma_wait3A_3364 = tpu.memref_squeeze %dma_wait3A_3363 : memref<1x4096xf32, #tpu.memory_space<hbm>> -> memref<4096xf32, #tpu.memory_space<hbm>>
      %dma_wait3A_3365 = arith.constant 0 : i32
      %dma_wait3A_3366 = tpu.memref_slice %arg4[%add3A_3025, %dma_wait3A_3365] : memref<832x4096xf32, #tpu.memory_space<hbm>> -> memref<1x4096xf32, #tpu.memory_space<hbm>>
      %dma_wait3A_3367 = tpu.memref_squeeze %dma_wait3A_3366 : memref<1x4096xf32, #tpu.memory_space<hbm>> -> memref<4096xf32, #tpu.memory_space<hbm>>
      %dma_wait3A_3368 = arith.constant 0 : i32
      %dma_wait3A_3369 = tpu.memref_slice %arg6[%run_scoped3A_3026, %dma_wait3A_3368] : memref<2x4096xf32, #tpu.memory_space<vmem>> -> memref<1x4096xf32, #tpu.memory_space<vmem>>
      %dma_wait3A_3370 = tpu.memref_squeeze %dma_wait3A_3369 : memref<1x4096xf32, #tpu.memory_space<vmem>> -> memref<4096xf32, #tpu.memory_space<vmem>>
      tpu.wait_dma2 semaphore(%run_scoped3A_3346 : memref<!tpu.dma_semaphore, #tpu.memory_space<semaphore_mem>>) src(%dma_wait3A_3370 : memref<4096xf32, #tpu.memory_space<vmem>>) dst(%dma_wait3A_3367 : memref<4096xf32, #tpu.memory_space<hbm>>)
      tpu.yield
    }) : () -> ()
    %add3A_3027 = arith.constant 23 : i32
    %add3A_3028 = arith.addi %mul3A_2, %add3A_3027 : i32
    %jit3A_3029 = arith.constant 32 : i32
    %div3A_3030 = arith.divsi %add3A_3028, %jit3A_3029 : i32
    %sign3A_3031 = arith.constant 0 : i32
    %sign3A_3032 = arith.cmpi sgt, %add3A_3028, %sign3A_3031 : i32
    %sign3A_3033 = arith.extui %sign3A_3032 : i1 to i32
    %sign3A_3034 = arith.constant 0 : i32
    %sign3A_3035 = arith.cmpi slt, %add3A_3028, %sign3A_3034 : i32
    %sign3A_3036 = arith.extui %sign3A_3035 : i1 to i32
    %sign3A_3037 = arith.subi %sign3A_3033, %sign3A_3036 : i32
    %sign3A_3038 = arith.constant 0 : i32
    %sign3A_3039 = arith.cmpi sgt, %jit3A_3029, %sign3A_3038 : i32
    %sign3A_3040 = arith.extui %sign3A_3039 : i1 to i32
    %sign3A_3041 = arith.constant 0 : i32
    %sign3A_3042 = arith.cmpi slt, %jit3A_3029, %sign3A_3041 : i32
    %sign3A_3043 = arith.extui %sign3A_3042 : i1 to i32
    %sign3A_3044 = arith.subi %sign3A_3040, %sign3A_3043 : i32
    %ne3A_3045 = arith.cmpi ne, %sign3A_3037, %sign3A_3044 : i32
    %rem3A_3046 = arith.remsi %add3A_3028, %jit3A_3029 : i32
    %ne3A_3047 = arith.constant 0 : i32
    %ne3A_3048 = arith.cmpi ne, %rem3A_3046, %ne3A_3047 : i32
    %and3A_3049 = arith.andi %ne3A_3045, %ne3A_3048 : i1
    %sub3A_3050 = arith.constant 1 : i32
    %sub3A_3051 = arith.subi %div3A_3030, %sub3A_3050 : i32
    %select_n3A_3052 = arith.select %and3A_3049, %sub3A_3051, %div3A_3030 : i32
    %jit3A_3053 = arith.constant 32 : i32
    %eq3A_3054 = arith.constant 0 : i32
    %eq3A_3055 = arith.cmpi eq, %jit3A_3053, %eq3A_3054 : i32
    %jit3A_3056 = arith.constant 1 : i32
    %select_n3A_3057 = arith.select %eq3A_3055, %jit3A_3056, %jit3A_3053 : i32
    %rem3A_3058 = arith.remsi %add3A_3028, %select_n3A_3057 : i32
    %ne3A_3059 = arith.constant 0 : i32
    %ne3A_3060 = arith.cmpi ne, %rem3A_3058, %ne3A_3059 : i32
    %lt3A_3061 = arith.constant 0 : i32
    %lt3A_3062 = arith.cmpi slt, %rem3A_3058, %lt3A_3061 : i32
    %lt3A_3063 = arith.constant 0 : i32
    %lt3A_3064 = arith.cmpi slt, %select_n3A_3057, %lt3A_3063 : i32
    %ne3A_3065 = arith.xori %lt3A_3062, %lt3A_3064 : i1
    %and3A_3066 = arith.andi %ne3A_3065, %ne3A_3060 : i1
    %add3A_3067 = arith.addi %rem3A_3058, %select_n3A_3057 : i32
    %select_n3A_3068 = arith.select %and3A_3066, %add3A_3067, %rem3A_3058 : i32
    %eq3A_3069 = arith.cmpi eq, %select_n3A_3052, %select_n3A : i32
    %jit3A_3070 = arith.constant 0 : i32
    %jit3A_3071 = arith.constant 1 : i32
    %select_n3A_3072 = arith.select %eq3A_3069, %jit3A_3070, %jit3A_3071 : i32
    %dma_wait3A_3073 = arith.constant 1 : i32
    %dma_wait3A_3074 = arith.constant 0 : i32
    %dma_wait3A_3075 = tpu.memref_slice %arg6[%dma_wait3A_3073, %dma_wait3A_3074] : memref<2x4096xf32, #tpu.memory_space<vmem>> -> memref<1x4096xf32, #tpu.memory_space<vmem>>
    %dma_wait3A_3076 = tpu.memref_squeeze %dma_wait3A_3075 : memref<1x4096xf32, #tpu.memory_space<vmem>> -> memref<4096xf32, #tpu.memory_space<vmem>>
    %dma_wait3A_3077 = arith.constant 0 : i32
    %dma_wait3A_3078 = tpu.memref_slice %arg5[%select_n3A_3072, %dma_wait3A_3077] : memref<2x4096xi32, #tpu.memory_space<vmem>> -> memref<1x4096xi32, #tpu.memory_space<vmem>>
    %dma_wait3A_3079 = tpu.memref_squeeze %dma_wait3A_3078 : memref<1x4096xi32, #tpu.memory_space<vmem>> -> memref<4096xi32, #tpu.memory_space<vmem>>
    %dma_wait3A_3080 = arith.constant 0 : i32
    %dma_wait3A_3081 = arith.constant 0 : i32
    %dma_wait3A_3082 = tpu.memref_slice %arg2[%select_n3A_3052, %dma_wait3A_3080, %dma_wait3A_3081] : memref<26x32x100000xf32, #tpu.memory_space<hbm>> -> memref<1x32x100000xf32, #tpu.memory_space<hbm>>
    %dma_wait3A_3083 = tpu.memref_squeeze %dma_wait3A_3082 : memref<1x32x100000xf32, #tpu.memory_space<hbm>> -> memref<32x100000xf32, #tpu.memory_space<hbm>>
    %dma_wait3A_3084 = arith.constant 0 : i32
    %dma_wait3A_3085 = tpu.memref_slice %dma_wait3A_3083[%select_n3A_3068, %dma_wait3A_3084] : memref<32x100000xf32, #tpu.memory_space<hbm>> -> memref<1x100000xf32, #tpu.memory_space<hbm>>
    %dma_wait3A_3086 = tpu.memref_squeeze %dma_wait3A_3085 : memref<1x100000xf32, #tpu.memory_space<hbm>> -> memref<100000xf32, #tpu.memory_space<hbm>>
    %dma_wait3A_3087 = arith.constant 0 : i32
    %dma_wait3A_3088 = tpu.memref_slice %dma_wait3A_3086[%dma_wait3A_3087] : memref<100000xf32, #tpu.memory_space<hbm>> -> memref<100000xf32, #tpu.memory_space<hbm>>
    tpu.wait_indirect_dma semaphore(%arg7 : memref<!tpu.dma_semaphore, #tpu.memory_space<semaphore_mem>>) src(%dma_wait3A_3088 : memref<100000xf32, #tpu.memory_space<hbm>>) dst(%dma_wait3A_3076 : memref<4096xf32, #tpu.memory_space<vmem>>)
    %add3A_3089 = arith.constant 24 : i32
    %add3A_3090 = arith.addi %mul3A_2, %add3A_3089 : i32
    %jit3A_3091 = arith.constant 32 : i32
    %div3A_3092 = arith.divsi %add3A_3090, %jit3A_3091 : i32
    %sign3A_3093 = arith.constant 0 : i32
    %sign3A_3094 = arith.cmpi sgt, %add3A_3090, %sign3A_3093 : i32
    %sign3A_3095 = arith.extui %sign3A_3094 : i1 to i32
    %sign3A_3096 = arith.constant 0 : i32
    %sign3A_3097 = arith.cmpi slt, %add3A_3090, %sign3A_3096 : i32
    %sign3A_3098 = arith.extui %sign3A_3097 : i1 to i32
    %sign3A_3099 = arith.subi %sign3A_3095, %sign3A_3098 : i32
    %sign3A_3100 = arith.constant 0 : i32
    %sign3A_3101 = arith.cmpi sgt, %jit3A_3091, %sign3A_3100 : i32
    %sign3A_3102 = arith.extui %sign3A_3101 : i1 to i32
    %sign3A_3103 = arith.constant 0 : i32
    %sign3A_3104 = arith.cmpi slt, %jit3A_3091, %sign3A_3103 : i32
    %sign3A_3105 = arith.extui %sign3A_3104 : i1 to i32
    %sign3A_3106 = arith.subi %sign3A_3102, %sign3A_3105 : i32
    %ne3A_3107 = arith.cmpi ne, %sign3A_3099, %sign3A_3106 : i32
    %rem3A_3108 = arith.remsi %add3A_3090, %jit3A_3091 : i32
    %ne3A_3109 = arith.constant 0 : i32
    %ne3A_3110 = arith.cmpi ne, %rem3A_3108, %ne3A_3109 : i32
    %and3A_3111 = arith.andi %ne3A_3107, %ne3A_3110 : i1
    %sub3A_3112 = arith.constant 1 : i32
    %sub3A_3113 = arith.subi %div3A_3092, %sub3A_3112 : i32
    %select_n3A_3114 = arith.select %and3A_3111, %sub3A_3113, %div3A_3092 : i32
    %jit3A_3115 = arith.constant 32 : i32
    %eq3A_3116 = arith.constant 0 : i32
    %eq3A_3117 = arith.cmpi eq, %jit3A_3115, %eq3A_3116 : i32
    %jit3A_3118 = arith.constant 1 : i32
    %select_n3A_3119 = arith.select %eq3A_3117, %jit3A_3118, %jit3A_3115 : i32
    %rem3A_3120 = arith.remsi %add3A_3090, %select_n3A_3119 : i32
    %ne3A_3121 = arith.constant 0 : i32
    %ne3A_3122 = arith.cmpi ne, %rem3A_3120, %ne3A_3121 : i32
    %lt3A_3123 = arith.constant 0 : i32
    %lt3A_3124 = arith.cmpi slt, %rem3A_3120, %lt3A_3123 : i32
    %lt3A_3125 = arith.constant 0 : i32
    %lt3A_3126 = arith.cmpi slt, %select_n3A_3119, %lt3A_3125 : i32
    %ne3A_3127 = arith.xori %lt3A_3124, %lt3A_3126 : i1
    %and3A_3128 = arith.andi %ne3A_3127, %ne3A_3122 : i1
    %add3A_3129 = arith.addi %rem3A_3120, %select_n3A_3119 : i32
    %select_n3A_3130 = arith.select %and3A_3128, %add3A_3129, %rem3A_3120 : i32
    %eq3A_3131 = arith.cmpi eq, %select_n3A_3114, %select_n3A : i32
    %jit3A_3132 = arith.constant 0 : i32
    %jit3A_3133 = arith.constant 1 : i32
    %select_n3A_3134 = arith.select %eq3A_3131, %jit3A_3132, %jit3A_3133 : i32
    %dma_start3A_3135 = arith.constant 0 : i32
    %dma_start3A_3136 = arith.constant 0 : i32
    %dma_start3A_3137 = tpu.memref_slice %arg6[%dma_start3A_3135, %dma_start3A_3136] : memref<2x4096xf32, #tpu.memory_space<vmem>> -> memref<1x4096xf32, #tpu.memory_space<vmem>>
    %dma_start3A_3138 = tpu.memref_squeeze %dma_start3A_3137 : memref<1x4096xf32, #tpu.memory_space<vmem>> -> memref<4096xf32, #tpu.memory_space<vmem>>
    %dma_start3A_3139 = arith.constant 0 : i32
    %dma_start3A_3140 = tpu.memref_slice %arg5[%select_n3A_3134, %dma_start3A_3139] : memref<2x4096xi32, #tpu.memory_space<vmem>> -> memref<1x4096xi32, #tpu.memory_space<vmem>>
    %dma_start3A_3141 = tpu.memref_squeeze %dma_start3A_3140 : memref<1x4096xi32, #tpu.memory_space<vmem>> -> memref<4096xi32, #tpu.memory_space<vmem>>
    %dma_start3A_3142 = arith.constant 0 : i32
    %dma_start3A_3143 = arith.constant 0 : i32
    %dma_start3A_3144 = tpu.memref_slice %arg2[%select_n3A_3114, %dma_start3A_3142, %dma_start3A_3143] : memref<26x32x100000xf32, #tpu.memory_space<hbm>> -> memref<1x32x100000xf32, #tpu.memory_space<hbm>>
    %dma_start3A_3145 = tpu.memref_squeeze %dma_start3A_3144 : memref<1x32x100000xf32, #tpu.memory_space<hbm>> -> memref<32x100000xf32, #tpu.memory_space<hbm>>
    %dma_start3A_3146 = arith.constant 0 : i32
    %dma_start3A_3147 = tpu.memref_slice %dma_start3A_3145[%select_n3A_3130, %dma_start3A_3146] : memref<32x100000xf32, #tpu.memory_space<hbm>> -> memref<1x100000xf32, #tpu.memory_space<hbm>>
    %dma_start3A_3148 = tpu.memref_squeeze %dma_start3A_3147 : memref<1x100000xf32, #tpu.memory_space<hbm>> -> memref<100000xf32, #tpu.memory_space<hbm>>
    %dma_start3A_3149 = arith.constant 0 : i32
    %dma_start3A_3150 = tpu.memref_slice %dma_start3A_3148[%dma_start3A_3149] : memref<100000xf32, #tpu.memory_space<hbm>> -> memref<100000xf32, #tpu.memory_space<hbm>>
    tpu.enqueue_indirect_dma source(%dma_start3A_3150 : memref<100000xf32, #tpu.memory_space<hbm>>) target(%dma_start3A_3138 : memref<4096xf32, #tpu.memory_space<vmem>>) offsets(%dma_start3A_3141 : memref<4096xi32, #tpu.memory_space<vmem>>) semaphore(%arg7 : memref<!tpu.dma_semaphore, #tpu.memory_space<semaphore_mem>>)
    %add3A_3151 = arith.constant 23 : i32
    %add3A_3152 = arith.addi %mul3A_2, %add3A_3151 : i32
    %run_scoped3A_3153 = arith.constant 1 : i32
    "tpu.region"() ({
      %run_scoped3A_3346 = tpu.sem_alloc : memref<!tpu.dma_semaphore, #tpu.memory_space<semaphore_mem>>
      %dma_start3A_3347 = arith.constant 0 : i32
      %dma_start3A_3348 = tpu.memref_slice %arg6[%run_scoped3A_3153, %dma_start3A_3347] : memref<2x4096xf32, #tpu.memory_space<vmem>> -> memref<1x4096xf32, #tpu.memory_space<vmem>>
      %dma_start3A_3349 = tpu.memref_squeeze %dma_start3A_3348 : memref<1x4096xf32, #tpu.memory_space<vmem>> -> memref<4096xf32, #tpu.memory_space<vmem>>
      %dma_start3A_3350 = arith.constant 0 : i32
      %dma_start3A_3351 = tpu.memref_slice %arg4[%add3A_3152, %dma_start3A_3350] : memref<832x4096xf32, #tpu.memory_space<hbm>> -> memref<1x4096xf32, #tpu.memory_space<hbm>>
      %dma_start3A_3352 = tpu.memref_squeeze %dma_start3A_3351 : memref<1x4096xf32, #tpu.memory_space<hbm>> -> memref<4096xf32, #tpu.memory_space<hbm>>
      %dma_start3A_3353 = arith.constant 0 : i32
      %dma_start3A_3354 = tpu.memref_slice %arg4[%add3A_3152, %dma_start3A_3353] : memref<832x4096xf32, #tpu.memory_space<hbm>> -> memref<1x4096xf32, #tpu.memory_space<hbm>>
      %dma_start3A_3355 = tpu.memref_squeeze %dma_start3A_3354 : memref<1x4096xf32, #tpu.memory_space<hbm>> -> memref<4096xf32, #tpu.memory_space<hbm>>
      %dma_start3A_3356 = arith.constant 0 : i32
      %dma_start3A_3357 = tpu.memref_slice %arg6[%run_scoped3A_3153, %dma_start3A_3356] : memref<2x4096xf32, #tpu.memory_space<vmem>> -> memref<1x4096xf32, #tpu.memory_space<vmem>>
      %dma_start3A_3358 = tpu.memref_squeeze %dma_start3A_3357 : memref<1x4096xf32, #tpu.memory_space<vmem>> -> memref<4096xf32, #tpu.memory_space<vmem>>
      tpu.enqueue_dma source(%dma_start3A_3358 : memref<4096xf32, #tpu.memory_space<vmem>>) target(%dma_start3A_3355 : memref<4096xf32, #tpu.memory_space<hbm>>) target_semaphore(%run_scoped3A_3346 : memref<!tpu.dma_semaphore, #tpu.memory_space<semaphore_mem>>)
      %dma_wait3A_3359 = arith.constant 0 : i32
      %dma_wait3A_3360 = tpu.memref_slice %arg6[%run_scoped3A_3153, %dma_wait3A_3359] : memref<2x4096xf32, #tpu.memory_space<vmem>> -> memref<1x4096xf32, #tpu.memory_space<vmem>>
      %dma_wait3A_3361 = tpu.memref_squeeze %dma_wait3A_3360 : memref<1x4096xf32, #tpu.memory_space<vmem>> -> memref<4096xf32, #tpu.memory_space<vmem>>
      %dma_wait3A_3362 = arith.constant 0 : i32
      %dma_wait3A_3363 = tpu.memref_slice %arg4[%add3A_3152, %dma_wait3A_3362] : memref<832x4096xf32, #tpu.memory_space<hbm>> -> memref<1x4096xf32, #tpu.memory_space<hbm>>
      %dma_wait3A_3364 = tpu.memref_squeeze %dma_wait3A_3363 : memref<1x4096xf32, #tpu.memory_space<hbm>> -> memref<4096xf32, #tpu.memory_space<hbm>>
      %dma_wait3A_3365 = arith.constant 0 : i32
      %dma_wait3A_3366 = tpu.memref_slice %arg4[%add3A_3152, %dma_wait3A_3365] : memref<832x4096xf32, #tpu.memory_space<hbm>> -> memref<1x4096xf32, #tpu.memory_space<hbm>>
      %dma_wait3A_3367 = tpu.memref_squeeze %dma_wait3A_3366 : memref<1x4096xf32, #tpu.memory_space<hbm>> -> memref<4096xf32, #tpu.memory_space<hbm>>
      %dma_wait3A_3368 = arith.constant 0 : i32
      %dma_wait3A_3369 = tpu.memref_slice %arg6[%run_scoped3A_3153, %dma_wait3A_3368] : memref<2x4096xf32, #tpu.memory_space<vmem>> -> memref<1x4096xf32, #tpu.memory_space<vmem>>
      %dma_wait3A_3370 = tpu.memref_squeeze %dma_wait3A_3369 : memref<1x4096xf32, #tpu.memory_space<vmem>> -> memref<4096xf32, #tpu.memory_space<vmem>>
      tpu.wait_dma2 semaphore(%run_scoped3A_3346 : memref<!tpu.dma_semaphore, #tpu.memory_space<semaphore_mem>>) src(%dma_wait3A_3370 : memref<4096xf32, #tpu.memory_space<vmem>>) dst(%dma_wait3A_3367 : memref<4096xf32, #tpu.memory_space<hbm>>)
      tpu.yield
    }) : () -> ()
    %add3A_3154 = arith.constant 24 : i32
    %add3A_3155 = arith.addi %mul3A_2, %add3A_3154 : i32
    %jit3A_3156 = arith.constant 32 : i32
    %div3A_3157 = arith.divsi %add3A_3155, %jit3A_3156 : i32
    %sign3A_3158 = arith.constant 0 : i32
    %sign3A_3159 = arith.cmpi sgt, %add3A_3155, %sign3A_3158 : i32
    %sign3A_3160 = arith.extui %sign3A_3159 : i1 to i32
    %sign3A_3161 = arith.constant 0 : i32
    %sign3A_3162 = arith.cmpi slt, %add3A_3155, %sign3A_3161 : i32
    %sign3A_3163 = arith.extui %sign3A_3162 : i1 to i32
    %sign3A_3164 = arith.subi %sign3A_3160, %sign3A_3163 : i32
    %sign3A_3165 = arith.constant 0 : i32
    %sign3A_3166 = arith.cmpi sgt, %jit3A_3156, %sign3A_3165 : i32
    %sign3A_3167 = arith.extui %sign3A_3166 : i1 to i32
    %sign3A_3168 = arith.constant 0 : i32
    %sign3A_3169 = arith.cmpi slt, %jit3A_3156, %sign3A_3168 : i32
    %sign3A_3170 = arith.extui %sign3A_3169 : i1 to i32
    %sign3A_3171 = arith.subi %sign3A_3167, %sign3A_3170 : i32
    %ne3A_3172 = arith.cmpi ne, %sign3A_3164, %sign3A_3171 : i32
    %rem3A_3173 = arith.remsi %add3A_3155, %jit3A_3156 : i32
    %ne3A_3174 = arith.constant 0 : i32
    %ne3A_3175 = arith.cmpi ne, %rem3A_3173, %ne3A_3174 : i32
    %and3A_3176 = arith.andi %ne3A_3172, %ne3A_3175 : i1
    %sub3A_3177 = arith.constant 1 : i32
    %sub3A_3178 = arith.subi %div3A_3157, %sub3A_3177 : i32
    %select_n3A_3179 = arith.select %and3A_3176, %sub3A_3178, %div3A_3157 : i32
    %jit3A_3180 = arith.constant 32 : i32
    %eq3A_3181 = arith.constant 0 : i32
    %eq3A_3182 = arith.cmpi eq, %jit3A_3180, %eq3A_3181 : i32
    %jit3A_3183 = arith.constant 1 : i32
    %select_n3A_3184 = arith.select %eq3A_3182, %jit3A_3183, %jit3A_3180 : i32
    %rem3A_3185 = arith.remsi %add3A_3155, %select_n3A_3184 : i32
    %ne3A_3186 = arith.constant 0 : i32
    %ne3A_3187 = arith.cmpi ne, %rem3A_3185, %ne3A_3186 : i32
    %lt3A_3188 = arith.constant 0 : i32
    %lt3A_3189 = arith.cmpi slt, %rem3A_3185, %lt3A_3188 : i32
    %lt3A_3190 = arith.constant 0 : i32
    %lt3A_3191 = arith.cmpi slt, %select_n3A_3184, %lt3A_3190 : i32
    %ne3A_3192 = arith.xori %lt3A_3189, %lt3A_3191 : i1
    %and3A_3193 = arith.andi %ne3A_3192, %ne3A_3187 : i1
    %add3A_3194 = arith.addi %rem3A_3185, %select_n3A_3184 : i32
    %select_n3A_3195 = arith.select %and3A_3193, %add3A_3194, %rem3A_3185 : i32
    %eq3A_3196 = arith.cmpi eq, %select_n3A_3179, %select_n3A : i32
    %jit3A_3197 = arith.constant 0 : i32
    %jit3A_3198 = arith.constant 1 : i32
    %select_n3A_3199 = arith.select %eq3A_3196, %jit3A_3197, %jit3A_3198 : i32
    %dma_wait3A_3200 = arith.constant 0 : i32
    %dma_wait3A_3201 = arith.constant 0 : i32
    %dma_wait3A_3202 = tpu.memref_slice %arg6[%dma_wait3A_3200, %dma_wait3A_3201] : memref<2x4096xf32, #tpu.memory_space<vmem>> -> memref<1x4096xf32, #tpu.memory_space<vmem>>
    %dma_wait3A_3203 = tpu.memref_squeeze %dma_wait3A_3202 : memref<1x4096xf32, #tpu.memory_space<vmem>> -> memref<4096xf32, #tpu.memory_space<vmem>>
    %dma_wait3A_3204 = arith.constant 0 : i32
    %dma_wait3A_3205 = tpu.memref_slice %arg5[%select_n3A_3199, %dma_wait3A_3204] : memref<2x4096xi32, #tpu.memory_space<vmem>> -> memref<1x4096xi32, #tpu.memory_space<vmem>>
    %dma_wait3A_3206 = tpu.memref_squeeze %dma_wait3A_3205 : memref<1x4096xi32, #tpu.memory_space<vmem>> -> memref<4096xi32, #tpu.memory_space<vmem>>
    %dma_wait3A_3207 = arith.constant 0 : i32
    %dma_wait3A_3208 = arith.constant 0 : i32
    %dma_wait3A_3209 = tpu.memref_slice %arg2[%select_n3A_3179, %dma_wait3A_3207, %dma_wait3A_3208] : memref<26x32x100000xf32, #tpu.memory_space<hbm>> -> memref<1x32x100000xf32, #tpu.memory_space<hbm>>
    %dma_wait3A_3210 = tpu.memref_squeeze %dma_wait3A_3209 : memref<1x32x100000xf32, #tpu.memory_space<hbm>> -> memref<32x100000xf32, #tpu.memory_space<hbm>>
    %dma_wait3A_3211 = arith.constant 0 : i32
    %dma_wait3A_3212 = tpu.memref_slice %dma_wait3A_3210[%select_n3A_3195, %dma_wait3A_3211] : memref<32x100000xf32, #tpu.memory_space<hbm>> -> memref<1x100000xf32, #tpu.memory_space<hbm>>
    %dma_wait3A_3213 = tpu.memref_squeeze %dma_wait3A_3212 : memref<1x100000xf32, #tpu.memory_space<hbm>> -> memref<100000xf32, #tpu.memory_space<hbm>>
    %dma_wait3A_3214 = arith.constant 0 : i32
    %dma_wait3A_3215 = tpu.memref_slice %dma_wait3A_3213[%dma_wait3A_3214] : memref<100000xf32, #tpu.memory_space<hbm>> -> memref<100000xf32, #tpu.memory_space<hbm>>
    tpu.wait_indirect_dma semaphore(%arg7 : memref<!tpu.dma_semaphore, #tpu.memory_space<semaphore_mem>>) src(%dma_wait3A_3215 : memref<100000xf32, #tpu.memory_space<hbm>>) dst(%dma_wait3A_3203 : memref<4096xf32, #tpu.memory_space<vmem>>)
    %add3A_3216 = arith.constant 25 : i32
    %add3A_3217 = arith.addi %mul3A_2, %add3A_3216 : i32
    %jit3A_3218 = arith.constant 32 : i32
    %div3A_3219 = arith.divsi %add3A_3217, %jit3A_3218 : i32
    %sign3A_3220 = arith.constant 0 : i32
    %sign3A_3221 = arith.cmpi sgt, %add3A_3217, %sign3A_3220 : i32
    %sign3A_3222 = arith.extui %sign3A_3221 : i1 to i32
    %sign3A_3223 = arith.constant 0 : i32
    %sign3A_3224 = arith.cmpi slt, %add3A_3217, %sign3A_3223 : i32
    %sign3A_3225 = arith.extui %sign3A_3224 : i1 to i32
    %sign3A_3226 = arith.subi %sign3A_3222, %sign3A_3225 : i32
    %sign3A_3227 = arith.constant 0 : i32
    %sign3A_3228 = arith.cmpi sgt, %jit3A_3218, %sign3A_3227 : i32
    %sign3A_3229 = arith.extui %sign3A_3228 : i1 to i32
    %sign3A_3230 = arith.constant 0 : i32
    %sign3A_3231 = arith.cmpi slt, %jit3A_3218, %sign3A_3230 : i32
    %sign3A_3232 = arith.extui %sign3A_3231 : i1 to i32
    %sign3A_3233 = arith.subi %sign3A_3229, %sign3A_3232 : i32
    %ne3A_3234 = arith.cmpi ne, %sign3A_3226, %sign3A_3233 : i32
    %rem3A_3235 = arith.remsi %add3A_3217, %jit3A_3218 : i32
    %ne3A_3236 = arith.constant 0 : i32
    %ne3A_3237 = arith.cmpi ne, %rem3A_3235, %ne3A_3236 : i32
    %and3A_3238 = arith.andi %ne3A_3234, %ne3A_3237 : i1
    %sub3A_3239 = arith.constant 1 : i32
    %sub3A_3240 = arith.subi %div3A_3219, %sub3A_3239 : i32
    %select_n3A_3241 = arith.select %and3A_3238, %sub3A_3240, %div3A_3219 : i32
    %jit3A_3242 = arith.constant 32 : i32
    %eq3A_3243 = arith.constant 0 : i32
    %eq3A_3244 = arith.cmpi eq, %jit3A_3242, %eq3A_3243 : i32
    %jit3A_3245 = arith.constant 1 : i32
    %select_n3A_3246 = arith.select %eq3A_3244, %jit3A_3245, %jit3A_3242 : i32
    %rem3A_3247 = arith.remsi %add3A_3217, %select_n3A_3246 : i32
    %ne3A_3248 = arith.constant 0 : i32
    %ne3A_3249 = arith.cmpi ne, %rem3A_3247, %ne3A_3248 : i32
    %lt3A_3250 = arith.constant 0 : i32
    %lt3A_3251 = arith.cmpi slt, %rem3A_3247, %lt3A_3250 : i32
    %lt3A_3252 = arith.constant 0 : i32
    %lt3A_3253 = arith.cmpi slt, %select_n3A_3246, %lt3A_3252 : i32
    %ne3A_3254 = arith.xori %lt3A_3251, %lt3A_3253 : i1
    %and3A_3255 = arith.andi %ne3A_3254, %ne3A_3249 : i1
    %add3A_3256 = arith.addi %rem3A_3247, %select_n3A_3246 : i32
    %select_n3A_3257 = arith.select %and3A_3255, %add3A_3256, %rem3A_3247 : i32
    %eq3A_3258 = arith.cmpi eq, %select_n3A_3241, %select_n3A : i32
    %jit3A_3259 = arith.constant 0 : i32
    %jit3A_3260 = arith.constant 1 : i32
    %select_n3A_3261 = arith.select %eq3A_3258, %jit3A_3259, %jit3A_3260 : i32
    %dma_start3A_3262 = arith.constant 1 : i32
    %dma_start3A_3263 = arith.constant 0 : i32
    %dma_start3A_3264 = tpu.memref_slice %arg6[%dma_start3A_3262, %dma_start3A_3263] : memref<2x4096xf32, #tpu.memory_space<vmem>> -> memref<1x4096xf32, #tpu.memory_space<vmem>>
    %dma_start3A_3265 = tpu.memref_squeeze %dma_start3A_3264 : memref<1x4096xf32, #tpu.memory_space<vmem>> -> memref<4096xf32, #tpu.memory_space<vmem>>
    %dma_start3A_3266 = arith.constant 0 : i32
    %dma_start3A_3267 = tpu.memref_slice %arg5[%select_n3A_3261, %dma_start3A_3266] : memref<2x4096xi32, #tpu.memory_space<vmem>> -> memref<1x4096xi32, #tpu.memory_space<vmem>>
    %dma_start3A_3268 = tpu.memref_squeeze %dma_start3A_3267 : memref<1x4096xi32, #tpu.memory_space<vmem>> -> memref<4096xi32, #tpu.memory_space<vmem>>
    %dma_start3A_3269 = arith.constant 0 : i32
    %dma_start3A_3270 = arith.constant 0 : i32
    %dma_start3A_3271 = tpu.memref_slice %arg2[%select_n3A_3241, %dma_start3A_3269, %dma_start3A_3270] : memref<26x32x100000xf32, #tpu.memory_space<hbm>> -> memref<1x32x100000xf32, #tpu.memory_space<hbm>>
    %dma_start3A_3272 = tpu.memref_squeeze %dma_start3A_3271 : memref<1x32x100000xf32, #tpu.memory_space<hbm>> -> memref<32x100000xf32, #tpu.memory_space<hbm>>
    %dma_start3A_3273 = arith.constant 0 : i32
    %dma_start3A_3274 = tpu.memref_slice %dma_start3A_3272[%select_n3A_3257, %dma_start3A_3273] : memref<32x100000xf32, #tpu.memory_space<hbm>> -> memref<1x100000xf32, #tpu.memory_space<hbm>>
    %dma_start3A_3275 = tpu.memref_squeeze %dma_start3A_3274 : memref<1x100000xf32, #tpu.memory_space<hbm>> -> memref<100000xf32, #tpu.memory_space<hbm>>
    %dma_start3A_3276 = arith.constant 0 : i32
    %dma_start3A_3277 = tpu.memref_slice %dma_start3A_3275[%dma_start3A_3276] : memref<100000xf32, #tpu.memory_space<hbm>> -> memref<100000xf32, #tpu.memory_space<hbm>>
    tpu.enqueue_indirect_dma source(%dma_start3A_3277 : memref<100000xf32, #tpu.memory_space<hbm>>) target(%dma_start3A_3265 : memref<4096xf32, #tpu.memory_space<vmem>>) offsets(%dma_start3A_3268 : memref<4096xi32, #tpu.memory_space<vmem>>) semaphore(%arg7 : memref<!tpu.dma_semaphore, #tpu.memory_space<semaphore_mem>>)
    %add3A_3278 = arith.constant 24 : i32
    %add3A_3279 = arith.addi %mul3A_2, %add3A_3278 : i32
    %run_scoped3A_3280 = arith.constant 0 : i32
    "tpu.region"() ({
      %run_scoped3A_3346 = tpu.sem_alloc : memref<!tpu.dma_semaphore, #tpu.memory_space<semaphore_mem>>
      %dma_start3A_3347 = arith.constant 0 : i32
      %dma_start3A_3348 = tpu.memref_slice %arg6[%run_scoped3A_3280, %dma_start3A_3347] : memref<2x4096xf32, #tpu.memory_space<vmem>> -> memref<1x4096xf32, #tpu.memory_space<vmem>>
      %dma_start3A_3349 = tpu.memref_squeeze %dma_start3A_3348 : memref<1x4096xf32, #tpu.memory_space<vmem>> -> memref<4096xf32, #tpu.memory_space<vmem>>
      %dma_start3A_3350 = arith.constant 0 : i32
      %dma_start3A_3351 = tpu.memref_slice %arg4[%add3A_3279, %dma_start3A_3350] : memref<832x4096xf32, #tpu.memory_space<hbm>> -> memref<1x4096xf32, #tpu.memory_space<hbm>>
      %dma_start3A_3352 = tpu.memref_squeeze %dma_start3A_3351 : memref<1x4096xf32, #tpu.memory_space<hbm>> -> memref<4096xf32, #tpu.memory_space<hbm>>
      %dma_start3A_3353 = arith.constant 0 : i32
      %dma_start3A_3354 = tpu.memref_slice %arg4[%add3A_3279, %dma_start3A_3353] : memref<832x4096xf32, #tpu.memory_space<hbm>> -> memref<1x4096xf32, #tpu.memory_space<hbm>>
      %dma_start3A_3355 = tpu.memref_squeeze %dma_start3A_3354 : memref<1x4096xf32, #tpu.memory_space<hbm>> -> memref<4096xf32, #tpu.memory_space<hbm>>
      %dma_start3A_3356 = arith.constant 0 : i32
      %dma_start3A_3357 = tpu.memref_slice %arg6[%run_scoped3A_3280, %dma_start3A_3356] : memref<2x4096xf32, #tpu.memory_space<vmem>> -> memref<1x4096xf32, #tpu.memory_space<vmem>>
      %dma_start3A_3358 = tpu.memref_squeeze %dma_start3A_3357 : memref<1x4096xf32, #tpu.memory_space<vmem>> -> memref<4096xf32, #tpu.memory_space<vmem>>
      tpu.enqueue_dma source(%dma_start3A_3358 : memref<4096xf32, #tpu.memory_space<vmem>>) target(%dma_start3A_3355 : memref<4096xf32, #tpu.memory_space<hbm>>) target_semaphore(%run_scoped3A_3346 : memref<!tpu.dma_semaphore, #tpu.memory_space<semaphore_mem>>)
      %dma_wait3A_3359 = arith.constant 0 : i32
      %dma_wait3A_3360 = tpu.memref_slice %arg6[%run_scoped3A_3280, %dma_wait3A_3359] : memref<2x4096xf32, #tpu.memory_space<vmem>> -> memref<1x4096xf32, #tpu.memory_space<vmem>>
      %dma_wait3A_3361 = tpu.memref_squeeze %dma_wait3A_3360 : memref<1x4096xf32, #tpu.memory_space<vmem>> -> memref<4096xf32, #tpu.memory_space<vmem>>
      %dma_wait3A_3362 = arith.constant 0 : i32
      %dma_wait3A_3363 = tpu.memref_slice %arg4[%add3A_3279, %dma_wait3A_3362] : memref<832x4096xf32, #tpu.memory_space<hbm>> -> memref<1x4096xf32, #tpu.memory_space<hbm>>
      %dma_wait3A_3364 = tpu.memref_squeeze %dma_wait3A_3363 : memref<1x4096xf32, #tpu.memory_space<hbm>> -> memref<4096xf32, #tpu.memory_space<hbm>>
      %dma_wait3A_3365 = arith.constant 0 : i32
      %dma_wait3A_3366 = tpu.memref_slice %arg4[%add3A_3279, %dma_wait3A_3365] : memref<832x4096xf32, #tpu.memory_space<hbm>> -> memref<1x4096xf32, #tpu.memory_space<hbm>>
      %dma_wait3A_3367 = tpu.memref_squeeze %dma_wait3A_3366 : memref<1x4096xf32, #tpu.memory_space<hbm>> -> memref<4096xf32, #tpu.memory_space<hbm>>
      %dma_wait3A_3368 = arith.constant 0 : i32
      %dma_wait3A_3369 = tpu.memref_slice %arg6[%run_scoped3A_3280, %dma_wait3A_3368] : memref<2x4096xf32, #tpu.memory_space<vmem>> -> memref<1x4096xf32, #tpu.memory_space<vmem>>
      %dma_wait3A_3370 = tpu.memref_squeeze %dma_wait3A_3369 : memref<1x4096xf32, #tpu.memory_space<vmem>> -> memref<4096xf32, #tpu.memory_space<vmem>>
      tpu.wait_dma2 semaphore(%run_scoped3A_3346 : memref<!tpu.dma_semaphore, #tpu.memory_space<semaphore_mem>>) src(%dma_wait3A_3370 : memref<4096xf32, #tpu.memory_space<vmem>>) dst(%dma_wait3A_3367 : memref<4096xf32, #tpu.memory_space<hbm>>)
      tpu.yield
    }) : () -> ()
    %add3A_3281 = arith.constant 25 : i32
    %add3A_3282 = arith.addi %mul3A_2, %add3A_3281 : i32
    %jit3A_3283 = arith.constant 32 : i32
    %div3A_3284 = arith.divsi %add3A_3282, %jit3A_3283 : i32
    %sign3A_3285 = arith.constant 0 : i32
    %sign3A_3286 = arith.cmpi sgt, %add3A_3282, %sign3A_3285 : i32
    %sign3A_3287 = arith.extui %sign3A_3286 : i1 to i32
    %sign3A_3288 = arith.constant 0 : i32
    %sign3A_3289 = arith.cmpi slt, %add3A_3282, %sign3A_3288 : i32
    %sign3A_3290 = arith.extui %sign3A_3289 : i1 to i32
    %sign3A_3291 = arith.subi %sign3A_3287, %sign3A_3290 : i32
    %sign3A_3292 = arith.constant 0 : i32
    %sign3A_3293 = arith.cmpi sgt, %jit3A_3283, %sign3A_3292 : i32
    %sign3A_3294 = arith.extui %sign3A_3293 : i1 to i32
    %sign3A_3295 = arith.constant 0 : i32
    %sign3A_3296 = arith.cmpi slt, %jit3A_3283, %sign3A_3295 : i32
    %sign3A_3297 = arith.extui %sign3A_3296 : i1 to i32
    %sign3A_3298 = arith.subi %sign3A_3294, %sign3A_3297 : i32
    %ne3A_3299 = arith.cmpi ne, %sign3A_3291, %sign3A_3298 : i32
    %rem3A_3300 = arith.remsi %add3A_3282, %jit3A_3283 : i32
    %ne3A_3301 = arith.constant 0 : i32
    %ne3A_3302 = arith.cmpi ne, %rem3A_3300, %ne3A_3301 : i32
    %and3A_3303 = arith.andi %ne3A_3299, %ne3A_3302 : i1
    %sub3A_3304 = arith.constant 1 : i32
    %sub3A_3305 = arith.subi %div3A_3284, %sub3A_3304 : i32
    %select_n3A_3306 = arith.select %and3A_3303, %sub3A_3305, %div3A_3284 : i32
    %jit3A_3307 = arith.constant 32 : i32
    %eq3A_3308 = arith.constant 0 : i32
    %eq3A_3309 = arith.cmpi eq, %jit3A_3307, %eq3A_3308 : i32
    %jit3A_3310 = arith.constant 1 : i32
    %select_n3A_3311 = arith.select %eq3A_3309, %jit3A_3310, %jit3A_3307 : i32
    %rem3A_3312 = arith.remsi %add3A_3282, %select_n3A_3311 : i32
    %ne3A_3313 = arith.constant 0 : i32
    %ne3A_3314 = arith.cmpi ne, %rem3A_3312, %ne3A_3313 : i32
    %lt3A_3315 = arith.constant 0 : i32
    %lt3A_3316 = arith.cmpi slt, %rem3A_3312, %lt3A_3315 : i32
    %lt3A_3317 = arith.constant 0 : i32
    %lt3A_3318 = arith.cmpi slt, %select_n3A_3311, %lt3A_3317 : i32
    %ne3A_3319 = arith.xori %lt3A_3316, %lt3A_3318 : i1
    %and3A_3320 = arith.andi %ne3A_3319, %ne3A_3314 : i1
    %add3A_3321 = arith.addi %rem3A_3312, %select_n3A_3311 : i32
    %select_n3A_3322 = arith.select %and3A_3320, %add3A_3321, %rem3A_3312 : i32
    %eq3A_3323 = arith.cmpi eq, %select_n3A_3306, %select_n3A : i32
    %jit3A_3324 = arith.constant 0 : i32
    %jit3A_3325 = arith.constant 1 : i32
    %select_n3A_3326 = arith.select %eq3A_3323, %jit3A_3324, %jit3A_3325 : i32
    %dma_wait3A_3327 = arith.constant 1 : i32
    %dma_wait3A_3328 = arith.constant 0 : i32
    %dma_wait3A_3329 = tpu.memref_slice %arg6[%dma_wait3A_3327, %dma_wait3A_3328] : memref<2x4096xf32, #tpu.memory_space<vmem>> -> memref<1x4096xf32, #tpu.memory_space<vmem>>
    %dma_wait3A_3330 = tpu.memref_squeeze %dma_wait3A_3329 : memref<1x4096xf32, #tpu.memory_space<vmem>> -> memref<4096xf32, #tpu.memory_space<vmem>>
    %dma_wait3A_3331 = arith.constant 0 : i32
    %dma_wait3A_3332 = tpu.memref_slice %arg5[%select_n3A_3326, %dma_wait3A_3331] : memref<2x4096xi32, #tpu.memory_space<vmem>> -> memref<1x4096xi32, #tpu.memory_space<vmem>>
    %dma_wait3A_3333 = tpu.memref_squeeze %dma_wait3A_3332 : memref<1x4096xi32, #tpu.memory_space<vmem>> -> memref<4096xi32, #tpu.memory_space<vmem>>
    %dma_wait3A_3334 = arith.constant 0 : i32
    %dma_wait3A_3335 = arith.constant 0 : i32
    %dma_wait3A_3336 = tpu.memref_slice %arg2[%select_n3A_3306, %dma_wait3A_3334, %dma_wait3A_3335] : memref<26x32x100000xf32, #tpu.memory_space<hbm>> -> memref<1x32x100000xf32, #tpu.memory_space<hbm>>
    %dma_wait3A_3337 = tpu.memref_squeeze %dma_wait3A_3336 : memref<1x32x100000xf32, #tpu.memory_space<hbm>> -> memref<32x100000xf32, #tpu.memory_space<hbm>>
    %dma_wait3A_3338 = arith.constant 0 : i32
    %dma_wait3A_3339 = tpu.memref_slice %dma_wait3A_3337[%select_n3A_3322, %dma_wait3A_3338] : memref<32x100000xf32, #tpu.memory_space<hbm>> -> memref<1x100000xf32, #tpu.memory_space<hbm>>
    %dma_wait3A_3340 = tpu.memref_squeeze %dma_wait3A_3339 : memref<1x100000xf32, #tpu.memory_space<hbm>> -> memref<100000xf32, #tpu.memory_space<hbm>>
    %dma_wait3A_3341 = arith.constant 0 : i32
    %dma_wait3A_3342 = tpu.memref_slice %dma_wait3A_3340[%dma_wait3A_3341] : memref<100000xf32, #tpu.memory_space<hbm>> -> memref<100000xf32, #tpu.memory_space<hbm>>
    tpu.wait_indirect_dma semaphore(%arg7 : memref<!tpu.dma_semaphore, #tpu.memory_space<semaphore_mem>>) src(%dma_wait3A_3342 : memref<100000xf32, #tpu.memory_space<hbm>>) dst(%dma_wait3A_3330 : memref<4096xf32, #tpu.memory_space<vmem>>)
    %add3A_3343 = arith.constant 25 : i32
    %add3A_3344 = arith.addi %mul3A_2, %add3A_3343 : i32
    %run_scoped3A_3345 = arith.constant 1 : i32
    "tpu.region"() ({
      %run_scoped3A_3346 = tpu.sem_alloc : memref<!tpu.dma_semaphore, #tpu.memory_space<semaphore_mem>>
      %dma_start3A_3347 = arith.constant 0 : i32
      %dma_start3A_3348 = tpu.memref_slice %arg6[%run_scoped3A_3345, %dma_start3A_3347] : memref<2x4096xf32, #tpu.memory_space<vmem>> -> memref<1x4096xf32, #tpu.memory_space<vmem>>
      %dma_start3A_3349 = tpu.memref_squeeze %dma_start3A_3348 : memref<1x4096xf32, #tpu.memory_space<vmem>> -> memref<4096xf32, #tpu.memory_space<vmem>>
      %dma_start3A_3350 = arith.constant 0 : i32
      %dma_start3A_3351 = tpu.memref_slice %arg4[%add3A_3344, %dma_start3A_3350] : memref<832x4096xf32, #tpu.memory_space<hbm>> -> memref<1x4096xf32, #tpu.memory_space<hbm>>
      %dma_start3A_3352 = tpu.memref_squeeze %dma_start3A_3351 : memref<1x4096xf32, #tpu.memory_space<hbm>> -> memref<4096xf32, #tpu.memory_space<hbm>>
      %dma_start3A_3353 = arith.constant 0 : i32
      %dma_start3A_3354 = tpu.memref_slice %arg4[%add3A_3344, %dma_start3A_3353] : memref<832x4096xf32, #tpu.memory_space<hbm>> -> memref<1x4096xf32, #tpu.memory_space<hbm>>
      %dma_start3A_3355 = tpu.memref_squeeze %dma_start3A_3354 : memref<1x4096xf32, #tpu.memory_space<hbm>> -> memref<4096xf32, #tpu.memory_space<hbm>>
      %dma_start3A_3356 = arith.constant 0 : i32
      %dma_start3A_3357 = tpu.memref_slice %arg6[%run_scoped3A_3345, %dma_start3A_3356] : memref<2x4096xf32, #tpu.memory_space<vmem>> -> memref<1x4096xf32, #tpu.memory_space<vmem>>
      %dma_start3A_3358 = tpu.memref_squeeze %dma_start3A_3357 : memref<1x4096xf32, #tpu.memory_space<vmem>> -> memref<4096xf32, #tpu.memory_space<vmem>>
      tpu.enqueue_dma source(%dma_start3A_3358 : memref<4096xf32, #tpu.memory_space<vmem>>) target(%dma_start3A_3355 : memref<4096xf32, #tpu.memory_space<hbm>>) target_semaphore(%run_scoped3A_3346 : memref<!tpu.dma_semaphore, #tpu.memory_space<semaphore_mem>>)
      %dma_wait3A_3359 = arith.constant 0 : i32
      %dma_wait3A_3360 = tpu.memref_slice %arg6[%run_scoped3A_3345, %dma_wait3A_3359] : memref<2x4096xf32, #tpu.memory_space<vmem>> -> memref<1x4096xf32, #tpu.memory_space<vmem>>
      %dma_wait3A_3361 = tpu.memref_squeeze %dma_wait3A_3360 : memref<1x4096xf32, #tpu.memory_space<vmem>> -> memref<4096xf32, #tpu.memory_space<vmem>>
      %dma_wait3A_3362 = arith.constant 0 : i32
      %dma_wait3A_3363 = tpu.memref_slice %arg4[%add3A_3344, %dma_wait3A_3362] : memref<832x4096xf32, #tpu.memory_space<hbm>> -> memref<1x4096xf32, #tpu.memory_space<hbm>>
      %dma_wait3A_3364 = tpu.memref_squeeze %dma_wait3A_3363 : memref<1x4096xf32, #tpu.memory_space<hbm>> -> memref<4096xf32, #tpu.memory_space<hbm>>
      %dma_wait3A_3365 = arith.constant 0 : i32
      %dma_wait3A_3366 = tpu.memref_slice %arg4[%add3A_3344, %dma_wait3A_3365] : memref<832x4096xf32, #tpu.memory_space<hbm>> -> memref<1x4096xf32, #tpu.memory_space<hbm>>
      %dma_wait3A_3367 = tpu.memref_squeeze %dma_wait3A_3366 : memref<1x4096xf32, #tpu.memory_space<hbm>> -> memref<4096xf32, #tpu.memory_space<hbm>>
      %dma_wait3A_3368 = arith.constant 0 : i32
      %dma_wait3A_3369 = tpu.memref_slice %arg6[%run_scoped3A_3345, %dma_wait3A_3368] : memref<2x4096xf32, #tpu.memory_space<vmem>> -> memref<1x4096xf32, #tpu.memory_space<vmem>>
      %dma_wait3A_3370 = tpu.memref_squeeze %dma_wait3A_3369 : memref<1x4096xf32, #tpu.memory_space<vmem>> -> memref<4096xf32, #tpu.memory_space<vmem>>
      tpu.wait_dma2 semaphore(%run_scoped3A_3346 : memref<!tpu.dma_semaphore, #tpu.memory_space<semaphore_mem>>) src(%dma_wait3A_3370 : memref<4096xf32, #tpu.memory_space<vmem>>) dst(%dma_wait3A_3367 : memref<4096xf32, #tpu.memory_space<hbm>>)
      tpu.yield
    }) : () -> ()
    return
  }
}

module attributes {stable_mosaic.version = 14 : i64} {
  func.func @_tower_body(%arg0: memref<832x4096xf32, #tpu.memory_space<vmem>>, %arg1: memref<832x1xf32, #tpu.memory_space<vmem>>, %arg2: memref<832x1xf32, #tpu.memory_space<vmem>>, %arg3: memref<832x512xf32, #tpu.memory_space<vmem>>, %arg4: memref<1x512xf32, #tpu.memory_space<vmem>>, %arg5: memref<512x256xf32, #tpu.memory_space<vmem>>, %arg6: memref<1x256xf32, #tpu.memory_space<vmem>>, %arg7: memref<256x128xf32, #tpu.memory_space<vmem>>, %arg8: memref<1x128xf32, #tpu.memory_space<vmem>>, %arg9: memref<4096x128xf32, #tpu.memory_space<vmem>>) attributes {dimension_semantics = [], scalar_prefetch = 0 : i64, scratch_operands = 0 : i64, tpu.core_type = #tpu.core_type<tc>} {
    %get3A = arith.constant 0 : index
    %get3A_0 = arith.constant 0 : index
    %get3A_1 = vector.load %arg0[%get3A, %get3A_0] : memref<832x4096xf32, #tpu.memory_space<vmem>>, vector<832x4096xf32>
    %reduce_sum3A = arith.constant dense<0.000000e+00> : vector<832xf32>
    %reduce_sum3A_2 = vector.multi_reduction <add>, %get3A_1, %reduce_sum3A [1] : vector<832x4096xf32> to vector<832xf32>
    %broadcast_in_dim3A = vector.shape_cast %reduce_sum3A_2 : vector<832xf32> to vector<832x1xf32>
    %div3A = arith.constant 4.096000e+03 : f32
    %div3A_3 = vector.broadcast %div3A : f32 to vector<832x1xf32>
    %div3A_4 = arith.divf %broadcast_in_dim3A, %div3A_3 : vector<832x1xf32>
    %sub3A = vector.broadcast %div3A_4 : vector<832x1xf32> to vector<832x4096xf32>
    %sub3A_5 = arith.subf %get3A_1, %sub3A : vector<832x4096xf32>
    %mul3A = arith.mulf %sub3A_5, %sub3A_5 : vector<832x4096xf32>
    %reduce_sum3A_6 = arith.constant dense<0.000000e+00> : vector<832xf32>
    %reduce_sum3A_7 = vector.multi_reduction <add>, %mul3A, %reduce_sum3A_6 [1] : vector<832x4096xf32> to vector<832xf32>
    %broadcast_in_dim3A_8 = vector.shape_cast %reduce_sum3A_7 : vector<832xf32> to vector<832x1xf32>
    %div3A_9 = arith.constant 4.096000e+03 : f32
    %div3A_10 = vector.broadcast %div3A_9 : f32 to vector<832x1xf32>
    %div3A_11 = arith.divf %broadcast_in_dim3A_8, %div3A_10 : vector<832x1xf32>
    %get3A_12 = arith.constant 0 : index
    %get3A_13 = arith.constant 0 : index
    %get3A_14 = vector.load %arg1[%get3A_12, %get3A_13] : memref<832x1xf32, #tpu.memory_space<vmem>>, vector<832x1xf32>
    %add3A = arith.constant 9.99999974E-6 : f32
    %add3A_15 = vector.broadcast %add3A : f32 to vector<832x1xf32>
    %add3A_16 = arith.addf %div3A_11, %add3A_15 : vector<832x1xf32>
    %rsqrt3A = math.rsqrt %add3A_16 : vector<832x1xf32>
    %mul3A_17 = arith.mulf %get3A_14, %rsqrt3A : vector<832x1xf32>
    %mul3A_18 = vector.broadcast %mul3A_17 : vector<832x1xf32> to vector<832x4096xf32>
    %mul3A_19 = arith.mulf %sub3A_5, %mul3A_18 : vector<832x4096xf32>
    %get3A_20 = arith.constant 0 : index
    %get3A_21 = arith.constant 0 : index
    %get3A_22 = vector.load %arg2[%get3A_20, %get3A_21] : memref<832x1xf32, #tpu.memory_space<vmem>>, vector<832x1xf32>
    %add3A_23 = vector.broadcast %get3A_22 : vector<832x1xf32> to vector<832x4096xf32>
    %add3A_24 = arith.addf %mul3A_19, %add3A_23 : vector<832x4096xf32>
    %get3A_25 = arith.constant 0 : index
    %get3A_26 = arith.constant 0 : index
    %get3A_27 = vector.load %arg3[%get3A_25, %get3A_26] : memref<832x512xf32, #tpu.memory_space<vmem>>, vector<832x512xf32>
    %dot_general3A = arith.constant dense<0.000000e+00> : vector<4096x512xf32>
    %dot_general3A_28 = tpu.matmul %add3A_24, %get3A_27, %dot_general3A {dimension_numbers = #tpu.dot_dimension_numbers<[0], [0], [1], [1], [0, 1, 1, 1], [], []>, transpose_lhs_hint = false} : vector<832x4096xf32>, vector<832x512xf32>, vector<4096x512xf32> -> vector<4096x512xf32>
    %get3A_29 = arith.constant 0 : index
    %get3A_30 = arith.constant 0 : index
    %get3A_31 = vector.load %arg4[%get3A_29, %get3A_30] : memref<1x512xf32, #tpu.memory_space<vmem>>, vector<1x512xf32>
    %add3A_32 = vector.broadcast %get3A_31 : vector<1x512xf32> to vector<4096x512xf32>
    %add3A_33 = arith.addf %dot_general3A_28, %add3A_32 : vector<4096x512xf32>
    %max3A = arith.constant 0.000000e+00 : f32
    %max3A_34 = vector.broadcast %max3A : f32 to vector<4096x512xf32>
    %max3A_35 = arith.maximumf %add3A_33, %max3A_34 : vector<4096x512xf32>
    %get3A_36 = arith.constant 0 : index
    %get3A_37 = arith.constant 0 : index
    %get3A_38 = vector.load %arg5[%get3A_36, %get3A_37] : memref<512x256xf32, #tpu.memory_space<vmem>>, vector<512x256xf32>
    %dot_general3A_39 = arith.constant dense<0.000000e+00> : vector<4096x256xf32>
    %dot_general3A_40 = tpu.matmul %max3A_35, %get3A_38, %dot_general3A_39 {dimension_numbers = #tpu.dot_dimension_numbers<[1], [0], [0], [1], [0, 0, 1, 1], [], []>, transpose_lhs_hint = false} : vector<4096x512xf32>, vector<512x256xf32>, vector<4096x256xf32> -> vector<4096x256xf32>
    %get3A_41 = arith.constant 0 : index
    %get3A_42 = arith.constant 0 : index
    %get3A_43 = vector.load %arg6[%get3A_41, %get3A_42] : memref<1x256xf32, #tpu.memory_space<vmem>>, vector<1x256xf32>
    %add3A_44 = vector.broadcast %get3A_43 : vector<1x256xf32> to vector<4096x256xf32>
    %add3A_45 = arith.addf %dot_general3A_40, %add3A_44 : vector<4096x256xf32>
    %max3A_46 = arith.constant 0.000000e+00 : f32
    %max3A_47 = vector.broadcast %max3A_46 : f32 to vector<4096x256xf32>
    %max3A_48 = arith.maximumf %add3A_45, %max3A_47 : vector<4096x256xf32>
    %get3A_49 = arith.constant 0 : index
    %get3A_50 = arith.constant 0 : index
    %get3A_51 = vector.load %arg7[%get3A_49, %get3A_50] : memref<256x128xf32, #tpu.memory_space<vmem>>, vector<256x128xf32>
    %dot_general3A_52 = arith.constant dense<0.000000e+00> : vector<4096x128xf32>
    %dot_general3A_53 = tpu.matmul %max3A_48, %get3A_51, %dot_general3A_52 {dimension_numbers = #tpu.dot_dimension_numbers<[1], [0], [0], [1], [0, 0, 1, 1], [], []>, transpose_lhs_hint = false} : vector<4096x256xf32>, vector<256x128xf32>, vector<4096x128xf32> -> vector<4096x128xf32>
    %get3A_54 = arith.constant 0 : index
    %get3A_55 = arith.constant 0 : index
    %get3A_56 = vector.load %arg8[%get3A_54, %get3A_55] : memref<1x128xf32, #tpu.memory_space<vmem>>, vector<1x128xf32>
    %add3A_57 = vector.broadcast %get3A_56 : vector<1x128xf32> to vector<4096x128xf32>
    %add3A_58 = arith.addf %dot_general3A_53, %add3A_57 : vector<4096x128xf32>
    %swap3A = arith.constant 0 : index
    %swap3A_59 = arith.constant 0 : index
    %swap3A_60 = vector.load %arg9[%swap3A, %swap3A_59] : memref<4096x128xf32, #tpu.memory_space<vmem>>, vector<4096x128xf32>
    tpu.vector_store %arg9[%swap3A, %swap3A_59], %add3A_58 {strides = array<i32>} : memref<4096x128xf32, #tpu.memory_space<vmem>>, vector<4096x128xf32>,
    return
  }
}

</mosaic_0001>

<sc_bundles>
// kernel: kernel.4.cloned.1.call-start
scs
__scs_entry_jumppad:
0x0: {  	(pc) =	sbr.rel $0x88, $3  }
0x1: {  	(tag) =	ssettag $0x0;
	lr =	simm.s32 $0x1  }
0x2: {  	[smem:$0x3F97] =	sst lr;
	_ =	strace $0xD0000000  }
0x3: {  	_ = 	snop  }
0x4: {  	_ = 	snop  }
0x5: {  	_ = 	snop  }
0x6: {  	_ = 	snop  }
0x7: {  	_ = 	snop  }
__scs_overlays_trampoline_lowered:
0x8: {  	[smem:$0x3FA6] =	sst s0  }
0x9: {  	[smem:$0x3FA7] =	sst s1  }
0xa: {  	[smem:$0x3FA8] =	sst s2  }
0xb: {  	[smem:$0x3FA9] =	sst s3  }
0xc: {  	[smem:$0x3FAA] =	sst s4  }
0xd: {  	[smem:$0x3FAB] =	sst s5  }
0xe: {  	[smem:$0x3FAC] =	sst s6  }
0xf: {  	[smem:$0x3FAD] =	sst s7  }
0x10: {  	[smem:$0x3FAE] =	sst s8  }
0x11: {  	[smem:$0x3FAF] =	sst s9;
	s0 =	simm.s32 @!p0 $0x0  }
0x12: {  	s1 =	sld [smem:$0x3F95];
	s0 =	simm.s32 @p0 $0x1  }
0x13: {  	[smem:$0x3FB0] =	sst s0;
	s0 =	simm.s32 @!p1 $0x0  }
0x14: {  	s2 =	sld [smem:$0x3F94];
	s0 =	simm.s32 @p1 $0x1  }
0x15: {  	[smem:$0x3FB1] =	sst s0;
	s0 =	simm.s32 @!p2 $0x0  }
0x16: {  	s3 =	sld [smem:$0x3FDB];
	s0 =	simm.s32 @p2 $0x1  }
0x17: {  	s4 =	simm.s32 $0x1BF5;
	[smem:$0x3FB3] =	sst s0  }
0x18: {  	s0 =	sld [smem:$0x3F96];
	_ =	swait.ge [sflag:s4], $0x0  }
0x19: {  	s7 =	sld [smem:$0x3F97]  }
0x1a: {  	s8 =	sadd.s32 $0xFFFFE003, lr  }
0x1b: {  	s9 =	sadd.s32 $0xFFFFFEF7, lr;
	s5 =	simm.s32 $0xFFFFFFFF;
	p2 =	slt.u32 s8, $0xFFFFF086  }
0x1c: {  	p1 =	slt.u32 s9, $0xF7A;
	s5 =	simm.s32 @!p2 $0x0  }
0x1d: {  	s5 =	simm.s32 @p1 $0x1;
	p0 =	seq.s32 s7, s2  }
0x1e: {  	s7 =	smul.u32 @!p0 $0xF7A, s2;
	p2 =	seq.s32 @!p0 s5, $0x0  }
0x1f: {  	s9 =	smul.u32 $0xF7A, s1;
	s8 =	simm.s32 @!p0 $0x1BF5;
	p2 =	por !p2, p0  }
0x20: {  	[sflag:s8] =	ssyncset.s32 @!p0 $0xFFFFF086;
	s6 =	sadd.s32 @!p0 s3, s7;
	s7 =	simm.s32 @!p0 $0x108  }
0x21: {  	s3 =	sadd.s32 s3, s9;
	s6 =	sadd.s32 @!p0 $0x88, s6;
	s7 =	simm.s32 @p2 $0x1082  }
0x22: {  	[simem:s7], [sflag:s8] =	dma.local @!p0 [hbm:s6], $0xF7A  }
0x23: {  	s9 =	sor.u32 $0xD0000000, s2;
	s6 =	simm.s32 $0x108;
	_ =	swait.ge @!p0 [sflag:s8], $0x0  }
0x24: {  	s3 =	sadd.s32 $0x88, s3;
	s6 =	simm.s32 @!p1 $0x1082;
	[sflag:s4] =	ssyncset.s32 $0xFFFFF086  }
0x25: {  	[simem:s6], [sflag:s4] =	dma.local [hbm:s3], $0xF7A  }
0x26: {  	[smem:$0x3F97] =	sst s1;
	(tag) =	ssettag s2;
	_ =	strace s9  }
0x27: {  	s1 =	sld [smem:$0x3FA7]  }
0x28: {  	s2 =	sld [smem:$0x3FA8]  }
0x29: {  	s4 =	sld [smem:$0x3FAA]  }
0x2a: {  	p0 =	seq.s32 s5, $0x0;
	s5 =	sld [smem:$0x3FAB]  }
0x2b: {  	s6 =	sld [smem:$0x3FAC]  }
0x2c: {  	s7 =	sld [smem:$0x3FAD]  }
0x2d: {  	s3 =	simm.s32 $0x108;
	s8 =	sld [smem:$0x3FAE]  }
0x2e: {  	s3 =	simm.s32 @!p0 $0x1082;
	s9 =	sld [smem:$0x3FAF]  }
0x2f: {  	lr =	sadd.s32 s0, s3;
	s0 =	sld [smem:$0x3FA6]  }
0x30: {  	s3 =	sld [smem:$0x3FA9]  }
0x31: {  	[smem:$0x3FB2] =	sst s10  }
0x32: {  	s10 =	sld [smem:$0x3FB0];
	_ =	sdelay $0x3  }
0x33: {  	p0 =	seq.s32 s10, $0x1;
	s10 =	sld [smem:$0x3FB2];
	_ =	sdelay $0x3  }
0x34: {  	[smem:$0x3FB2] =	sst s10  }
0x35: {  	s10 =	sld [smem:$0x3FB1];
	_ =	sdelay $0x3  }
0x36: {  	p1 =	seq.s32 s10, $0x1;
	s10 =	sld [smem:$0x3FB2];
	_ =	sdelay $0x3  }
0x37: {  	[smem:$0x3FB2] =	sst s10  }
0x38: {  	s10 =	sld [smem:$0x3FB3]  }
0x39: {  	_ = 	snop;
	(pc) =	sbr.ind lr, $3  }
0x3a: {  	_ = 	snop  }
0x3b: {  	_ = 	snop  }
0x3c: {  	p2 =	seq.s32 s10, $0x1;
	s10 =	sld [smem:$0x3FB2]  }
0x3d: {  	_ =	shalt  }
0x3e: {  	_ =	shalt  }
0x3f: {  	_ =	shalt  }
0x40: {  	_ =	shalt  }
0x41: {  	_ =	shalt  }
0x42: {  	_ =	shalt  }
0x43: {  	_ =	shalt  }
0x44: {  	_ =	shalt  }
0x45: {  	_ =	shalt  }
0x46: {  	_ =	shalt  }
0x47: {  	_ =	shalt  }
0x48: {  	_ =	shalt  }
0x49: {  	_ =	shalt  }
0x4a: {  	_ =	shalt  }
0x4b: {  	_ =	shalt  }
0x4c: {  	_ =	shalt  }
0x4d: {  	_ =	shalt  }
0x4e: {  	_ =	shalt  }
0x4f: {  	_ =	shalt  }
0x50: {  	_ =	shalt  }
0x51: {  	_ =	shalt  }
0x52: {  	_ =	shalt  }
0x53: {  	_ =	shalt  }
0x54: {  	_ =	shalt  }
0x55: {  	_ =	shalt  }
0x56: {  	_ =	shalt  }
0x57: {  	_ =	shalt  }
0x58: {  	_ =	shalt  }
0x59: {  	_ =	shalt  }
0x5a: {  	_ =	shalt  }
0x5b: {  	_ =	shalt  }
0x5c: {  	_ =	shalt  }
0x5d: {  	_ =	shalt  }
0x5e: {  	_ =	shalt  }
0x5f: {  	_ =	shalt  }
0x60: {  	_ =	shalt  }
0x61: {  	_ =	shalt  }
0x62: {  	_ =	shalt  }
0x63: {  	_ =	shalt  }
0x64: {  	_ =	shalt  }
0x65: {  	_ =	shalt  }
0x66: {  	_ =	shalt  }
0x67: {  	_ =	shalt  }
0x68: {  	_ =	shalt  }
0x69: {  	_ =	shalt  }
0x6a: {  	_ =	shalt  }
0x6b: {  	_ =	shalt  }
0x6c: {  	_ =	shalt  }
0x6d: {  	_ =	shalt  }
0x6e: {  	_ =	shalt  }
0x6f: {  	_ =	shalt  }
0x70: {  	_ =	shalt  }
0x71: {  	_ =	shalt  }
0x72: {  	_ =	shalt  }
0x73: {  	_ =	shalt  }
0x74: {  	_ =	shalt  }
0x75: {  	_ =	shalt  }
0x76: {  	_ =	shalt  }
0x77: {  	_ =	shalt  }
0x78: {  	_ =	shalt  }
0x79: {  	_ =	shalt  }
0x7a: {  	_ =	shalt  }
0x7b: {  	_ =	shalt  }
0x7c: {  	_ =	shalt  }
0x7d: {  	_ =	shalt  }
0x7e: {  	_ =	shalt  }
0x7f: {  	_ =	shalt  }
0x80: {  	_ =	shalt  }
0x81: {  	_ =	shalt  }
0x82: {  	_ =	shalt  }
0x83: {  	_ =	shalt  }
0x84: {  	_ =	shalt  }
0x85: {  	_ =	shalt  }
0x86: {  	_ =	shalt  }
0x87: {  	_ =	shalt  }
.Lfunc_end0:
.L_simem_size_0:
called_computation_lowered:
.L_overlay_start_0:
0x88: {  	s2 =	sld [smem:$0x3FD9]  }
0x89: {  	s3 =	sld [smem:$0x3FFE];
	_ =	sdelay $0x1  }
0x8a: {  	s1 =	srdreg.scid  }
0x8b: {  	s0 =	sand.u32 $0x1, s1  }
0x8c: {  	s17 =	sshll.u32 s0, $0xA;
	s2 =	sadd.s32 s3, s2  }
0x8d: {  	s2 =	sadd.s32 s2, s17  }
0x8e: {  	[smem:$0x3FBE] =	sst s2  }
0x8f: {  	_ = 	snop  }
0x90: {  	s2 =	sld [smem:$0x3FD0];
	(tm) =	ssettm $0x1  }
0x91: {  	s18 =	sld [smem:$0x3FFB];
	_ =	sdelay $0x3  }
0x92: {  	_ =	strace s18  }
0x93: {  	s3 =	sld [smem:$0x3FFC];
	_ =	sdelay $0x3  }
0x94: {  	_ =	strace s3  }
0x95: {  	s3 =	sld [smem:$0x3FFD];
	_ =	sdelay $0x3  }
0x96: {  	_ =	strace s3  }
0x97: {  	_ =	strace $0x8FFFFFFF  }
0x98: {  	s19 =	sld [smem:$0x3FDB];
	_ =	sdelay $0x1  }
0x99: {  	s4 =	simm.s32 $_scs_section_size  }
0x9a: {  	s5 =	simm.s32 $_size__tile_overlayer_lowered;
	s6 =	simm.s32 $_tile_overlayer_lowered  }
0x9b: {  	s22 =	simm.s32 $0x1BFF;
	s21 =	sshll.u32 s6, $0x1;
	s3 =	sadd.s32 s4, s19  }
0x9c: {  	s7 =	simm.s32 $0x0;
	s20 =	sshll.u32 s5, $0x1;
	s5 =	sadd.s32 s21, s3  }
0x9d: {  	[timem:s7], [sflag:s22] =	dma.local [hbm:s5], s20  }
0x9e: {  	_ =	swait.ge [sflag:s22], s20  }
0x9f: {  	s4 =	ssub.s32 $0x0, s20;
	[sflag:s22] =	ssyncset.done $0x0  }
0xa0: {  	[sflag:s22] =	ssyncadd.s32 s4;
	_ =	sdelay $0x1  }
0xa1: {  	s23 =	simm.s32 $0x1B8B  }
0xa2: {  	_ =	swait.ge [sflag:s23], $0x1  }
0xa3: {  	[sflag:s23] =	ssyncset.done $0x0  }
0xa4: {  	s25 =	simm.s32 $0x1B8E;
	s24 =	sld [smem:$0x3FFE];
	[sflag:s23] =	ssyncadd.s32 $0xFFFFFFFF  }
0xa5: {  	s26 =	simm.s32 $execute0_lowered;
	[smem:$0x3FD2] =	sst s25  }
0xa6: {  	s5 =	sshll.u32 s26, $0x1;
	_ =	strace $0x80000046;
	[dreg:$0x1] =	wrdreg $0xFFFFFFFF  }
0xa7: {  	s28 =	simm.s32 $_size_execute0_lowered;
	s3 =	sadd.s32 s3, s5;
	[dreg:$0x0] =	wrdreg $0x0  }
0xa8: {  	s5 =	sshll.u32 s28, $0x1;
	[dreg:$0x2] =	wrdreg s3  }
0xa9: {  	[dreg:$0x3] =	wrdreg s5  }
0xaa: {  	[dreg:$0x4] =	wrdreg $0xC0  }
0xab: {  	_ =	task [dreg:s7], $0x5FFFF  }
0xac: {  	[dreg:$0x1] =	wrdreg $0xFFFFFFFF  }
0xad: {  	[dreg:$0x0] =	wrdreg $0x60  }
0xae: {  	[dreg:$0x2] =	wrdreg s24  }
0xaf: {  	[dreg:$0x3] =	wrdreg s2  }
0xb0: {  	[dreg:$0x4] =	wrdreg $0x9  }
0xb1: {  	_ =	task.clear_ibuf [dreg:s7], $0x5FFFF;
	_ =	strace $0x90000046  }
0xb2: {  	s29 =	simm.s32 $0x9;
	_ =	strace $0x80000048  }
0xb3: {  	_ =	swait.ge [sflag:s29], $0x1  }
0xb4: {  	[sflag:s29] =	ssyncadd.s32 $0xFFFFFFFF  }
0xb5: {  	_ =	strace $0x90000048  }
0xb6: {  	_ =	sfence  }
0xb7: {  	s30 =	sld [smem:$0x0];
	_ =	sdelay $0x2  }
0xb8: {  	s31 =	sshll.u32 s1, $0xD;
	s1 =	sshrl.u32 s1, $0x2  }
0xb9: {  	s3 =	sand.u32 $0x4000, s31;
	s1 =	sadd.s32 s1, s30  }
0xba: {  	s0 =	sor.u32 s3, s0;
	s1 =	sshll.u32 s1, $0x11  }
0xbb: {  	s0 =	sor.u32 s1, s0  }
0xbc: {  	s0 =	sadd.s32 $0x8F2B, s0  }
0xbd: {  	[sflag:s0] =	ssyncadd.remote.s32 $0x1  }
0xbe: {  	_ =	sfence.sel $0xFFFF  }
0xbf: {  	[dreg:$0x0] =	wrdreg $0xFFFFFFFF;
	(pc) =	sbr.abs _section_cstart, $3  }
0xc0: {  	[dreg:$0x1] =	wrdreg $0xFFFFFFFF  }
0xc1: {  	_ =	task.clear_ibuf [dreg:s7], $0x2FFFF;
	_ =	strace $0x9FFFFFFF  }
0xc2: {  	(tm) =	ssettm $0x7FFFFFFF  }
0xc3: {  	_ =	shalt  }
tec
execute0_lowered:
.L_overlay_start_1:
0x0: {  	(tag) =	ssettag $0x1  }
0x1: {  	s0 =	srdreg.scid  }
0x2: {  	s1 =	stileid.u32;
	s4 =	rddreg [dreg:$0x0]  }
0x3: {  	s10 =	simm.s32 $0x0;
	s2 =	sand.u32 $0x1, s0;
	s12 =	sshll.u32 s1, $0x1  }
0x4: {  	[smem:$0x7FF] =	sst s10;
	s0 =	sor.u32 s2, s12  }
0x5: {  	[smem:$0x7CC] =	sst s2;
	s18 =	smul.u32 $0x1A, s0  }
0x6: {  	s13 =	rddreg [dreg:$0x1];
	s12 =	sadd.s32 $0x9EC800, s4;
	_ =	strace $0x80000047  }
0x7: {  	s0 =	smul.u32 $0x3400, s0;
	s3 =	sshll.u32 s18, $0x4;
	s14 =	sadd.s32 $0x19, s18  }
0x8: {  	s17 =	sshrl.u32 s18, $0x5;
	s19 =	sadd.s32 $0x2, s18;
	s20 =	sor.u32 $0x1, s18  }
0x9: {  	s0 =	sadd.s32 s12, s0;
	s21 =	sadd.s32 $0x3, s18;
	[smem:$0x7F9] =	sst s14  }
0xa: {  	s23 =	sadd.s32 $0x4, s18;
	s26 =	sadd.s32 $0x5, s18;
	[smem:$0x7D0] =	sst s20  }
0xb: {  	s7 =	sadd.s32 $0x6, s18;
	s11 =	sadd.s32 $0x7, s18;
	[smem:$0x7D1] =	sst s19  }
0xc: {  	s3 =	sand.u32 $0x3E00, s3;
	s15 =	sshll.u32 s14, $0x4;
	[dreg:$0x5] =	wrdreg s0  }
0xd: {  	s5 =	sshrl.u32 s19, $0x5;
	s22 =	sshll.u32 s20, $0x9;
	[smem:$0x7D4] =	sst s21  }
0xe: {  	s8 =	sshrl.u32 s21, $0x5;
	s24 =	sshll.u32 s19, $0x9;
	[smem:$0x7D5] =	sst s23  }
0xf: {  	s25 =	sshrl.u32 s23, $0x5;
	s6 =	sshll.u32 s21, $0x9;
	[smem:$0x7D7] =	sst s26  }
0x10: {  	s9 =	sshll.u32 s23, $0x9;
	s31 =	sshrl.u32 s7, $0x5;
	[smem:$0x7D8] =	sst s7  }
0x11: {  	s29 =	sshrl.u32 s11, $0x5;
	[smem:$0x7DA] =	sst s11;
	s14 =	sadd.s32 $0x8, s18  }
0x12: {  	s19 =	sshll.u32 s11, $0x9;
	s20 =	sadd.s32 $0xA, s18;
	s3 =	sadd.s32 s13, s3  }
0x13: {  	s16 =	sand.u32 $0x7E00, s15;
	p0 =	seq.s32 s5, s17;
	[smem:$0x7C8] =	sst s25  }
0x14: {  	s0 =	sadd.s32 s12, s22;
	s15 =	sshll.u32 s7, $0x9;
	[smem:$0x7DC] =	sst s14  }
0x15: {  	s28 =	sshrl.u32 s14, $0x5;
	s21 =	sshll.u32 s14, $0x9;
	[smem:$0x7E0] =	sst s20  }
0x16: {  	s22 =	sadd.s32 $0xB, s18;
	s7 =	sshll.u32 s20, $0x9;
	[dreg:$0x3] =	wrdreg s3  }
0x17: {  	s1 =	sadd.s32 s13, s16;
	[dreg:$0x7] =	wrdreg s0;
	s0 =	sadd.s32 s12, s24  }
0x18: {  	s24 =	sshrl.u32 s26, $0x5;
	s13 =	sshll.u32 s26, $0x9;
	[smem:$0x7E2] =	sst s22  }
0x19: {  	s16 =	sadd.s32 $0x9, s18;
	s23 =	sshrl.u32 s22, $0x5;
	[dreg:$0x4] =	wrdreg s1  }
0x1a: {  	s11 =	sshll.u32 s22, $0x9;
	s3 =	sadd.s32 $0x16, s18;
	[dreg:$0x9] =	wrdreg s0  }
0x1b: {  	s1 =	simm.s32 $0x0;
	s0 =	sadd.s32 s12, s6;
	[smem:$0x7DE] =	sst s16  }
0x1c: {  	s26 =	sshrl.u32 s16, $0x5;
	s4 =	sshll.u32 s16, $0x9;
	[smem:$0x7F6] =	sst s3  }
0x1d: {  	s6 =	sadd.s32 $0xC, s18;
	s1 =	simm.s32 @!p0 $0x1000;
	[dreg:$0xb] =	wrdreg s0  }
0x1e: {  	p0 =	seq.s32 s8, s17;
	s0 =	sadd.s32 s12, s9;
	[smem:$0x7E4] =	sst s6  }
0x1f: {  	s30 =	sshrl.u32 s6, $0x5;
	s9 =	sadd.s32 $0xD, s18;
	[dreg:$0x6] =	wrdreg s1  }
0x20: {  	s14 =	sshll.u32 s6, $0x9;
	s6 =	sadd.s32 $0x11, s18;
	[dreg:$0xd] =	wrdreg s0  }
0x21: {  	s8 =	smul.u32 $0x61A80, s8;
	s1 =	simm.s32 $0x0;
	[smem:$0x7E6] =	sst s9  }
0x22: {  	s0 =	sadd.s32 s12, s13;
	s22 =	sshrl.u32 s9, $0x5;
	[smem:$0x7EE] =	sst s6  }
0x23: {  	s13 =	sadd.s32 $0xE, s18;
	s16 =	sshll.u32 s9, $0x9;
	[dreg:$0xf] =	wrdreg s0  }
0x24: {  	s9 =	sadd.s32 $0x12, s18;
	s1 =	simm.s32 @!p0 $0x1000;
	[smem:$0x7E8] =	sst s13  }
0x25: {  	p0 =	seq.s32 s25, s17;
	s0 =	sadd.s32 s12, s15;
	[smem:$0x7F0] =	sst s9  }
0x26: {  	s25 =	sshrl.u32 s20, $0x5;
	s15 =	sadd.s32 $0xF, s18;
	[dreg:$0x8] =	wrdreg s1  }
0x27: {  	s1 =	simm.s32 $0x0;
	[dreg:$0x11] =	wrdreg s0;
	s0 =	sadd.s32 s12, s19  }
0x28: {  	s20 =	sshrl.u32 s15, $0x5;
	[smem:$0x7EA] =	sst s15;
	s19 =	sadd.s32 $0x10, s18  }
0x29: {  	s1 =	simm.s32 @!p0 $0x1000;
	p0 =	seq.s32 s24, s17;
	[dreg:$0x13] =	wrdreg s0  }
0x2a: {  	s0 =	sadd.s32 s12, s21;
	[dreg:$0xa] =	wrdreg s1;
	s1 =	simm.s32 $0x0  }
0x2b: {  	s21 =	sshrl.u32 s13, $0x5;
	[smem:$0x7EC] =	sst s19;
	s1 =	simm.s32 @!p0 $0x1000  }
0x2c: {  	p0 =	seq.s32 s31, s17;
	[dreg:$0xc] =	wrdreg s1;
	s1 =	simm.s32 $0x0  }
0x2d: {  	s2 =	sshrl.u32 s19, $0x5;
	[dreg:$0x15] =	wrdreg s0;
	s1 =	simm.s32 @!p0 $0x1000  }
0x2e: {  	p0 =	seq.s32 s29, s17;
	[dreg:$0xe] =	wrdreg s1;
	s1 =	simm.s32 $0x0  }
0x2f: {  	s0 =	sadd.s32 s12, s4;
	[smem:$0x7CE] =	sst s2;
	s1 =	simm.s32 @!p0 $0x1000  }
0x30: {  	p0 =	seq.s32 s28, s17;
	[dreg:$0x10] =	wrdreg s1;
	s1 =	simm.s32 $0x0  }
0x31: {  	s4 =	sand.u32 $0x1E, s18;
	[dreg:$0x17] =	wrdreg s0;
	s1 =	simm.s32 @!p0 $0x1000  }
0x32: {  	p0 =	seq.s32 s26, s17;
	[dreg:$0x12] =	wrdreg s1;
	s1 =	simm.s32 $0x0  }
0x33: {  	s0 =	sadd.s32 s12, s7;
	s7 =	sshll.u32 s15, $0x9;
	s1 =	simm.s32 @!p0 $0x1000  }
0x34: {  	p0 =	seq.s32 s25, s17;
	[dreg:$0x14] =	wrdreg s1;
	s1 =	simm.s32 $0x0  }
0x35: {  	s31 =	smul.u32 $0x61A80, s31;
	[dreg:$0x19] =	wrdreg s0;
	s1 =	simm.s32 @!p0 $0x1000  }
0x36: {  	p0 =	seq.s32 s23, s17;
	[dreg:$0x16] =	wrdreg s1;
	s1 =	simm.s32 $0x0  }
0x37: {  	s0 =	sadd.s32 s12, s11;
	s11 =	sshll.u32 s19, $0x9;
	s1 =	simm.s32 @!p0 $0x1000  }
0x38: {  	p0 =	seq.s32 s30, s17;
	[dreg:$0x18] =	wrdreg s1;
	s1 =	simm.s32 $0x0  }
0x39: {  	[dreg:$0x1b] =	wrdreg s0;
	s0 =	sadd.s32 s12, s14;
	s1 =	simm.s32 @!p0 $0x1000  }
0x3a: {  	p0 =	seq.s32 s22, s17;
	[dreg:$0x1a] =	wrdreg s1;
	s1 =	simm.s32 $0x0  }
0x3b: {  	s19 =	sshrl.u32 s9, $0x5;
	[dreg:$0x1d] =	wrdreg s0;
	s1 =	simm.s32 @!p0 $0x1000  }
0x3c: {  	p0 =	seq.s32 s21, s17;
	[dreg:$0x1c] =	wrdreg s1;
	s1 =	simm.s32 $0x0  }
0x3d: {  	s0 =	sadd.s32 s12, s16;
	s16 =	sshrl.u32 s6, $0x5;
	s1 =	simm.s32 @!p0 $0x1000  }
0x3e: {  	p0 =	seq.s32 s20, s17;
	[dreg:$0x1e] =	wrdreg s1;
	s1 =	simm.s32 $0x0  }
0x3f: {  	[dreg:$0x1f] =	wrdreg s0;
	s1 =	simm.s32 @!p0 $0x1000;
	p0 =	seq.s32 s2, s17  }
0x40: {  	s2 =	sshll.u32 s6, $0x9;
	s6 =	sadd.s32 $0x14, s18;
	[smem:$0x7B6] =	sst s1  }
0x41: {  	s1 =	sshll.u32 s13, $0x9;
	s13 =	sadd.s32 $0x13, s18;
	[smem:$0x7F4] =	sst s6  }
0x42: {  	s0 =	sadd.s32 s12, s1;
	s1 =	simm.s32 $0x0;
	[smem:$0x7F2] =	sst s13  }
0x43: {  	s15 =	sshrl.u32 s13, $0x5;
	[smem:$0x7B7] =	sst s0;
	s1 =	simm.s32 @!p0 $0x1000  }
0x44: {  	s0 =	sadd.s32 s12, s7;
	p0 =	seq.s32 s16, s17;
	s7 =	sshll.u32 s9, $0x9  }
0x45: {  	s9 =	sadd.s32 $0x15, s18;
	[smem:$0x7B8] =	sst s1;
	s1 =	simm.s32 $0x0  }
0x46: {  	[smem:$0x7B9] =	sst s0;
	s0 =	sadd.s32 s12, s11;
	s11 =	sshll.u32 s13, $0x9  }
0x47: {  	s13 =	sshrl.u32 s9, $0x5;
	[smem:$0x7F5] =	sst s9;
	s1 =	simm.s32 @!p0 $0x1000  }
0x48: {  	p0 =	seq.s32 s19, s17;
	[smem:$0x7BB] =	sst s0;
	s0 =	sadd.s32 s12, s2  }
0x49: {  	s2 =	sshll.u32 s9, $0x9;
	s9 =	smul.u32 $0x30D4, s4;
	[smem:$0x7BA] =	sst s1  }
0x4a: {  	s1 =	simm.s32 $0x0;
	[smem:$0x7BD] =	sst s0;
	s0 =	sadd.s32 s12, s7  }
0x4b: {  	s14 =	sshrl.u32 s6, $0x5;
	s1 =	simm.s32 @!p0 $0x1000;
	[smem:$0x7BF] =	sst s0  }
0x4c: {  	p0 =	seq.s32 s15, s17;
	s0 =	sadd.s32 s12, s11;
	[smem:$0x7D2] =	sst s9  }
0x4d: {  	s11 =	sshrl.u32 s3, $0x5;
	s9 =	smul.u32 $0x61A80, s5;
	s5 =	sld [smem:$0x7C8]  }
0x4e: {  	s3 =	sshll.u32 s3, $0x9;
	[smem:$0x7BC] =	sst s1;
	s1 =	simm.s32 $0x0  }
0x4f: {  	[smem:$0x7C1] =	sst s0;
	s4 =	sadd.s32 s12, s3;
	s1 =	simm.s32 @!p0 $0x1000  }
0x50: {  	p0 =	seq.s32 s14, s17;
	[smem:$0x7BE] =	sst s1;
	s1 =	simm.s32 $0x0  }
0x51: {  	s26 =	smul.u32 $0x61A80, s26;
	[smem:$0x7C7] =	sst s4;
	s1 =	simm.s32 @!p0 $0x1000  }
0x52: {  	p0 =	seq.s32 s13, s17;
	[smem:$0x7C0] =	sst s1;
	s1 =	simm.s32 $0x0  }
0x53: {  	s4 =	smul.u32 $0x61A80, s24;
	s24 =	sld [smem:$0x7CC];
	s1 =	simm.s32 @!p0 $0x1000  }
0x54: {  	s25 =	smul.u32 $0x61A80, s25;
	[smem:$0x7C2] =	sst s1;
	s1 =	sshll.u32 s6, $0x9  }
0x55: {  	p0 =	seq.s32 s11, s17;
	s6 =	simm.s32 $0x0;
	s0 =	sadd.s32 s12, s1  }
0x56: {  	s3 =	sadd.s32 $0x18, s18;
	s6 =	simm.s32 @!p0 $0x1000;
	[smem:$0x7C3] =	sst s0  }
0x57: {  	[smem:$0x7C4] =	sst s6;
	s0 =	sadd.s32 s12, s2;
	s2 =	sadd.s32 $0x17, s18  }
0x58: {  	s18 =	sshrl.u32 s3, $0x5;
	[smem:$0x7C5] =	sst s0;
	s7 =	sshrl.u32 s2, $0x5  }
0x59: {  	[smem:$0x7F7] =	sst s2;
	s0 =	simm.s32 $0x0;
	s6 =	sshll.u32 s2, $0x9  }
0x5a: {  	p0 =	seq.s32 s7, s17;
	s1 =	sadd.s32 s12, s6;
	s6 =	sld [smem:$0x7F9]  }
0x5b: {  	s2 =	smul.u32 $0x61A80, s29;
	s0 =	simm.s32 @!p0 $0x1000;
	[smem:$0x7CA] =	sst s1  }
0x5c: {  	p0 =	seq.s32 s18, s17;
	[smem:$0x7C6] =	sst s0;
	s0 =	simm.s32 $0x0  }
0x5d: {  	s1 =	smul.u32 $0x61A80, s17;
	s0 =	simm.s32 @!p0 $0x1000;
	s29 =	sshrl.u32 s6, $0x5  }
0x5e: {  	p0 =	seq.s32 s29, s17;
	s17 =	smul.u32 $0x61A80, s28;
	s28 =	simm.s32 $0x0  }
0x5f: {  	s23 =	smul.u32 $0x61A80, s23;
	[smem:$0x7F8] =	sst s3;
	s28 =	simm.s32 @!p0 $0x1000  }
0x60: {  	[smem:$0x7CB] =	sst s28;
	s28 =	ssub.s32 $0x2, s24;
	s24 =	sshll.u32 s3, $0x9  }
0x61: {  	s30 =	smul.u32 $0x61A80, s30;
	[smem:$0x7C9] =	sst s0;
	s0 =	sadd.s32 s12, s24  }
0x62: {  	s21 =	smul.u32 $0x61A80, s21;
	s3 =	sshrl.u32 s28, $0x1;
	[smem:$0x7CD] =	sst s0  }
0x63: {  	s16 =	smul.u32 $0x61A80, s16;
	s24 =	ssub.s32 s28, s3;
	s3 =	rddreg [dreg:$0x0]  }
0x64: {  	s6 =	sshll.u32 s6, $0x9;
	s0 =	smul.u32 $0x61A80, s22;
	s22 =	sld [smem:$0x7CE]  }
0x65: {  	s5 =	smul.u32 $0x61A80, s5;
	s28 =	sadd.s32 s12, s6;
	[smem:$0x7FD] =	sst s24  }
0x66: {  	s18 =	smul.u32 $0x61A80, s18;
	s24 =	sadd.s32 $0x1600, s3;
	[smem:$0x7CF] =	sst s28  }
0x67: {  	s12 =	sadd.s32 s24, s1;
	s1 =	smul.u32 $0x61A80, s20;
	s9 =	sadd.s32 s24, s9  }
0x68: {  	s6 =	sadd.s32 s24, s31;
	s3 =	sadd.s32 s24, s2;
	s31 =	smul.u32 $0x61A80, s19  }
0x69: {  	s2 =	sadd.s32 s24, s17;
	s17 =	sadd.s32 s24, s26;
	s26 =	smul.u32 $0x61A80, s15  }
0x6a: {  	s20 =	sadd.s32 s24, s8;
	s15 =	sadd.s32 s24, s25;
	s25 =	smul.u32 $0x61A80, s13  }
0x6b: {  	s5 =	sadd.s32 s24, s5;
	s19 =	sadd.s32 s24, s30;
	s30 =	smul.u32 $0x61A80, s7  }
0x6c: {  	s4 =	sadd.s32 s24, s4;
	s0 =	sadd.s32 s24, s0;
	s8 =	smul.u32 $0x61A80, s22  }
0x6d: {  	s16 =	sadd.s32 s24, s16;
	s22 =	sadd.s32 s24, s23;
	s23 =	smul.u32 $0x61A80, s14  }
0x6e: {  	s18 =	sadd.s32 s24, s18;
	s14 =	sadd.s32 s24, s21;
	s21 =	smul.u32 $0x61A80, s11  }
0x6f: {  	[smem:$0x7FC] =	sst s18;
	s1 =	sadd.s32 s24, s1;
	s11 =	sadd.s32 s24, s8  }
0x70: {  	s7 =	sadd.s32 s24, s23;
	s21 =	sadd.s32 s24, s21;
	s23 =	sld [smem:$0x7D1]  }
0x71: {  	s8 =	sadd.s32 s24, s26;
	s26 =	smul.u32 $0x61A80, s29;
	[smem:$0x7FB] =	sst s21  }
0x72: {  	s13 =	sadd.s32 s24, s31;
	s25 =	sadd.s32 s24, s25;
	s21 =	sld [smem:$0x7D0]  }
0x73: {  	s30 =	sadd.s32 s24, s30;
	s26 =	sadd.s32 s24, s26;
	s24 =	sld [smem:$0x7D2]  }
0x74: {  	[smem:$0x7FA] =	sst s25  }
0x75: {  	s25 =	sld [smem:$0x7D4];
	s18 =	sand.u32 $0x1F, s21;
	s21 =	sand.u32 $0x1E, s23  }
0x76: {  	s18 =	smul.u32 $0x30D4, s18;
	s23 =	sadd.s32 s24, s12;
	s24 =	sld [smem:$0x7D5]  }
0x77: {  	s21 =	smul.u32 $0x30D4, s21;
	[smem:$0x7D3] =	sst s23  }
0x78: {  	s23 =	sand.u32 $0x1F, s25;
	s25 =	sld [smem:$0x7D7];
	s12 =	sadd.s32 s18, s12  }
0x79: {  	s18 =	smul.u32 $0x30D4, s23;
	[smem:$0x7D6] =	sst s12  }
0x7a: {  	s9 =	sadd.s32 s21, s9;
	s23 =	sand.u32 $0x1E, s24;
	s24 =	sld [smem:$0x7D8]  }
0x7b: {  	[smem:$0x7D9] =	sst s9;
	s12 =	smul.u32 $0x30D4, s23  }
0x7c: {  	s23 =	sand.u32 $0x1F, s25;
	s25 =	sld [smem:$0x7DA];
	s18 =	sadd.s32 s18, s20  }
0x7d: {  	s21 =	smul.u32 $0x30D4, s23;
	[smem:$0x7DB] =	sst s18  }
0x7e: {  	s23 =	sand.u32 $0x1E, s24;
	s5 =	sadd.s32 s12, s5;
	s24 =	sld [smem:$0x7DE]  }
0x7f: {  	[smem:$0x7DD] =	sst s5  }
0x80: {  	s9 =	smul.u32 $0x30D4, s23;
	s23 =	sand.u32 $0x1F, s25;
	s25 =	sld [smem:$0x7E0]  }
0x81: {  	s4 =	sadd.s32 s21, s4;
	s21 =	sld [smem:$0x7E2]  }
0x82: {  	s18 =	smul.u32 $0x30D4, s23;
	s23 =	sld [smem:$0x7DC]  }
0x83: {  	[smem:$0x7DF] =	sst s4  }
0x84: {  	s12 =	sand.u32 $0x1F, s24;
	s6 =	sadd.s32 s9, s6;
	s24 =	sld [smem:$0x7E4]  }
0x85: {  	s4 =	smul.u32 $0x30D4, s12;
	[smem:$0x7E1] =	sst s6;
	s3 =	sadd.s32 s18, s3  }
0x86: {  	s9 =	sand.u32 $0x1F, s21;
	[smem:$0x7E3] =	sst s3  }
0x87: {  	s20 =	sand.u32 $0x1E, s23;
	s4 =	sadd.s32 s4, s17;
	s17 =	sld [smem:$0x7E8]  }
0x88: {  	s23 =	smul.u32 $0x30D4, s9;
	s9 =	sand.u32 $0x1E, s24;
	s24 =	sld [smem:$0x7EE]  }
0x89: {  	s12 =	sand.u32 $0x1E, s25;
	s5 =	smul.u32 $0x30D4, s20;
	[smem:$0x7E7] =	sst s4  }
0x8a: {  	s20 =	smul.u32 $0x30D4, s12;
	s3 =	sadd.s32 s23, s22;
	s22 =	sld [smem:$0x7EC]  }
0x8b: {  	s5 =	sadd.s32 s5, s2;
	s2 =	sld [smem:$0x7E6]  }
0x8c: {  	s6 =	sadd.s32 s20, s15;
	s20 =	sld [smem:$0x7EA]  }
0x8d: {  	[smem:$0x7EB] =	sst s3  }
0x8e: {  	s15 =	sld [smem:$0x7F4]  }
0x8f: {  	s25 =	smul.u32 $0x30D4, s9;
	[smem:$0x7E5] =	sst s5  }
0x90: {  	p0 =	por $0x0, $0x0;
	[smem:$0x7E9] =	sst s6;
	s9 =	sand.u32 $0x1F, s2  }
0x91: {  	s5 =	sadd.s32 s25, s19;
	s3 =	sand.u32 $0x1E, s15;
	s12 =	smul.u32 $0x30D4, s9  }
0x92: {  	[smem:$0x7ED] =	sst s5;
	s9 =	sand.u32 $0x1E, s17;
	s3 =	smul.u32 $0x30D4, s3  }
0x93: {  	s17 =	sld [smem:$0x7F5];
	s18 =	smul.u32 $0x30D4, s9;
	s9 =	sand.u32 $0x1F, s20  }
0x94: {  	s20 =	sld [smem:$0x7F6];
	s21 =	smul.u32 $0x30D4, s9;
	s9 =	sand.u32 $0x1E, s22  }
0x95: {  	s0 =	sadd.s32 s12, s0;
	s12 =	sld [smem:$0x7F2];
	s2 =	sadd.s32 s3, s7  }
0x96: {  	s23 =	smul.u32 $0x30D4, s9;
	s9 =	sand.u32 $0x1F, s24;
	[smem:$0x7EF] =	sst s0  }
0x97: {  	s6 =	sadd.s32 s18, s14;
	s18 =	sand.u32 $0x1F, s17;
	s17 =	sld [smem:$0x7FA]  }
0x98: {  	s3 =	simm.s32 $0x2;
	s25 =	smul.u32 $0x30D4, s9;
	s9 =	sld [smem:$0x7F0]  }
0x99: {  	s7 =	simm.s32 $0x1000;
	[smem:$0x7F1] =	sst s6;
	s1 =	sadd.s32 s21, s1  }
0x9a: {  	s19 =	smul.u32 $0x30D4, s18;
	s21 =	sand.u32 $0x1E, s20;
	s18 =	sld [smem:$0x7FB]  }
0x9b: {  	s6 =	sand.u32 $0x1F, s12;
	s22 =	smul.u32 $0x30D4, s21;
	s21 =	sld [smem:$0x7FD]  }
0x9c: {  	s25 =	sadd.s32 s25, s16;
	s16 =	sld [smem:$0x7F9];
	s4 =	sand.u32 $0x1E, s9  }
0x9d: {  	[smem:$0x7F3] =	sst s1;
	s31 =	sadd.s32 s23, s11;
	s4 =	smul.u32 $0x30D4, s4  }
0x9e: {  	s14 =	smul.u32 $0x30D4, s6;
	s9 =	sld [smem:$0x7F7];
	s1 =	smax.u32 s21, $0x1  }
0x9f: {  	s5 =	sand.u32 $0x1F, s16;
	s29 =	sadd.s32 s4, s13;
	s13 =	sld [smem:$0x7F8]  }
0xa0: {  	s23 =	sadd.s32 s19, s17;
	p1 =	sne.s32 s1, $0x1;
	s19 =	smul.u32 $0x30D4, s5  }
.Ltmp0:
0xa1: {  	s20 =	sld [smem:$0x7FC];
	s11 =	sand.u32 $0x1F, s9;
	(pc) =	sbr.rel @!p1 .LBB2_4-.Ltmp0, $4  }
0xa2: {  	s24 =	sadd.s32 s14, s8;
	s12 =	smul.u32 $0x30D4, s11;
	s14 =	sand.u32 $0x1E, s13  }
0xa3: {  	s28 =	sadd.s32 s22, s18;
	s8 =	simm.s32 $0x2000;
	s15 =	smul.u32 $0x30D4, s14  }
0xa4: {  	s4 =	simm.s32 $0x1;
	s9 =	simm.s32 $0x3000;
	s11 =	sadd.s32 s19, s26  }
0xa5: {  	s22 =	sadd.s32 s12, s30;
	s12 =	sadd.s32 $0xFFFFFFFF, s1;
	s30 =	sadd.s32 s15, s20  }
0xa6: {  	s0 =	rddreg [dreg:$0x3]  }
0xa7: {  	[tilespmem:s10], [sflag:$0x2] =	stream.linear.gather [hbm4b:s0+s10], $0x1000, $0x38;
	[tilespmem:$0x4000] =	vst v63  }
0xa8: {  	_ =	swait.ge [sflag:s3], $0x1000  }
0xa9: {  	[sflag:s3] =	ssyncset.done $0x0  }
0xaa: {  	s18 =	rddreg [dreg:$0x4];
	[sflag:s3] =	ssyncadd.s32 $0xFFFFF000  }
0xab: {  	[tilespmem:s7], [sflag:$0x2] =	stream.linear.gather [hbm4b:s18+s10], $0x1000, $0x38;
	[tilespmem:$0x4000] =	vst v63  }
0xac: {  	_ =	swait.ge [sflag:s3], $0x1000  }
0xad: {  	s19 =	sld [smem:$0x7D3]  }
0xae: {  	[sflag:s3] =	ssyncset.done $0x0  }
0xaf: {  	[sflag:s3] =	ssyncadd.s32 $0xFFFFF000  }
0xb0: {  	[tilespmem:s8], [sflag:$0x1] =	stream.indirect.gather [hbm4b:s19+s7], $0x1, s10, s7, $0xb8;
	[tilespmem:$0x4000] =	vst v63  }
0xb1: {  	_ =	swait.ge [sflag:s4], $0x1000  }
0xb2: {  	s20 =	sld [smem:$0x7D6]  }
0xb3: {  	[sflag:s4] =	ssyncset.done $0x0  }
0xb4: {  	[sflag:s4] =	ssyncadd.s32 $0xFFFFF000  }
0xb5: {  	[tilespmem:s9], [sflag:$0x1] =	stream.indirect.gather [hbm4b:s20+s7], $0x1, s10, s7, $0xb8;
	[tilespmem:$0x4000] =	vst v63  }
0xb6: {  	s1 =	rddreg [dreg:$0x5]  }
0xb7: {  	[hbm4b:s1+s10] =	stream.linear.scatter [tilespmem:s8], [sflag:$0x2], $0x1000, $0x38;
	[tilespmem:$0x4000] =	vst v63  }
0xb8: {  	_ =	swait.ge [sflag:s3], $0x1000  }
0xb9: {  	[sflag:s3] =	ssyncset.done $0x0  }
0xba: {  	[sflag:s3] =	ssyncadd.s32 $0xFFFFF000  }
0xbb: {  	_ =	swait.ge [sflag:s4], $0x1000  }
0xbc: {  	s21 =	sld [smem:$0x7D9]  }
0xbd: {  	[sflag:s4] =	ssyncset.done $0x0  }
0xbe: {  	s5 =	rddreg [dreg:$0x6];
	[sflag:s4] =	ssyncadd.s32 $0xFFFFF000  }
0xbf: {  	[tilespmem:s8], [sflag:$0x1] =	stream.indirect.gather [hbm4b:s21+s7], $0x1, s5, s7, $0xb8;
	[tilespmem:$0x4000] =	vst v63  }
0xc0: {  	s26 =	rddreg [dreg:$0x7]  }
0xc1: {  	[hbm4b:s26+s10] =	stream.linear.scatter [tilespmem:s9], [sflag:$0x2], $0x1000, $0x38;
	[tilespmem:$0x4000] =	vst v63  }
0xc2: {  	_ =	swait.ge [sflag:s3], $0x1000  }
0xc3: {  	[sflag:s3] =	ssyncset.done $0x0  }
0xc4: {  	[sflag:s3] =	ssyncadd.s32 $0xFFFFF000  }
0xc5: {  	_ =	swait.ge [sflag:s4], $0x1000  }
0xc6: {  	s6 =	sld [smem:$0x7DB]  }
0xc7: {  	[sflag:s4] =	ssyncset.done $0x0  }
0xc8: {  	s5 =	rddreg [dreg:$0x8];
	[sflag:s4] =	ssyncadd.s32 $0xFFFFF000  }
0xc9: {  	[tilespmem:s9], [sflag:$0x1] =	stream.indirect.gather [hbm4b:s6+s7], $0x1, s5, s7, $0xb8;
	[tilespmem:$0x4000] =	vst v63  }
0xca: {  	s13 =	rddreg [dreg:$0x9]  }
0xcb: {  	[hbm4b:s13+s10] =	stream.linear.scatter [tilespmem:s8], [sflag:$0x2], $0x1000, $0x38;
	[tilespmem:$0x4000] =	vst v63  }
0xcc: {  	_ =	swait.ge [sflag:s3], $0x1000  }
0xcd: {  	[sflag:s3] =	ssyncset.done $0x0  }
0xce: {  	[sflag:s3] =	ssyncadd.s32 $0xFFFFF000  }
0xcf: {  	_ =	swait.ge [sflag:s4], $0x1000  }
0xd0: {  	s16 =	sld [smem:$0x7DD]  }
0xd1: {  	[sflag:s4] =	ssyncset.done $0x0  }
0xd2: {  	s14 =	rddreg [dreg:$0xa];
	[sflag:s4] =	ssyncadd.s32 $0xFFFFF000  }
0xd3: {  	[tilespmem:s8], [sflag:$0x1] =	stream.indirect.gather [hbm4b:s16+s7], $0x1, s14, s7, $0xb8;
	[tilespmem:$0x4000] =	vst v63  }
0xd4: {  	s15 =	rddreg [dreg:$0xb]  }
0xd5: {  	[hbm4b:s15+s10] =	stream.linear.scatter [tilespmem:s9], [sflag:$0x2], $0x1000, $0x38;
	[tilespmem:$0x4000] =	vst v63  }
0xd6: {  	_ =	swait.ge [sflag:s3], $0x1000  }
0xd7: {  	[sflag:s3] =	ssyncset.done $0x0  }
0xd8: {  	[sflag:s3] =	ssyncadd.s32 $0xFFFFF000  }
0xd9: {  	_ =	swait.ge [sflag:s4], $0x1000  }
0xda: {  	s19 =	sld [smem:$0x7DF]  }
0xdb: {  	[sflag:s4] =	ssyncset.done $0x0  }
0xdc: {  	s17 =	rddreg [dreg:$0xc];
	[sflag:s4] =	ssyncadd.s32 $0xFFFFF000  }
0xdd: {  	[tilespmem:s9], [sflag:$0x1] =	stream.indirect.gather [hbm4b:s19+s7], $0x1, s17, s7, $0xb8;
	[tilespmem:$0x4000] =	vst v63  }
0xde: {  	s18 =	rddreg [dreg:$0xd]  }
0xdf: {  	[hbm4b:s18+s10] =	stream.linear.scatter [tilespmem:s8], [sflag:$0x2], $0x1000, $0x38;
	[tilespmem:$0x4000] =	vst v63  }
0xe0: {  	_ =	swait.ge [sflag:s3], $0x1000  }
0xe1: {  	[sflag:s3] =	ssyncset.done $0x0  }
0xe2: {  	[sflag:s3] =	ssyncadd.s32 $0xFFFFF000  }
0xe3: {  	_ =	swait.ge [sflag:s4], $0x1000  }
0xe4: {  	s26 =	sld [smem:$0x7E1]  }
0xe5: {  	[sflag:s4] =	ssyncset.done $0x0  }
0xe6: {  	s20 =	rddreg [dreg:$0xe];
	[sflag:s4] =	ssyncadd.s32 $0xFFFFF000  }
0xe7: {  	[tilespmem:s8], [sflag:$0x1] =	stream.indirect.gather [hbm4b:s26+s7], $0x1, s20, s7, $0xb8;
	[tilespmem:$0x4000] =	vst v63  }
0xe8: {  	s21 =	rddreg [dreg:$0xf]  }
0xe9: {  	[hbm4b:s21+s10] =	stream.linear.scatter [tilespmem:s9], [sflag:$0x2], $0x1000, $0x38;
	[tilespmem:$0x4000] =	vst v63  }
0xea: {  	_ =	swait.ge [sflag:s3], $0x1000  }
0xeb: {  	[sflag:s3] =	ssyncset.done $0x0  }
0xec: {  	[sflag:s3] =	ssyncadd.s32 $0xFFFFF000  }
0xed: {  	_ =	swait.ge [sflag:s4], $0x1000  }
0xee: {  	s13 =	sld [smem:$0x7E3]  }
0xef: {  	[sflag:s4] =	ssyncset.done $0x0  }
0xf0: {  	s5 =	rddreg [dreg:$0x10];
	[sflag:s4] =	ssyncadd.s32 $0xFFFFF000  }
0xf1: {  	[tilespmem:s9], [sflag:$0x1] =	stream.indirect.gather [hbm4b:s13+s7], $0x1, s5, s7, $0xb8;
	[tilespmem:$0x4000] =	vst v63  }
0xf2: {  	s6 =	rddreg [dreg:$0x11]  }
0xf3: {  	[hbm4b:s6+s10] =	stream.linear.scatter [tilespmem:s8], [sflag:$0x2], $0x1000, $0x38;
	[tilespmem:$0x4000] =	vst v63  }
0xf4: {  	_ =	swait.ge [sflag:s3], $0x1000  }
0xf5: {  	[sflag:s3] =	ssyncset.done $0x0  }
0xf6: {  	[sflag:s3] =	ssyncadd.s32 $0xFFFFF000  }
0xf7: {  	_ =	swait.ge [sflag:s4], $0x1000  }
0xf8: {  	s16 =	sld [smem:$0x7E5]  }
0xf9: {  	[sflag:s4] =	ssyncset.done $0x0  }
0xfa: {  	s14 =	rddreg [dreg:$0x12];
	[sflag:s4] =	ssyncadd.s32 $0xFFFFF000  }
0xfb: {  	[tilespmem:s8], [sflag:$0x1] =	stream.indirect.gather [hbm4b:s16+s7], $0x1, s14, s7, $0xb8;
	[tilespmem:$0x4000] =	vst v63  }
0xfc: {  	s15 =	rddreg [dreg:$0x13]  }
0xfd: {  	[hbm4b:s15+s10] =	stream.linear.scatter [tilespmem:s9], [sflag:$0x2], $0x1000, $0x38;
	[tilespmem:$0x4000] =	vst v63  }
0xfe: {  	_ =	swait.ge [sflag:s3], $0x1000  }
0xff: {  	[sflag:s3] =	ssyncset.done $0x0  }
0x100: {  	[sflag:s3] =	ssyncadd.s32 $0xFFFFF000  }
0x101: {  	_ =	swait.ge [sflag:s4], $0x1000  }
0x102: {  	s19 =	sld [smem:$0x7E7]  }
0x103: {  	[sflag:s4] =	ssyncset.done $0x0  }
0x104: {  	s17 =	rddreg [dreg:$0x14];
	[sflag:s4] =	ssyncadd.s32 $0xFFFFF000  }
0x105: {  	[tilespmem:s9], [sflag:$0x1] =	stream.indirect.gather [hbm4b:s19+s7], $0x1, s17, s7, $0xb8;
	[tilespmem:$0x4000] =	vst v63  }
0x106: {  	s18 =	rddreg [dreg:$0x15]  }
0x107: {  	[hbm4b:s18+s10] =	stream.linear.scatter [tilespmem:s8], [sflag:$0x2], $0x1000, $0x38;
	[tilespmem:$0x4000] =	vst v63  }
0x108: {  	_ =	swait.ge [sflag:s3], $0x1000  }
0x109: {  	[sflag:s3] =	ssyncset.done $0x0  }
0x10a: {  	[sflag:s3] =	ssyncadd.s32 $0xFFFFF000  }
0x10b: {  	_ =	swait.ge [sflag:s4], $0x1000  }
0x10c: {  	s26 =	sld [smem:$0x7E9]  }
0x10d: {  	[sflag:s4] =	ssyncset.done $0x0  }
0x10e: {  	s20 =	rddreg [dreg:$0x16];
	[sflag:s4] =	ssyncadd.s32 $0xFFFFF000  }
0x10f: {  	[tilespmem:s8], [sflag:$0x1] =	stream.indirect.gather [hbm4b:s26+s7], $0x1, s20, s7, $0xb8;
	[tilespmem:$0x4000] =	vst v63  }
0x110: {  	s21 =	rddreg [dreg:$0x17]  }
0x111: {  	[hbm4b:s21+s10] =	stream.linear.scatter [tilespmem:s9], [sflag:$0x2], $0x1000, $0x38;
	[tilespmem:$0x4000] =	vst v63  }
0x112: {  	_ =	swait.ge [sflag:s3], $0x1000  }
0x113: {  	[sflag:s3] =	ssyncset.done $0x0  }
0x114: {  	[sflag:s3] =	ssyncadd.s32 $0xFFFFF000  }
0x115: {  	_ =	swait.ge [sflag:s4], $0x1000  }
0x116: {  	s13 =	sld [smem:$0x7EB]  }
0x117: {  	[sflag:s4] =	ssyncset.done $0x0  }
0x118: {  	s5 =	rddreg [dreg:$0x18];
	[sflag:s4] =	ssyncadd.s32 $0xFFFFF000  }
0x119: {  	[tilespmem:s9], [sflag:$0x1] =	stream.indirect.gather [hbm4b:s13+s7], $0x1, s5, s7, $0xb8;
	[tilespmem:$0x4000] =	vst v63  }
0x11a: {  	s6 =	rddreg [dreg:$0x19]  }
0x11b: {  	[hbm4b:s6+s10] =	stream.linear.scatter [tilespmem:s8], [sflag:$0x2], $0x1000, $0x38;
	[tilespmem:$0x4000] =	vst v63  }
0x11c: {  	_ =	swait.ge [sflag:s3], $0x1000  }
0x11d: {  	[sflag:s3] =	ssyncset.done $0x0  }
0x11e: {  	[sflag:s3] =	ssyncadd.s32 $0xFFFFF000  }
0x11f: {  	_ =	swait.ge [sflag:s4], $0x1000  }
0x120: {  	s16 =	sld [smem:$0x7ED]  }
0x121: {  	[sflag:s4] =	ssyncset.done $0x0  }
0x122: {  	s14 =	rddreg [dreg:$0x1a];
	[sflag:s4] =	ssyncadd.s32 $0xFFFFF000  }
0x123: {  	[tilespmem:s8], [sflag:$0x1] =	stream.indirect.gather [hbm4b:s16+s7], $0x1, s14, s7, $0xb8;
	[tilespmem:$0x4000] =	vst v63  }
0x124: {  	s15 =	rddreg [dreg:$0x1b]  }
0x125: {  	[hbm4b:s15+s10] =	stream.linear.scatter [tilespmem:s9], [sflag:$0x2], $0x1000, $0x38;
	[tilespmem:$0x4000] =	vst v63  }
0x126: {  	_ =	swait.ge [sflag:s3], $0x1000  }
0x127: {  	[sflag:s3] =	ssyncset.done $0x0  }
0x128: {  	[sflag:s3] =	ssyncadd.s32 $0xFFFFF000  }
0x129: {  	_ =	swait.ge [sflag:s4], $0x1000  }
0x12a: {  	s19 =	sld [smem:$0x7EF]  }
0x12b: {  	[sflag:s4] =	ssyncset.done $0x0  }
0x12c: {  	s17 =	rddreg [dreg:$0x1c];
	[sflag:s4] =	ssyncadd.s32 $0xFFFFF000  }
0x12d: {  	[tilespmem:s9], [sflag:$0x1] =	stream.indirect.gather [hbm4b:s19+s7], $0x1, s17, s7, $0xb8;
	[tilespmem:$0x4000] =	vst v63  }
0x12e: {  	s18 =	rddreg [dreg:$0x1d]  }
0x12f: {  	[hbm4b:s18+s10] =	stream.linear.scatter [tilespmem:s8], [sflag:$0x2], $0x1000, $0x38;
	[tilespmem:$0x4000] =	vst v63  }
0x130: {  	_ =	swait.ge [sflag:s3], $0x1000  }
0x131: {  	[sflag:s3] =	ssyncset.done $0x0  }
0x132: {  	[sflag:s3] =	ssyncadd.s32 $0xFFFFF000  }
0x133: {  	_ =	swait.ge [sflag:s4], $0x1000  }
0x134: {  	s26 =	sld [smem:$0x7F1]  }
0x135: {  	[sflag:s4] =	ssyncset.done $0x0  }
0x136: {  	s20 =	rddreg [dreg:$0x1e];
	[sflag:s4] =	ssyncadd.s32 $0xFFFFF000  }
0x137: {  	[tilespmem:s8], [sflag:$0x1] =	stream.indirect.gather [hbm4b:s26+s7], $0x1, s20, s7, $0xb8;
	[tilespmem:$0x4000] =	vst v63  }
0x138: {  	s21 =	rddreg [dreg:$0x1f]  }
0x139: {  	[hbm4b:s21+s10] =	stream.linear.scatter [tilespmem:s9], [sflag:$0x2], $0x1000, $0x38;
	[tilespmem:$0x4000] =	vst v63  }
0x13a: {  	_ =	swait.ge [sflag:s3], $0x1000  }
0x13b: {  	[sflag:s3] =	ssyncset.done $0x0  }
0x13c: {  	[sflag:s3] =	ssyncadd.s32 $0xFFFFF000  }
0x13d: {  	_ =	swait.ge [sflag:s4], $0x1000  }
0x13e: {  	s6 =	sld [smem:$0x7B6]  }
0x13f: {  	s14 =	sld [smem:$0x7F3]  }
0x140: {  	[sflag:s4] =	ssyncset.done $0x0  }
0x141: {  	s13 =	sld [smem:$0x7B7];
	[sflag:s4] =	ssyncadd.s32 $0xFFFFF000  }
0x142: {  	[tilespmem:s9], [sflag:$0x1] =	stream.indirect.gather [hbm4b:s14+s7], $0x1, s6, s7, $0xb8;
	[tilespmem:$0x4000] =	vst v63  }
0x143: {  	_ = 	snop  }
0x144: {  	[hbm4b:s13+s10] =	stream.linear.scatter [tilespmem:s8], [sflag:$0x2], $0x1000, $0x38;
	[tilespmem:$0x4000] =	vst v63  }
0x145: {  	_ =	swait.ge [sflag:s3], $0x1000  }
0x146: {  	[sflag:s3] =	ssyncset.done $0x0  }
0x147: {  	[sflag:s3] =	ssyncadd.s32 $0xFFFFF000  }
0x148: {  	_ =	swait.ge [sflag:s4], $0x1000  }
0x149: {  	s15 =	sld [smem:$0x7B8]  }
0x14a: {  	[sflag:s4] =	ssyncset.done $0x0  }
0x14b: {  	s16 =	sld [smem:$0x7B9];
	[sflag:s4] =	ssyncadd.s32 $0xFFFFF000  }
0x14c: {  	[tilespmem:s8], [sflag:$0x1] =	stream.indirect.gather [hbm4b:s31+s7], $0x1, s15, s7, $0xb8;
	[tilespmem:$0x4000] =	vst v63  }
0x14d: {  	_ = 	snop  }
0x14e: {  	[hbm4b:s16+s10] =	stream.linear.scatter [tilespmem:s9], [sflag:$0x2], $0x1000, $0x38;
	[tilespmem:$0x4000] =	vst v63  }
0x14f: {  	_ =	swait.ge [sflag:s3], $0x1000  }
0x150: {  	[sflag:s3] =	ssyncset.done $0x0  }
0x151: {  	[sflag:s3] =	ssyncadd.s32 $0xFFFFF000  }
0x152: {  	_ =	swait.ge [sflag:s4], $0x1000  }
0x153: {  	s17 =	sld [smem:$0x7BA]  }
0x154: {  	[sflag:s4] =	ssyncset.done $0x0  }
0x155: {  	s18 =	sld [smem:$0x7BB];
	[sflag:s4] =	ssyncadd.s32 $0xFFFFF000  }
0x156: {  	[tilespmem:s9], [sflag:$0x1] =	stream.indirect.gather [hbm4b:s25+s7], $0x1, s17, s7, $0xb8;
	[tilespmem:$0x4000] =	vst v63  }
0x157: {  	_ = 	snop  }
0x158: {  	[hbm4b:s18+s10] =	stream.linear.scatter [tilespmem:s8], [sflag:$0x2], $0x1000, $0x38;
	[tilespmem:$0x4000] =	vst v63  }
0x159: {  	_ =	swait.ge [sflag:s3], $0x1000  }
0x15a: {  	[sflag:s3] =	ssyncset.done $0x0  }
0x15b: {  	[sflag:s3] =	ssyncadd.s32 $0xFFFFF000  }
0x15c: {  	_ =	swait.ge [sflag:s4], $0x1000  }
0x15d: {  	s19 =	sld [smem:$0x7BC]  }
0x15e: {  	[sflag:s4] =	ssyncset.done $0x0  }
0x15f: {  	s20 =	sld [smem:$0x7BD];
	[sflag:s4] =	ssyncadd.s32 $0xFFFFF000  }
0x160: {  	[tilespmem:s8], [sflag:$0x1] =	stream.indirect.gather [hbm4b:s29+s7], $0x1, s19, s7, $0xb8;
	[tilespmem:$0x4000] =	vst v63  }
0x161: {  	_ = 	snop  }
0x162: {  	[hbm4b:s20+s10] =	stream.linear.scatter [tilespmem:s9], [sflag:$0x2], $0x1000, $0x38;
	[tilespmem:$0x4000] =	vst v63  }
0x163: {  	_ =	swait.ge [sflag:s3], $0x1000  }
0x164: {  	[sflag:s3] =	ssyncset.done $0x0  }
0x165: {  	[sflag:s3] =	ssyncadd.s32 $0xFFFFF000  }
0x166: {  	_ =	swait.ge [sflag:s4], $0x1000  }
0x167: {  	s21 =	sld [smem:$0x7BE]  }
0x168: {  	[sflag:s4] =	ssyncset.done $0x0  }
0x169: {  	s26 =	sld [smem:$0x7BF];
	[sflag:s4] =	ssyncadd.s32 $0xFFFFF000  }
0x16a: {  	[tilespmem:s9], [sflag:$0x1] =	stream.indirect.gather [hbm4b:s24+s7], $0x1, s21, s7, $0xb8;
	[tilespmem:$0x4000] =	vst v63  }
0x16b: {  	_ = 	snop  }
0x16c: {  	[hbm4b:s26+s10] =	stream.linear.scatter [tilespmem:s8], [sflag:$0x2], $0x1000, $0x38;
	[tilespmem:$0x4000] =	vst v63  }
0x16d: {  	_ =	swait.ge [sflag:s3], $0x1000  }
0x16e: {  	[sflag:s3] =	ssyncset.done $0x0  }
0x16f: {  	[sflag:s3] =	ssyncadd.s32 $0xFFFFF000  }
0x170: {  	_ =	swait.ge [sflag:s4], $0x1000  }
0x171: {  	s1 =	sld [smem:$0x7C0]  }
0x172: {  	[sflag:s4] =	ssyncset.done $0x0  }
0x173: {  	s5 =	sld [smem:$0x7C1];
	[sflag:s4] =	ssyncadd.s32 $0xFFFFF000  }
0x174: {  	[tilespmem:s8], [sflag:$0x1] =	stream.indirect.gather [hbm4b:s2+s7], $0x1, s1, s7, $0xb8;
	[tilespmem:$0x4000] =	vst v63  }
0x175: {  	_ = 	snop  }
0x176: {  	[hbm4b:s5+s10] =	stream.linear.scatter [tilespmem:s9], [sflag:$0x2], $0x1000, $0x38;
	[tilespmem:$0x4000] =	vst v63  }
0x177: {  	_ =	swait.ge [sflag:s3], $0x1000  }
0x178: {  	[sflag:s3] =	ssyncset.done $0x0  }
0x179: {  	[sflag:s3] =	ssyncadd.s32 $0xFFFFF000  }
0x17a: {  	_ =	swait.ge [sflag:s4], $0x1000  }
0x17b: {  	s6 =	sld [smem:$0x7C2]  }
0x17c: {  	[sflag:s4] =	ssyncset.done $0x0  }
0x17d: {  	s13 =	sld [smem:$0x7C3];
	[sflag:s4] =	ssyncadd.s32 $0xFFFFF000  }
0x17e: {  	[tilespmem:s9], [sflag:$0x1] =	stream.indirect.gather [hbm4b:s23+s7], $0x1, s6, s7, $0xb8;
	[tilespmem:$0x4000] =	vst v63  }
0x17f: {  	_ = 	snop  }
0x180: {  	[hbm4b:s13+s10] =	stream.linear.scatter [tilespmem:s8], [sflag:$0x2], $0x1000, $0x38;
	[tilespmem:$0x4000] =	vst v63  }
0x181: {  	_ =	swait.ge [sflag:s3], $0x1000  }
0x182: {  	[sflag:s3] =	ssyncset.done $0x0  }
0x183: {  	[sflag:s3] =	ssyncadd.s32 $0xFFFFF000  }
0x184: {  	_ =	swait.ge [sflag:s4], $0x1000  }
0x185: {  	s14 =	sld [smem:$0x7C4]  }
0x186: {  	[sflag:s4] =	ssyncset.done $0x0  }
0x187: {  	s15 =	sld [smem:$0x7C5];
	[sflag:s4] =	ssyncadd.s32 $0xFFFFF000  }
0x188: {  	[tilespmem:s8], [sflag:$0x1] =	stream.indirect.gather [hbm4b:s28+s7], $0x1, s14, s7, $0xb8;
	[tilespmem:$0x4000] =	vst v63  }
0x189: {  	_ = 	snop  }
0x18a: {  	[hbm4b:s15+s10] =	stream.linear.scatter [tilespmem:s9], [sflag:$0x2], $0x1000, $0x38;
	[tilespmem:$0x4000] =	vst v63  }
0x18b: {  	_ =	swait.ge [sflag:s3], $0x1000  }
0x18c: {  	[sflag:s3] =	ssyncset.done $0x0  }
0x18d: {  	[sflag:s3] =	ssyncadd.s32 $0xFFFFF000  }
0x18e: {  	_ =	swait.ge [sflag:s4], $0x1000  }
0x18f: {  	s16 =	sld [smem:$0x7C6]  }
0x190: {  	[sflag:s4] =	ssyncset.done $0x0  }
0x191: {  	s17 =	sld [smem:$0x7C7];
	[sflag:s4] =	ssyncadd.s32 $0xFFFFF000  }
0x192: {  	[tilespmem:s9], [sflag:$0x1] =	stream.indirect.gather [hbm4b:s22+s7], $0x1, s16, s7, $0xb8;
	[tilespmem:$0x4000] =	vst v63  }
0x193: {  	_ = 	snop  }
0x194: {  	[hbm4b:s17+s10] =	stream.linear.scatter [tilespmem:s8], [sflag:$0x2], $0x1000, $0x38;
	[tilespmem:$0x4000] =	vst v63  }
0x195: {  	_ =	swait.ge [sflag:s3], $0x1000  }
0x196: {  	[sflag:s3] =	ssyncset.done $0x0  }
0x197: {  	[sflag:s3] =	ssyncadd.s32 $0xFFFFF000  }
0x198: {  	_ =	swait.ge [sflag:s4], $0x1000  }
0x199: {  	s18 =	sld [smem:$0x7C9]  }
0x19a: {  	[sflag:s4] =	ssyncset.done $0x0  }
0x19b: {  	s19 =	sld [smem:$0x7CA];
	[sflag:s4] =	ssyncadd.s32 $0xFFFFF000  }
0x19c: {  	[tilespmem:s8], [sflag:$0x1] =	stream.indirect.gather [hbm4b:s30+s7], $0x1, s18, s7, $0xb8;
	[tilespmem:$0x4000] =	vst v63  }
0x19d: {  	_ = 	snop  }
0x19e: {  	[hbm4b:s19+s10] =	stream.linear.scatter [tilespmem:s9], [sflag:$0x2], $0x1000, $0x38;
	[tilespmem:$0x4000] =	vst v63  }
0x19f: {  	_ =	swait.ge [sflag:s3], $0x1000  }
0x1a0: {  	[sflag:s3] =	ssyncset.done $0x0  }
0x1a1: {  	[sflag:s3] =	ssyncadd.s32 $0xFFFFF000  }
0x1a2: {  	_ =	swait.ge [sflag:s4], $0x1000  }
0x1a3: {  	s20 =	sld [smem:$0x7CB]  }
0x1a4: {  	[sflag:s4] =	ssyncset.done $0x0  }
0x1a5: {  	s21 =	sld [smem:$0x7CD];
	[sflag:s4] =	ssyncadd.s32 $0xFFFFF000  }
0x1a6: {  	[tilespmem:s9], [sflag:$0x1] =	stream.indirect.gather [hbm4b:s11+s7], $0x1, s20, s7, $0xb8;
	[tilespmem:$0x4000] =	vst v63  }
0x1a7: {  	_ = 	snop  }
0x1a8: {  	[hbm4b:s21+s10] =	stream.linear.scatter [tilespmem:s8], [sflag:$0x2], $0x1000, $0x38;
	[tilespmem:$0x4000] =	vst v63  }
0x1a9: {  	_ =	swait.ge [sflag:s3], $0x1000  }
0x1aa: {  	[sflag:s3] =	ssyncset.done $0x0  }
0x1ab: {  	[sflag:s3] =	ssyncadd.s32 $0xFFFFF000  }
0x1ac: {  	_ =	swait.ge [sflag:s4], $0x1000  }
0x1ad: {  	p1 =	sne.s32 s12, $0x1;
	s26 =	sld [smem:$0x7CF]  }
.Ltmp1:
0x1ae: {  	[sflag:s4] =	ssyncset.done $0x0;
	(pc) =	sbr.rel @!p1 .LBB2_4-.Ltmp1, $4  }
0x1af: {  	[sflag:s4] =	ssyncadd.s32 $0xFFFFF000  }
0x1b0: {  	[hbm4b:s26+s10] =	stream.linear.scatter [tilespmem:s9], [sflag:$0x2], $0x1000, $0x38;
	[tilespmem:$0x4000] =	vst v63  }
0x1b1: {  	_ =	swait.ge [sflag:s3], $0x1000  }
0x1b2: {  	p0 =	por $0x1, $0x1;
	s1 =	sadd.s32 $0xFFFFFFFF, s12;
	[smem:$0x7B5] =	sst s11  }
.LBB2_2:
0x1b3: {  	[sflag:s3] =	ssyncset.done $0x0  }
0x1b4: {  	s0 =	rddreg [dreg:$0x3];
	[sflag:s3] =	ssyncadd.s32 $0xFFFFF000  }
0x1b5: {  	[tilespmem:s10], [sflag:$0x2] =	stream.linear.gather [hbm4b:s0+s10], $0x1000, $0x38;
	[tilespmem:$0x4000] =	vst v63  }
0x1b6: {  	_ =	swait.ge [sflag:s3], $0x1000  }
0x1b7: {  	[sflag:s3] =	ssyncset.done $0x0  }
0x1b8: {  	s12 =	rddreg [dreg:$0x4];
	[sflag:s3] =	ssyncadd.s32 $0xFFFFF000  }
0x1b9: {  	[tilespmem:s7], [sflag:$0x2] =	stream.linear.gather [hbm4b:s12+s10], $0x1000, $0x38;
	[tilespmem:$0x4000] =	vst v63  }
0x1ba: {  	_ =	swait.ge [sflag:s3], $0x1000  }
0x1bb: {  	s13 =	sld [smem:$0x7D3]  }
0x1bc: {  	[sflag:s3] =	ssyncset.done $0x0  }
0x1bd: {  	[sflag:s3] =	ssyncadd.s32 $0xFFFFF000  }
0x1be: {  	[tilespmem:s8], [sflag:$0x1] =	stream.indirect.gather [hbm4b:s13+s7], $0x1, s10, s7, $0xb8;
	[tilespmem:$0x4000] =	vst v63  }
0x1bf: {  	_ =	swait.ge [sflag:s4], $0x1000  }
0x1c0: {  	s14 =	sld [smem:$0x7D6]  }
0x1c1: {  	[sflag:s4] =	ssyncset.done $0x0  }
0x1c2: {  	[sflag:s4] =	ssyncadd.s32 $0xFFFFF000  }
0x1c3: {  	[tilespmem:s9], [sflag:$0x1] =	stream.indirect.gather [hbm4b:s14+s7], $0x1, s10, s7, $0xb8;
	[tilespmem:$0x4000] =	vst v63  }
0x1c4: {  	s6 =	rddreg [dreg:$0x5]  }
0x1c5: {  	[hbm4b:s6+s10] =	stream.linear.scatter [tilespmem:s8], [sflag:$0x2], $0x1000, $0x38;
	[tilespmem:$0x4000] =	vst v63  }
0x1c6: {  	_ =	swait.ge [sflag:s3], $0x1000  }
0x1c7: {  	[sflag:s3] =	ssyncset.done $0x0  }
0x1c8: {  	[sflag:s3] =	ssyncadd.s32 $0xFFFFF000  }
0x1c9: {  	_ =	swait.ge [sflag:s4], $0x1000  }
0x1ca: {  	s15 =	rddreg [dreg:$0x6]  }
0x1cb: {  	s17 =	sld [smem:$0x7D9]  }
0x1cc: {  	s18 =	smov.u32 s25;
	s25 =	rddreg [dreg:$0x7]  }
0x1cd: {  	s12 =	smov.u32 s22;
	s22 =	sld [smem:$0x7EF]  }
0x1ce: {  	s19 =	simm.s32 $0x1000;
	s14 =	smov.u32 s23;
	s23 =	sld [smem:$0x7ED]  }
0x1cf: {  	s20 =	simm.s32 $0x2000;
	s16 =	smov.u32 s24;
	s24 =	sld [smem:$0x7EB]  }
0x1d0: {  	s13 =	smov.u32 s28;
	[sflag:s4] =	ssyncset.done $0x0;
	s28 =	sld [smem:$0x7E5]  }
0x1d1: {  	s11 =	smov.u32 s30;
	s30 =	sld [smem:$0x7E1];
	[sflag:s4] =	ssyncadd.s32 $0xFFFFF000  }
0x1d2: {  	[tilespmem:s20], [sflag:$0x1] =	stream.indirect.gather [hbm4b:s17+s19], $0x1, s15, s19, $0xb8;
	[tilespmem:$0x4000] =	vst v63  }
0x1d3: {  	s20 =	sld [smem:$0x7F3]  }
0x1d4: {  	s17 =	smov.u32 s29;
	s29 =	sld [smem:$0x7E3]  }
0x1d5: {  	s21 =	simm.s32 $0x3000;
	s19 =	smov.u32 s31;
	s31 =	sld [smem:$0x7DF]  }
0x1d6: {  	s26 =	simm.s32 $0x0;
	s15 =	smov.u32 s2;
	s2 =	sld [smem:$0x7DD]  }
0x1d7: {  	[hbm4b:s25+s26] =	stream.linear.scatter [tilespmem:s21], [sflag:$0x2], $0x1000, $0x38;
	[tilespmem:$0x4000] =	vst v63  }
0x1d8: {  	s21 =	sld [smem:$0x7F1]  }
0x1d9: {  	s25 =	sld [smem:$0x7E9]  }
0x1da: {  	s26 =	sld [smem:$0x7E7];
	_ =	swait.ge [sflag:s3], $0x1000  }
0x1db: {  	[sflag:s3] =	ssyncset.done $0x0  }
0x1dc: {  	[sflag:s3] =	ssyncadd.s32 $0xFFFFF000  }
0x1dd: {  	_ =	swait.ge [sflag:s4], $0x1000  }
0x1de: {  	p1 =	sne.s32 s1, $0x1;
	s5 =	sadd.s32 $0xFFFFFFFF, s1;
	s1 =	sld [smem:$0x7DB]  }
0x1df: {  	s7 =	simm.s32 $0x1000;
	[sflag:s4] =	ssyncset.done $0x0  }
0x1e0: {  	s9 =	simm.s32 $0x3000;
	s0 =	rddreg [dreg:$0x8];
	[sflag:s4] =	ssyncadd.s32 $0xFFFFF000  }
0x1e1: {  	[tilespmem:s9], [sflag:$0x1] =	stream.indirect.gather [hbm4b:s1+s7], $0x1, s0, s7, $0xb8;
	[tilespmem:$0x4000] =	vst v63  }
0x1e2: {  	s8 =	simm.s32 $0x2000;
	s10 =	simm.s32 $0x0;
	s6 =	rddreg [dreg:$0x9]  }
0x1e3: {  	[hbm4b:s6+s10] =	stream.linear.scatter [tilespmem:s8], [sflag:$0x2], $0x1000, $0x38;
	[tilespmem:$0x4000] =	vst v63  }
0x1e4: {  	_ =	swait.ge [sflag:s3], $0x1000  }
0x1e5: {  	[sflag:s3] =	ssyncset.done $0x0  }
0x1e6: {  	[sflag:s3] =	ssyncadd.s32 $0xFFFFF000  }
0x1e7: {  	_ =	swait.ge [sflag:s4], $0x1000  }
0x1e8: {  	[sflag:s4] =	ssyncset.done $0x0  }
0x1e9: {  	s6 =	rddreg [dreg:$0xa];
	[sflag:s4] =	ssyncadd.s32 $0xFFFFF000  }
0x1ea: {  	[tilespmem:s8], [sflag:$0x1] =	stream.indirect.gather [hbm4b:s2+s7], $0x1, s6, s7, $0xb8;
	[tilespmem:$0x4000] =	vst v63  }
0x1eb: {  	s1 =	smov.u32 s5;
	s5 =	rddreg [dreg:$0xb]  }
0x1ec: {  	[hbm4b:s5+s10] =	stream.linear.scatter [tilespmem:s9], [sflag:$0x2], $0x1000, $0x38;
	[tilespmem:$0x4000] =	vst v63  }
0x1ed: {  	_ =	swait.ge [sflag:s3], $0x1000  }
0x1ee: {  	[sflag:s3] =	ssyncset.done $0x0  }
0x1ef: {  	[sflag:s3] =	ssyncadd.s32 $0xFFFFF000  }
0x1f0: {  	_ =	swait.ge [sflag:s4], $0x1000  }
0x1f1: {  	[sflag:s4] =	ssyncset.done $0x0  }
0x1f2: {  	s2 =	rddreg [dreg:$0xc];
	[sflag:s4] =	ssyncadd.s32 $0xFFFFF000  }
0x1f3: {  	[tilespmem:s9], [sflag:$0x1] =	stream.indirect.gather [hbm4b:s31+s7], $0x1, s2, s7, $0xb8;
	[tilespmem:$0x4000] =	vst v63  }
0x1f4: {  	s5 =	rddreg [dreg:$0xd]  }
0x1f5: {  	[hbm4b:s5+s10] =	stream.linear.scatter [tilespmem:s8], [sflag:$0x2], $0x1000, $0x38;
	[tilespmem:$0x4000] =	vst v63  }
0x1f6: {  	_ =	swait.ge [sflag:s3], $0x1000  }
0x1f7: {  	[sflag:s3] =	ssyncset.done $0x0  }
0x1f8: {  	[sflag:s3] =	ssyncadd.s32 $0xFFFFF000  }
0x1f9: {  	_ =	swait.ge [sflag:s4], $0x1000  }
0x1fa: {  	[sflag:s4] =	ssyncset.done $0x0  }
0x1fb: {  	s2 =	rddreg [dreg:$0xe];
	[sflag:s4] =	ssyncadd.s32 $0xFFFFF000  }
0x1fc: {  	[tilespmem:s8], [sflag:$0x1] =	stream.indirect.gather [hbm4b:s30+s7], $0x1, s2, s7, $0xb8;
	[tilespmem:$0x4000] =	vst v63  }
0x1fd: {  	s5 =	rddreg [dreg:$0xf]  }
0x1fe: {  	[hbm4b:s5+s10] =	stream.linear.scatter [tilespmem:s9], [sflag:$0x2], $0x1000, $0x38;
	[tilespmem:$0x4000] =	vst v63  }
0x1ff: {  	_ =	swait.ge [sflag:s3], $0x1000  }
0x200: {  	[sflag:s3] =	ssyncset.done $0x0  }
0x201: {  	[sflag:s3] =	ssyncadd.s32 $0xFFFFF000  }
0x202: {  	_ =	swait.ge [sflag:s4], $0x1000  }
0x203: {  	[sflag:s4] =	ssyncset.done $0x0  }
0x204: {  	s2 =	rddreg [dreg:$0x10];
	[sflag:s4] =	ssyncadd.s32 $0xFFFFF000  }
0x205: {  	[tilespmem:s9], [sflag:$0x1] =	stream.indirect.gather [hbm4b:s29+s7], $0x1, s2, s7, $0xb8;
	[tilespmem:$0x4000] =	vst v63  }
0x206: {  	s5 =	rddreg [dreg:$0x11]  }
0x207: {  	[hbm4b:s5+s10] =	stream.linear.scatter [tilespmem:s8], [sflag:$0x2], $0x1000, $0x38;
	[tilespmem:$0x4000] =	vst v63  }
0x208: {  	_ =	swait.ge [sflag:s3], $0x1000  }
0x209: {  	[sflag:s3] =	ssyncset.done $0x0  }
0x20a: {  	[sflag:s3] =	ssyncadd.s32 $0xFFFFF000  }
0x20b: {  	_ =	swait.ge [sflag:s4], $0x1000  }
0x20c: {  	[sflag:s4] =	ssyncset.done $0x0  }
0x20d: {  	s2 =	rddreg [dreg:$0x12];
	[sflag:s4] =	ssyncadd.s32 $0xFFFFF000  }
0x20e: {  	[tilespmem:s8], [sflag:$0x1] =	stream.indirect.gather [hbm4b:s28+s7], $0x1, s2, s7, $0xb8;
	[tilespmem:$0x4000] =	vst v63  }
0x20f: {  	s5 =	rddreg [dreg:$0x13]  }
0x210: {  	[hbm4b:s5+s10] =	stream.linear.scatter [tilespmem:s9], [sflag:$0x2], $0x1000, $0x38;
	[tilespmem:$0x4000] =	vst v63  }
0x211: {  	_ =	swait.ge [sflag:s3], $0x1000  }
0x212: {  	[sflag:s3] =	ssyncset.done $0x0  }
0x213: {  	[sflag:s3] =	ssyncadd.s32 $0xFFFFF000  }
0x214: {  	_ =	swait.ge [sflag:s4], $0x1000  }
0x215: {  	[sflag:s4] =	ssyncset.done $0x0  }
0x216: {  	s2 =	rddreg [dreg:$0x14];
	[sflag:s4] =	ssyncadd.s32 $0xFFFFF000  }
0x217: {  	[tilespmem:s9], [sflag:$0x1] =	stream.indirect.gather [hbm4b:s26+s7], $0x1, s2, s7, $0xb8;
	[tilespmem:$0x4000] =	vst v63  }
0x218: {  	s5 =	rddreg [dreg:$0x15]  }
0x219: {  	[hbm4b:s5+s10] =	stream.linear.scatter [tilespmem:s8], [sflag:$0x2], $0x1000, $0x38;
	[tilespmem:$0x4000] =	vst v63  }
0x21a: {  	_ =	swait.ge [sflag:s3], $0x1000  }
0x21b: {  	[sflag:s3] =	ssyncset.done $0x0  }
0x21c: {  	[sflag:s3] =	ssyncadd.s32 $0xFFFFF000  }
0x21d: {  	_ =	swait.ge [sflag:s4], $0x1000  }
0x21e: {  	[sflag:s4] =	ssyncset.done $0x0  }
0x21f: {  	s6 =	rddreg [dreg:$0x16];
	[sflag:s4] =	ssyncadd.s32 $0xFFFFF000  }
0x220: {  	[tilespmem:s8], [sflag:$0x1] =	stream.indirect.gather [hbm4b:s25+s7], $0x1, s6, s7, $0xb8;
	[tilespmem:$0x4000] =	vst v63  }
0x221: {  	s26 =	rddreg [dreg:$0x17]  }
0x222: {  	[hbm4b:s26+s10] =	stream.linear.scatter [tilespmem:s9], [sflag:$0x2], $0x1000, $0x38;
	[tilespmem:$0x4000] =	vst v63  }
0x223: {  	_ =	swait.ge [sflag:s3], $0x1000  }
0x224: {  	[sflag:s3] =	ssyncset.done $0x0  }
0x225: {  	[sflag:s3] =	ssyncadd.s32 $0xFFFFF000  }
0x226: {  	_ =	swait.ge [sflag:s4], $0x1000  }
0x227: {  	[sflag:s4] =	ssyncset.done $0x0  }
0x228: {  	s2 =	rddreg [dreg:$0x18];
	[sflag:s4] =	ssyncadd.s32 $0xFFFFF000  }
0x229: {  	[tilespmem:s9], [sflag:$0x1] =	stream.indirect.gather [hbm4b:s24+s7], $0x1, s2, s7, $0xb8;
	[tilespmem:$0x4000] =	vst v63  }
0x22a: {  	s5 =	rddreg [dreg:$0x19]  }
0x22b: {  	[hbm4b:s5+s10] =	stream.linear.scatter [tilespmem:s8], [sflag:$0x2], $0x1000, $0x38;
	[tilespmem:$0x4000] =	vst v63  }
0x22c: {  	_ =	swait.ge [sflag:s3], $0x1000  }
0x22d: {  	[sflag:s3] =	ssyncset.done $0x0  }
0x22e: {  	[sflag:s3] =	ssyncadd.s32 $0xFFFFF000  }
0x22f: {  	_ =	swait.ge [sflag:s4], $0x1000  }
0x230: {  	[sflag:s4] =	ssyncset.done $0x0  }
0x231: {  	s25 =	rddreg [dreg:$0x1a];
	[sflag:s4] =	ssyncadd.s32 $0xFFFFF000  }
0x232: {  	[tilespmem:s8], [sflag:$0x1] =	stream.indirect.gather [hbm4b:s23+s7], $0x1, s25, s7, $0xb8;
	[tilespmem:$0x4000] =	vst v63  }
0x233: {  	s26 =	rddreg [dreg:$0x1b]  }
0x234: {  	[hbm4b:s26+s10] =	stream.linear.scatter [tilespmem:s9], [sflag:$0x2], $0x1000, $0x38;
	[tilespmem:$0x4000] =	vst v63  }
0x235: {  	_ =	swait.ge [sflag:s3], $0x1000  }
0x236: {  	[sflag:s3] =	ssyncset.done $0x0  }
0x237: {  	[sflag:s3] =	ssyncadd.s32 $0xFFFFF000  }
0x238: {  	_ =	swait.ge [sflag:s4], $0x1000  }
0x239: {  	[sflag:s4] =	ssyncset.done $0x0  }
0x23a: {  	s2 =	rddreg [dreg:$0x1c];
	[sflag:s4] =	ssyncadd.s32 $0xFFFFF000  }
0x23b: {  	[tilespmem:s9], [sflag:$0x1] =	stream.indirect.gather [hbm4b:s22+s7], $0x1, s2, s7, $0xb8;
	[tilespmem:$0x4000] =	vst v63  }
0x23c: {  	s5 =	rddreg [dreg:$0x1d]  }
0x23d: {  	[hbm4b:s5+s10] =	stream.linear.scatter [tilespmem:s8], [sflag:$0x2], $0x1000, $0x38;
	[tilespmem:$0x4000] =	vst v63  }
0x23e: {  	_ =	swait.ge [sflag:s3], $0x1000  }
0x23f: {  	[sflag:s3] =	ssyncset.done $0x0  }
0x240: {  	[sflag:s3] =	ssyncadd.s32 $0xFFFFF000  }
0x241: {  	_ =	swait.ge [sflag:s4], $0x1000  }
0x242: {  	[sflag:s4] =	ssyncset.done $0x0  }
0x243: {  	s6 =	rddreg [dreg:$0x1e];
	[sflag:s4] =	ssyncadd.s32 $0xFFFFF000  }
0x244: {  	[tilespmem:s8], [sflag:$0x1] =	stream.indirect.gather [hbm4b:s21+s7], $0x1, s6, s7, $0xb8;
	[tilespmem:$0x4000] =	vst v63  }
0x245: {  	s22 =	rddreg [dreg:$0x1f]  }
0x246: {  	[hbm4b:s22+s10] =	stream.linear.scatter [tilespmem:s9], [sflag:$0x2], $0x1000, $0x38;
	[tilespmem:$0x4000] =	vst v63  }
0x247: {  	_ =	swait.ge [sflag:s3], $0x1000  }
0x248: {  	[sflag:s3] =	ssyncset.done $0x0  }
0x249: {  	[sflag:s3] =	ssyncadd.s32 $0xFFFFF000  }
0x24a: {  	_ =	swait.ge [sflag:s4], $0x1000  }
0x24b: {  	s23 =	sld [smem:$0x7B6]  }
0x24c: {  	[sflag:s4] =	ssyncset.done $0x0  }
0x24d: {  	s24 =	sld [smem:$0x7B7];
	[sflag:s4] =	ssyncadd.s32 $0xFFFFF000  }
0x24e: {  	[tilespmem:s9], [sflag:$0x1] =	stream.indirect.gather [hbm4b:s20+s7], $0x1, s23, s7, $0xb8;
	[tilespmem:$0x4000] =	vst v63  }
0x24f: {  	_ = 	snop  }
0x250: {  	[hbm4b:s24+s10] =	stream.linear.scatter [tilespmem:s8], [sflag:$0x2], $0x1000, $0x38;
	[tilespmem:$0x4000] =	vst v63  }
0x251: {  	_ =	swait.ge [sflag:s3], $0x1000  }
0x252: {  	[sflag:s3] =	ssyncset.done $0x0  }
0x253: {  	[sflag:s3] =	ssyncadd.s32 $0xFFFFF000  }
0x254: {  	_ =	swait.ge [sflag:s4], $0x1000  }
0x255: {  	s25 =	sld [smem:$0x7B8]  }
0x256: {  	[sflag:s4] =	ssyncset.done $0x0  }
0x257: {  	s26 =	sld [smem:$0x7B9];
	[sflag:s4] =	ssyncadd.s32 $0xFFFFF000  }
0x258: {  	[tilespmem:s8], [sflag:$0x1] =	stream.indirect.gather [hbm4b:s19+s7], $0x1, s25, s7, $0xb8;
	[tilespmem:$0x4000] =	vst v63  }
0x259: {  	_ = 	snop  }
0x25a: {  	[hbm4b:s26+s10] =	stream.linear.scatter [tilespmem:s9], [sflag:$0x2], $0x1000, $0x38;
	[tilespmem:$0x4000] =	vst v63  }
0x25b: {  	_ =	swait.ge [sflag:s3], $0x1000  }
0x25c: {  	[sflag:s3] =	ssyncset.done $0x0  }
0x25d: {  	[sflag:s3] =	ssyncadd.s32 $0xFFFFF000  }
0x25e: {  	_ =	swait.ge [sflag:s4], $0x1000  }
0x25f: {  	s2 =	sld [smem:$0x7BA]  }
0x260: {  	[sflag:s4] =	ssyncset.done $0x0  }
0x261: {  	s5 =	sld [smem:$0x7BB];
	[sflag:s4] =	ssyncadd.s32 $0xFFFFF000  }
0x262: {  	[tilespmem:s9], [sflag:$0x1] =	stream.indirect.gather [hbm4b:s18+s7], $0x1, s2, s7, $0xb8;
	[tilespmem:$0x4000] =	vst v63  }
0x263: {  	_ = 	snop  }
0x264: {  	[hbm4b:s5+s10] =	stream.linear.scatter [tilespmem:s8], [sflag:$0x2], $0x1000, $0x38;
	[tilespmem:$0x4000] =	vst v63  }
0x265: {  	_ =	swait.ge [sflag:s3], $0x1000  }
0x266: {  	[sflag:s3] =	ssyncset.done $0x0  }
0x267: {  	[sflag:s3] =	ssyncadd.s32 $0xFFFFF000  }
0x268: {  	_ =	swait.ge [sflag:s4], $0x1000  }
0x269: {  	s25 =	smov.u32 s18;
	s18 =	sld [smem:$0x7BC]  }
0x26a: {  	[sflag:s4] =	ssyncset.done $0x0  }
0x26b: {  	s31 =	smov.u32 s19;
	s19 =	sld [smem:$0x7BD];
	[sflag:s4] =	ssyncadd.s32 $0xFFFFF000  }
0x26c: {  	[tilespmem:s8], [sflag:$0x1] =	stream.indirect.gather [hbm4b:s17+s7], $0x1, s18, s7, $0xb8;
	[tilespmem:$0x4000] =	vst v63  }
0x26d: {  	_ = 	snop  }
0x26e: {  	[hbm4b:s19+s10] =	stream.linear.scatter [tilespmem:s9], [sflag:$0x2], $0x1000, $0x38;
	[tilespmem:$0x4000] =	vst v63  }
0x26f: {  	_ =	swait.ge [sflag:s3], $0x1000  }
0x270: {  	[sflag:s3] =	ssyncset.done $0x0  }
0x271: {  	[sflag:s3] =	ssyncadd.s32 $0xFFFFF000  }
0x272: {  	_ =	swait.ge [sflag:s4], $0x1000  }
0x273: {  	s20 =	sld [smem:$0x7BE]  }
0x274: {  	[sflag:s4] =	ssyncset.done $0x0  }
0x275: {  	s21 =	sld [smem:$0x7BF];
	[sflag:s4] =	ssyncadd.s32 $0xFFFFF000  }
0x276: {  	[tilespmem:s9], [sflag:$0x1] =	stream.indirect.gather [hbm4b:s16+s7], $0x1, s20, s7, $0xb8;
	[tilespmem:$0x4000] =	vst v63  }
0x277: {  	_ = 	snop  }
0x278: {  	[hbm4b:s21+s10] =	stream.linear.scatter [tilespmem:s8], [sflag:$0x2], $0x1000, $0x38;
	[tilespmem:$0x4000] =	vst v63  }
0x279: {  	_ =	swait.ge [sflag:s3], $0x1000  }
0x27a: {  	[sflag:s3] =	ssyncset.done $0x0  }
0x27b: {  	[sflag:s3] =	ssyncadd.s32 $0xFFFFF000  }
0x27c: {  	_ =	swait.ge [sflag:s4], $0x1000  }
0x27d: {  	s22 =	sld [smem:$0x7C0]  }
0x27e: {  	[sflag:s4] =	ssyncset.done $0x0  }
0x27f: {  	s23 =	sld [smem:$0x7C1];
	[sflag:s4] =	ssyncadd.s32 $0xFFFFF000  }
0x280: {  	[tilespmem:s8], [sflag:$0x1] =	stream.indirect.gather [hbm4b:s15+s7], $0x1, s22, s7, $0xb8;
	[tilespmem:$0x4000] =	vst v63  }
0x281: {  	_ = 	snop  }
0x282: {  	[hbm4b:s23+s10] =	stream.linear.scatter [tilespmem:s9], [sflag:$0x2], $0x1000, $0x38;
	[tilespmem:$0x4000] =	vst v63  }
0x283: {  	_ =	swait.ge [sflag:s3], $0x1000  }
0x284: {  	[sflag:s3] =	ssyncset.done $0x0  }
0x285: {  	[sflag:s3] =	ssyncadd.s32 $0xFFFFF000  }
0x286: {  	_ =	swait.ge [sflag:s4], $0x1000  }
0x287: {  	s26 =	sld [smem:$0x7C2]  }
0x288: {  	[sflag:s4] =	ssyncset.done $0x0  }
0x289: {  	s5 =	sld [smem:$0x7C3];
	[sflag:s4] =	ssyncadd.s32 $0xFFFFF000  }
0x28a: {  	[tilespmem:s9], [sflag:$0x1] =	stream.indirect.gather [hbm4b:s14+s7], $0x1, s26, s7, $0xb8;
	[tilespmem:$0x4000] =	vst v63  }
0x28b: {  	_ = 	snop  }
0x28c: {  	[hbm4b:s5+s10] =	stream.linear.scatter [tilespmem:s8], [sflag:$0x2], $0x1000, $0x38;
	[tilespmem:$0x4000] =	vst v63  }
0x28d: {  	_ =	swait.ge [sflag:s3], $0x1000  }
0x28e: {  	[sflag:s3] =	ssyncset.done $0x0  }
0x28f: {  	[sflag:s3] =	ssyncadd.s32 $0xFFFFF000  }
0x290: {  	_ =	swait.ge [sflag:s4], $0x1000  }
0x291: {  	s23 =	smov.u32 s14;
	s14 =	sld [smem:$0x7C4]  }
0x292: {  	[sflag:s4] =	ssyncset.done $0x0  }
0x293: {  	s2 =	smov.u32 s15;
	s15 =	sld [smem:$0x7C5];
	[sflag:s4] =	ssyncadd.s32 $0xFFFFF000  }
0x294: {  	[tilespmem:s8], [sflag:$0x1] =	stream.indirect.gather [hbm4b:s13+s7], $0x1, s14, s7, $0xb8;
	[tilespmem:$0x4000] =	vst v63  }
0x295: {  	_ = 	snop  }
0x296: {  	[hbm4b:s15+s10] =	stream.linear.scatter [tilespmem:s9], [sflag:$0x2], $0x1000, $0x38;
	[tilespmem:$0x4000] =	vst v63  }
0x297: {  	_ =	swait.ge [sflag:s3], $0x1000  }
0x298: {  	[sflag:s3] =	ssyncset.done $0x0  }
0x299: {  	[sflag:s3] =	ssyncadd.s32 $0xFFFFF000  }
0x29a: {  	_ =	swait.ge [sflag:s4], $0x1000  }
0x29b: {  	s24 =	smov.u32 s16;
	s16 =	sld [smem:$0x7C6]  }
0x29c: {  	[sflag:s4] =	ssyncset.done $0x0  }
0x29d: {  	s29 =	smov.u32 s17;
	s17 =	sld [smem:$0x7C7];
	[sflag:s4] =	ssyncadd.s32 $0xFFFFF000  }
0x29e: {  	[tilespmem:s9], [sflag:$0x1] =	stream.indirect.gather [hbm4b:s12+s7], $0x1, s16, s7, $0xb8;
	[tilespmem:$0x4000] =	vst v63  }
0x29f: {  	_ = 	snop  }
0x2a0: {  	[hbm4b:s17+s10] =	stream.linear.scatter [tilespmem:s8], [sflag:$0x2], $0x1000, $0x38;
	[tilespmem:$0x4000] =	vst v63  }
0x2a1: {  	_ =	swait.ge [sflag:s3], $0x1000  }
0x2a2: {  	[sflag:s3] =	ssyncset.done $0x0  }
0x2a3: {  	[sflag:s3] =	ssyncadd.s32 $0xFFFFF000  }
0x2a4: {  	_ =	swait.ge [sflag:s4], $0x1000  }
0x2a5: {  	s18 =	sld [smem:$0x7C9]  }
0x2a6: {  	[sflag:s4] =	ssyncset.done $0x0  }
0x2a7: {  	s19 =	sld [smem:$0x7CA];
	[sflag:s4] =	ssyncadd.s32 $0xFFFFF000  }
0x2a8: {  	[tilespmem:s8], [sflag:$0x1] =	stream.indirect.gather [hbm4b:s11+s7], $0x1, s18, s7, $0xb8;
	[tilespmem:$0x4000] =	vst v63  }
0x2a9: {  	_ = 	snop  }
0x2aa: {  	[hbm4b:s19+s10] =	stream.linear.scatter [tilespmem:s9], [sflag:$0x2], $0x1000, $0x38;
	[tilespmem:$0x4000] =	vst v63  }
0x2ab: {  	_ =	swait.ge [sflag:s3], $0x1000  }
0x2ac: {  	[sflag:s3] =	ssyncset.done $0x0  }
0x2ad: {  	[sflag:s3] =	ssyncadd.s32 $0xFFFFF000  }
0x2ae: {  	_ =	swait.ge [sflag:s4], $0x1000  }
0x2af: {  	s20 =	sld [smem:$0x7CB]  }
0x2b0: {  	s5 =	sld [smem:$0x7B5]  }
0x2b1: {  	[sflag:s4] =	ssyncset.done $0x0  }
0x2b2: {  	s21 =	sld [smem:$0x7CD];
	[sflag:s4] =	ssyncadd.s32 $0xFFFFF000  }
0x2b3: {  	[tilespmem:s9], [sflag:$0x1] =	stream.indirect.gather [hbm4b:s5+s7], $0x1, s20, s7, $0xb8;
	[tilespmem:$0x4000] =	vst v63  }
0x2b4: {  	_ = 	snop  }
0x2b5: {  	[hbm4b:s21+s10] =	stream.linear.scatter [tilespmem:s8], [sflag:$0x2], $0x1000, $0x38;
	[tilespmem:$0x4000] =	vst v63  }
0x2b6: {  	_ =	swait.ge [sflag:s3], $0x1000  }
0x2b7: {  	[sflag:s3] =	ssyncset.done $0x0  }
0x2b8: {  	[sflag:s3] =	ssyncadd.s32 $0xFFFFF000  }
0x2b9: {  	_ =	swait.ge [sflag:s4], $0x1000  }
.Ltmp2:
0x2ba: {  	s26 =	sld [smem:$0x7CF];
	(pc) =	sbr.rel @p1 .LBB2_2-.Ltmp2, $4  }
0x2bb: {  	[sflag:s4] =	ssyncset.done $0x0  }
0x2bc: {  	s30 =	smov.u32 s11;
	[sflag:s4] =	ssyncadd.s32 $0xFFFFF000  }
0x2bd: {  	[hbm4b:s26+s10] =	stream.linear.scatter [tilespmem:s9], [sflag:$0x2], $0x1000, $0x38;
	[tilespmem:$0x4000] =	vst v63  }
0x2be: {  	s28 =	smov.u32 s13;
	s22 =	smov.u32 s12;
	_ =	swait.ge [sflag:s3], $0x1000  }
0x2bf: {  	s11 =	smov.u32 s5  }
.LBB2_4:
0x2c0: {  	[sflag:s3] =	ssyncset.done @p0 $0x0  }
0x2c1: {  	s0 =	rddreg [dreg:$0x3];
	[sflag:s3] =	ssyncadd.s32 @p0 $0xFFFFF000  }
0x2c2: {  	[tilespmem:s10], [sflag:$0x2] =	stream.linear.gather [hbm4b:s0+s10], $0x1000, $0x38;
	[tilespmem:$0x4000] =	vst v63  }
0x2c3: {  	_ =	swait.ge [sflag:s3], $0x1000  }
0x2c4: {  	[sflag:s3] =	ssyncset.done $0x0  }
0x2c5: {  	s15 =	rddreg [dreg:$0x4];
	[sflag:s3] =	ssyncadd.s32 $0xFFFFF000  }
0x2c6: {  	[tilespmem:s7], [sflag:$0x2] =	stream.linear.gather [hbm4b:s15+s10], $0x1000, $0x38;
	[tilespmem:$0x4000] =	vst v63  }
0x2c7: {  	_ =	swait.ge [sflag:s3], $0x1000  }
0x2c8: {  	s16 =	sld [smem:$0x7D3]  }
0x2c9: {  	[sflag:s3] =	ssyncset.done $0x0  }
0x2ca: {  	[sflag:s3] =	ssyncadd.s32 $0xFFFFF000  }
0x2cb: {  	[tilespmem:s8], [sflag:$0x1] =	stream.indirect.gather [hbm4b:s16+s7], $0x1, s10, s7, $0xb8;
	[tilespmem:$0x4000] =	vst v63  }
0x2cc: {  	_ =	swait.ge [sflag:s4], $0x1000  }
0x2cd: {  	s17 =	sld [smem:$0x7D6]  }
0x2ce: {  	[sflag:s4] =	ssyncset.done $0x0  }
0x2cf: {  	[sflag:s4] =	ssyncadd.s32 $0xFFFFF000  }
0x2d0: {  	[tilespmem:s9], [sflag:$0x1] =	stream.indirect.gather [hbm4b:s17+s7], $0x1, s10, s7, $0xb8;
	[tilespmem:$0x4000] =	vst v63  }
0x2d1: {  	s1 =	rddreg [dreg:$0x5]  }
0x2d2: {  	[hbm4b:s1+s10] =	stream.linear.scatter [tilespmem:s8], [sflag:$0x2], $0x1000, $0x38;
	[tilespmem:$0x4000] =	vst v63  }
0x2d3: {  	_ =	swait.ge [sflag:s3], $0x1000  }
0x2d4: {  	[sflag:s3] =	ssyncset.done $0x0  }
0x2d5: {  	[sflag:s3] =	ssyncadd.s32 $0xFFFFF000  }
0x2d6: {  	_ =	swait.ge [sflag:s4], $0x1000  }
0x2d7: {  	s19 =	sld [smem:$0x7D9]  }
0x2d8: {  	[sflag:s4] =	ssyncset.done $0x0  }
0x2d9: {  	s18 =	rddreg [dreg:$0x6];
	[sflag:s4] =	ssyncadd.s32 $0xFFFFF000  }
0x2da: {  	[tilespmem:s8], [sflag:$0x1] =	stream.indirect.gather [hbm4b:s19+s7], $0x1, s18, s7, $0xb8;
	[tilespmem:$0x4000] =	vst v63  }
0x2db: {  	s6 =	rddreg [dreg:$0x7]  }
0x2dc: {  	[hbm4b:s6+s10] =	stream.linear.scatter [tilespmem:s9], [sflag:$0x2], $0x1000, $0x38;
	[tilespmem:$0x4000] =	vst v63  }
0x2dd: {  	_ =	swait.ge [sflag:s3], $0x1000  }
0x2de: {  	[sflag:s3] =	ssyncset.done $0x0  }
0x2df: {  	[sflag:s3] =	ssyncadd.s32 $0xFFFFF000  }
0x2e0: {  	_ =	swait.ge [sflag:s4], $0x1000  }
0x2e1: {  	s26 =	sld [smem:$0x7DB]  }
0x2e2: {  	[sflag:s4] =	ssyncset.done $0x0  }
0x2e3: {  	s20 =	rddreg [dreg:$0x8];
	[sflag:s4] =	ssyncadd.s32 $0xFFFFF000  }
0x2e4: {  	[tilespmem:s9], [sflag:$0x1] =	stream.indirect.gather [hbm4b:s26+s7], $0x1, s20, s7, $0xb8;
	[tilespmem:$0x4000] =	vst v63  }
0x2e5: {  	s21 =	rddreg [dreg:$0x9]  }
0x2e6: {  	[hbm4b:s21+s10] =	stream.linear.scatter [tilespmem:s8], [sflag:$0x2], $0x1000, $0x38;
	[tilespmem:$0x4000] =	vst v63  }
0x2e7: {  	_ =	swait.ge [sflag:s3], $0x1000  }
0x2e8: {  	[sflag:s3] =	ssyncset.done $0x0  }
0x2e9: {  	[sflag:s3] =	ssyncadd.s32 $0xFFFFF000  }
0x2ea: {  	_ =	swait.ge [sflag:s4], $0x1000  }
0x2eb: {  	s5 =	sld [smem:$0x7DD]  }
0x2ec: {  	[sflag:s4] =	ssyncset.done $0x0  }
0x2ed: {  	s1 =	rddreg [dreg:$0xa];
	[sflag:s4] =	ssyncadd.s32 $0xFFFFF000  }
0x2ee: {  	[tilespmem:s8], [sflag:$0x1] =	stream.indirect.gather [hbm4b:s5+s7], $0x1, s1, s7, $0xb8;
	[tilespmem:$0x4000] =	vst v63  }
0x2ef: {  	s6 =	rddreg [dreg:$0xb]  }
0x2f0: {  	[hbm4b:s6+s10] =	stream.linear.scatter [tilespmem:s9], [sflag:$0x2], $0x1000, $0x38;
	[tilespmem:$0x4000] =	vst v63  }
0x2f1: {  	_ =	swait.ge [sflag:s3], $0x1000  }
0x2f2: {  	[sflag:s3] =	ssyncset.done $0x0  }
0x2f3: {  	[sflag:s3] =	ssyncadd.s32 $0xFFFFF000  }
0x2f4: {  	_ =	swait.ge [sflag:s4], $0x1000  }
0x2f5: {  	s14 =	sld [smem:$0x7DF]  }
0x2f6: {  	[sflag:s4] =	ssyncset.done $0x0  }
0x2f7: {  	s12 =	rddreg [dreg:$0xc];
	[sflag:s4] =	ssyncadd.s32 $0xFFFFF000  }
0x2f8: {  	[tilespmem:s9], [sflag:$0x1] =	stream.indirect.gather [hbm4b:s14+s7], $0x1, s12, s7, $0xb8;
	[tilespmem:$0x4000] =	vst v63  }
0x2f9: {  	s13 =	rddreg [dreg:$0xd]  }
0x2fa: {  	[hbm4b:s13+s10] =	stream.linear.scatter [tilespmem:s8], [sflag:$0x2], $0x1000, $0x38;
	[tilespmem:$0x4000] =	vst v63  }
0x2fb: {  	_ =	swait.ge [sflag:s3], $0x1000  }
0x2fc: {  	[sflag:s3] =	ssyncset.done $0x0  }
0x2fd: {  	[sflag:s3] =	ssyncadd.s32 $0xFFFFF000  }
0x2fe: {  	_ =	swait.ge [sflag:s4], $0x1000  }
0x2ff: {  	s17 =	sld [smem:$0x7E1]  }
0x300: {  	[sflag:s4] =	ssyncset.done $0x0  }
0x301: {  	s15 =	rddreg [dreg:$0xe];
	[sflag:s4] =	ssyncadd.s32 $0xFFFFF000  }
0x302: {  	[tilespmem:s8], [sflag:$0x1] =	stream.indirect.gather [hbm4b:s17+s7], $0x1, s15, s7, $0xb8;
	[tilespmem:$0x4000] =	vst v63  }
0x303: {  	s16 =	rddreg [dreg:$0xf]  }
0x304: {  	[hbm4b:s16+s10] =	stream.linear.scatter [tilespmem:s9], [sflag:$0x2], $0x1000, $0x38;
	[tilespmem:$0x4000] =	vst v63  }
0x305: {  	_ =	swait.ge [sflag:s3], $0x1000  }
0x306: {  	[sflag:s3] =	ssyncset.done $0x0  }
0x307: {  	[sflag:s3] =	ssyncadd.s32 $0xFFFFF000  }
0x308: {  	_ =	swait.ge [sflag:s4], $0x1000  }
0x309: {  	s20 =	sld [smem:$0x7E3]  }
0x30a: {  	[sflag:s4] =	ssyncset.done $0x0  }
0x30b: {  	s18 =	rddreg [dreg:$0x10];
	[sflag:s4] =	ssyncadd.s32 $0xFFFFF000  }
0x30c: {  	[tilespmem:s9], [sflag:$0x1] =	stream.indirect.gather [hbm4b:s20+s7], $0x1, s18, s7, $0xb8;
	[tilespmem:$0x4000] =	vst v63  }
0x30d: {  	s19 =	rddreg [dreg:$0x11]  }
0x30e: {  	[hbm4b:s19+s10] =	stream.linear.scatter [tilespmem:s8], [sflag:$0x2], $0x1000, $0x38;
	[tilespmem:$0x4000] =	vst v63  }
0x30f: {  	_ =	swait.ge [sflag:s3], $0x1000  }
0x310: {  	[sflag:s3] =	ssyncset.done $0x0  }
0x311: {  	[sflag:s3] =	ssyncadd.s32 $0xFFFFF000  }
0x312: {  	_ =	swait.ge [sflag:s4], $0x1000  }
0x313: {  	s6 =	sld [smem:$0x7E5]  }
0x314: {  	[sflag:s4] =	ssyncset.done $0x0  }
0x315: {  	s21 =	rddreg [dreg:$0x12];
	[sflag:s4] =	ssyncadd.s32 $0xFFFFF000  }
0x316: {  	[tilespmem:s8], [sflag:$0x1] =	stream.indirect.gather [hbm4b:s6+s7], $0x1, s21, s7, $0xb8;
	[tilespmem:$0x4000] =	vst v63  }
0x317: {  	s26 =	rddreg [dreg:$0x13]  }
0x318: {  	[hbm4b:s26+s10] =	stream.linear.scatter [tilespmem:s9], [sflag:$0x2], $0x1000, $0x38;
	[tilespmem:$0x4000] =	vst v63  }
0x319: {  	_ =	swait.ge [sflag:s3], $0x1000  }
0x31a: {  	[sflag:s3] =	ssyncset.done $0x0  }
0x31b: {  	[sflag:s3] =	ssyncadd.s32 $0xFFFFF000  }
0x31c: {  	_ =	swait.ge [sflag:s4], $0x1000  }
0x31d: {  	s14 =	sld [smem:$0x7E7]  }
0x31e: {  	[sflag:s4] =	ssyncset.done $0x0  }
0x31f: {  	s12 =	rddreg [dreg:$0x14];
	[sflag:s4] =	ssyncadd.s32 $0xFFFFF000  }
0x320: {  	[tilespmem:s9], [sflag:$0x1] =	stream.indirect.gather [hbm4b:s14+s7], $0x1, s12, s7, $0xb8;
	[tilespmem:$0x4000] =	vst v63  }
0x321: {  	s13 =	rddreg [dreg:$0x15]  }
0x322: {  	[hbm4b:s13+s10] =	stream.linear.scatter [tilespmem:s8], [sflag:$0x2], $0x1000, $0x38;
	[tilespmem:$0x4000] =	vst v63  }
0x323: {  	_ =	swait.ge [sflag:s3], $0x1000  }
0x324: {  	[sflag:s3] =	ssyncset.done $0x0  }
0x325: {  	[sflag:s3] =	ssyncadd.s32 $0xFFFFF000  }
0x326: {  	_ =	swait.ge [sflag:s4], $0x1000  }
0x327: {  	s17 =	sld [smem:$0x7E9]  }
0x328: {  	[sflag:s4] =	ssyncset.done $0x0  }
0x329: {  	s15 =	rddreg [dreg:$0x16];
	[sflag:s4] =	ssyncadd.s32 $0xFFFFF000  }
0x32a: {  	[tilespmem:s8], [sflag:$0x1] =	stream.indirect.gather [hbm4b:s17+s7], $0x1, s15, s7, $0xb8;
	[tilespmem:$0x4000] =	vst v63  }
0x32b: {  	s16 =	rddreg [dreg:$0x17]  }
0x32c: {  	[hbm4b:s16+s10] =	stream.linear.scatter [tilespmem:s9], [sflag:$0x2], $0x1000, $0x38;
	[tilespmem:$0x4000] =	vst v63  }
0x32d: {  	_ =	swait.ge [sflag:s3], $0x1000  }
0x32e: {  	[sflag:s3] =	ssyncset.done $0x0  }
0x32f: {  	[sflag:s3] =	ssyncadd.s32 $0xFFFFF000  }
0x330: {  	_ =	swait.ge [sflag:s4], $0x1000  }
0x331: {  	s20 =	sld [smem:$0x7EB]  }
0x332: {  	[sflag:s4] =	ssyncset.done $0x0  }
0x333: {  	s18 =	rddreg [dreg:$0x18];
	[sflag:s4] =	ssyncadd.s32 $0xFFFFF000  }
0x334: {  	[tilespmem:s9], [sflag:$0x1] =	stream.indirect.gather [hbm4b:s20+s7], $0x1, s18, s7, $0xb8;
	[tilespmem:$0x4000] =	vst v63  }
0x335: {  	s19 =	rddreg [dreg:$0x19]  }
0x336: {  	[hbm4b:s19+s10] =	stream.linear.scatter [tilespmem:s8], [sflag:$0x2], $0x1000, $0x38;
	[tilespmem:$0x4000] =	vst v63  }
0x337: {  	_ =	swait.ge [sflag:s3], $0x1000  }
0x338: {  	[sflag:s3] =	ssyncset.done $0x0  }
0x339: {  	[sflag:s3] =	ssyncadd.s32 $0xFFFFF000  }
0x33a: {  	_ =	swait.ge [sflag:s4], $0x1000  }
0x33b: {  	s6 =	sld [smem:$0x7ED]  }
0x33c: {  	[sflag:s4] =	ssyncset.done $0x0  }
0x33d: {  	s21 =	rddreg [dreg:$0x1a];
	[sflag:s4] =	ssyncadd.s32 $0xFFFFF000  }
0x33e: {  	[tilespmem:s8], [sflag:$0x1] =	stream.indirect.gather [hbm4b:s6+s7], $0x1, s21, s7, $0xb8;
	[tilespmem:$0x4000] =	vst v63  }
0x33f: {  	s26 =	rddreg [dreg:$0x1b]  }
0x340: {  	[hbm4b:s26+s10] =	stream.linear.scatter [tilespmem:s9], [sflag:$0x2], $0x1000, $0x38;
	[tilespmem:$0x4000] =	vst v63  }
0x341: {  	_ =	swait.ge [sflag:s3], $0x1000  }
0x342: {  	[sflag:s3] =	ssyncset.done $0x0  }
0x343: {  	[sflag:s3] =	ssyncadd.s32 $0xFFFFF000  }
0x344: {  	_ =	swait.ge [sflag:s4], $0x1000  }
0x345: {  	s14 =	sld [smem:$0x7EF]  }
0x346: {  	[sflag:s4] =	ssyncset.done $0x0  }
0x347: {  	s12 =	rddreg [dreg:$0x1c];
	[sflag:s4] =	ssyncadd.s32 $0xFFFFF000  }
0x348: {  	[tilespmem:s9], [sflag:$0x1] =	stream.indirect.gather [hbm4b:s14+s7], $0x1, s12, s7, $0xb8;
	[tilespmem:$0x4000] =	vst v63  }
0x349: {  	s13 =	rddreg [dreg:$0x1d]  }
0x34a: {  	[hbm4b:s13+s10] =	stream.linear.scatter [tilespmem:s8], [sflag:$0x2], $0x1000, $0x38;
	[tilespmem:$0x4000] =	vst v63  }
0x34b: {  	_ =	swait.ge [sflag:s3], $0x1000  }
0x34c: {  	[sflag:s3] =	ssyncset.done $0x0  }
0x34d: {  	[sflag:s3] =	ssyncadd.s32 $0xFFFFF000  }
0x34e: {  	_ =	swait.ge [sflag:s4], $0x1000  }
0x34f: {  	s17 =	sld [smem:$0x7F1]  }
0x350: {  	[sflag:s4] =	ssyncset.done $0x0  }
0x351: {  	s15 =	rddreg [dreg:$0x1e];
	[sflag:s4] =	ssyncadd.s32 $0xFFFFF000  }
0x352: {  	[tilespmem:s8], [sflag:$0x1] =	stream.indirect.gather [hbm4b:s17+s7], $0x1, s15, s7, $0xb8;
	[tilespmem:$0x4000] =	vst v63  }
0x353: {  	s16 =	rddreg [dreg:$0x1f]  }
0x354: {  	[hbm4b:s16+s10] =	stream.linear.scatter [tilespmem:s9], [sflag:$0x2], $0x1000, $0x38;
	[tilespmem:$0x4000] =	vst v63  }
0x355: {  	_ =	swait.ge [sflag:s3], $0x1000  }
0x356: {  	[sflag:s3] =	ssyncset.done $0x0  }
0x357: {  	[sflag:s3] =	ssyncadd.s32 $0xFFFFF000  }
0x358: {  	_ =	swait.ge [sflag:s4], $0x1000  }
0x359: {  	s18 =	sld [smem:$0x7B6]  }
0x35a: {  	s20 =	sld [smem:$0x7F3]  }
0x35b: {  	[sflag:s4] =	ssyncset.done $0x0  }
0x35c: {  	s19 =	sld [smem:$0x7B7];
	[sflag:s4] =	ssyncadd.s32 $0xFFFFF000  }
0x35d: {  	[tilespmem:s9], [sflag:$0x1] =	stream.indirect.gather [hbm4b:s20+s7], $0x1, s18, s7, $0xb8;
	[tilespmem:$0x4000] =	vst v63  }
0x35e: {  	_ = 	snop  }
0x35f: {  	[hbm4b:s19+s10] =	stream.linear.scatter [tilespmem:s8], [sflag:$0x2], $0x1000, $0x38;
	[tilespmem:$0x4000] =	vst v63  }
0x360: {  	_ =	swait.ge [sflag:s3], $0x1000  }
0x361: {  	[sflag:s3] =	ssyncset.done $0x0  }
0x362: {  	[sflag:s3] =	ssyncadd.s32 $0xFFFFF000  }
0x363: {  	_ =	swait.ge [sflag:s4], $0x1000  }
0x364: {  	s21 =	sld [smem:$0x7B8]  }
0x365: {  	[sflag:s4] =	ssyncset.done $0x0  }
0x366: {  	s26 =	sld [smem:$0x7B9];
	[sflag:s4] =	ssyncadd.s32 $0xFFFFF000  }
0x367: {  	[tilespmem:s8], [sflag:$0x1] =	stream.indirect.gather [hbm4b:s31+s7], $0x1, s21, s7, $0xb8;
	[tilespmem:$0x4000] =	vst v63  }
0x368: {  	_ = 	snop  }
0x369: {  	[hbm4b:s26+s10] =	stream.linear.scatter [tilespmem:s9], [sflag:$0x2], $0x1000, $0x38;
	[tilespmem:$0x4000] =	vst v63  }
0x36a: {  	_ =	swait.ge [sflag:s3], $0x1000  }
0x36b: {  	[sflag:s3] =	ssyncset.done $0x0  }
0x36c: {  	[sflag:s3] =	ssyncadd.s32 $0xFFFFF000  }
0x36d: {  	_ =	swait.ge [sflag:s4], $0x1000  }
0x36e: {  	s5 =	sld [smem:$0x7BA]  }
0x36f: {  	[sflag:s4] =	ssyncset.done $0x0  }
0x370: {  	s6 =	sld [smem:$0x7BB];
	[sflag:s4] =	ssyncadd.s32 $0xFFFFF000  }
0x371: {  	[tilespmem:s9], [sflag:$0x1] =	stream.indirect.gather [hbm4b:s25+s7], $0x1, s5, s7, $0xb8;
	[tilespmem:$0x4000] =	vst v63  }
0x372: {  	_ = 	snop  }
0x373: {  	[hbm4b:s6+s10] =	stream.linear.scatter [tilespmem:s8], [sflag:$0x2], $0x1000, $0x38;
	[tilespmem:$0x4000] =	vst v63  }
0x374: {  	_ =	swait.ge [sflag:s3], $0x1000  }
0x375: {  	[sflag:s3] =	ssyncset.done $0x0  }
0x376: {  	[sflag:s3] =	ssyncadd.s32 $0xFFFFF000  }
0x377: {  	_ =	swait.ge [sflag:s4], $0x1000  }
0x378: {  	s12 =	sld [smem:$0x7BC]  }
0x379: {  	[sflag:s4] =	ssyncset.done $0x0  }
0x37a: {  	s13 =	sld [smem:$0x7BD];
	[sflag:s4] =	ssyncadd.s32 $0xFFFFF000  }
0x37b: {  	[tilespmem:s8], [sflag:$0x1] =	stream.indirect.gather [hbm4b:s29+s7], $0x1, s12, s7, $0xb8;
	[tilespmem:$0x4000] =	vst v63  }
0x37c: {  	_ = 	snop  }
0x37d: {  	[hbm4b:s13+s10] =	stream.linear.scatter [tilespmem:s9], [sflag:$0x2], $0x1000, $0x38;
	[tilespmem:$0x4000] =	vst v63  }
0x37e: {  	_ =	swait.ge [sflag:s3], $0x1000  }
0x37f: {  	[sflag:s3] =	ssyncset.done $0x0  }
0x380: {  	[sflag:s3] =	ssyncadd.s32 $0xFFFFF000  }
0x381: {  	_ =	swait.ge [sflag:s4], $0x1000  }
0x382: {  	s14 =	sld [smem:$0x7BE]  }
0x383: {  	[sflag:s4] =	ssyncset.done $0x0  }
0x384: {  	s15 =	sld [smem:$0x7BF];
	[sflag:s4] =	ssyncadd.s32 $0xFFFFF000  }
0x385: {  	[tilespmem:s9], [sflag:$0x1] =	stream.indirect.gather [hbm4b:s24+s7], $0x1, s14, s7, $0xb8;
	[tilespmem:$0x4000] =	vst v63  }
0x386: {  	_ = 	snop  }
0x387: {  	[hbm4b:s15+s10] =	stream.linear.scatter [tilespmem:s8], [sflag:$0x2], $0x1000, $0x38;
	[tilespmem:$0x4000] =	vst v63  }
0x388: {  	_ =	swait.ge [sflag:s3], $0x1000  }
0x389: {  	[sflag:s3] =	ssyncset.done $0x0  }
0x38a: {  	[sflag:s3] =	ssyncadd.s32 $0xFFFFF000  }
0x38b: {  	_ =	swait.ge [sflag:s4], $0x1000  }
0x38c: {  	s16 =	sld [smem:$0x7C0]  }
0x38d: {  	[sflag:s4] =	ssyncset.done $0x0  }
0x38e: {  	s17 =	sld [smem:$0x7C1];
	[sflag:s4] =	ssyncadd.s32 $0xFFFFF000  }
0x38f: {  	[tilespmem:s8], [sflag:$0x1] =	stream.indirect.gather [hbm4b:s2+s7], $0x1, s16, s7, $0xb8;
	[tilespmem:$0x4000] =	vst v63  }
0x390: {  	_ = 	snop  }
0x391: {  	[hbm4b:s17+s10] =	stream.linear.scatter [tilespmem:s9], [sflag:$0x2], $0x1000, $0x38;
	[tilespmem:$0x4000] =	vst v63  }
0x392: {  	_ =	swait.ge [sflag:s3], $0x1000  }
0x393: {  	[sflag:s3] =	ssyncset.done $0x0  }
0x394: {  	[sflag:s3] =	ssyncadd.s32 $0xFFFFF000  }
0x395: {  	_ =	swait.ge [sflag:s4], $0x1000  }
0x396: {  	s18 =	sld [smem:$0x7C2]  }
0x397: {  	[sflag:s4] =	ssyncset.done $0x0  }
0x398: {  	s19 =	sld [smem:$0x7C3];
	[sflag:s4] =	ssyncadd.s32 $0xFFFFF000  }
0x399: {  	[tilespmem:s9], [sflag:$0x1] =	stream.indirect.gather [hbm4b:s23+s7], $0x1, s18, s7, $0xb8;
	[tilespmem:$0x4000] =	vst v63  }
0x39a: {  	_ = 	snop  }
0x39b: {  	[hbm4b:s19+s10] =	stream.linear.scatter [tilespmem:s8], [sflag:$0x2], $0x1000, $0x38;
	[tilespmem:$0x4000] =	vst v63  }
0x39c: {  	_ =	swait.ge [sflag:s3], $0x1000  }
0x39d: {  	[sflag:s3] =	ssyncset.done $0x0  }
0x39e: {  	[sflag:s3] =	ssyncadd.s32 $0xFFFFF000  }
0x39f: {  	_ =	swait.ge [sflag:s4], $0x1000  }
0x3a0: {  	s20 =	sld [smem:$0x7C4]  }
0x3a1: {  	[sflag:s4] =	ssyncset.done $0x0  }
0x3a2: {  	s21 =	sld [smem:$0x7C5];
	[sflag:s4] =	ssyncadd.s32 $0xFFFFF000  }
0x3a3: {  	[tilespmem:s8], [sflag:$0x1] =	stream.indirect.gather [hbm4b:s28+s7], $0x1, s20, s7, $0xb8;
	[tilespmem:$0x4000] =	vst v63  }
0x3a4: {  	_ = 	snop  }
0x3a5: {  	[hbm4b:s21+s10] =	stream.linear.scatter [tilespmem:s9], [sflag:$0x2], $0x1000, $0x38;
	[tilespmem:$0x4000] =	vst v63  }
0x3a6: {  	_ =	swait.ge [sflag:s3], $0x1000  }
0x3a7: {  	[sflag:s3] =	ssyncset.done $0x0  }
0x3a8: {  	[sflag:s3] =	ssyncadd.s32 $0xFFFFF000  }
0x3a9: {  	_ =	swait.ge [sflag:s4], $0x1000  }
0x3aa: {  	s23 =	sld [smem:$0x7C6]  }
0x3ab: {  	[sflag:s4] =	ssyncset.done $0x0  }
0x3ac: {  	s24 =	sld [smem:$0x7C7];
	[sflag:s4] =	ssyncadd.s32 $0xFFFFF000  }
0x3ad: {  	[tilespmem:s9], [sflag:$0x1] =	stream.indirect.gather [hbm4b:s22+s7], $0x1, s23, s7, $0xb8;
	[tilespmem:$0x4000] =	vst v63  }
0x3ae: {  	_ = 	snop  }
0x3af: {  	[hbm4b:s24+s10] =	stream.linear.scatter [tilespmem:s8], [sflag:$0x2], $0x1000, $0x38;
	[tilespmem:$0x4000] =	vst v63  }
0x3b0: {  	_ =	swait.ge [sflag:s3], $0x1000  }
0x3b1: {  	[sflag:s3] =	ssyncset.done $0x0  }
0x3b2: {  	[sflag:s3] =	ssyncadd.s32 $0xFFFFF000  }
0x3b3: {  	_ =	swait.ge [sflag:s4], $0x1000  }
0x3b4: {  	s25 =	sld [smem:$0x7C9]  }
0x3b5: {  	[sflag:s4] =	ssyncset.done $0x0  }
0x3b6: {  	s26 =	sld [smem:$0x7CA];
	[sflag:s4] =	ssyncadd.s32 $0xFFFFF000  }
0x3b7: {  	[tilespmem:s8], [sflag:$0x1] =	stream.indirect.gather [hbm4b:s30+s7], $0x1, s25, s7, $0xb8;
	[tilespmem:$0x4000] =	vst v63  }
0x3b8: {  	_ = 	snop  }
0x3b9: {  	[hbm4b:s26+s10] =	stream.linear.scatter [tilespmem:s9], [sflag:$0x2], $0x1000, $0x38;
	[tilespmem:$0x4000] =	vst v63  }
0x3ba: {  	_ =	swait.ge [sflag:s3], $0x1000  }
0x3bb: {  	[sflag:s3] =	ssyncset.done $0x0  }
0x3bc: {  	[sflag:s3] =	ssyncadd.s32 $0xFFFFF000  }
0x3bd: {  	_ =	swait.ge [sflag:s4], $0x1000  }
0x3be: {  	s28 =	sld [smem:$0x7CB]  }
0x3bf: {  	[sflag:s4] =	ssyncset.done $0x0  }
0x3c0: {  	s29 =	sld [smem:$0x7CD];
	[sflag:s4] =	ssyncadd.s32 $0xFFFFF000  }
0x3c1: {  	[tilespmem:s9], [sflag:$0x1] =	stream.indirect.gather [hbm4b:s11+s7], $0x1, s28, s7, $0xb8;
	[tilespmem:$0x4000] =	vst v63  }
0x3c2: {  	_ = 	snop  }
0x3c3: {  	[hbm4b:s29+s10] =	stream.linear.scatter [tilespmem:s8], [sflag:$0x2], $0x1000, $0x38;
	[tilespmem:$0x4000] =	vst v63  }
0x3c4: {  	_ =	swait.ge [sflag:s3], $0x1000  }
0x3c5: {  	[sflag:s3] =	ssyncset.done $0x0  }
0x3c6: {  	[sflag:s3] =	ssyncadd.s32 $0xFFFFF000  }
0x3c7: {  	_ =	swait.ge [sflag:s4], $0x1000  }
0x3c8: {  	s30 =	sld [smem:$0x7CF]  }
0x3c9: {  	[sflag:s4] =	ssyncset.done $0x0  }
0x3ca: {  	[sflag:s4] =	ssyncadd.s32 $0xFFFFF000  }
0x3cb: {  	[hbm4b:s30+s10] =	stream.linear.scatter [tilespmem:s9], [sflag:$0x2], $0x1000, $0x38;
	[tilespmem:$0x4000] =	vst v63  }
0x3cc: {  	_ =	swait.ge [sflag:s3], $0x1000  }
0x3cd: {  	[sflag:s3] =	ssyncset.done $0x0  }
0x3ce: {  	[sflag:s3] =	ssyncadd.s32 $0xFFFFF000  }
0x3cf: {  	_ =	sfence.sel $0x180000  }
0x3d0: {  	[bflag:$0x0] =	sbarrier.arrive $0xFFFF  }
0x3d1: {  	_ =	strace $0x90000047  }
0x3d2: {  	s31 =	stileid.u32;
	[bflag:$0x2] =	sbarrier.arrive $0xFFFF  }
0x3d3: {  	p0 =	sne.s32 s31, $0x0;
	s0 =	rddreg [dreg:$0x2]  }
0x3d4: {  	s0 =	sadd.s32 @!p0 $0x100000, s0  }
0x3d5: {  	[sflag:s0] =	ssyncadd.tile.s32 @!p0 $0x1;
	_ =	shalt  }
.Lfunc_end2:
_tile_overlayer_lowered:
.L_overlay_start_2:
0x3d6: {  	(tag) =	ssettag $0x2  }
0x3d7: {  	s0 =	rddreg [dreg:$0x0];
	s2 =	stileid.u32  }
0x3d8: {  	s1 =	rddreg [dreg:$0x1];
	p0 =	sne.s32 s2, $0x0  }
0x3d9: {  	s3 =	rddreg [dreg:$0x2];
	[bflag:$0x3] =	sbarrier.arrive $0xFFFF;
	s2 =	simm.s32 @!p0 $0x1C02  }
0x3da: {  	[timem:s3], [sflag:s2] =	dma.local @!p0 [hbm:s0], s1  }
0x3db: {  	s0 =	simm.s32 @!p0 $0x2  }
0x3dc: {  	_ =	swait.ge @!p0 [sflag:s0], s1  }
0x3dd: {  	s1 =	ssub.s32 @!p0 $0x0, s1;
	[sflag:s0] =	ssyncset.done @!p0 $0x0  }
0x3de: {  	[sflag:s0] =	ssyncadd.s32 @!p0 s1  }
0x3df: {  	[bflag:$0x3] =	sbarrier.arrive $0xFFFF  }
0x3e0: {  	_ =	shalt  }

</sc_bundles>
